<compile_context>
chip_gen: v7x
topology: tpu7x:2x2x1
jax: 0.10.2.dev20260603
libtpu: 0.0.44.dev20260713+nightly
codegen_flags: <defaults>
</compile_context>

<pallas_src>
import jax
import jax.numpy as jnp
from jax import lax
from jax.experimental import pallas as pl
from jax.experimental.pallas import tpu as pltpu
from jax.experimental.pallas import tpu_sc as plsc

BATCH = 1024
VOCAB = 100000
K = int(0.7 * BATCH)
WV = 4096
NJ = -(-VOCAB // WV)


def _loss_body(xt_ref, t_ref, loss_ref, m_acc, s_acc, t_acc):
    j = pl.program_id(0)

    @pl.when(j == 0)
    def _init():
        m_acc[...] = jnp.full((1, BATCH), -jnp.inf, jnp.float32)
        s_acc[...] = jnp.zeros((1, BATCH), jnp.float32)
        t_acc[...] = jnp.zeros((1, BATCH), jnp.float32)

    x = xt_ref[...]
    row = lax.broadcasted_iota(jnp.int32, (WV, BATCH), 0)
    limit = VOCAB - j * WV
    xm = jnp.where(row < limit, x, -jnp.inf)

    mj = jnp.max(xm, axis=0, keepdims=True)
    m_old = m_acc[...]
    m_new = jnp.maximum(m_old, mj)
    sj = jnp.sum(jnp.exp(xm - m_new), axis=0, keepdims=True)
    s_acc[...] = s_acc[...] * jnp.exp(m_old - m_new) + sj
    m_acc[...] = m_new

    tshift = t_ref[...] - j * WV
    t_acc[...] = t_acc[...] + jnp.sum(
        jnp.where(row == tshift, xm, 0.0), axis=0, keepdims=True)

    @pl.when(j == NJ - 1)
    def _fin():
        loss_ref[...] = m_acc[...] + jnp.log(s_acc[...]) - t_acc[...]


def _per_sample_loss(xt, tgt2d):
    return pl.pallas_call(
        _loss_body,
        grid=(NJ,),
        in_specs=[
            pl.BlockSpec((WV, BATCH), lambda j: (j, 0)),
            pl.BlockSpec((1, BATCH), lambda j: (0, 0)),
        ],
        out_specs=pl.BlockSpec((1, BATCH), lambda j: (0, 0)),
        out_shape=jax.ShapeDtypeStruct((1, BATCH), jnp.float32),
        scratch_shapes=[pltpu.VMEM((1, BATCH), jnp.float32)] * 3,
        compiler_params=pltpu.CompilerParams(
            dimension_semantics=("arbitrary",),
            vmem_limit_bytes=100 * 1024 * 1024),
    )(xt, tgt2d)


_NVR = BATCH // 16
_I32_MIN = -2147483648
_I32_FLIP = 0x7FFFFFFF


def _topk_body(loss_hbm, out_hbm, loss_v, key_v, out_v):
    c = lax.axis_index("c")
    s = lax.axis_index("s")

    @pl.when(jnp.logical_and(c == 0, s == 0))
    def _work():
        pltpu.sync_copy(loss_hbm, loss_v)

        for i in range(_NVR):
            b = plsc.bitcast(loss_v[pl.ds(i * 16, 16)], jnp.int32)
            key_v[pl.ds(i * 16, 16)] = jnp.where(b < 0, b ^ _I32_FLIP, b)

        def count_ge(cand):
            acc = jnp.zeros((16,), jnp.int32)
            for i in range(_NVR):
                kv = key_v[pl.ds(i * 16, 16)]
                acc = acc + jnp.where(kv >= cand, 1, 0).astype(jnp.int32)
            return jnp.sum(acc)

        t0 = jnp.where(count_ge(jnp.int32(0)) >= K,
                       jnp.int32(0), jnp.int32(_I32_MIN))

        def bit_step(i, t):
            cand = t | lax.shift_left(jnp.int32(1), jnp.int32(30) - i)
            return jnp.where(count_ge(cand) >= K, cand, t)

        t = lax.fori_loop(0, 31, bit_step, t0)

        acc_sum = jnp.zeros((16,), jnp.float32)
        acc_cnt = jnp.zeros((16,), jnp.int32)
        for i in range(_NVR):
            kv = key_v[pl.ds(i * 16, 16)]
            xv = loss_v[pl.ds(i * 16, 16)]
            m = kv > t
            acc_sum = acc_sum + jnp.where(m, xv, 0.0)
            acc_cnt = acc_cnt + jnp.where(m, 1, 0).astype(jnp.int32)
        sum_gt = jnp.sum(acc_sum)
        cnt_gt = jnp.sum(acc_cnt)

        tbits = jnp.where(t < 0, t ^ _I32_FLIP, t)
        tval = plsc.bitcast(jnp.full((16,), tbits, jnp.int32), jnp.float32)
        mean_vec = (sum_gt + (K - cnt_gt).astype(jnp.float32) * tval) * (1.0 / K)
        out_v[...] = mean_vec
        pltpu.sync_copy(out_v, out_hbm)


def _topk_mean(loss1d):
    fn = pl.kernel(
        _topk_body,
        out_type=jax.ShapeDtypeStruct((16,), jnp.float32),
        mesh=plsc.VectorSubcoreMesh(core_axis_name="c", subcore_axis_name="s"),
        scratch_types=[
            pltpu.VMEM((BATCH,), jnp.float32),
            pltpu.VMEM((BATCH,), jnp.int32),
            pltpu.VMEM((16,), jnp.float32),
        ],
        compiler_params=pltpu.CompilerParams(needs_layout_passes=False),
    )
    return fn(loss1d)


def kernel(x, target):
    xt = x.T
    tgt2d = target.astype(jnp.int32).reshape(1, BATCH)
    loss = _per_sample_loss(xt, tgt2d)
    return _topk_mean(loss.reshape(BATCH))[0]

# --- scband reference (transcript-rebuilt; emitter-appended) ---
"""Pipeline reference for scband-topk-cross-entrophy-83159156785910 (READ-ONLY COPY).

The authoritative reference and input builder live on the scoring server;
editing this copy changes nothing except your own understanding.
"""

import jax, jax.numpy as jnp
import numpy as np

TOP_K = 0.7
BATCH = 1024
VOCAB = 100000

def setup_inputs(seed: int = 0) -> dict:
    key = jax.random.key(seed)
    k1, k2 = jax.random.split(key)
    input = jax.random.normal(k1, (BATCH, VOCAB), dtype=jnp.float32)
    target = jax.random.randint(k2, (BATCH,), 0, VOCAB, dtype=jnp.int64)
    return {"input": input, "target": target}

def reference(input, target):
    # LogSoftmax over class dim
    log_probs = jax.nn.log_softmax(input, axis=1)
    # Per-sample NLL loss: -log_prob at the target class (gather)
    B = input.shape[0]
    per_sample_loss = -jnp.take_along_axis(log_probs, target[:, None].astype(jnp.int32), axis=1)[:, 0]
    # Top-k hardest examples (largest losses)
    k = int(TOP_K * B)
    valid_loss, _ = jax.lax.top_k(per_sample_loss, k)
    return jnp.mean(valid_loss)

if __name__ == "__main__":
    import jax
    _d = setup_inputs()
    print(jax.jit(kernel)(*tuple(_d.values())))

</pallas_src>

<mosaic_0001>
#map = affine_map<(d0, d1) -> (0)>
module attributes {stable_mosaic.version = 14 : i64} {
  func.func @_topk_body(%arg0: i32, %arg1: i32, %arg2: memref<1024xf32, #tpu.memory_space<hbm>>, %arg3: memref<16xf32, #tpu.memory_space<hbm>>, %arg4: memref<1024xf32, #tpu.memory_space<vmem>>, %arg5: memref<1024xi32, #tpu.memory_space<vmem>>, %arg6: memref<16xf32, #tpu.memory_space<vmem>>) attributes {dimension_semantics = [#tpu.dimension_semantics<core_parallel>, #tpu.dimension_semantics<subcore_parallel>], iteration_bounds = array<i64: 2, 16>, scalar_prefetch = 0 : i64, scratch_operands = 3 : i64, tpu.core_type = #tpu.core_type<sc_vector_subcore>, window_params = [{transform_indices = #map}, {transform_indices = #map}]} {
    %eq3A = arith.constant 0 : i32
    %eq3A_0 = arith.cmpi eq, %arg0, %eq3A : i32
    %eq3A_1 = arith.constant 0 : i32
    %eq3A_2 = arith.cmpi eq, %arg1, %eq3A_1 : i32
    %and3A = arith.andi %eq3A_0, %eq3A_2 : i1
    %convert_element_type3A = arith.extui %and3A : i1 to i32
    %cond3A = arith.constant 0 : i32
    %cond3A_3 = arith.cmpi ne, %convert_element_type3A, %cond3A : i32
    scf.if %cond3A_3 {
      "tpu.region"() ({
        %run_scoped3A = tpu.sem_alloc : memref<!tpu.dma_semaphore, #tpu.memory_space<semaphore_mem>>
        tpu.enqueue_dma source(%arg2 : memref<1024xf32, #tpu.memory_space<hbm>>) target(%arg4 : memref<1024xf32, #tpu.memory_space<vmem>>) target_semaphore(%run_scoped3A : memref<!tpu.dma_semaphore, #tpu.memory_space<semaphore_mem>>)
        tpu.wait_dma2 semaphore(%run_scoped3A : memref<!tpu.dma_semaphore, #tpu.memory_space<semaphore_mem>>) src(%arg2 : memref<1024xf32, #tpu.memory_space<hbm>>) dst(%arg4 : memref<1024xf32, #tpu.memory_space<vmem>>)
        tpu.yield
      }) : () -> ()
      %get3A = arith.constant 0 : index
      %get3A_4 = tpu.vector_load %arg4[%get3A] {strides = array<i32>} : memref<1024xf32, #tpu.memory_space<vmem>>, vector<16xf32>,
      %bitcast3A = vector.bitcast %get3A_4 : vector<16xf32> to vector<16xi32>
      %lt3A = arith.constant 0 : i32
      %lt3A_5 = vector.broadcast %lt3A : i32 to vector<16xi32>
      %lt3A_6 = arith.cmpi slt, %bitcast3A, %lt3A_5 : vector<16xi32>
      %xor3A = arith.constant 2147483647 : i32
      %xor3A_7 = vector.broadcast %xor3A : i32 to vector<16xi32>
      %xor3A_8 = arith.xori %bitcast3A, %xor3A_7 : vector<16xi32>
      %select_n3A = arith.select %lt3A_6, %xor3A_8, %bitcast3A : vector<16xi1>, vector<16xi32>
      %swap3A = arith.constant 0 : index
      %swap3A_9 = tpu.vector_load %arg5[%swap3A] {strides = array<i32>} : memref<1024xi32, #tpu.memory_space<vmem>>, vector<16xi32>,
      tpu.vector_store %arg5[%swap3A], %select_n3A {strides = array<i32>} : memref<1024xi32, #tpu.memory_space<vmem>>, vector<16xi32>,
      %get3A_10 = arith.constant 16 : index
      %get3A_11 = tpu.vector_load %arg4[%get3A_10] {strides = array<i32>} : memref<1024xf32, #tpu.memory_space<vmem>>, vector<16xf32>,
      %bitcast3A_12 = vector.bitcast %get3A_11 : vector<16xf32> to vector<16xi32>
      %lt3A_13 = arith.constant 0 : i32
      %lt3A_14 = vector.broadcast %lt3A_13 : i32 to vector<16xi32>
      %lt3A_15 = arith.cmpi slt, %bitcast3A_12, %lt3A_14 : vector<16xi32>
      %xor3A_16 = arith.constant 2147483647 : i32
      %xor3A_17 = vector.broadcast %xor3A_16 : i32 to vector<16xi32>
      %xor3A_18 = arith.xori %bitcast3A_12, %xor3A_17 : vector<16xi32>
      %select_n3A_19 = arith.select %lt3A_15, %xor3A_18, %bitcast3A_12 : vector<16xi1>, vector<16xi32>
      %swap3A_20 = arith.constant 16 : index
      %swap3A_21 = tpu.vector_load %arg5[%swap3A_20] {strides = array<i32>} : memref<1024xi32, #tpu.memory_space<vmem>>, vector<16xi32>,
      tpu.vector_store %arg5[%swap3A_20], %select_n3A_19 {strides = array<i32>} : memref<1024xi32, #tpu.memory_space<vmem>>, vector<16xi32>,
      %get3A_22 = arith.constant 32 : index
      %get3A_23 = tpu.vector_load %arg4[%get3A_22] {strides = array<i32>} : memref<1024xf32, #tpu.memory_space<vmem>>, vector<16xf32>,
      %bitcast3A_24 = vector.bitcast %get3A_23 : vector<16xf32> to vector<16xi32>
      %lt3A_25 = arith.constant 0 : i32
      %lt3A_26 = vector.broadcast %lt3A_25 : i32 to vector<16xi32>
      %lt3A_27 = arith.cmpi slt, %bitcast3A_24, %lt3A_26 : vector<16xi32>
      %xor3A_28 = arith.constant 2147483647 : i32
      %xor3A_29 = vector.broadcast %xor3A_28 : i32 to vector<16xi32>
      %xor3A_30 = arith.xori %bitcast3A_24, %xor3A_29 : vector<16xi32>
      %select_n3A_31 = arith.select %lt3A_27, %xor3A_30, %bitcast3A_24 : vector<16xi1>, vector<16xi32>
      %swap3A_32 = arith.constant 32 : index
      %swap3A_33 = tpu.vector_load %arg5[%swap3A_32] {strides = array<i32>} : memref<1024xi32, #tpu.memory_space<vmem>>, vector<16xi32>,
      tpu.vector_store %arg5[%swap3A_32], %select_n3A_31 {strides = array<i32>} : memref<1024xi32, #tpu.memory_space<vmem>>, vector<16xi32>,
      %get3A_34 = arith.constant 48 : index
      %get3A_35 = tpu.vector_load %arg4[%get3A_34] {strides = array<i32>} : memref<1024xf32, #tpu.memory_space<vmem>>, vector<16xf32>,
      %bitcast3A_36 = vector.bitcast %get3A_35 : vector<16xf32> to vector<16xi32>
      %lt3A_37 = arith.constant 0 : i32
      %lt3A_38 = vector.broadcast %lt3A_37 : i32 to vector<16xi32>
      %lt3A_39 = arith.cmpi slt, %bitcast3A_36, %lt3A_38 : vector<16xi32>
      %xor3A_40 = arith.constant 2147483647 : i32
      %xor3A_41 = vector.broadcast %xor3A_40 : i32 to vector<16xi32>
      %xor3A_42 = arith.xori %bitcast3A_36, %xor3A_41 : vector<16xi32>
      %select_n3A_43 = arith.select %lt3A_39, %xor3A_42, %bitcast3A_36 : vector<16xi1>, vector<16xi32>
      %swap3A_44 = arith.constant 48 : index
      %swap3A_45 = tpu.vector_load %arg5[%swap3A_44] {strides = array<i32>} : memref<1024xi32, #tpu.memory_space<vmem>>, vector<16xi32>,
      tpu.vector_store %arg5[%swap3A_44], %select_n3A_43 {strides = array<i32>} : memref<1024xi32, #tpu.memory_space<vmem>>, vector<16xi32>,
      %get3A_46 = arith.constant 64 : index
      %get3A_47 = tpu.vector_load %arg4[%get3A_46] {strides = array<i32>} : memref<1024xf32, #tpu.memory_space<vmem>>, vector<16xf32>,
      %bitcast3A_48 = vector.bitcast %get3A_47 : vector<16xf32> to vector<16xi32>
      %lt3A_49 = arith.constant 0 : i32
      %lt3A_50 = vector.broadcast %lt3A_49 : i32 to vector<16xi32>
      %lt3A_51 = arith.cmpi slt, %bitcast3A_48, %lt3A_50 : vector<16xi32>
      %xor3A_52 = arith.constant 2147483647 : i32
      %xor3A_53 = vector.broadcast %xor3A_52 : i32 to vector<16xi32>
      %xor3A_54 = arith.xori %bitcast3A_48, %xor3A_53 : vector<16xi32>
      %select_n3A_55 = arith.select %lt3A_51, %xor3A_54, %bitcast3A_48 : vector<16xi1>, vector<16xi32>
      %swap3A_56 = arith.constant 64 : index
      %swap3A_57 = tpu.vector_load %arg5[%swap3A_56] {strides = array<i32>} : memref<1024xi32, #tpu.memory_space<vmem>>, vector<16xi32>,
      tpu.vector_store %arg5[%swap3A_56], %select_n3A_55 {strides = array<i32>} : memref<1024xi32, #tpu.memory_space<vmem>>, vector<16xi32>,
      %get3A_58 = arith.constant 80 : index
      %get3A_59 = tpu.vector_load %arg4[%get3A_58] {strides = array<i32>} : memref<1024xf32, #tpu.memory_space<vmem>>, vector<16xf32>,
      %bitcast3A_60 = vector.bitcast %get3A_59 : vector<16xf32> to vector<16xi32>
      %lt3A_61 = arith.constant 0 : i32
      %lt3A_62 = vector.broadcast %lt3A_61 : i32 to vector<16xi32>
      %lt3A_63 = arith.cmpi slt, %bitcast3A_60, %lt3A_62 : vector<16xi32>
      %xor3A_64 = arith.constant 2147483647 : i32
      %xor3A_65 = vector.broadcast %xor3A_64 : i32 to vector<16xi32>
      %xor3A_66 = arith.xori %bitcast3A_60, %xor3A_65 : vector<16xi32>
      %select_n3A_67 = arith.select %lt3A_63, %xor3A_66, %bitcast3A_60 : vector<16xi1>, vector<16xi32>
      %swap3A_68 = arith.constant 80 : index
      %swap3A_69 = tpu.vector_load %arg5[%swap3A_68] {strides = array<i32>} : memref<1024xi32, #tpu.memory_space<vmem>>, vector<16xi32>,
      tpu.vector_store %arg5[%swap3A_68], %select_n3A_67 {strides = array<i32>} : memref<1024xi32, #tpu.memory_space<vmem>>, vector<16xi32>,
      %get3A_70 = arith.constant 96 : index
      %get3A_71 = tpu.vector_load %arg4[%get3A_70] {strides = array<i32>} : memref<1024xf32, #tpu.memory_space<vmem>>, vector<16xf32>,
      %bitcast3A_72 = vector.bitcast %get3A_71 : vector<16xf32> to vector<16xi32>
      %lt3A_73 = arith.constant 0 : i32
      %lt3A_74 = vector.broadcast %lt3A_73 : i32 to vector<16xi32>
      %lt3A_75 = arith.cmpi slt, %bitcast3A_72, %lt3A_74 : vector<16xi32>
      %xor3A_76 = arith.constant 2147483647 : i32
      %xor3A_77 = vector.broadcast %xor3A_76 : i32 to vector<16xi32>
      %xor3A_78 = arith.xori %bitcast3A_72, %xor3A_77 : vector<16xi32>
      %select_n3A_79 = arith.select %lt3A_75, %xor3A_78, %bitcast3A_72 : vector<16xi1>, vector<16xi32>
      %swap3A_80 = arith.constant 96 : index
      %swap3A_81 = tpu.vector_load %arg5[%swap3A_80] {strides = array<i32>} : memref<1024xi32, #tpu.memory_space<vmem>>, vector<16xi32>,
      tpu.vector_store %arg5[%swap3A_80], %select_n3A_79 {strides = array<i32>} : memref<1024xi32, #tpu.memory_space<vmem>>, vector<16xi32>,
      %get3A_82 = arith.constant 112 : index
      %get3A_83 = tpu.vector_load %arg4[%get3A_82] {strides = array<i32>} : memref<1024xf32, #tpu.memory_space<vmem>>, vector<16xf32>,
      %bitcast3A_84 = vector.bitcast %get3A_83 : vector<16xf32> to vector<16xi32>
      %lt3A_85 = arith.constant 0 : i32
      %lt3A_86 = vector.broadcast %lt3A_85 : i32 to vector<16xi32>
      %lt3A_87 = arith.cmpi slt, %bitcast3A_84, %lt3A_86 : vector<16xi32>
      %xor3A_88 = arith.constant 2147483647 : i32
      %xor3A_89 = vector.broadcast %xor3A_88 : i32 to vector<16xi32>
      %xor3A_90 = arith.xori %bitcast3A_84, %xor3A_89 : vector<16xi32>
      %select_n3A_91 = arith.select %lt3A_87, %xor3A_90, %bitcast3A_84 : vector<16xi1>, vector<16xi32>
      %swap3A_92 = arith.constant 112 : index
      %swap3A_93 = tpu.vector_load %arg5[%swap3A_92] {strides = array<i32>} : memref<1024xi32, #tpu.memory_space<vmem>>, vector<16xi32>,
      tpu.vector_store %arg5[%swap3A_92], %select_n3A_91 {strides = array<i32>} : memref<1024xi32, #tpu.memory_space<vmem>>, vector<16xi32>,
      %get3A_94 = arith.constant 128 : index
      %get3A_95 = tpu.vector_load %arg4[%get3A_94] {strides = array<i32>} : memref<1024xf32, #tpu.memory_space<vmem>>, vector<16xf32>,
      %bitcast3A_96 = vector.bitcast %get3A_95 : vector<16xf32> to vector<16xi32>
      %lt3A_97 = arith.constant 0 : i32
      %lt3A_98 = vector.broadcast %lt3A_97 : i32 to vector<16xi32>
      %lt3A_99 = arith.cmpi slt, %bitcast3A_96, %lt3A_98 : vector<16xi32>
      %xor3A_100 = arith.constant 2147483647 : i32
      %xor3A_101 = vector.broadcast %xor3A_100 : i32 to vector<16xi32>
      %xor3A_102 = arith.xori %bitcast3A_96, %xor3A_101 : vector<16xi32>
      %select_n3A_103 = arith.select %lt3A_99, %xor3A_102, %bitcast3A_96 : vector<16xi1>, vector<16xi32>
      %swap3A_104 = arith.constant 128 : index
      %swap3A_105 = tpu.vector_load %arg5[%swap3A_104] {strides = array<i32>} : memref<1024xi32, #tpu.memory_space<vmem>>, vector<16xi32>,
      tpu.vector_store %arg5[%swap3A_104], %select_n3A_103 {strides = array<i32>} : memref<1024xi32, #tpu.memory_space<vmem>>, vector<16xi32>,
      %get3A_106 = arith.constant 144 : index
      %get3A_107 = tpu.vector_load %arg4[%get3A_106] {strides = array<i32>} : memref<1024xf32, #tpu.memory_space<vmem>>, vector<16xf32>,
      %bitcast3A_108 = vector.bitcast %get3A_107 : vector<16xf32> to vector<16xi32>
      %lt3A_109 = arith.constant 0 : i32
      %lt3A_110 = vector.broadcast %lt3A_109 : i32 to vector<16xi32>
      %lt3A_111 = arith.cmpi slt, %bitcast3A_108, %lt3A_110 : vector<16xi32>
      %xor3A_112 = arith.constant 2147483647 : i32
      %xor3A_113 = vector.broadcast %xor3A_112 : i32 to vector<16xi32>
      %xor3A_114 = arith.xori %bitcast3A_108, %xor3A_113 : vector<16xi32>
      %select_n3A_115 = arith.select %lt3A_111, %xor3A_114, %bitcast3A_108 : vector<16xi1>, vector<16xi32>
      %swap3A_116 = arith.constant 144 : index
      %swap3A_117 = tpu.vector_load %arg5[%swap3A_116] {strides = array<i32>} : memref<1024xi32, #tpu.memory_space<vmem>>, vector<16xi32>,
      tpu.vector_store %arg5[%swap3A_116], %select_n3A_115 {strides = array<i32>} : memref<1024xi32, #tpu.memory_space<vmem>>, vector<16xi32>,
      %get3A_118 = arith.constant 160 : index
      %get3A_119 = tpu.vector_load %arg4[%get3A_118] {strides = array<i32>} : memref<1024xf32, #tpu.memory_space<vmem>>, vector<16xf32>,
      %bitcast3A_120 = vector.bitcast %get3A_119 : vector<16xf32> to vector<16xi32>
      %lt3A_121 = arith.constant 0 : i32
      %lt3A_122 = vector.broadcast %lt3A_121 : i32 to vector<16xi32>
      %lt3A_123 = arith.cmpi slt, %bitcast3A_120, %lt3A_122 : vector<16xi32>
      %xor3A_124 = arith.constant 2147483647 : i32
      %xor3A_125 = vector.broadcast %xor3A_124 : i32 to vector<16xi32>
      %xor3A_126 = arith.xori %bitcast3A_120, %xor3A_125 : vector<16xi32>
      %select_n3A_127 = arith.select %lt3A_123, %xor3A_126, %bitcast3A_120 : vector<16xi1>, vector<16xi32>
      %swap3A_128 = arith.constant 160 : index
      %swap3A_129 = tpu.vector_load %arg5[%swap3A_128] {strides = array<i32>} : memref<1024xi32, #tpu.memory_space<vmem>>, vector<16xi32>,
      tpu.vector_store %arg5[%swap3A_128], %select_n3A_127 {strides = array<i32>} : memref<1024xi32, #tpu.memory_space<vmem>>, vector<16xi32>,
      %get3A_130 = arith.constant 176 : index
      %get3A_131 = tpu.vector_load %arg4[%get3A_130] {strides = array<i32>} : memref<1024xf32, #tpu.memory_space<vmem>>, vector<16xf32>,
      %bitcast3A_132 = vector.bitcast %get3A_131 : vector<16xf32> to vector<16xi32>
      %lt3A_133 = arith.constant 0 : i32
      %lt3A_134 = vector.broadcast %lt3A_133 : i32 to vector<16xi32>
      %lt3A_135 = arith.cmpi slt, %bitcast3A_132, %lt3A_134 : vector<16xi32>
      %xor3A_136 = arith.constant 2147483647 : i32
      %xor3A_137 = vector.broadcast %xor3A_136 : i32 to vector<16xi32>
      %xor3A_138 = arith.xori %bitcast3A_132, %xor3A_137 : vector<16xi32>
      %select_n3A_139 = arith.select %lt3A_135, %xor3A_138, %bitcast3A_132 : vector<16xi1>, vector<16xi32>
      %swap3A_140 = arith.constant 176 : index
      %swap3A_141 = tpu.vector_load %arg5[%swap3A_140] {strides = array<i32>} : memref<1024xi32, #tpu.memory_space<vmem>>, vector<16xi32>,
      tpu.vector_store %arg5[%swap3A_140], %select_n3A_139 {strides = array<i32>} : memref<1024xi32, #tpu.memory_space<vmem>>, vector<16xi32>,
      %get3A_142 = arith.constant 192 : index
      %get3A_143 = tpu.vector_load %arg4[%get3A_142] {strides = array<i32>} : memref<1024xf32, #tpu.memory_space<vmem>>, vector<16xf32>,
      %bitcast3A_144 = vector.bitcast %get3A_143 : vector<16xf32> to vector<16xi32>
      %lt3A_145 = arith.constant 0 : i32
      %lt3A_146 = vector.broadcast %lt3A_145 : i32 to vector<16xi32>
      %lt3A_147 = arith.cmpi slt, %bitcast3A_144, %lt3A_146 : vector<16xi32>
      %xor3A_148 = arith.constant 2147483647 : i32
      %xor3A_149 = vector.broadcast %xor3A_148 : i32 to vector<16xi32>
      %xor3A_150 = arith.xori %bitcast3A_144, %xor3A_149 : vector<16xi32>
      %select_n3A_151 = arith.select %lt3A_147, %xor3A_150, %bitcast3A_144 : vector<16xi1>, vector<16xi32>
      %swap3A_152 = arith.constant 192 : index
      %swap3A_153 = tpu.vector_load %arg5[%swap3A_152] {strides = array<i32>} : memref<1024xi32, #tpu.memory_space<vmem>>, vector<16xi32>,
      tpu.vector_store %arg5[%swap3A_152], %select_n3A_151 {strides = array<i32>} : memref<1024xi32, #tpu.memory_space<vmem>>, vector<16xi32>,
      %get3A_154 = arith.constant 208 : index
      %get3A_155 = tpu.vector_load %arg4[%get3A_154] {strides = array<i32>} : memref<1024xf32, #tpu.memory_space<vmem>>, vector<16xf32>,
      %bitcast3A_156 = vector.bitcast %get3A_155 : vector<16xf32> to vector<16xi32>
      %lt3A_157 = arith.constant 0 : i32
      %lt3A_158 = vector.broadcast %lt3A_157 : i32 to vector<16xi32>
      %lt3A_159 = arith.cmpi slt, %bitcast3A_156, %lt3A_158 : vector<16xi32>
      %xor3A_160 = arith.constant 2147483647 : i32
      %xor3A_161 = vector.broadcast %xor3A_160 : i32 to vector<16xi32>
      %xor3A_162 = arith.xori %bitcast3A_156, %xor3A_161 : vector<16xi32>
      %select_n3A_163 = arith.select %lt3A_159, %xor3A_162, %bitcast3A_156 : vector<16xi1>, vector<16xi32>
      %swap3A_164 = arith.constant 208 : index
      %swap3A_165 = tpu.vector_load %arg5[%swap3A_164] {strides = array<i32>} : memref<1024xi32, #tpu.memory_space<vmem>>, vector<16xi32>,
      tpu.vector_store %arg5[%swap3A_164], %select_n3A_163 {strides = array<i32>} : memref<1024xi32, #tpu.memory_space<vmem>>, vector<16xi32>,
      %get3A_166 = arith.constant 224 : index
      %get3A_167 = tpu.vector_load %arg4[%get3A_166] {strides = array<i32>} : memref<1024xf32, #tpu.memory_space<vmem>>, vector<16xf32>,
      %bitcast3A_168 = vector.bitcast %get3A_167 : vector<16xf32> to vector<16xi32>
      %lt3A_169 = arith.constant 0 : i32
      %lt3A_170 = vector.broadcast %lt3A_169 : i32 to vector<16xi32>
      %lt3A_171 = arith.cmpi slt, %bitcast3A_168, %lt3A_170 : vector<16xi32>
      %xor3A_172 = arith.constant 2147483647 : i32
      %xor3A_173 = vector.broadcast %xor3A_172 : i32 to vector<16xi32>
      %xor3A_174 = arith.xori %bitcast3A_168, %xor3A_173 : vector<16xi32>
      %select_n3A_175 = arith.select %lt3A_171, %xor3A_174, %bitcast3A_168 : vector<16xi1>, vector<16xi32>
      %swap3A_176 = arith.constant 224 : index
      %swap3A_177 = tpu.vector_load %arg5[%swap3A_176] {strides = array<i32>} : memref<1024xi32, #tpu.memory_space<vmem>>, vector<16xi32>,
      tpu.vector_store %arg5[%swap3A_176], %select_n3A_175 {strides = array<i32>} : memref<1024xi32, #tpu.memory_space<vmem>>, vector<16xi32>,
      %get3A_178 = arith.constant 240 : index
      %get3A_179 = tpu.vector_load %arg4[%get3A_178] {strides = array<i32>} : memref<1024xf32, #tpu.memory_space<vmem>>, vector<16xf32>,
      %bitcast3A_180 = vector.bitcast %get3A_179 : vector<16xf32> to vector<16xi32>
      %lt3A_181 = arith.constant 0 : i32
      %lt3A_182 = vector.broadcast %lt3A_181 : i32 to vector<16xi32>
      %lt3A_183 = arith.cmpi slt, %bitcast3A_180, %lt3A_182 : vector<16xi32>
      %xor3A_184 = arith.constant 2147483647 : i32
      %xor3A_185 = vector.broadcast %xor3A_184 : i32 to vector<16xi32>
      %xor3A_186 = arith.xori %bitcast3A_180, %xor3A_185 : vector<16xi32>
      %select_n3A_187 = arith.select %lt3A_183, %xor3A_186, %bitcast3A_180 : vector<16xi1>, vector<16xi32>
      %swap3A_188 = arith.constant 240 : index
      %swap3A_189 = tpu.vector_load %arg5[%swap3A_188] {strides = array<i32>} : memref<1024xi32, #tpu.memory_space<vmem>>, vector<16xi32>,
      tpu.vector_store %arg5[%swap3A_188], %select_n3A_187 {strides = array<i32>} : memref<1024xi32, #tpu.memory_space<vmem>>, vector<16xi32>,
      %get3A_190 = arith.constant 256 : index
      %get3A_191 = tpu.vector_load %arg4[%get3A_190] {strides = array<i32>} : memref<1024xf32, #tpu.memory_space<vmem>>, vector<16xf32>,
      %bitcast3A_192 = vector.bitcast %get3A_191 : vector<16xf32> to vector<16xi32>
      %lt3A_193 = arith.constant 0 : i32
      %lt3A_194 = vector.broadcast %lt3A_193 : i32 to vector<16xi32>
      %lt3A_195 = arith.cmpi slt, %bitcast3A_192, %lt3A_194 : vector<16xi32>
      %xor3A_196 = arith.constant 2147483647 : i32
      %xor3A_197 = vector.broadcast %xor3A_196 : i32 to vector<16xi32>
      %xor3A_198 = arith.xori %bitcast3A_192, %xor3A_197 : vector<16xi32>
      %select_n3A_199 = arith.select %lt3A_195, %xor3A_198, %bitcast3A_192 : vector<16xi1>, vector<16xi32>
      %swap3A_200 = arith.constant 256 : index
      %swap3A_201 = tpu.vector_load %arg5[%swap3A_200] {strides = array<i32>} : memref<1024xi32, #tpu.memory_space<vmem>>, vector<16xi32>,
      tpu.vector_store %arg5[%swap3A_200], %select_n3A_199 {strides = array<i32>} : memref<1024xi32, #tpu.memory_space<vmem>>, vector<16xi32>,
      %get3A_202 = arith.constant 272 : index
      %get3A_203 = tpu.vector_load %arg4[%get3A_202] {strides = array<i32>} : memref<1024xf32, #tpu.memory_space<vmem>>, vector<16xf32>,
      %bitcast3A_204 = vector.bitcast %get3A_203 : vector<16xf32> to vector<16xi32>
      %lt3A_205 = arith.constant 0 : i32
      %lt3A_206 = vector.broadcast %lt3A_205 : i32 to vector<16xi32>
      %lt3A_207 = arith.cmpi slt, %bitcast3A_204, %lt3A_206 : vector<16xi32>
      %xor3A_208 = arith.constant 2147483647 : i32
      %xor3A_209 = vector.broadcast %xor3A_208 : i32 to vector<16xi32>
      %xor3A_210 = arith.xori %bitcast3A_204, %xor3A_209 : vector<16xi32>
      %select_n3A_211 = arith.select %lt3A_207, %xor3A_210, %bitcast3A_204 : vector<16xi1>, vector<16xi32>
      %swap3A_212 = arith.constant 272 : index
      %swap3A_213 = tpu.vector_load %arg5[%swap3A_212] {strides = array<i32>} : memref<1024xi32, #tpu.memory_space<vmem>>, vector<16xi32>,
      tpu.vector_store %arg5[%swap3A_212], %select_n3A_211 {strides = array<i32>} : memref<1024xi32, #tpu.memory_space<vmem>>, vector<16xi32>,
      %get3A_214 = arith.constant 288 : index
      %get3A_215 = tpu.vector_load %arg4[%get3A_214] {strides = array<i32>} : memref<1024xf32, #tpu.memory_space<vmem>>, vector<16xf32>,
      %bitcast3A_216 = vector.bitcast %get3A_215 : vector<16xf32> to vector<16xi32>
      %lt3A_217 = arith.constant 0 : i32
      %lt3A_218 = vector.broadcast %lt3A_217 : i32 to vector<16xi32>
      %lt3A_219 = arith.cmpi slt, %bitcast3A_216, %lt3A_218 : vector<16xi32>
      %xor3A_220 = arith.constant 2147483647 : i32
      %xor3A_221 = vector.broadcast %xor3A_220 : i32 to vector<16xi32>
      %xor3A_222 = arith.xori %bitcast3A_216, %xor3A_221 : vector<16xi32>
      %select_n3A_223 = arith.select %lt3A_219, %xor3A_222, %bitcast3A_216 : vector<16xi1>, vector<16xi32>
      %swap3A_224 = arith.constant 288 : index
      %swap3A_225 = tpu.vector_load %arg5[%swap3A_224] {strides = array<i32>} : memref<1024xi32, #tpu.memory_space<vmem>>, vector<16xi32>,
      tpu.vector_store %arg5[%swap3A_224], %select_n3A_223 {strides = array<i32>} : memref<1024xi32, #tpu.memory_space<vmem>>, vector<16xi32>,
      %get3A_226 = arith.constant 304 : index
      %get3A_227 = tpu.vector_load %arg4[%get3A_226] {strides = array<i32>} : memref<1024xf32, #tpu.memory_space<vmem>>, vector<16xf32>,
      %bitcast3A_228 = vector.bitcast %get3A_227 : vector<16xf32> to vector<16xi32>
      %lt3A_229 = arith.constant 0 : i32
      %lt3A_230 = vector.broadcast %lt3A_229 : i32 to vector<16xi32>
      %lt3A_231 = arith.cmpi slt, %bitcast3A_228, %lt3A_230 : vector<16xi32>
      %xor3A_232 = arith.constant 2147483647 : i32
      %xor3A_233 = vector.broadcast %xor3A_232 : i32 to vector<16xi32>
      %xor3A_234 = arith.xori %bitcast3A_228, %xor3A_233 : vector<16xi32>
      %select_n3A_235 = arith.select %lt3A_231, %xor3A_234, %bitcast3A_228 : vector<16xi1>, vector<16xi32>
      %swap3A_236 = arith.constant 304 : index
      %swap3A_237 = tpu.vector_load %arg5[%swap3A_236] {strides = array<i32>} : memref<1024xi32, #tpu.memory_space<vmem>>, vector<16xi32>,
      tpu.vector_store %arg5[%swap3A_236], %select_n3A_235 {strides = array<i32>} : memref<1024xi32, #tpu.memory_space<vmem>>, vector<16xi32>,
      %get3A_238 = arith.constant 320 : index
      %get3A_239 = tpu.vector_load %arg4[%get3A_238] {strides = array<i32>} : memref<1024xf32, #tpu.memory_space<vmem>>, vector<16xf32>,
      %bitcast3A_240 = vector.bitcast %get3A_239 : vector<16xf32> to vector<16xi32>
      %lt3A_241 = arith.constant 0 : i32
      %lt3A_242 = vector.broadcast %lt3A_241 : i32 to vector<16xi32>
      %lt3A_243 = arith.cmpi slt, %bitcast3A_240, %lt3A_242 : vector<16xi32>
      %xor3A_244 = arith.constant 2147483647 : i32
      %xor3A_245 = vector.broadcast %xor3A_244 : i32 to vector<16xi32>
      %xor3A_246 = arith.xori %bitcast3A_240, %xor3A_245 : vector<16xi32>
      %select_n3A_247 = arith.select %lt3A_243, %xor3A_246, %bitcast3A_240 : vector<16xi1>, vector<16xi32>
      %swap3A_248 = arith.constant 320 : index
      %swap3A_249 = tpu.vector_load %arg5[%swap3A_248] {strides = array<i32>} : memref<1024xi32, #tpu.memory_space<vmem>>, vector<16xi32>,
      tpu.vector_store %arg5[%swap3A_248], %select_n3A_247 {strides = array<i32>} : memref<1024xi32, #tpu.memory_space<vmem>>, vector<16xi32>,
      %get3A_250 = arith.constant 336 : index
      %get3A_251 = tpu.vector_load %arg4[%get3A_250] {strides = array<i32>} : memref<1024xf32, #tpu.memory_space<vmem>>, vector<16xf32>,
      %bitcast3A_252 = vector.bitcast %get3A_251 : vector<16xf32> to vector<16xi32>
      %lt3A_253 = arith.constant 0 : i32
      %lt3A_254 = vector.broadcast %lt3A_253 : i32 to vector<16xi32>
      %lt3A_255 = arith.cmpi slt, %bitcast3A_252, %lt3A_254 : vector<16xi32>
      %xor3A_256 = arith.constant 2147483647 : i32
      %xor3A_257 = vector.broadcast %xor3A_256 : i32 to vector<16xi32>
      %xor3A_258 = arith.xori %bitcast3A_252, %xor3A_257 : vector<16xi32>
      %select_n3A_259 = arith.select %lt3A_255, %xor3A_258, %bitcast3A_252 : vector<16xi1>, vector<16xi32>
      %swap3A_260 = arith.constant 336 : index
      %swap3A_261 = tpu.vector_load %arg5[%swap3A_260] {strides = array<i32>} : memref<1024xi32, #tpu.memory_space<vmem>>, vector<16xi32>,
      tpu.vector_store %arg5[%swap3A_260], %select_n3A_259 {strides = array<i32>} : memref<1024xi32, #tpu.memory_space<vmem>>, vector<16xi32>,
      %get3A_262 = arith.constant 352 : index
      %get3A_263 = tpu.vector_load %arg4[%get3A_262] {strides = array<i32>} : memref<1024xf32, #tpu.memory_space<vmem>>, vector<16xf32>,
      %bitcast3A_264 = vector.bitcast %get3A_263 : vector<16xf32> to vector<16xi32>
      %lt3A_265 = arith.constant 0 : i32
      %lt3A_266 = vector.broadcast %lt3A_265 : i32 to vector<16xi32>
      %lt3A_267 = arith.cmpi slt, %bitcast3A_264, %lt3A_266 : vector<16xi32>
      %xor3A_268 = arith.constant 2147483647 : i32
      %xor3A_269 = vector.broadcast %xor3A_268 : i32 to vector<16xi32>
      %xor3A_270 = arith.xori %bitcast3A_264, %xor3A_269 : vector<16xi32>
      %select_n3A_271 = arith.select %lt3A_267, %xor3A_270, %bitcast3A_264 : vector<16xi1>, vector<16xi32>
      %swap3A_272 = arith.constant 352 : index
      %swap3A_273 = tpu.vector_load %arg5[%swap3A_272] {strides = array<i32>} : memref<1024xi32, #tpu.memory_space<vmem>>, vector<16xi32>,
      tpu.vector_store %arg5[%swap3A_272], %select_n3A_271 {strides = array<i32>} : memref<1024xi32, #tpu.memory_space<vmem>>, vector<16xi32>,
      %get3A_274 = arith.constant 368 : index
      %get3A_275 = tpu.vector_load %arg4[%get3A_274] {strides = array<i32>} : memref<1024xf32, #tpu.memory_space<vmem>>, vector<16xf32>,
      %bitcast3A_276 = vector.bitcast %get3A_275 : vector<16xf32> to vector<16xi32>
      %lt3A_277 = arith.constant 0 : i32
      %lt3A_278 = vector.broadcast %lt3A_277 : i32 to vector<16xi32>
      %lt3A_279 = arith.cmpi slt, %bitcast3A_276, %lt3A_278 : vector<16xi32>
      %xor3A_280 = arith.constant 2147483647 : i32
      %xor3A_281 = vector.broadcast %xor3A_280 : i32 to vector<16xi32>
      %xor3A_282 = arith.xori %bitcast3A_276, %xor3A_281 : vector<16xi32>
      %select_n3A_283 = arith.select %lt3A_279, %xor3A_282, %bitcast3A_276 : vector<16xi1>, vector<16xi32>
      %swap3A_284 = arith.constant 368 : index
      %swap3A_285 = tpu.vector_load %arg5[%swap3A_284] {strides = array<i32>} : memref<1024xi32, #tpu.memory_space<vmem>>, vector<16xi32>,
      tpu.vector_store %arg5[%swap3A_284], %select_n3A_283 {strides = array<i32>} : memref<1024xi32, #tpu.memory_space<vmem>>, vector<16xi32>,
      %get3A_286 = arith.constant 384 : index
      %get3A_287 = tpu.vector_load %arg4[%get3A_286] {strides = array<i32>} : memref<1024xf32, #tpu.memory_space<vmem>>, vector<16xf32>,
      %bitcast3A_288 = vector.bitcast %get3A_287 : vector<16xf32> to vector<16xi32>
      %lt3A_289 = arith.constant 0 : i32
      %lt3A_290 = vector.broadcast %lt3A_289 : i32 to vector<16xi32>
      %lt3A_291 = arith.cmpi slt, %bitcast3A_288, %lt3A_290 : vector<16xi32>
      %xor3A_292 = arith.constant 2147483647 : i32
      %xor3A_293 = vector.broadcast %xor3A_292 : i32 to vector<16xi32>
      %xor3A_294 = arith.xori %bitcast3A_288, %xor3A_293 : vector<16xi32>
      %select_n3A_295 = arith.select %lt3A_291, %xor3A_294, %bitcast3A_288 : vector<16xi1>, vector<16xi32>
      %swap3A_296 = arith.constant 384 : index
      %swap3A_297 = tpu.vector_load %arg5[%swap3A_296] {strides = array<i32>} : memref<1024xi32, #tpu.memory_space<vmem>>, vector<16xi32>,
      tpu.vector_store %arg5[%swap3A_296], %select_n3A_295 {strides = array<i32>} : memref<1024xi32, #tpu.memory_space<vmem>>, vector<16xi32>,
      %get3A_298 = arith.constant 400 : index
      %get3A_299 = tpu.vector_load %arg4[%get3A_298] {strides = array<i32>} : memref<1024xf32, #tpu.memory_space<vmem>>, vector<16xf32>,
      %bitcast3A_300 = vector.bitcast %get3A_299 : vector<16xf32> to vector<16xi32>
      %lt3A_301 = arith.constant 0 : i32
      %lt3A_302 = vector.broadcast %lt3A_301 : i32 to vector<16xi32>
      %lt3A_303 = arith.cmpi slt, %bitcast3A_300, %lt3A_302 : vector<16xi32>
      %xor3A_304 = arith.constant 2147483647 : i32
      %xor3A_305 = vector.broadcast %xor3A_304 : i32 to vector<16xi32>
      %xor3A_306 = arith.xori %bitcast3A_300, %xor3A_305 : vector<16xi32>
      %select_n3A_307 = arith.select %lt3A_303, %xor3A_306, %bitcast3A_300 : vector<16xi1>, vector<16xi32>
      %swap3A_308 = arith.constant 400 : index
      %swap3A_309 = tpu.vector_load %arg5[%swap3A_308] {strides = array<i32>} : memref<1024xi32, #tpu.memory_space<vmem>>, vector<16xi32>,
      tpu.vector_store %arg5[%swap3A_308], %select_n3A_307 {strides = array<i32>} : memref<1024xi32, #tpu.memory_space<vmem>>, vector<16xi32>,
      %get3A_310 = arith.constant 416 : index
      %get3A_311 = tpu.vector_load %arg4[%get3A_310] {strides = array<i32>} : memref<1024xf32, #tpu.memory_space<vmem>>, vector<16xf32>,
      %bitcast3A_312 = vector.bitcast %get3A_311 : vector<16xf32> to vector<16xi32>
      %lt3A_313 = arith.constant 0 : i32
      %lt3A_314 = vector.broadcast %lt3A_313 : i32 to vector<16xi32>
      %lt3A_315 = arith.cmpi slt, %bitcast3A_312, %lt3A_314 : vector<16xi32>
      %xor3A_316 = arith.constant 2147483647 : i32
      %xor3A_317 = vector.broadcast %xor3A_316 : i32 to vector<16xi32>
      %xor3A_318 = arith.xori %bitcast3A_312, %xor3A_317 : vector<16xi32>
      %select_n3A_319 = arith.select %lt3A_315, %xor3A_318, %bitcast3A_312 : vector<16xi1>, vector<16xi32>
      %swap3A_320 = arith.constant 416 : index
      %swap3A_321 = tpu.vector_load %arg5[%swap3A_320] {strides = array<i32>} : memref<1024xi32, #tpu.memory_space<vmem>>, vector<16xi32>,
      tpu.vector_store %arg5[%swap3A_320], %select_n3A_319 {strides = array<i32>} : memref<1024xi32, #tpu.memory_space<vmem>>, vector<16xi32>,
      %get3A_322 = arith.constant 432 : index
      %get3A_323 = tpu.vector_load %arg4[%get3A_322] {strides = array<i32>} : memref<1024xf32, #tpu.memory_space<vmem>>, vector<16xf32>,
      %bitcast3A_324 = vector.bitcast %get3A_323 : vector<16xf32> to vector<16xi32>
      %lt3A_325 = arith.constant 0 : i32
      %lt3A_326 = vector.broadcast %lt3A_325 : i32 to vector<16xi32>
      %lt3A_327 = arith.cmpi slt, %bitcast3A_324, %lt3A_326 : vector<16xi32>
      %xor3A_328 = arith.constant 2147483647 : i32
      %xor3A_329 = vector.broadcast %xor3A_328 : i32 to vector<16xi32>
      %xor3A_330 = arith.xori %bitcast3A_324, %xor3A_329 : vector<16xi32>
      %select_n3A_331 = arith.select %lt3A_327, %xor3A_330, %bitcast3A_324 : vector<16xi1>, vector<16xi32>
      %swap3A_332 = arith.constant 432 : index
      %swap3A_333 = tpu.vector_load %arg5[%swap3A_332] {strides = array<i32>} : memref<1024xi32, #tpu.memory_space<vmem>>, vector<16xi32>,
      tpu.vector_store %arg5[%swap3A_332], %select_n3A_331 {strides = array<i32>} : memref<1024xi32, #tpu.memory_space<vmem>>, vector<16xi32>,
      %get3A_334 = arith.constant 448 : index
      %get3A_335 = tpu.vector_load %arg4[%get3A_334] {strides = array<i32>} : memref<1024xf32, #tpu.memory_space<vmem>>, vector<16xf32>,
      %bitcast3A_336 = vector.bitcast %get3A_335 : vector<16xf32> to vector<16xi32>
      %lt3A_337 = arith.constant 0 : i32
      %lt3A_338 = vector.broadcast %lt3A_337 : i32 to vector<16xi32>
      %lt3A_339 = arith.cmpi slt, %bitcast3A_336, %lt3A_338 : vector<16xi32>
      %xor3A_340 = arith.constant 2147483647 : i32
      %xor3A_341 = vector.broadcast %xor3A_340 : i32 to vector<16xi32>
      %xor3A_342 = arith.xori %bitcast3A_336, %xor3A_341 : vector<16xi32>
      %select_n3A_343 = arith.select %lt3A_339, %xor3A_342, %bitcast3A_336 : vector<16xi1>, vector<16xi32>
      %swap3A_344 = arith.constant 448 : index
      %swap3A_345 = tpu.vector_load %arg5[%swap3A_344] {strides = array<i32>} : memref<1024xi32, #tpu.memory_space<vmem>>, vector<16xi32>,
      tpu.vector_store %arg5[%swap3A_344], %select_n3A_343 {strides = array<i32>} : memref<1024xi32, #tpu.memory_space<vmem>>, vector<16xi32>,
      %get3A_346 = arith.constant 464 : index
      %get3A_347 = tpu.vector_load %arg4[%get3A_346] {strides = array<i32>} : memref<1024xf32, #tpu.memory_space<vmem>>, vector<16xf32>,
      %bitcast3A_348 = vector.bitcast %get3A_347 : vector<16xf32> to vector<16xi32>
      %lt3A_349 = arith.constant 0 : i32
      %lt3A_350 = vector.broadcast %lt3A_349 : i32 to vector<16xi32>
      %lt3A_351 = arith.cmpi slt, %bitcast3A_348, %lt3A_350 : vector<16xi32>
      %xor3A_352 = arith.constant 2147483647 : i32
      %xor3A_353 = vector.broadcast %xor3A_352 : i32 to vector<16xi32>
      %xor3A_354 = arith.xori %bitcast3A_348, %xor3A_353 : vector<16xi32>
      %select_n3A_355 = arith.select %lt3A_351, %xor3A_354, %bitcast3A_348 : vector<16xi1>, vector<16xi32>
      %swap3A_356 = arith.constant 464 : index
      %swap3A_357 = tpu.vector_load %arg5[%swap3A_356] {strides = array<i32>} : memref<1024xi32, #tpu.memory_space<vmem>>, vector<16xi32>,
      tpu.vector_store %arg5[%swap3A_356], %select_n3A_355 {strides = array<i32>} : memref<1024xi32, #tpu.memory_space<vmem>>, vector<16xi32>,
      %get3A_358 = arith.constant 480 : index
      %get3A_359 = tpu.vector_load %arg4[%get3A_358] {strides = array<i32>} : memref<1024xf32, #tpu.memory_space<vmem>>, vector<16xf32>,
      %bitcast3A_360 = vector.bitcast %get3A_359 : vector<16xf32> to vector<16xi32>
      %lt3A_361 = arith.constant 0 : i32
      %lt3A_362 = vector.broadcast %lt3A_361 : i32 to vector<16xi32>
      %lt3A_363 = arith.cmpi slt, %bitcast3A_360, %lt3A_362 : vector<16xi32>
      %xor3A_364 = arith.constant 2147483647 : i32
      %xor3A_365 = vector.broadcast %xor3A_364 : i32 to vector<16xi32>
      %xor3A_366 = arith.xori %bitcast3A_360, %xor3A_365 : vector<16xi32>
      %select_n3A_367 = arith.select %lt3A_363, %xor3A_366, %bitcast3A_360 : vector<16xi1>, vector<16xi32>
      %swap3A_368 = arith.constant 480 : index
      %swap3A_369 = tpu.vector_load %arg5[%swap3A_368] {strides = array<i32>} : memref<1024xi32, #tpu.memory_space<vmem>>, vector<16xi32>,
      tpu.vector_store %arg5[%swap3A_368], %select_n3A_367 {strides = array<i32>} : memref<1024xi32, #tpu.memory_space<vmem>>, vector<16xi32>,
      %get3A_370 = arith.constant 496 : index
      %get3A_371 = tpu.vector_load %arg4[%get3A_370] {strides = array<i32>} : memref<1024xf32, #tpu.memory_space<vmem>>, vector<16xf32>,
      %bitcast3A_372 = vector.bitcast %get3A_371 : vector<16xf32> to vector<16xi32>
      %lt3A_373 = arith.constant 0 : i32
      %lt3A_374 = vector.broadcast %lt3A_373 : i32 to vector<16xi32>
      %lt3A_375 = arith.cmpi slt, %bitcast3A_372, %lt3A_374 : vector<16xi32>
      %xor3A_376 = arith.constant 2147483647 : i32
      %xor3A_377 = vector.broadcast %xor3A_376 : i32 to vector<16xi32>
      %xor3A_378 = arith.xori %bitcast3A_372, %xor3A_377 : vector<16xi32>
      %select_n3A_379 = arith.select %lt3A_375, %xor3A_378, %bitcast3A_372 : vector<16xi1>, vector<16xi32>
      %swap3A_380 = arith.constant 496 : index
      %swap3A_381 = tpu.vector_load %arg5[%swap3A_380] {strides = array<i32>} : memref<1024xi32, #tpu.memory_space<vmem>>, vector<16xi32>,
      tpu.vector_store %arg5[%swap3A_380], %select_n3A_379 {strides = array<i32>} : memref<1024xi32, #tpu.memory_space<vmem>>, vector<16xi32>,
      %get3A_382 = arith.constant 512 : index
      %get3A_383 = tpu.vector_load %arg4[%get3A_382] {strides = array<i32>} : memref<1024xf32, #tpu.memory_space<vmem>>, vector<16xf32>,
      %bitcast3A_384 = vector.bitcast %get3A_383 : vector<16xf32> to vector<16xi32>
      %lt3A_385 = arith.constant 0 : i32
      %lt3A_386 = vector.broadcast %lt3A_385 : i32 to vector<16xi32>
      %lt3A_387 = arith.cmpi slt, %bitcast3A_384, %lt3A_386 : vector<16xi32>
      %xor3A_388 = arith.constant 2147483647 : i32
      %xor3A_389 = vector.broadcast %xor3A_388 : i32 to vector<16xi32>
      %xor3A_390 = arith.xori %bitcast3A_384, %xor3A_389 : vector<16xi32>
      %select_n3A_391 = arith.select %lt3A_387, %xor3A_390, %bitcast3A_384 : vector<16xi1>, vector<16xi32>
      %swap3A_392 = arith.constant 512 : index
      %swap3A_393 = tpu.vector_load %arg5[%swap3A_392] {strides = array<i32>} : memref<1024xi32, #tpu.memory_space<vmem>>, vector<16xi32>,
      tpu.vector_store %arg5[%swap3A_392], %select_n3A_391 {strides = array<i32>} : memref<1024xi32, #tpu.memory_space<vmem>>, vector<16xi32>,
      %get3A_394 = arith.constant 528 : index
      %get3A_395 = tpu.vector_load %arg4[%get3A_394] {strides = array<i32>} : memref<1024xf32, #tpu.memory_space<vmem>>, vector<16xf32>,
      %bitcast3A_396 = vector.bitcast %get3A_395 : vector<16xf32> to vector<16xi32>
      %lt3A_397 = arith.constant 0 : i32
      %lt3A_398 = vector.broadcast %lt3A_397 : i32 to vector<16xi32>
      %lt3A_399 = arith.cmpi slt, %bitcast3A_396, %lt3A_398 : vector<16xi32>
      %xor3A_400 = arith.constant 2147483647 : i32
      %xor3A_401 = vector.broadcast %xor3A_400 : i32 to vector<16xi32>
      %xor3A_402 = arith.xori %bitcast3A_396, %xor3A_401 : vector<16xi32>
      %select_n3A_403 = arith.select %lt3A_399, %xor3A_402, %bitcast3A_396 : vector<16xi1>, vector<16xi32>
      %swap3A_404 = arith.constant 528 : index
      %swap3A_405 = tpu.vector_load %arg5[%swap3A_404] {strides = array<i32>} : memref<1024xi32, #tpu.memory_space<vmem>>, vector<16xi32>,
      tpu.vector_store %arg5[%swap3A_404], %select_n3A_403 {strides = array<i32>} : memref<1024xi32, #tpu.memory_space<vmem>>, vector<16xi32>,
      %get3A_406 = arith.constant 544 : index
      %get3A_407 = tpu.vector_load %arg4[%get3A_406] {strides = array<i32>} : memref<1024xf32, #tpu.memory_space<vmem>>, vector<16xf32>,
      %bitcast3A_408 = vector.bitcast %get3A_407 : vector<16xf32> to vector<16xi32>
      %lt3A_409 = arith.constant 0 : i32
      %lt3A_410 = vector.broadcast %lt3A_409 : i32 to vector<16xi32>
      %lt3A_411 = arith.cmpi slt, %bitcast3A_408, %lt3A_410 : vector<16xi32>
      %xor3A_412 = arith.constant 2147483647 : i32
      %xor3A_413 = vector.broadcast %xor3A_412 : i32 to vector<16xi32>
      %xor3A_414 = arith.xori %bitcast3A_408, %xor3A_413 : vector<16xi32>
      %select_n3A_415 = arith.select %lt3A_411, %xor3A_414, %bitcast3A_408 : vector<16xi1>, vector<16xi32>
      %swap3A_416 = arith.constant 544 : index
      %swap3A_417 = tpu.vector_load %arg5[%swap3A_416] {strides = array<i32>} : memref<1024xi32, #tpu.memory_space<vmem>>, vector<16xi32>,
      tpu.vector_store %arg5[%swap3A_416], %select_n3A_415 {strides = array<i32>} : memref<1024xi32, #tpu.memory_space<vmem>>, vector<16xi32>,
      %get3A_418 = arith.constant 560 : index
      %get3A_419 = tpu.vector_load %arg4[%get3A_418] {strides = array<i32>} : memref<1024xf32, #tpu.memory_space<vmem>>, vector<16xf32>,
      %bitcast3A_420 = vector.bitcast %get3A_419 : vector<16xf32> to vector<16xi32>
      %lt3A_421 = arith.constant 0 : i32
      %lt3A_422 = vector.broadcast %lt3A_421 : i32 to vector<16xi32>
      %lt3A_423 = arith.cmpi slt, %bitcast3A_420, %lt3A_422 : vector<16xi32>
      %xor3A_424 = arith.constant 2147483647 : i32
      %xor3A_425 = vector.broadcast %xor3A_424 : i32 to vector<16xi32>
      %xor3A_426 = arith.xori %bitcast3A_420, %xor3A_425 : vector<16xi32>
      %select_n3A_427 = arith.select %lt3A_423, %xor3A_426, %bitcast3A_420 : vector<16xi1>, vector<16xi32>
      %swap3A_428 = arith.constant 560 : index
      %swap3A_429 = tpu.vector_load %arg5[%swap3A_428] {strides = array<i32>} : memref<1024xi32, #tpu.memory_space<vmem>>, vector<16xi32>,
      tpu.vector_store %arg5[%swap3A_428], %select_n3A_427 {strides = array<i32>} : memref<1024xi32, #tpu.memory_space<vmem>>, vector<16xi32>,
      %get3A_430 = arith.constant 576 : index
      %get3A_431 = tpu.vector_load %arg4[%get3A_430] {strides = array<i32>} : memref<1024xf32, #tpu.memory_space<vmem>>, vector<16xf32>,
      %bitcast3A_432 = vector.bitcast %get3A_431 : vector<16xf32> to vector<16xi32>
      %lt3A_433 = arith.constant 0 : i32
      %lt3A_434 = vector.broadcast %lt3A_433 : i32 to vector<16xi32>
      %lt3A_435 = arith.cmpi slt, %bitcast3A_432, %lt3A_434 : vector<16xi32>
      %xor3A_436 = arith.constant 2147483647 : i32
      %xor3A_437 = vector.broadcast %xor3A_436 : i32 to vector<16xi32>
      %xor3A_438 = arith.xori %bitcast3A_432, %xor3A_437 : vector<16xi32>
      %select_n3A_439 = arith.select %lt3A_435, %xor3A_438, %bitcast3A_432 : vector<16xi1>, vector<16xi32>
      %swap3A_440 = arith.constant 576 : index
      %swap3A_441 = tpu.vector_load %arg5[%swap3A_440] {strides = array<i32>} : memref<1024xi32, #tpu.memory_space<vmem>>, vector<16xi32>,
      tpu.vector_store %arg5[%swap3A_440], %select_n3A_439 {strides = array<i32>} : memref<1024xi32, #tpu.memory_space<vmem>>, vector<16xi32>,
      %get3A_442 = arith.constant 592 : index
      %get3A_443 = tpu.vector_load %arg4[%get3A_442] {strides = array<i32>} : memref<1024xf32, #tpu.memory_space<vmem>>, vector<16xf32>,
      %bitcast3A_444 = vector.bitcast %get3A_443 : vector<16xf32> to vector<16xi32>
      %lt3A_445 = arith.constant 0 : i32
      %lt3A_446 = vector.broadcast %lt3A_445 : i32 to vector<16xi32>
      %lt3A_447 = arith.cmpi slt, %bitcast3A_444, %lt3A_446 : vector<16xi32>
      %xor3A_448 = arith.constant 2147483647 : i32
      %xor3A_449 = vector.broadcast %xor3A_448 : i32 to vector<16xi32>
      %xor3A_450 = arith.xori %bitcast3A_444, %xor3A_449 : vector<16xi32>
      %select_n3A_451 = arith.select %lt3A_447, %xor3A_450, %bitcast3A_444 : vector<16xi1>, vector<16xi32>
      %swap3A_452 = arith.constant 592 : index
      %swap3A_453 = tpu.vector_load %arg5[%swap3A_452] {strides = array<i32>} : memref<1024xi32, #tpu.memory_space<vmem>>, vector<16xi32>,
      tpu.vector_store %arg5[%swap3A_452], %select_n3A_451 {strides = array<i32>} : memref<1024xi32, #tpu.memory_space<vmem>>, vector<16xi32>,
      %get3A_454 = arith.constant 608 : index
      %get3A_455 = tpu.vector_load %arg4[%get3A_454] {strides = array<i32>} : memref<1024xf32, #tpu.memory_space<vmem>>, vector<16xf32>,
      %bitcast3A_456 = vector.bitcast %get3A_455 : vector<16xf32> to vector<16xi32>
      %lt3A_457 = arith.constant 0 : i32
      %lt3A_458 = vector.broadcast %lt3A_457 : i32 to vector<16xi32>
      %lt3A_459 = arith.cmpi slt, %bitcast3A_456, %lt3A_458 : vector<16xi32>
      %xor3A_460 = arith.constant 2147483647 : i32
      %xor3A_461 = vector.broadcast %xor3A_460 : i32 to vector<16xi32>
      %xor3A_462 = arith.xori %bitcast3A_456, %xor3A_461 : vector<16xi32>
      %select_n3A_463 = arith.select %lt3A_459, %xor3A_462, %bitcast3A_456 : vector<16xi1>, vector<16xi32>
      %swap3A_464 = arith.constant 608 : index
      %swap3A_465 = tpu.vector_load %arg5[%swap3A_464] {strides = array<i32>} : memref<1024xi32, #tpu.memory_space<vmem>>, vector<16xi32>,
      tpu.vector_store %arg5[%swap3A_464], %select_n3A_463 {strides = array<i32>} : memref<1024xi32, #tpu.memory_space<vmem>>, vector<16xi32>,
      %get3A_466 = arith.constant 624 : index
      %get3A_467 = tpu.vector_load %arg4[%get3A_466] {strides = array<i32>} : memref<1024xf32, #tpu.memory_space<vmem>>, vector<16xf32>,
      %bitcast3A_468 = vector.bitcast %get3A_467 : vector<16xf32> to vector<16xi32>
      %lt3A_469 = arith.constant 0 : i32
      %lt3A_470 = vector.broadcast %lt3A_469 : i32 to vector<16xi32>
      %lt3A_471 = arith.cmpi slt, %bitcast3A_468, %lt3A_470 : vector<16xi32>
      %xor3A_472 = arith.constant 2147483647 : i32
      %xor3A_473 = vector.broadcast %xor3A_472 : i32 to vector<16xi32>
      %xor3A_474 = arith.xori %bitcast3A_468, %xor3A_473 : vector<16xi32>
      %select_n3A_475 = arith.select %lt3A_471, %xor3A_474, %bitcast3A_468 : vector<16xi1>, vector<16xi32>
      %swap3A_476 = arith.constant 624 : index
      %swap3A_477 = tpu.vector_load %arg5[%swap3A_476] {strides = array<i32>} : memref<1024xi32, #tpu.memory_space<vmem>>, vector<16xi32>,
      tpu.vector_store %arg5[%swap3A_476], %select_n3A_475 {strides = array<i32>} : memref<1024xi32, #tpu.memory_space<vmem>>, vector<16xi32>,
      %get3A_478 = arith.constant 640 : index
      %get3A_479 = tpu.vector_load %arg4[%get3A_478] {strides = array<i32>} : memref<1024xf32, #tpu.memory_space<vmem>>, vector<16xf32>,
      %bitcast3A_480 = vector.bitcast %get3A_479 : vector<16xf32> to vector<16xi32>
      %lt3A_481 = arith.constant 0 : i32
      %lt3A_482 = vector.broadcast %lt3A_481 : i32 to vector<16xi32>
      %lt3A_483 = arith.cmpi slt, %bitcast3A_480, %lt3A_482 : vector<16xi32>
      %xor3A_484 = arith.constant 2147483647 : i32
      %xor3A_485 = vector.broadcast %xor3A_484 : i32 to vector<16xi32>
      %xor3A_486 = arith.xori %bitcast3A_480, %xor3A_485 : vector<16xi32>
      %select_n3A_487 = arith.select %lt3A_483, %xor3A_486, %bitcast3A_480 : vector<16xi1>, vector<16xi32>
      %swap3A_488 = arith.constant 640 : index
      %swap3A_489 = tpu.vector_load %arg5[%swap3A_488] {strides = array<i32>} : memref<1024xi32, #tpu.memory_space<vmem>>, vector<16xi32>,
      tpu.vector_store %arg5[%swap3A_488], %select_n3A_487 {strides = array<i32>} : memref<1024xi32, #tpu.memory_space<vmem>>, vector<16xi32>,
      %get3A_490 = arith.constant 656 : index
      %get3A_491 = tpu.vector_load %arg4[%get3A_490] {strides = array<i32>} : memref<1024xf32, #tpu.memory_space<vmem>>, vector<16xf32>,
      %bitcast3A_492 = vector.bitcast %get3A_491 : vector<16xf32> to vector<16xi32>
      %lt3A_493 = arith.constant 0 : i32
      %lt3A_494 = vector.broadcast %lt3A_493 : i32 to vector<16xi32>
      %lt3A_495 = arith.cmpi slt, %bitcast3A_492, %lt3A_494 : vector<16xi32>
      %xor3A_496 = arith.constant 2147483647 : i32
      %xor3A_497 = vector.broadcast %xor3A_496 : i32 to vector<16xi32>
      %xor3A_498 = arith.xori %bitcast3A_492, %xor3A_497 : vector<16xi32>
      %select_n3A_499 = arith.select %lt3A_495, %xor3A_498, %bitcast3A_492 : vector<16xi1>, vector<16xi32>
      %swap3A_500 = arith.constant 656 : index
      %swap3A_501 = tpu.vector_load %arg5[%swap3A_500] {strides = array<i32>} : memref<1024xi32, #tpu.memory_space<vmem>>, vector<16xi32>,
      tpu.vector_store %arg5[%swap3A_500], %select_n3A_499 {strides = array<i32>} : memref<1024xi32, #tpu.memory_space<vmem>>, vector<16xi32>,
      %get3A_502 = arith.constant 672 : index
      %get3A_503 = tpu.vector_load %arg4[%get3A_502] {strides = array<i32>} : memref<1024xf32, #tpu.memory_space<vmem>>, vector<16xf32>,
      %bitcast3A_504 = vector.bitcast %get3A_503 : vector<16xf32> to vector<16xi32>
      %lt3A_505 = arith.constant 0 : i32
      %lt3A_506 = vector.broadcast %lt3A_505 : i32 to vector<16xi32>
      %lt3A_507 = arith.cmpi slt, %bitcast3A_504, %lt3A_506 : vector<16xi32>
      %xor3A_508 = arith.constant 2147483647 : i32
      %xor3A_509 = vector.broadcast %xor3A_508 : i32 to vector<16xi32>
      %xor3A_510 = arith.xori %bitcast3A_504, %xor3A_509 : vector<16xi32>
      %select_n3A_511 = arith.select %lt3A_507, %xor3A_510, %bitcast3A_504 : vector<16xi1>, vector<16xi32>
      %swap3A_512 = arith.constant 672 : index
      %swap3A_513 = tpu.vector_load %arg5[%swap3A_512] {strides = array<i32>} : memref<1024xi32, #tpu.memory_space<vmem>>, vector<16xi32>,
      tpu.vector_store %arg5[%swap3A_512], %select_n3A_511 {strides = array<i32>} : memref<1024xi32, #tpu.memory_space<vmem>>, vector<16xi32>,
      %get3A_514 = arith.constant 688 : index
      %get3A_515 = tpu.vector_load %arg4[%get3A_514] {strides = array<i32>} : memref<1024xf32, #tpu.memory_space<vmem>>, vector<16xf32>,
      %bitcast3A_516 = vector.bitcast %get3A_515 : vector<16xf32> to vector<16xi32>
      %lt3A_517 = arith.constant 0 : i32
      %lt3A_518 = vector.broadcast %lt3A_517 : i32 to vector<16xi32>
      %lt3A_519 = arith.cmpi slt, %bitcast3A_516, %lt3A_518 : vector<16xi32>
      %xor3A_520 = arith.constant 2147483647 : i32
      %xor3A_521 = vector.broadcast %xor3A_520 : i32 to vector<16xi32>
      %xor3A_522 = arith.xori %bitcast3A_516, %xor3A_521 : vector<16xi32>
      %select_n3A_523 = arith.select %lt3A_519, %xor3A_522, %bitcast3A_516 : vector<16xi1>, vector<16xi32>
      %swap3A_524 = arith.constant 688 : index
      %swap3A_525 = tpu.vector_load %arg5[%swap3A_524] {strides = array<i32>} : memref<1024xi32, #tpu.memory_space<vmem>>, vector<16xi32>,
      tpu.vector_store %arg5[%swap3A_524], %select_n3A_523 {strides = array<i32>} : memref<1024xi32, #tpu.memory_space<vmem>>, vector<16xi32>,
      %get3A_526 = arith.constant 704 : index
      %get3A_527 = tpu.vector_load %arg4[%get3A_526] {strides = array<i32>} : memref<1024xf32, #tpu.memory_space<vmem>>, vector<16xf32>,
      %bitcast3A_528 = vector.bitcast %get3A_527 : vector<16xf32> to vector<16xi32>
      %lt3A_529 = arith.constant 0 : i32
      %lt3A_530 = vector.broadcast %lt3A_529 : i32 to vector<16xi32>
      %lt3A_531 = arith.cmpi slt, %bitcast3A_528, %lt3A_530 : vector<16xi32>
      %xor3A_532 = arith.constant 2147483647 : i32
      %xor3A_533 = vector.broadcast %xor3A_532 : i32 to vector<16xi32>
      %xor3A_534 = arith.xori %bitcast3A_528, %xor3A_533 : vector<16xi32>
      %select_n3A_535 = arith.select %lt3A_531, %xor3A_534, %bitcast3A_528 : vector<16xi1>, vector<16xi32>
      %swap3A_536 = arith.constant 704 : index
      %swap3A_537 = tpu.vector_load %arg5[%swap3A_536] {strides = array<i32>} : memref<1024xi32, #tpu.memory_space<vmem>>, vector<16xi32>,
      tpu.vector_store %arg5[%swap3A_536], %select_n3A_535 {strides = array<i32>} : memref<1024xi32, #tpu.memory_space<vmem>>, vector<16xi32>,
      %get3A_538 = arith.constant 720 : index
      %get3A_539 = tpu.vector_load %arg4[%get3A_538] {strides = array<i32>} : memref<1024xf32, #tpu.memory_space<vmem>>, vector<16xf32>,
      %bitcast3A_540 = vector.bitcast %get3A_539 : vector<16xf32> to vector<16xi32>
      %lt3A_541 = arith.constant 0 : i32
      %lt3A_542 = vector.broadcast %lt3A_541 : i32 to vector<16xi32>
      %lt3A_543 = arith.cmpi slt, %bitcast3A_540, %lt3A_542 : vector<16xi32>
      %xor3A_544 = arith.constant 2147483647 : i32
      %xor3A_545 = vector.broadcast %xor3A_544 : i32 to vector<16xi32>
      %xor3A_546 = arith.xori %bitcast3A_540, %xor3A_545 : vector<16xi32>
      %select_n3A_547 = arith.select %lt3A_543, %xor3A_546, %bitcast3A_540 : vector<16xi1>, vector<16xi32>
      %swap3A_548 = arith.constant 720 : index
      %swap3A_549 = tpu.vector_load %arg5[%swap3A_548] {strides = array<i32>} : memref<1024xi32, #tpu.memory_space<vmem>>, vector<16xi32>,
      tpu.vector_store %arg5[%swap3A_548], %select_n3A_547 {strides = array<i32>} : memref<1024xi32, #tpu.memory_space<vmem>>, vector<16xi32>,
      %get3A_550 = arith.constant 736 : index
      %get3A_551 = tpu.vector_load %arg4[%get3A_550] {strides = array<i32>} : memref<1024xf32, #tpu.memory_space<vmem>>, vector<16xf32>,
      %bitcast3A_552 = vector.bitcast %get3A_551 : vector<16xf32> to vector<16xi32>
      %lt3A_553 = arith.constant 0 : i32
      %lt3A_554 = vector.broadcast %lt3A_553 : i32 to vector<16xi32>
      %lt3A_555 = arith.cmpi slt, %bitcast3A_552, %lt3A_554 : vector<16xi32>
      %xor3A_556 = arith.constant 2147483647 : i32
      %xor3A_557 = vector.broadcast %xor3A_556 : i32 to vector<16xi32>
      %xor3A_558 = arith.xori %bitcast3A_552, %xor3A_557 : vector<16xi32>
      %select_n3A_559 = arith.select %lt3A_555, %xor3A_558, %bitcast3A_552 : vector<16xi1>, vector<16xi32>
      %swap3A_560 = arith.constant 736 : index
      %swap3A_561 = tpu.vector_load %arg5[%swap3A_560] {strides = array<i32>} : memref<1024xi32, #tpu.memory_space<vmem>>, vector<16xi32>,
      tpu.vector_store %arg5[%swap3A_560], %select_n3A_559 {strides = array<i32>} : memref<1024xi32, #tpu.memory_space<vmem>>, vector<16xi32>,
      %get3A_562 = arith.constant 752 : index
      %get3A_563 = tpu.vector_load %arg4[%get3A_562] {strides = array<i32>} : memref<1024xf32, #tpu.memory_space<vmem>>, vector<16xf32>,
      %bitcast3A_564 = vector.bitcast %get3A_563 : vector<16xf32> to vector<16xi32>
      %lt3A_565 = arith.constant 0 : i32
      %lt3A_566 = vector.broadcast %lt3A_565 : i32 to vector<16xi32>
      %lt3A_567 = arith.cmpi slt, %bitcast3A_564, %lt3A_566 : vector<16xi32>
      %xor3A_568 = arith.constant 2147483647 : i32
      %xor3A_569 = vector.broadcast %xor3A_568 : i32 to vector<16xi32>
      %xor3A_570 = arith.xori %bitcast3A_564, %xor3A_569 : vector<16xi32>
      %select_n3A_571 = arith.select %lt3A_567, %xor3A_570, %bitcast3A_564 : vector<16xi1>, vector<16xi32>
      %swap3A_572 = arith.constant 752 : index
      %swap3A_573 = tpu.vector_load %arg5[%swap3A_572] {strides = array<i32>} : memref<1024xi32, #tpu.memory_space<vmem>>, vector<16xi32>,
      tpu.vector_store %arg5[%swap3A_572], %select_n3A_571 {strides = array<i32>} : memref<1024xi32, #tpu.memory_space<vmem>>, vector<16xi32>,
      %get3A_574 = arith.constant 768 : index
      %get3A_575 = tpu.vector_load %arg4[%get3A_574] {strides = array<i32>} : memref<1024xf32, #tpu.memory_space<vmem>>, vector<16xf32>,
      %bitcast3A_576 = vector.bitcast %get3A_575 : vector<16xf32> to vector<16xi32>
      %lt3A_577 = arith.constant 0 : i32
      %lt3A_578 = vector.broadcast %lt3A_577 : i32 to vector<16xi32>
      %lt3A_579 = arith.cmpi slt, %bitcast3A_576, %lt3A_578 : vector<16xi32>
      %xor3A_580 = arith.constant 2147483647 : i32
      %xor3A_581 = vector.broadcast %xor3A_580 : i32 to vector<16xi32>
      %xor3A_582 = arith.xori %bitcast3A_576, %xor3A_581 : vector<16xi32>
      %select_n3A_583 = arith.select %lt3A_579, %xor3A_582, %bitcast3A_576 : vector<16xi1>, vector<16xi32>
      %swap3A_584 = arith.constant 768 : index
      %swap3A_585 = tpu.vector_load %arg5[%swap3A_584] {strides = array<i32>} : memref<1024xi32, #tpu.memory_space<vmem>>, vector<16xi32>,
      tpu.vector_store %arg5[%swap3A_584], %select_n3A_583 {strides = array<i32>} : memref<1024xi32, #tpu.memory_space<vmem>>, vector<16xi32>,
      %get3A_586 = arith.constant 784 : index
      %get3A_587 = tpu.vector_load %arg4[%get3A_586] {strides = array<i32>} : memref<1024xf32, #tpu.memory_space<vmem>>, vector<16xf32>,
      %bitcast3A_588 = vector.bitcast %get3A_587 : vector<16xf32> to vector<16xi32>
      %lt3A_589 = arith.constant 0 : i32
      %lt3A_590 = vector.broadcast %lt3A_589 : i32 to vector<16xi32>
      %lt3A_591 = arith.cmpi slt, %bitcast3A_588, %lt3A_590 : vector<16xi32>
      %xor3A_592 = arith.constant 2147483647 : i32
      %xor3A_593 = vector.broadcast %xor3A_592 : i32 to vector<16xi32>
      %xor3A_594 = arith.xori %bitcast3A_588, %xor3A_593 : vector<16xi32>
      %select_n3A_595 = arith.select %lt3A_591, %xor3A_594, %bitcast3A_588 : vector<16xi1>, vector<16xi32>
      %swap3A_596 = arith.constant 784 : index
      %swap3A_597 = tpu.vector_load %arg5[%swap3A_596] {strides = array<i32>} : memref<1024xi32, #tpu.memory_space<vmem>>, vector<16xi32>,
      tpu.vector_store %arg5[%swap3A_596], %select_n3A_595 {strides = array<i32>} : memref<1024xi32, #tpu.memory_space<vmem>>, vector<16xi32>,
      %get3A_598 = arith.constant 800 : index
      %get3A_599 = tpu.vector_load %arg4[%get3A_598] {strides = array<i32>} : memref<1024xf32, #tpu.memory_space<vmem>>, vector<16xf32>,
      %bitcast3A_600 = vector.bitcast %get3A_599 : vector<16xf32> to vector<16xi32>
      %lt3A_601 = arith.constant 0 : i32
      %lt3A_602 = vector.broadcast %lt3A_601 : i32 to vector<16xi32>
      %lt3A_603 = arith.cmpi slt, %bitcast3A_600, %lt3A_602 : vector<16xi32>
      %xor3A_604 = arith.constant 2147483647 : i32
      %xor3A_605 = vector.broadcast %xor3A_604 : i32 to vector<16xi32>
      %xor3A_606 = arith.xori %bitcast3A_600, %xor3A_605 : vector<16xi32>
      %select_n3A_607 = arith.select %lt3A_603, %xor3A_606, %bitcast3A_600 : vector<16xi1>, vector<16xi32>
      %swap3A_608 = arith.constant 800 : index
      %swap3A_609 = tpu.vector_load %arg5[%swap3A_608] {strides = array<i32>} : memref<1024xi32, #tpu.memory_space<vmem>>, vector<16xi32>,
      tpu.vector_store %arg5[%swap3A_608], %select_n3A_607 {strides = array<i32>} : memref<1024xi32, #tpu.memory_space<vmem>>, vector<16xi32>,
      %get3A_610 = arith.constant 816 : index
      %get3A_611 = tpu.vector_load %arg4[%get3A_610] {strides = array<i32>} : memref<1024xf32, #tpu.memory_space<vmem>>, vector<16xf32>,
      %bitcast3A_612 = vector.bitcast %get3A_611 : vector<16xf32> to vector<16xi32>
      %lt3A_613 = arith.constant 0 : i32
      %lt3A_614 = vector.broadcast %lt3A_613 : i32 to vector<16xi32>
      %lt3A_615 = arith.cmpi slt, %bitcast3A_612, %lt3A_614 : vector<16xi32>
      %xor3A_616 = arith.constant 2147483647 : i32
      %xor3A_617 = vector.broadcast %xor3A_616 : i32 to vector<16xi32>
      %xor3A_618 = arith.xori %bitcast3A_612, %xor3A_617 : vector<16xi32>
      %select_n3A_619 = arith.select %lt3A_615, %xor3A_618, %bitcast3A_612 : vector<16xi1>, vector<16xi32>
      %swap3A_620 = arith.constant 816 : index
      %swap3A_621 = tpu.vector_load %arg5[%swap3A_620] {strides = array<i32>} : memref<1024xi32, #tpu.memory_space<vmem>>, vector<16xi32>,
      tpu.vector_store %arg5[%swap3A_620], %select_n3A_619 {strides = array<i32>} : memref<1024xi32, #tpu.memory_space<vmem>>, vector<16xi32>,
      %get3A_622 = arith.constant 832 : index
      %get3A_623 = tpu.vector_load %arg4[%get3A_622] {strides = array<i32>} : memref<1024xf32, #tpu.memory_space<vmem>>, vector<16xf32>,
      %bitcast3A_624 = vector.bitcast %get3A_623 : vector<16xf32> to vector<16xi32>
      %lt3A_625 = arith.constant 0 : i32
      %lt3A_626 = vector.broadcast %lt3A_625 : i32 to vector<16xi32>
      %lt3A_627 = arith.cmpi slt, %bitcast3A_624, %lt3A_626 : vector<16xi32>
      %xor3A_628 = arith.constant 2147483647 : i32
      %xor3A_629 = vector.broadcast %xor3A_628 : i32 to vector<16xi32>
      %xor3A_630 = arith.xori %bitcast3A_624, %xor3A_629 : vector<16xi32>
      %select_n3A_631 = arith.select %lt3A_627, %xor3A_630, %bitcast3A_624 : vector<16xi1>, vector<16xi32>
      %swap3A_632 = arith.constant 832 : index
      %swap3A_633 = tpu.vector_load %arg5[%swap3A_632] {strides = array<i32>} : memref<1024xi32, #tpu.memory_space<vmem>>, vector<16xi32>,
      tpu.vector_store %arg5[%swap3A_632], %select_n3A_631 {strides = array<i32>} : memref<1024xi32, #tpu.memory_space<vmem>>, vector<16xi32>,
      %get3A_634 = arith.constant 848 : index
      %get3A_635 = tpu.vector_load %arg4[%get3A_634] {strides = array<i32>} : memref<1024xf32, #tpu.memory_space<vmem>>, vector<16xf32>,
      %bitcast3A_636 = vector.bitcast %get3A_635 : vector<16xf32> to vector<16xi32>
      %lt3A_637 = arith.constant 0 : i32
      %lt3A_638 = vector.broadcast %lt3A_637 : i32 to vector<16xi32>
      %lt3A_639 = arith.cmpi slt, %bitcast3A_636, %lt3A_638 : vector<16xi32>
      %xor3A_640 = arith.constant 2147483647 : i32
      %xor3A_641 = vector.broadcast %xor3A_640 : i32 to vector<16xi32>
      %xor3A_642 = arith.xori %bitcast3A_636, %xor3A_641 : vector<16xi32>
      %select_n3A_643 = arith.select %lt3A_639, %xor3A_642, %bitcast3A_636 : vector<16xi1>, vector<16xi32>
      %swap3A_644 = arith.constant 848 : index
      %swap3A_645 = tpu.vector_load %arg5[%swap3A_644] {strides = array<i32>} : memref<1024xi32, #tpu.memory_space<vmem>>, vector<16xi32>,
      tpu.vector_store %arg5[%swap3A_644], %select_n3A_643 {strides = array<i32>} : memref<1024xi32, #tpu.memory_space<vmem>>, vector<16xi32>,
      %get3A_646 = arith.constant 864 : index
      %get3A_647 = tpu.vector_load %arg4[%get3A_646] {strides = array<i32>} : memref<1024xf32, #tpu.memory_space<vmem>>, vector<16xf32>,
      %bitcast3A_648 = vector.bitcast %get3A_647 : vector<16xf32> to vector<16xi32>
      %lt3A_649 = arith.constant 0 : i32
      %lt3A_650 = vector.broadcast %lt3A_649 : i32 to vector<16xi32>
      %lt3A_651 = arith.cmpi slt, %bitcast3A_648, %lt3A_650 : vector<16xi32>
      %xor3A_652 = arith.constant 2147483647 : i32
      %xor3A_653 = vector.broadcast %xor3A_652 : i32 to vector<16xi32>
      %xor3A_654 = arith.xori %bitcast3A_648, %xor3A_653 : vector<16xi32>
      %select_n3A_655 = arith.select %lt3A_651, %xor3A_654, %bitcast3A_648 : vector<16xi1>, vector<16xi32>
      %swap3A_656 = arith.constant 864 : index
      %swap3A_657 = tpu.vector_load %arg5[%swap3A_656] {strides = array<i32>} : memref<1024xi32, #tpu.memory_space<vmem>>, vector<16xi32>,
      tpu.vector_store %arg5[%swap3A_656], %select_n3A_655 {strides = array<i32>} : memref<1024xi32, #tpu.memory_space<vmem>>, vector<16xi32>,
      %get3A_658 = arith.constant 880 : index
      %get3A_659 = tpu.vector_load %arg4[%get3A_658] {strides = array<i32>} : memref<1024xf32, #tpu.memory_space<vmem>>, vector<16xf32>,
      %bitcast3A_660 = vector.bitcast %get3A_659 : vector<16xf32> to vector<16xi32>
      %lt3A_661 = arith.constant 0 : i32
      %lt3A_662 = vector.broadcast %lt3A_661 : i32 to vector<16xi32>
      %lt3A_663 = arith.cmpi slt, %bitcast3A_660, %lt3A_662 : vector<16xi32>
      %xor3A_664 = arith.constant 2147483647 : i32
      %xor3A_665 = vector.broadcast %xor3A_664 : i32 to vector<16xi32>
      %xor3A_666 = arith.xori %bitcast3A_660, %xor3A_665 : vector<16xi32>
      %select_n3A_667 = arith.select %lt3A_663, %xor3A_666, %bitcast3A_660 : vector<16xi1>, vector<16xi32>
      %swap3A_668 = arith.constant 880 : index
      %swap3A_669 = tpu.vector_load %arg5[%swap3A_668] {strides = array<i32>} : memref<1024xi32, #tpu.memory_space<vmem>>, vector<16xi32>,
      tpu.vector_store %arg5[%swap3A_668], %select_n3A_667 {strides = array<i32>} : memref<1024xi32, #tpu.memory_space<vmem>>, vector<16xi32>,
      %get3A_670 = arith.constant 896 : index
      %get3A_671 = tpu.vector_load %arg4[%get3A_670] {strides = array<i32>} : memref<1024xf32, #tpu.memory_space<vmem>>, vector<16xf32>,
      %bitcast3A_672 = vector.bitcast %get3A_671 : vector<16xf32> to vector<16xi32>
      %lt3A_673 = arith.constant 0 : i32
      %lt3A_674 = vector.broadcast %lt3A_673 : i32 to vector<16xi32>
      %lt3A_675 = arith.cmpi slt, %bitcast3A_672, %lt3A_674 : vector<16xi32>
      %xor3A_676 = arith.constant 2147483647 : i32
      %xor3A_677 = vector.broadcast %xor3A_676 : i32 to vector<16xi32>
      %xor3A_678 = arith.xori %bitcast3A_672, %xor3A_677 : vector<16xi32>
      %select_n3A_679 = arith.select %lt3A_675, %xor3A_678, %bitcast3A_672 : vector<16xi1>, vector<16xi32>
      %swap3A_680 = arith.constant 896 : index
      %swap3A_681 = tpu.vector_load %arg5[%swap3A_680] {strides = array<i32>} : memref<1024xi32, #tpu.memory_space<vmem>>, vector<16xi32>,
      tpu.vector_store %arg5[%swap3A_680], %select_n3A_679 {strides = array<i32>} : memref<1024xi32, #tpu.memory_space<vmem>>, vector<16xi32>,
      %get3A_682 = arith.constant 912 : index
      %get3A_683 = tpu.vector_load %arg4[%get3A_682] {strides = array<i32>} : memref<1024xf32, #tpu.memory_space<vmem>>, vector<16xf32>,
      %bitcast3A_684 = vector.bitcast %get3A_683 : vector<16xf32> to vector<16xi32>
      %lt3A_685 = arith.constant 0 : i32
      %lt3A_686 = vector.broadcast %lt3A_685 : i32 to vector<16xi32>
      %lt3A_687 = arith.cmpi slt, %bitcast3A_684, %lt3A_686 : vector<16xi32>
      %xor3A_688 = arith.constant 2147483647 : i32
      %xor3A_689 = vector.broadcast %xor3A_688 : i32 to vector<16xi32>
      %xor3A_690 = arith.xori %bitcast3A_684, %xor3A_689 : vector<16xi32>
      %select_n3A_691 = arith.select %lt3A_687, %xor3A_690, %bitcast3A_684 : vector<16xi1>, vector<16xi32>
      %swap3A_692 = arith.constant 912 : index
      %swap3A_693 = tpu.vector_load %arg5[%swap3A_692] {strides = array<i32>} : memref<1024xi32, #tpu.memory_space<vmem>>, vector<16xi32>,
      tpu.vector_store %arg5[%swap3A_692], %select_n3A_691 {strides = array<i32>} : memref<1024xi32, #tpu.memory_space<vmem>>, vector<16xi32>,
      %get3A_694 = arith.constant 928 : index
      %get3A_695 = tpu.vector_load %arg4[%get3A_694] {strides = array<i32>} : memref<1024xf32, #tpu.memory_space<vmem>>, vector<16xf32>,
      %bitcast3A_696 = vector.bitcast %get3A_695 : vector<16xf32> to vector<16xi32>
      %lt3A_697 = arith.constant 0 : i32
      %lt3A_698 = vector.broadcast %lt3A_697 : i32 to vector<16xi32>
      %lt3A_699 = arith.cmpi slt, %bitcast3A_696, %lt3A_698 : vector<16xi32>
      %xor3A_700 = arith.constant 2147483647 : i32
      %xor3A_701 = vector.broadcast %xor3A_700 : i32 to vector<16xi32>
      %xor3A_702 = arith.xori %bitcast3A_696, %xor3A_701 : vector<16xi32>
      %select_n3A_703 = arith.select %lt3A_699, %xor3A_702, %bitcast3A_696 : vector<16xi1>, vector<16xi32>
      %swap3A_704 = arith.constant 928 : index
      %swap3A_705 = tpu.vector_load %arg5[%swap3A_704] {strides = array<i32>} : memref<1024xi32, #tpu.memory_space<vmem>>, vector<16xi32>,
      tpu.vector_store %arg5[%swap3A_704], %select_n3A_703 {strides = array<i32>} : memref<1024xi32, #tpu.memory_space<vmem>>, vector<16xi32>,
      %get3A_706 = arith.constant 944 : index
      %get3A_707 = tpu.vector_load %arg4[%get3A_706] {strides = array<i32>} : memref<1024xf32, #tpu.memory_space<vmem>>, vector<16xf32>,
      %bitcast3A_708 = vector.bitcast %get3A_707 : vector<16xf32> to vector<16xi32>
      %lt3A_709 = arith.constant 0 : i32
      %lt3A_710 = vector.broadcast %lt3A_709 : i32 to vector<16xi32>
      %lt3A_711 = arith.cmpi slt, %bitcast3A_708, %lt3A_710 : vector<16xi32>
      %xor3A_712 = arith.constant 2147483647 : i32
      %xor3A_713 = vector.broadcast %xor3A_712 : i32 to vector<16xi32>
      %xor3A_714 = arith.xori %bitcast3A_708, %xor3A_713 : vector<16xi32>
      %select_n3A_715 = arith.select %lt3A_711, %xor3A_714, %bitcast3A_708 : vector<16xi1>, vector<16xi32>
      %swap3A_716 = arith.constant 944 : index
      %swap3A_717 = tpu.vector_load %arg5[%swap3A_716] {strides = array<i32>} : memref<1024xi32, #tpu.memory_space<vmem>>, vector<16xi32>,
      tpu.vector_store %arg5[%swap3A_716], %select_n3A_715 {strides = array<i32>} : memref<1024xi32, #tpu.memory_space<vmem>>, vector<16xi32>,
      %get3A_718 = arith.constant 960 : index
      %get3A_719 = tpu.vector_load %arg4[%get3A_718] {strides = array<i32>} : memref<1024xf32, #tpu.memory_space<vmem>>, vector<16xf32>,
      %bitcast3A_720 = vector.bitcast %get3A_719 : vector<16xf32> to vector<16xi32>
      %lt3A_721 = arith.constant 0 : i32
      %lt3A_722 = vector.broadcast %lt3A_721 : i32 to vector<16xi32>
      %lt3A_723 = arith.cmpi slt, %bitcast3A_720, %lt3A_722 : vector<16xi32>
      %xor3A_724 = arith.constant 2147483647 : i32
      %xor3A_725 = vector.broadcast %xor3A_724 : i32 to vector<16xi32>
      %xor3A_726 = arith.xori %bitcast3A_720, %xor3A_725 : vector<16xi32>
      %select_n3A_727 = arith.select %lt3A_723, %xor3A_726, %bitcast3A_720 : vector<16xi1>, vector<16xi32>
      %swap3A_728 = arith.constant 960 : index
      %swap3A_729 = tpu.vector_load %arg5[%swap3A_728] {strides = array<i32>} : memref<1024xi32, #tpu.memory_space<vmem>>, vector<16xi32>,
      tpu.vector_store %arg5[%swap3A_728], %select_n3A_727 {strides = array<i32>} : memref<1024xi32, #tpu.memory_space<vmem>>, vector<16xi32>,
      %get3A_730 = arith.constant 976 : index
      %get3A_731 = tpu.vector_load %arg4[%get3A_730] {strides = array<i32>} : memref<1024xf32, #tpu.memory_space<vmem>>, vector<16xf32>,
      %bitcast3A_732 = vector.bitcast %get3A_731 : vector<16xf32> to vector<16xi32>
      %lt3A_733 = arith.constant 0 : i32
      %lt3A_734 = vector.broadcast %lt3A_733 : i32 to vector<16xi32>
      %lt3A_735 = arith.cmpi slt, %bitcast3A_732, %lt3A_734 : vector<16xi32>
      %xor3A_736 = arith.constant 2147483647 : i32
      %xor3A_737 = vector.broadcast %xor3A_736 : i32 to vector<16xi32>
      %xor3A_738 = arith.xori %bitcast3A_732, %xor3A_737 : vector<16xi32>
      %select_n3A_739 = arith.select %lt3A_735, %xor3A_738, %bitcast3A_732 : vector<16xi1>, vector<16xi32>
      %swap3A_740 = arith.constant 976 : index
      %swap3A_741 = tpu.vector_load %arg5[%swap3A_740] {strides = array<i32>} : memref<1024xi32, #tpu.memory_space<vmem>>, vector<16xi32>,
      tpu.vector_store %arg5[%swap3A_740], %select_n3A_739 {strides = array<i32>} : memref<1024xi32, #tpu.memory_space<vmem>>, vector<16xi32>,
      %get3A_742 = arith.constant 992 : index
      %get3A_743 = tpu.vector_load %arg4[%get3A_742] {strides = array<i32>} : memref<1024xf32, #tpu.memory_space<vmem>>, vector<16xf32>,
      %bitcast3A_744 = vector.bitcast %get3A_743 : vector<16xf32> to vector<16xi32>
      %lt3A_745 = arith.constant 0 : i32
      %lt3A_746 = vector.broadcast %lt3A_745 : i32 to vector<16xi32>
      %lt3A_747 = arith.cmpi slt, %bitcast3A_744, %lt3A_746 : vector<16xi32>
      %xor3A_748 = arith.constant 2147483647 : i32
      %xor3A_749 = vector.broadcast %xor3A_748 : i32 to vector<16xi32>
      %xor3A_750 = arith.xori %bitcast3A_744, %xor3A_749 : vector<16xi32>
      %select_n3A_751 = arith.select %lt3A_747, %xor3A_750, %bitcast3A_744 : vector<16xi1>, vector<16xi32>
      %swap3A_752 = arith.constant 992 : index
      %swap3A_753 = tpu.vector_load %arg5[%swap3A_752] {strides = array<i32>} : memref<1024xi32, #tpu.memory_space<vmem>>, vector<16xi32>,
      tpu.vector_store %arg5[%swap3A_752], %select_n3A_751 {strides = array<i32>} : memref<1024xi32, #tpu.memory_space<vmem>>, vector<16xi32>,
      %get3A_754 = arith.constant 1008 : index
      %get3A_755 = tpu.vector_load %arg4[%get3A_754] {strides = array<i32>} : memref<1024xf32, #tpu.memory_space<vmem>>, vector<16xf32>,
      %bitcast3A_756 = vector.bitcast %get3A_755 : vector<16xf32> to vector<16xi32>
      %lt3A_757 = arith.constant 0 : i32
      %lt3A_758 = vector.broadcast %lt3A_757 : i32 to vector<16xi32>
      %lt3A_759 = arith.cmpi slt, %bitcast3A_756, %lt3A_758 : vector<16xi32>
      %xor3A_760 = arith.constant 2147483647 : i32
      %xor3A_761 = vector.broadcast %xor3A_760 : i32 to vector<16xi32>
      %xor3A_762 = arith.xori %bitcast3A_756, %xor3A_761 : vector<16xi32>
      %select_n3A_763 = arith.select %lt3A_759, %xor3A_762, %bitcast3A_756 : vector<16xi1>, vector<16xi32>
      %swap3A_764 = arith.constant 1008 : index
      %swap3A_765 = tpu.vector_load %arg5[%swap3A_764] {strides = array<i32>} : memref<1024xi32, #tpu.memory_space<vmem>>, vector<16xi32>,
      tpu.vector_store %arg5[%swap3A_764], %select_n3A_763 {strides = array<i32>} : memref<1024xi32, #tpu.memory_space<vmem>>, vector<16xi32>,
      %broadcast_in_dim3A = arith.constant 0 : i32
      %broadcast_in_dim3A_766 = vector.broadcast %broadcast_in_dim3A : i32 to vector<16xi32>
      %get3A_767 = arith.constant 0 : index
      %get3A_768 = tpu.vector_load %arg5[%get3A_767] {strides = array<i32>} : memref<1024xi32, #tpu.memory_space<vmem>>, vector<16xi32>,
      %ge3A = arith.constant 0 : i32
      %ge3A_769 = vector.broadcast %ge3A : i32 to vector<16xi32>
      %ge3A_770 = arith.cmpi sge, %get3A_768, %ge3A_769 : vector<16xi32>
      %jit3A = arith.constant 1 : i32
      %jit3A_771 = arith.constant 0 : i32
      %broadcast_in_dim3A_772 = vector.broadcast %jit3A : i32 to vector<16xi32>
      %broadcast_in_dim3A_773 = vector.broadcast %jit3A_771 : i32 to vector<16xi32>
      %select_n3A_774 = arith.select %ge3A_770, %broadcast_in_dim3A_772, %broadcast_in_dim3A_773 : vector<16xi1>, vector<16xi32>
      %add3A = arith.addi %broadcast_in_dim3A_766, %select_n3A_774 : vector<16xi32>
      %get3A_775 = arith.constant 16 : index
      %get3A_776 = tpu.vector_load %arg5[%get3A_775] {strides = array<i32>} : memref<1024xi32, #tpu.memory_space<vmem>>, vector<16xi32>,
      %ge3A_777 = arith.constant 0 : i32
      %ge3A_778 = vector.broadcast %ge3A_777 : i32 to vector<16xi32>
      %ge3A_779 = arith.cmpi sge, %get3A_776, %ge3A_778 : vector<16xi32>
      %jit3A_780 = arith.constant 1 : i32
      %jit3A_781 = arith.constant 0 : i32
      %broadcast_in_dim3A_782 = vector.broadcast %jit3A_780 : i32 to vector<16xi32>
      %broadcast_in_dim3A_783 = vector.broadcast %jit3A_781 : i32 to vector<16xi32>
      %select_n3A_784 = arith.select %ge3A_779, %broadcast_in_dim3A_782, %broadcast_in_dim3A_783 : vector<16xi1>, vector<16xi32>
      %add3A_785 = arith.addi %add3A, %select_n3A_784 : vector<16xi32>
      %get3A_786 = arith.constant 32 : index
      %get3A_787 = tpu.vector_load %arg5[%get3A_786] {strides = array<i32>} : memref<1024xi32, #tpu.memory_space<vmem>>, vector<16xi32>,
      %ge3A_788 = arith.constant 0 : i32
      %ge3A_789 = vector.broadcast %ge3A_788 : i32 to vector<16xi32>
      %ge3A_790 = arith.cmpi sge, %get3A_787, %ge3A_789 : vector<16xi32>
      %jit3A_791 = arith.constant 1 : i32
      %jit3A_792 = arith.constant 0 : i32
      %broadcast_in_dim3A_793 = vector.broadcast %jit3A_791 : i32 to vector<16xi32>
      %broadcast_in_dim3A_794 = vector.broadcast %jit3A_792 : i32 to vector<16xi32>
      %select_n3A_795 = arith.select %ge3A_790, %broadcast_in_dim3A_793, %broadcast_in_dim3A_794 : vector<16xi1>, vector<16xi32>
      %add3A_796 = arith.addi %add3A_785, %select_n3A_795 : vector<16xi32>
      %get3A_797 = arith.constant 48 : index
      %get3A_798 = tpu.vector_load %arg5[%get3A_797] {strides = array<i32>} : memref<1024xi32, #tpu.memory_space<vmem>>, vector<16xi32>,
      %ge3A_799 = arith.constant 0 : i32
      %ge3A_800 = vector.broadcast %ge3A_799 : i32 to vector<16xi32>
      %ge3A_801 = arith.cmpi sge, %get3A_798, %ge3A_800 : vector<16xi32>
      %jit3A_802 = arith.constant 1 : i32
      %jit3A_803 = arith.constant 0 : i32
      %broadcast_in_dim3A_804 = vector.broadcast %jit3A_802 : i32 to vector<16xi32>
      %broadcast_in_dim3A_805 = vector.broadcast %jit3A_803 : i32 to vector<16xi32>
      %select_n3A_806 = arith.select %ge3A_801, %broadcast_in_dim3A_804, %broadcast_in_dim3A_805 : vector<16xi1>, vector<16xi32>
      %add3A_807 = arith.addi %add3A_796, %select_n3A_806 : vector<16xi32>
      %get3A_808 = arith.constant 64 : index
      %get3A_809 = tpu.vector_load %arg5[%get3A_808] {strides = array<i32>} : memref<1024xi32, #tpu.memory_space<vmem>>, vector<16xi32>,
      %ge3A_810 = arith.constant 0 : i32
      %ge3A_811 = vector.broadcast %ge3A_810 : i32 to vector<16xi32>
      %ge3A_812 = arith.cmpi sge, %get3A_809, %ge3A_811 : vector<16xi32>
      %jit3A_813 = arith.constant 1 : i32
      %jit3A_814 = arith.constant 0 : i32
      %broadcast_in_dim3A_815 = vector.broadcast %jit3A_813 : i32 to vector<16xi32>
      %broadcast_in_dim3A_816 = vector.broadcast %jit3A_814 : i32 to vector<16xi32>
      %select_n3A_817 = arith.select %ge3A_812, %broadcast_in_dim3A_815, %broadcast_in_dim3A_816 : vector<16xi1>, vector<16xi32>
      %add3A_818 = arith.addi %add3A_807, %select_n3A_817 : vector<16xi32>
      %get3A_819 = arith.constant 80 : index
      %get3A_820 = tpu.vector_load %arg5[%get3A_819] {strides = array<i32>} : memref<1024xi32, #tpu.memory_space<vmem>>, vector<16xi32>,
      %ge3A_821 = arith.constant 0 : i32
      %ge3A_822 = vector.broadcast %ge3A_821 : i32 to vector<16xi32>
      %ge3A_823 = arith.cmpi sge, %get3A_820, %ge3A_822 : vector<16xi32>
      %jit3A_824 = arith.constant 1 : i32
      %jit3A_825 = arith.constant 0 : i32
      %broadcast_in_dim3A_826 = vector.broadcast %jit3A_824 : i32 to vector<16xi32>
      %broadcast_in_dim3A_827 = vector.broadcast %jit3A_825 : i32 to vector<16xi32>
      %select_n3A_828 = arith.select %ge3A_823, %broadcast_in_dim3A_826, %broadcast_in_dim3A_827 : vector<16xi1>, vector<16xi32>
      %add3A_829 = arith.addi %add3A_818, %select_n3A_828 : vector<16xi32>
      %get3A_830 = arith.constant 96 : index
      %get3A_831 = tpu.vector_load %arg5[%get3A_830] {strides = array<i32>} : memref<1024xi32, #tpu.memory_space<vmem>>, vector<16xi32>,
      %ge3A_832 = arith.constant 0 : i32
      %ge3A_833 = vector.broadcast %ge3A_832 : i32 to vector<16xi32>
      %ge3A_834 = arith.cmpi sge, %get3A_831, %ge3A_833 : vector<16xi32>
      %jit3A_835 = arith.constant 1 : i32
      %jit3A_836 = arith.constant 0 : i32
      %broadcast_in_dim3A_837 = vector.broadcast %jit3A_835 : i32 to vector<16xi32>
      %broadcast_in_dim3A_838 = vector.broadcast %jit3A_836 : i32 to vector<16xi32>
      %select_n3A_839 = arith.select %ge3A_834, %broadcast_in_dim3A_837, %broadcast_in_dim3A_838 : vector<16xi1>, vector<16xi32>
      %add3A_840 = arith.addi %add3A_829, %select_n3A_839 : vector<16xi32>
      %get3A_841 = arith.constant 112 : index
      %get3A_842 = tpu.vector_load %arg5[%get3A_841] {strides = array<i32>} : memref<1024xi32, #tpu.memory_space<vmem>>, vector<16xi32>,
      %ge3A_843 = arith.constant 0 : i32
      %ge3A_844 = vector.broadcast %ge3A_843 : i32 to vector<16xi32>
      %ge3A_845 = arith.cmpi sge, %get3A_842, %ge3A_844 : vector<16xi32>
      %jit3A_846 = arith.constant 1 : i32
      %jit3A_847 = arith.constant 0 : i32
      %broadcast_in_dim3A_848 = vector.broadcast %jit3A_846 : i32 to vector<16xi32>
      %broadcast_in_dim3A_849 = vector.broadcast %jit3A_847 : i32 to vector<16xi32>
      %select_n3A_850 = arith.select %ge3A_845, %broadcast_in_dim3A_848, %broadcast_in_dim3A_849 : vector<16xi1>, vector<16xi32>
      %add3A_851 = arith.addi %add3A_840, %select_n3A_850 : vector<16xi32>
      %get3A_852 = arith.constant 128 : index
      %get3A_853 = tpu.vector_load %arg5[%get3A_852] {strides = array<i32>} : memref<1024xi32, #tpu.memory_space<vmem>>, vector<16xi32>,
      %ge3A_854 = arith.constant 0 : i32
      %ge3A_855 = vector.broadcast %ge3A_854 : i32 to vector<16xi32>
      %ge3A_856 = arith.cmpi sge, %get3A_853, %ge3A_855 : vector<16xi32>
      %jit3A_857 = arith.constant 1 : i32
      %jit3A_858 = arith.constant 0 : i32
      %broadcast_in_dim3A_859 = vector.broadcast %jit3A_857 : i32 to vector<16xi32>
      %broadcast_in_dim3A_860 = vector.broadcast %jit3A_858 : i32 to vector<16xi32>
      %select_n3A_861 = arith.select %ge3A_856, %broadcast_in_dim3A_859, %broadcast_in_dim3A_860 : vector<16xi1>, vector<16xi32>
      %add3A_862 = arith.addi %add3A_851, %select_n3A_861 : vector<16xi32>
      %get3A_863 = arith.constant 144 : index
      %get3A_864 = tpu.vector_load %arg5[%get3A_863] {strides = array<i32>} : memref<1024xi32, #tpu.memory_space<vmem>>, vector<16xi32>,
      %ge3A_865 = arith.constant 0 : i32
      %ge3A_866 = vector.broadcast %ge3A_865 : i32 to vector<16xi32>
      %ge3A_867 = arith.cmpi sge, %get3A_864, %ge3A_866 : vector<16xi32>
      %jit3A_868 = arith.constant 1 : i32
      %jit3A_869 = arith.constant 0 : i32
      %broadcast_in_dim3A_870 = vector.broadcast %jit3A_868 : i32 to vector<16xi32>
      %broadcast_in_dim3A_871 = vector.broadcast %jit3A_869 : i32 to vector<16xi32>
      %select_n3A_872 = arith.select %ge3A_867, %broadcast_in_dim3A_870, %broadcast_in_dim3A_871 : vector<16xi1>, vector<16xi32>
      %add3A_873 = arith.addi %add3A_862, %select_n3A_872 : vector<16xi32>
      %get3A_874 = arith.constant 160 : index
      %get3A_875 = tpu.vector_load %arg5[%get3A_874] {strides = array<i32>} : memref<1024xi32, #tpu.memory_space<vmem>>, vector<16xi32>,
      %ge3A_876 = arith.constant 0 : i32
      %ge3A_877 = vector.broadcast %ge3A_876 : i32 to vector<16xi32>
      %ge3A_878 = arith.cmpi sge, %get3A_875, %ge3A_877 : vector<16xi32>
      %jit3A_879 = arith.constant 1 : i32
      %jit3A_880 = arith.constant 0 : i32
      %broadcast_in_dim3A_881 = vector.broadcast %jit3A_879 : i32 to vector<16xi32>
      %broadcast_in_dim3A_882 = vector.broadcast %jit3A_880 : i32 to vector<16xi32>
      %select_n3A_883 = arith.select %ge3A_878, %broadcast_in_dim3A_881, %broadcast_in_dim3A_882 : vector<16xi1>, vector<16xi32>
      %add3A_884 = arith.addi %add3A_873, %select_n3A_883 : vector<16xi32>
      %get3A_885 = arith.constant 176 : index
      %get3A_886 = tpu.vector_load %arg5[%get3A_885] {strides = array<i32>} : memref<1024xi32, #tpu.memory_space<vmem>>, vector<16xi32>,
      %ge3A_887 = arith.constant 0 : i32
      %ge3A_888 = vector.broadcast %ge3A_887 : i32 to vector<16xi32>
      %ge3A_889 = arith.cmpi sge, %get3A_886, %ge3A_888 : vector<16xi32>
      %jit3A_890 = arith.constant 1 : i32
      %jit3A_891 = arith.constant 0 : i32
      %broadcast_in_dim3A_892 = vector.broadcast %jit3A_890 : i32 to vector<16xi32>
      %broadcast_in_dim3A_893 = vector.broadcast %jit3A_891 : i32 to vector<16xi32>
      %select_n3A_894 = arith.select %ge3A_889, %broadcast_in_dim3A_892, %broadcast_in_dim3A_893 : vector<16xi1>, vector<16xi32>
      %add3A_895 = arith.addi %add3A_884, %select_n3A_894 : vector<16xi32>
      %get3A_896 = arith.constant 192 : index
      %get3A_897 = tpu.vector_load %arg5[%get3A_896] {strides = array<i32>} : memref<1024xi32, #tpu.memory_space<vmem>>, vector<16xi32>,
      %ge3A_898 = arith.constant 0 : i32
      %ge3A_899 = vector.broadcast %ge3A_898 : i32 to vector<16xi32>
      %ge3A_900 = arith.cmpi sge, %get3A_897, %ge3A_899 : vector<16xi32>
      %jit3A_901 = arith.constant 1 : i32
      %jit3A_902 = arith.constant 0 : i32
      %broadcast_in_dim3A_903 = vector.broadcast %jit3A_901 : i32 to vector<16xi32>
      %broadcast_in_dim3A_904 = vector.broadcast %jit3A_902 : i32 to vector<16xi32>
      %select_n3A_905 = arith.select %ge3A_900, %broadcast_in_dim3A_903, %broadcast_in_dim3A_904 : vector<16xi1>, vector<16xi32>
      %add3A_906 = arith.addi %add3A_895, %select_n3A_905 : vector<16xi32>
      %get3A_907 = arith.constant 208 : index
      %get3A_908 = tpu.vector_load %arg5[%get3A_907] {strides = array<i32>} : memref<1024xi32, #tpu.memory_space<vmem>>, vector<16xi32>,
      %ge3A_909 = arith.constant 0 : i32
      %ge3A_910 = vector.broadcast %ge3A_909 : i32 to vector<16xi32>
      %ge3A_911 = arith.cmpi sge, %get3A_908, %ge3A_910 : vector<16xi32>
      %jit3A_912 = arith.constant 1 : i32
      %jit3A_913 = arith.constant 0 : i32
      %broadcast_in_dim3A_914 = vector.broadcast %jit3A_912 : i32 to vector<16xi32>
      %broadcast_in_dim3A_915 = vector.broadcast %jit3A_913 : i32 to vector<16xi32>
      %select_n3A_916 = arith.select %ge3A_911, %broadcast_in_dim3A_914, %broadcast_in_dim3A_915 : vector<16xi1>, vector<16xi32>
      %add3A_917 = arith.addi %add3A_906, %select_n3A_916 : vector<16xi32>
      %get3A_918 = arith.constant 224 : index
      %get3A_919 = tpu.vector_load %arg5[%get3A_918] {strides = array<i32>} : memref<1024xi32, #tpu.memory_space<vmem>>, vector<16xi32>,
      %ge3A_920 = arith.constant 0 : i32
      %ge3A_921 = vector.broadcast %ge3A_920 : i32 to vector<16xi32>
      %ge3A_922 = arith.cmpi sge, %get3A_919, %ge3A_921 : vector<16xi32>
      %jit3A_923 = arith.constant 1 : i32
      %jit3A_924 = arith.constant 0 : i32
      %broadcast_in_dim3A_925 = vector.broadcast %jit3A_923 : i32 to vector<16xi32>
      %broadcast_in_dim3A_926 = vector.broadcast %jit3A_924 : i32 to vector<16xi32>
      %select_n3A_927 = arith.select %ge3A_922, %broadcast_in_dim3A_925, %broadcast_in_dim3A_926 : vector<16xi1>, vector<16xi32>
      %add3A_928 = arith.addi %add3A_917, %select_n3A_927 : vector<16xi32>
      %get3A_929 = arith.constant 240 : index
      %get3A_930 = tpu.vector_load %arg5[%get3A_929] {strides = array<i32>} : memref<1024xi32, #tpu.memory_space<vmem>>, vector<16xi32>,
      %ge3A_931 = arith.constant 0 : i32
      %ge3A_932 = vector.broadcast %ge3A_931 : i32 to vector<16xi32>
      %ge3A_933 = arith.cmpi sge, %get3A_930, %ge3A_932 : vector<16xi32>
      %jit3A_934 = arith.constant 1 : i32
      %jit3A_935 = arith.constant 0 : i32
      %broadcast_in_dim3A_936 = vector.broadcast %jit3A_934 : i32 to vector<16xi32>
      %broadcast_in_dim3A_937 = vector.broadcast %jit3A_935 : i32 to vector<16xi32>
      %select_n3A_938 = arith.select %ge3A_933, %broadcast_in_dim3A_936, %broadcast_in_dim3A_937 : vector<16xi1>, vector<16xi32>
      %add3A_939 = arith.addi %add3A_928, %select_n3A_938 : vector<16xi32>
      %get3A_940 = arith.constant 256 : index
      %get3A_941 = tpu.vector_load %arg5[%get3A_940] {strides = array<i32>} : memref<1024xi32, #tpu.memory_space<vmem>>, vector<16xi32>,
      %ge3A_942 = arith.constant 0 : i32
      %ge3A_943 = vector.broadcast %ge3A_942 : i32 to vector<16xi32>
      %ge3A_944 = arith.cmpi sge, %get3A_941, %ge3A_943 : vector<16xi32>
      %jit3A_945 = arith.constant 1 : i32
      %jit3A_946 = arith.constant 0 : i32
      %broadcast_in_dim3A_947 = vector.broadcast %jit3A_945 : i32 to vector<16xi32>
      %broadcast_in_dim3A_948 = vector.broadcast %jit3A_946 : i32 to vector<16xi32>
      %select_n3A_949 = arith.select %ge3A_944, %broadcast_in_dim3A_947, %broadcast_in_dim3A_948 : vector<16xi1>, vector<16xi32>
      %add3A_950 = arith.addi %add3A_939, %select_n3A_949 : vector<16xi32>
      %get3A_951 = arith.constant 272 : index
      %get3A_952 = tpu.vector_load %arg5[%get3A_951] {strides = array<i32>} : memref<1024xi32, #tpu.memory_space<vmem>>, vector<16xi32>,
      %ge3A_953 = arith.constant 0 : i32
      %ge3A_954 = vector.broadcast %ge3A_953 : i32 to vector<16xi32>
      %ge3A_955 = arith.cmpi sge, %get3A_952, %ge3A_954 : vector<16xi32>
      %jit3A_956 = arith.constant 1 : i32
      %jit3A_957 = arith.constant 0 : i32
      %broadcast_in_dim3A_958 = vector.broadcast %jit3A_956 : i32 to vector<16xi32>
      %broadcast_in_dim3A_959 = vector.broadcast %jit3A_957 : i32 to vector<16xi32>
      %select_n3A_960 = arith.select %ge3A_955, %broadcast_in_dim3A_958, %broadcast_in_dim3A_959 : vector<16xi1>, vector<16xi32>
      %add3A_961 = arith.addi %add3A_950, %select_n3A_960 : vector<16xi32>
      %get3A_962 = arith.constant 288 : index
      %get3A_963 = tpu.vector_load %arg5[%get3A_962] {strides = array<i32>} : memref<1024xi32, #tpu.memory_space<vmem>>, vector<16xi32>,
      %ge3A_964 = arith.constant 0 : i32
      %ge3A_965 = vector.broadcast %ge3A_964 : i32 to vector<16xi32>
      %ge3A_966 = arith.cmpi sge, %get3A_963, %ge3A_965 : vector<16xi32>
      %jit3A_967 = arith.constant 1 : i32
      %jit3A_968 = arith.constant 0 : i32
      %broadcast_in_dim3A_969 = vector.broadcast %jit3A_967 : i32 to vector<16xi32>
      %broadcast_in_dim3A_970 = vector.broadcast %jit3A_968 : i32 to vector<16xi32>
      %select_n3A_971 = arith.select %ge3A_966, %broadcast_in_dim3A_969, %broadcast_in_dim3A_970 : vector<16xi1>, vector<16xi32>
      %add3A_972 = arith.addi %add3A_961, %select_n3A_971 : vector<16xi32>
      %get3A_973 = arith.constant 304 : index
      %get3A_974 = tpu.vector_load %arg5[%get3A_973] {strides = array<i32>} : memref<1024xi32, #tpu.memory_space<vmem>>, vector<16xi32>,
      %ge3A_975 = arith.constant 0 : i32
      %ge3A_976 = vector.broadcast %ge3A_975 : i32 to vector<16xi32>
      %ge3A_977 = arith.cmpi sge, %get3A_974, %ge3A_976 : vector<16xi32>
      %jit3A_978 = arith.constant 1 : i32
      %jit3A_979 = arith.constant 0 : i32
      %broadcast_in_dim3A_980 = vector.broadcast %jit3A_978 : i32 to vector<16xi32>
      %broadcast_in_dim3A_981 = vector.broadcast %jit3A_979 : i32 to vector<16xi32>
      %select_n3A_982 = arith.select %ge3A_977, %broadcast_in_dim3A_980, %broadcast_in_dim3A_981 : vector<16xi1>, vector<16xi32>
      %add3A_983 = arith.addi %add3A_972, %select_n3A_982 : vector<16xi32>
      %get3A_984 = arith.constant 320 : index
      %get3A_985 = tpu.vector_load %arg5[%get3A_984] {strides = array<i32>} : memref<1024xi32, #tpu.memory_space<vmem>>, vector<16xi32>,
      %ge3A_986 = arith.constant 0 : i32
      %ge3A_987 = vector.broadcast %ge3A_986 : i32 to vector<16xi32>
      %ge3A_988 = arith.cmpi sge, %get3A_985, %ge3A_987 : vector<16xi32>
      %jit3A_989 = arith.constant 1 : i32
      %jit3A_990 = arith.constant 0 : i32
      %broadcast_in_dim3A_991 = vector.broadcast %jit3A_989 : i32 to vector<16xi32>
      %broadcast_in_dim3A_992 = vector.broadcast %jit3A_990 : i32 to vector<16xi32>
      %select_n3A_993 = arith.select %ge3A_988, %broadcast_in_dim3A_991, %broadcast_in_dim3A_992 : vector<16xi1>, vector<16xi32>
      %add3A_994 = arith.addi %add3A_983, %select_n3A_993 : vector<16xi32>
      %get3A_995 = arith.constant 336 : index
      %get3A_996 = tpu.vector_load %arg5[%get3A_995] {strides = array<i32>} : memref<1024xi32, #tpu.memory_space<vmem>>, vector<16xi32>,
      %ge3A_997 = arith.constant 0 : i32
      %ge3A_998 = vector.broadcast %ge3A_997 : i32 to vector<16xi32>
      %ge3A_999 = arith.cmpi sge, %get3A_996, %ge3A_998 : vector<16xi32>
      %jit3A_1000 = arith.constant 1 : i32
      %jit3A_1001 = arith.constant 0 : i32
      %broadcast_in_dim3A_1002 = vector.broadcast %jit3A_1000 : i32 to vector<16xi32>
      %broadcast_in_dim3A_1003 = vector.broadcast %jit3A_1001 : i32 to vector<16xi32>
      %select_n3A_1004 = arith.select %ge3A_999, %broadcast_in_dim3A_1002, %broadcast_in_dim3A_1003 : vector<16xi1>, vector<16xi32>
      %add3A_1005 = arith.addi %add3A_994, %select_n3A_1004 : vector<16xi32>
      %get3A_1006 = arith.constant 352 : index
      %get3A_1007 = tpu.vector_load %arg5[%get3A_1006] {strides = array<i32>} : memref<1024xi32, #tpu.memory_space<vmem>>, vector<16xi32>,
      %ge3A_1008 = arith.constant 0 : i32
      %ge3A_1009 = vector.broadcast %ge3A_1008 : i32 to vector<16xi32>
      %ge3A_1010 = arith.cmpi sge, %get3A_1007, %ge3A_1009 : vector<16xi32>
      %jit3A_1011 = arith.constant 1 : i32
      %jit3A_1012 = arith.constant 0 : i32
      %broadcast_in_dim3A_1013 = vector.broadcast %jit3A_1011 : i32 to vector<16xi32>
      %broadcast_in_dim3A_1014 = vector.broadcast %jit3A_1012 : i32 to vector<16xi32>
      %select_n3A_1015 = arith.select %ge3A_1010, %broadcast_in_dim3A_1013, %broadcast_in_dim3A_1014 : vector<16xi1>, vector<16xi32>
      %add3A_1016 = arith.addi %add3A_1005, %select_n3A_1015 : vector<16xi32>
      %get3A_1017 = arith.constant 368 : index
      %get3A_1018 = tpu.vector_load %arg5[%get3A_1017] {strides = array<i32>} : memref<1024xi32, #tpu.memory_space<vmem>>, vector<16xi32>,
      %ge3A_1019 = arith.constant 0 : i32
      %ge3A_1020 = vector.broadcast %ge3A_1019 : i32 to vector<16xi32>
      %ge3A_1021 = arith.cmpi sge, %get3A_1018, %ge3A_1020 : vector<16xi32>
      %jit3A_1022 = arith.constant 1 : i32
      %jit3A_1023 = arith.constant 0 : i32
      %broadcast_in_dim3A_1024 = vector.broadcast %jit3A_1022 : i32 to vector<16xi32>
      %broadcast_in_dim3A_1025 = vector.broadcast %jit3A_1023 : i32 to vector<16xi32>
      %select_n3A_1026 = arith.select %ge3A_1021, %broadcast_in_dim3A_1024, %broadcast_in_dim3A_1025 : vector<16xi1>, vector<16xi32>
      %add3A_1027 = arith.addi %add3A_1016, %select_n3A_1026 : vector<16xi32>
      %get3A_1028 = arith.constant 384 : index
      %get3A_1029 = tpu.vector_load %arg5[%get3A_1028] {strides = array<i32>} : memref<1024xi32, #tpu.memory_space<vmem>>, vector<16xi32>,
      %ge3A_1030 = arith.constant 0 : i32
      %ge3A_1031 = vector.broadcast %ge3A_1030 : i32 to vector<16xi32>
      %ge3A_1032 = arith.cmpi sge, %get3A_1029, %ge3A_1031 : vector<16xi32>
      %jit3A_1033 = arith.constant 1 : i32
      %jit3A_1034 = arith.constant 0 : i32
      %broadcast_in_dim3A_1035 = vector.broadcast %jit3A_1033 : i32 to vector<16xi32>
      %broadcast_in_dim3A_1036 = vector.broadcast %jit3A_1034 : i32 to vector<16xi32>
      %select_n3A_1037 = arith.select %ge3A_1032, %broadcast_in_dim3A_1035, %broadcast_in_dim3A_1036 : vector<16xi1>, vector<16xi32>
      %add3A_1038 = arith.addi %add3A_1027, %select_n3A_1037 : vector<16xi32>
      %get3A_1039 = arith.constant 400 : index
      %get3A_1040 = tpu.vector_load %arg5[%get3A_1039] {strides = array<i32>} : memref<1024xi32, #tpu.memory_space<vmem>>, vector<16xi32>,
      %ge3A_1041 = arith.constant 0 : i32
      %ge3A_1042 = vector.broadcast %ge3A_1041 : i32 to vector<16xi32>
      %ge3A_1043 = arith.cmpi sge, %get3A_1040, %ge3A_1042 : vector<16xi32>
      %jit3A_1044 = arith.constant 1 : i32
      %jit3A_1045 = arith.constant 0 : i32
      %broadcast_in_dim3A_1046 = vector.broadcast %jit3A_1044 : i32 to vector<16xi32>
      %broadcast_in_dim3A_1047 = vector.broadcast %jit3A_1045 : i32 to vector<16xi32>
      %select_n3A_1048 = arith.select %ge3A_1043, %broadcast_in_dim3A_1046, %broadcast_in_dim3A_1047 : vector<16xi1>, vector<16xi32>
      %add3A_1049 = arith.addi %add3A_1038, %select_n3A_1048 : vector<16xi32>
      %get3A_1050 = arith.constant 416 : index
      %get3A_1051 = tpu.vector_load %arg5[%get3A_1050] {strides = array<i32>} : memref<1024xi32, #tpu.memory_space<vmem>>, vector<16xi32>,
      %ge3A_1052 = arith.constant 0 : i32
      %ge3A_1053 = vector.broadcast %ge3A_1052 : i32 to vector<16xi32>
      %ge3A_1054 = arith.cmpi sge, %get3A_1051, %ge3A_1053 : vector<16xi32>
      %jit3A_1055 = arith.constant 1 : i32
      %jit3A_1056 = arith.constant 0 : i32
      %broadcast_in_dim3A_1057 = vector.broadcast %jit3A_1055 : i32 to vector<16xi32>
      %broadcast_in_dim3A_1058 = vector.broadcast %jit3A_1056 : i32 to vector<16xi32>
      %select_n3A_1059 = arith.select %ge3A_1054, %broadcast_in_dim3A_1057, %broadcast_in_dim3A_1058 : vector<16xi1>, vector<16xi32>
      %add3A_1060 = arith.addi %add3A_1049, %select_n3A_1059 : vector<16xi32>
      %get3A_1061 = arith.constant 432 : index
      %get3A_1062 = tpu.vector_load %arg5[%get3A_1061] {strides = array<i32>} : memref<1024xi32, #tpu.memory_space<vmem>>, vector<16xi32>,
      %ge3A_1063 = arith.constant 0 : i32
      %ge3A_1064 = vector.broadcast %ge3A_1063 : i32 to vector<16xi32>
      %ge3A_1065 = arith.cmpi sge, %get3A_1062, %ge3A_1064 : vector<16xi32>
      %jit3A_1066 = arith.constant 1 : i32
      %jit3A_1067 = arith.constant 0 : i32
      %broadcast_in_dim3A_1068 = vector.broadcast %jit3A_1066 : i32 to vector<16xi32>
      %broadcast_in_dim3A_1069 = vector.broadcast %jit3A_1067 : i32 to vector<16xi32>
      %select_n3A_1070 = arith.select %ge3A_1065, %broadcast_in_dim3A_1068, %broadcast_in_dim3A_1069 : vector<16xi1>, vector<16xi32>
      %add3A_1071 = arith.addi %add3A_1060, %select_n3A_1070 : vector<16xi32>
      %get3A_1072 = arith.constant 448 : index
      %get3A_1073 = tpu.vector_load %arg5[%get3A_1072] {strides = array<i32>} : memref<1024xi32, #tpu.memory_space<vmem>>, vector<16xi32>,
      %ge3A_1074 = arith.constant 0 : i32
      %ge3A_1075 = vector.broadcast %ge3A_1074 : i32 to vector<16xi32>
      %ge3A_1076 = arith.cmpi sge, %get3A_1073, %ge3A_1075 : vector<16xi32>
      %jit3A_1077 = arith.constant 1 : i32
      %jit3A_1078 = arith.constant 0 : i32
      %broadcast_in_dim3A_1079 = vector.broadcast %jit3A_1077 : i32 to vector<16xi32>
      %broadcast_in_dim3A_1080 = vector.broadcast %jit3A_1078 : i32 to vector<16xi32>
      %select_n3A_1081 = arith.select %ge3A_1076, %broadcast_in_dim3A_1079, %broadcast_in_dim3A_1080 : vector<16xi1>, vector<16xi32>
      %add3A_1082 = arith.addi %add3A_1071, %select_n3A_1081 : vector<16xi32>
      %get3A_1083 = arith.constant 464 : index
      %get3A_1084 = tpu.vector_load %arg5[%get3A_1083] {strides = array<i32>} : memref<1024xi32, #tpu.memory_space<vmem>>, vector<16xi32>,
      %ge3A_1085 = arith.constant 0 : i32
      %ge3A_1086 = vector.broadcast %ge3A_1085 : i32 to vector<16xi32>
      %ge3A_1087 = arith.cmpi sge, %get3A_1084, %ge3A_1086 : vector<16xi32>
      %jit3A_1088 = arith.constant 1 : i32
      %jit3A_1089 = arith.constant 0 : i32
      %broadcast_in_dim3A_1090 = vector.broadcast %jit3A_1088 : i32 to vector<16xi32>
      %broadcast_in_dim3A_1091 = vector.broadcast %jit3A_1089 : i32 to vector<16xi32>
      %select_n3A_1092 = arith.select %ge3A_1087, %broadcast_in_dim3A_1090, %broadcast_in_dim3A_1091 : vector<16xi1>, vector<16xi32>
      %add3A_1093 = arith.addi %add3A_1082, %select_n3A_1092 : vector<16xi32>
      %get3A_1094 = arith.constant 480 : index
      %get3A_1095 = tpu.vector_load %arg5[%get3A_1094] {strides = array<i32>} : memref<1024xi32, #tpu.memory_space<vmem>>, vector<16xi32>,
      %ge3A_1096 = arith.constant 0 : i32
      %ge3A_1097 = vector.broadcast %ge3A_1096 : i32 to vector<16xi32>
      %ge3A_1098 = arith.cmpi sge, %get3A_1095, %ge3A_1097 : vector<16xi32>
      %jit3A_1099 = arith.constant 1 : i32
      %jit3A_1100 = arith.constant 0 : i32
      %broadcast_in_dim3A_1101 = vector.broadcast %jit3A_1099 : i32 to vector<16xi32>
      %broadcast_in_dim3A_1102 = vector.broadcast %jit3A_1100 : i32 to vector<16xi32>
      %select_n3A_1103 = arith.select %ge3A_1098, %broadcast_in_dim3A_1101, %broadcast_in_dim3A_1102 : vector<16xi1>, vector<16xi32>
      %add3A_1104 = arith.addi %add3A_1093, %select_n3A_1103 : vector<16xi32>
      %get3A_1105 = arith.constant 496 : index
      %get3A_1106 = tpu.vector_load %arg5[%get3A_1105] {strides = array<i32>} : memref<1024xi32, #tpu.memory_space<vmem>>, vector<16xi32>,
      %ge3A_1107 = arith.constant 0 : i32
      %ge3A_1108 = vector.broadcast %ge3A_1107 : i32 to vector<16xi32>
      %ge3A_1109 = arith.cmpi sge, %get3A_1106, %ge3A_1108 : vector<16xi32>
      %jit3A_1110 = arith.constant 1 : i32
      %jit3A_1111 = arith.constant 0 : i32
      %broadcast_in_dim3A_1112 = vector.broadcast %jit3A_1110 : i32 to vector<16xi32>
      %broadcast_in_dim3A_1113 = vector.broadcast %jit3A_1111 : i32 to vector<16xi32>
      %select_n3A_1114 = arith.select %ge3A_1109, %broadcast_in_dim3A_1112, %broadcast_in_dim3A_1113 : vector<16xi1>, vector<16xi32>
      %add3A_1115 = arith.addi %add3A_1104, %select_n3A_1114 : vector<16xi32>
      %get3A_1116 = arith.constant 512 : index
      %get3A_1117 = tpu.vector_load %arg5[%get3A_1116] {strides = array<i32>} : memref<1024xi32, #tpu.memory_space<vmem>>, vector<16xi32>,
      %ge3A_1118 = arith.constant 0 : i32
      %ge3A_1119 = vector.broadcast %ge3A_1118 : i32 to vector<16xi32>
      %ge3A_1120 = arith.cmpi sge, %get3A_1117, %ge3A_1119 : vector<16xi32>
      %jit3A_1121 = arith.constant 1 : i32
      %jit3A_1122 = arith.constant 0 : i32
      %broadcast_in_dim3A_1123 = vector.broadcast %jit3A_1121 : i32 to vector<16xi32>
      %broadcast_in_dim3A_1124 = vector.broadcast %jit3A_1122 : i32 to vector<16xi32>
      %select_n3A_1125 = arith.select %ge3A_1120, %broadcast_in_dim3A_1123, %broadcast_in_dim3A_1124 : vector<16xi1>, vector<16xi32>
      %add3A_1126 = arith.addi %add3A_1115, %select_n3A_1125 : vector<16xi32>
      %get3A_1127 = arith.constant 528 : index
      %get3A_1128 = tpu.vector_load %arg5[%get3A_1127] {strides = array<i32>} : memref<1024xi32, #tpu.memory_space<vmem>>, vector<16xi32>,
      %ge3A_1129 = arith.constant 0 : i32
      %ge3A_1130 = vector.broadcast %ge3A_1129 : i32 to vector<16xi32>
      %ge3A_1131 = arith.cmpi sge, %get3A_1128, %ge3A_1130 : vector<16xi32>
      %jit3A_1132 = arith.constant 1 : i32
      %jit3A_1133 = arith.constant 0 : i32
      %broadcast_in_dim3A_1134 = vector.broadcast %jit3A_1132 : i32 to vector<16xi32>
      %broadcast_in_dim3A_1135 = vector.broadcast %jit3A_1133 : i32 to vector<16xi32>
      %select_n3A_1136 = arith.select %ge3A_1131, %broadcast_in_dim3A_1134, %broadcast_in_dim3A_1135 : vector<16xi1>, vector<16xi32>
      %add3A_1137 = arith.addi %add3A_1126, %select_n3A_1136 : vector<16xi32>
      %get3A_1138 = arith.constant 544 : index
      %get3A_1139 = tpu.vector_load %arg5[%get3A_1138] {strides = array<i32>} : memref<1024xi32, #tpu.memory_space<vmem>>, vector<16xi32>,
      %ge3A_1140 = arith.constant 0 : i32
      %ge3A_1141 = vector.broadcast %ge3A_1140 : i32 to vector<16xi32>
      %ge3A_1142 = arith.cmpi sge, %get3A_1139, %ge3A_1141 : vector<16xi32>
      %jit3A_1143 = arith.constant 1 : i32
      %jit3A_1144 = arith.constant 0 : i32
      %broadcast_in_dim3A_1145 = vector.broadcast %jit3A_1143 : i32 to vector<16xi32>
      %broadcast_in_dim3A_1146 = vector.broadcast %jit3A_1144 : i32 to vector<16xi32>
      %select_n3A_1147 = arith.select %ge3A_1142, %broadcast_in_dim3A_1145, %broadcast_in_dim3A_1146 : vector<16xi1>, vector<16xi32>
      %add3A_1148 = arith.addi %add3A_1137, %select_n3A_1147 : vector<16xi32>
      %get3A_1149 = arith.constant 560 : index
      %get3A_1150 = tpu.vector_load %arg5[%get3A_1149] {strides = array<i32>} : memref<1024xi32, #tpu.memory_space<vmem>>, vector<16xi32>,
      %ge3A_1151 = arith.constant 0 : i32
      %ge3A_1152 = vector.broadcast %ge3A_1151 : i32 to vector<16xi32>
      %ge3A_1153 = arith.cmpi sge, %get3A_1150, %ge3A_1152 : vector<16xi32>
      %jit3A_1154 = arith.constant 1 : i32
      %jit3A_1155 = arith.constant 0 : i32
      %broadcast_in_dim3A_1156 = vector.broadcast %jit3A_1154 : i32 to vector<16xi32>
      %broadcast_in_dim3A_1157 = vector.broadcast %jit3A_1155 : i32 to vector<16xi32>
      %select_n3A_1158 = arith.select %ge3A_1153, %broadcast_in_dim3A_1156, %broadcast_in_dim3A_1157 : vector<16xi1>, vector<16xi32>
      %add3A_1159 = arith.addi %add3A_1148, %select_n3A_1158 : vector<16xi32>
      %get3A_1160 = arith.constant 576 : index
      %get3A_1161 = tpu.vector_load %arg5[%get3A_1160] {strides = array<i32>} : memref<1024xi32, #tpu.memory_space<vmem>>, vector<16xi32>,
      %ge3A_1162 = arith.constant 0 : i32
      %ge3A_1163 = vector.broadcast %ge3A_1162 : i32 to vector<16xi32>
      %ge3A_1164 = arith.cmpi sge, %get3A_1161, %ge3A_1163 : vector<16xi32>
      %jit3A_1165 = arith.constant 1 : i32
      %jit3A_1166 = arith.constant 0 : i32
      %broadcast_in_dim3A_1167 = vector.broadcast %jit3A_1165 : i32 to vector<16xi32>
      %broadcast_in_dim3A_1168 = vector.broadcast %jit3A_1166 : i32 to vector<16xi32>
      %select_n3A_1169 = arith.select %ge3A_1164, %broadcast_in_dim3A_1167, %broadcast_in_dim3A_1168 : vector<16xi1>, vector<16xi32>
      %add3A_1170 = arith.addi %add3A_1159, %select_n3A_1169 : vector<16xi32>
      %get3A_1171 = arith.constant 592 : index
      %get3A_1172 = tpu.vector_load %arg5[%get3A_1171] {strides = array<i32>} : memref<1024xi32, #tpu.memory_space<vmem>>, vector<16xi32>,
      %ge3A_1173 = arith.constant 0 : i32
      %ge3A_1174 = vector.broadcast %ge3A_1173 : i32 to vector<16xi32>
      %ge3A_1175 = arith.cmpi sge, %get3A_1172, %ge3A_1174 : vector<16xi32>
      %jit3A_1176 = arith.constant 1 : i32
      %jit3A_1177 = arith.constant 0 : i32
      %broadcast_in_dim3A_1178 = vector.broadcast %jit3A_1176 : i32 to vector<16xi32>
      %broadcast_in_dim3A_1179 = vector.broadcast %jit3A_1177 : i32 to vector<16xi32>
      %select_n3A_1180 = arith.select %ge3A_1175, %broadcast_in_dim3A_1178, %broadcast_in_dim3A_1179 : vector<16xi1>, vector<16xi32>
      %add3A_1181 = arith.addi %add3A_1170, %select_n3A_1180 : vector<16xi32>
      %get3A_1182 = arith.constant 608 : index
      %get3A_1183 = tpu.vector_load %arg5[%get3A_1182] {strides = array<i32>} : memref<1024xi32, #tpu.memory_space<vmem>>, vector<16xi32>,
      %ge3A_1184 = arith.constant 0 : i32
      %ge3A_1185 = vector.broadcast %ge3A_1184 : i32 to vector<16xi32>
      %ge3A_1186 = arith.cmpi sge, %get3A_1183, %ge3A_1185 : vector<16xi32>
      %jit3A_1187 = arith.constant 1 : i32
      %jit3A_1188 = arith.constant 0 : i32
      %broadcast_in_dim3A_1189 = vector.broadcast %jit3A_1187 : i32 to vector<16xi32>
      %broadcast_in_dim3A_1190 = vector.broadcast %jit3A_1188 : i32 to vector<16xi32>
      %select_n3A_1191 = arith.select %ge3A_1186, %broadcast_in_dim3A_1189, %broadcast_in_dim3A_1190 : vector<16xi1>, vector<16xi32>
      %add3A_1192 = arith.addi %add3A_1181, %select_n3A_1191 : vector<16xi32>
      %get3A_1193 = arith.constant 624 : index
      %get3A_1194 = tpu.vector_load %arg5[%get3A_1193] {strides = array<i32>} : memref<1024xi32, #tpu.memory_space<vmem>>, vector<16xi32>,
      %ge3A_1195 = arith.constant 0 : i32
      %ge3A_1196 = vector.broadcast %ge3A_1195 : i32 to vector<16xi32>
      %ge3A_1197 = arith.cmpi sge, %get3A_1194, %ge3A_1196 : vector<16xi32>
      %jit3A_1198 = arith.constant 1 : i32
      %jit3A_1199 = arith.constant 0 : i32
      %broadcast_in_dim3A_1200 = vector.broadcast %jit3A_1198 : i32 to vector<16xi32>
      %broadcast_in_dim3A_1201 = vector.broadcast %jit3A_1199 : i32 to vector<16xi32>
      %select_n3A_1202 = arith.select %ge3A_1197, %broadcast_in_dim3A_1200, %broadcast_in_dim3A_1201 : vector<16xi1>, vector<16xi32>
      %add3A_1203 = arith.addi %add3A_1192, %select_n3A_1202 : vector<16xi32>
      %get3A_1204 = arith.constant 640 : index
      %get3A_1205 = tpu.vector_load %arg5[%get3A_1204] {strides = array<i32>} : memref<1024xi32, #tpu.memory_space<vmem>>, vector<16xi32>,
      %ge3A_1206 = arith.constant 0 : i32
      %ge3A_1207 = vector.broadcast %ge3A_1206 : i32 to vector<16xi32>
      %ge3A_1208 = arith.cmpi sge, %get3A_1205, %ge3A_1207 : vector<16xi32>
      %jit3A_1209 = arith.constant 1 : i32
      %jit3A_1210 = arith.constant 0 : i32
      %broadcast_in_dim3A_1211 = vector.broadcast %jit3A_1209 : i32 to vector<16xi32>
      %broadcast_in_dim3A_1212 = vector.broadcast %jit3A_1210 : i32 to vector<16xi32>
      %select_n3A_1213 = arith.select %ge3A_1208, %broadcast_in_dim3A_1211, %broadcast_in_dim3A_1212 : vector<16xi1>, vector<16xi32>
      %add3A_1214 = arith.addi %add3A_1203, %select_n3A_1213 : vector<16xi32>
      %get3A_1215 = arith.constant 656 : index
      %get3A_1216 = tpu.vector_load %arg5[%get3A_1215] {strides = array<i32>} : memref<1024xi32, #tpu.memory_space<vmem>>, vector<16xi32>,
      %ge3A_1217 = arith.constant 0 : i32
      %ge3A_1218 = vector.broadcast %ge3A_1217 : i32 to vector<16xi32>
      %ge3A_1219 = arith.cmpi sge, %get3A_1216, %ge3A_1218 : vector<16xi32>
      %jit3A_1220 = arith.constant 1 : i32
      %jit3A_1221 = arith.constant 0 : i32
      %broadcast_in_dim3A_1222 = vector.broadcast %jit3A_1220 : i32 to vector<16xi32>
      %broadcast_in_dim3A_1223 = vector.broadcast %jit3A_1221 : i32 to vector<16xi32>
      %select_n3A_1224 = arith.select %ge3A_1219, %broadcast_in_dim3A_1222, %broadcast_in_dim3A_1223 : vector<16xi1>, vector<16xi32>
      %add3A_1225 = arith.addi %add3A_1214, %select_n3A_1224 : vector<16xi32>
      %get3A_1226 = arith.constant 672 : index
      %get3A_1227 = tpu.vector_load %arg5[%get3A_1226] {strides = array<i32>} : memref<1024xi32, #tpu.memory_space<vmem>>, vector<16xi32>,
      %ge3A_1228 = arith.constant 0 : i32
      %ge3A_1229 = vector.broadcast %ge3A_1228 : i32 to vector<16xi32>
      %ge3A_1230 = arith.cmpi sge, %get3A_1227, %ge3A_1229 : vector<16xi32>
      %jit3A_1231 = arith.constant 1 : i32
      %jit3A_1232 = arith.constant 0 : i32
      %broadcast_in_dim3A_1233 = vector.broadcast %jit3A_1231 : i32 to vector<16xi32>
      %broadcast_in_dim3A_1234 = vector.broadcast %jit3A_1232 : i32 to vector<16xi32>
      %select_n3A_1235 = arith.select %ge3A_1230, %broadcast_in_dim3A_1233, %broadcast_in_dim3A_1234 : vector<16xi1>, vector<16xi32>
      %add3A_1236 = arith.addi %add3A_1225, %select_n3A_1235 : vector<16xi32>
      %get3A_1237 = arith.constant 688 : index
      %get3A_1238 = tpu.vector_load %arg5[%get3A_1237] {strides = array<i32>} : memref<1024xi32, #tpu.memory_space<vmem>>, vector<16xi32>,
      %ge3A_1239 = arith.constant 0 : i32
      %ge3A_1240 = vector.broadcast %ge3A_1239 : i32 to vector<16xi32>
      %ge3A_1241 = arith.cmpi sge, %get3A_1238, %ge3A_1240 : vector<16xi32>
      %jit3A_1242 = arith.constant 1 : i32
      %jit3A_1243 = arith.constant 0 : i32
      %broadcast_in_dim3A_1244 = vector.broadcast %jit3A_1242 : i32 to vector<16xi32>
      %broadcast_in_dim3A_1245 = vector.broadcast %jit3A_1243 : i32 to vector<16xi32>
      %select_n3A_1246 = arith.select %ge3A_1241, %broadcast_in_dim3A_1244, %broadcast_in_dim3A_1245 : vector<16xi1>, vector<16xi32>
      %add3A_1247 = arith.addi %add3A_1236, %select_n3A_1246 : vector<16xi32>
      %get3A_1248 = arith.constant 704 : index
      %get3A_1249 = tpu.vector_load %arg5[%get3A_1248] {strides = array<i32>} : memref<1024xi32, #tpu.memory_space<vmem>>, vector<16xi32>,
      %ge3A_1250 = arith.constant 0 : i32
      %ge3A_1251 = vector.broadcast %ge3A_1250 : i32 to vector<16xi32>
      %ge3A_1252 = arith.cmpi sge, %get3A_1249, %ge3A_1251 : vector<16xi32>
      %jit3A_1253 = arith.constant 1 : i32
      %jit3A_1254 = arith.constant 0 : i32
      %broadcast_in_dim3A_1255 = vector.broadcast %jit3A_1253 : i32 to vector<16xi32>
      %broadcast_in_dim3A_1256 = vector.broadcast %jit3A_1254 : i32 to vector<16xi32>
      %select_n3A_1257 = arith.select %ge3A_1252, %broadcast_in_dim3A_1255, %broadcast_in_dim3A_1256 : vector<16xi1>, vector<16xi32>
      %add3A_1258 = arith.addi %add3A_1247, %select_n3A_1257 : vector<16xi32>
      %get3A_1259 = arith.constant 720 : index
      %get3A_1260 = tpu.vector_load %arg5[%get3A_1259] {strides = array<i32>} : memref<1024xi32, #tpu.memory_space<vmem>>, vector<16xi32>,
      %ge3A_1261 = arith.constant 0 : i32
      %ge3A_1262 = vector.broadcast %ge3A_1261 : i32 to vector<16xi32>
      %ge3A_1263 = arith.cmpi sge, %get3A_1260, %ge3A_1262 : vector<16xi32>
      %jit3A_1264 = arith.constant 1 : i32
      %jit3A_1265 = arith.constant 0 : i32
      %broadcast_in_dim3A_1266 = vector.broadcast %jit3A_1264 : i32 to vector<16xi32>
      %broadcast_in_dim3A_1267 = vector.broadcast %jit3A_1265 : i32 to vector<16xi32>
      %select_n3A_1268 = arith.select %ge3A_1263, %broadcast_in_dim3A_1266, %broadcast_in_dim3A_1267 : vector<16xi1>, vector<16xi32>
      %add3A_1269 = arith.addi %add3A_1258, %select_n3A_1268 : vector<16xi32>
      %get3A_1270 = arith.constant 736 : index
      %get3A_1271 = tpu.vector_load %arg5[%get3A_1270] {strides = array<i32>} : memref<1024xi32, #tpu.memory_space<vmem>>, vector<16xi32>,
      %ge3A_1272 = arith.constant 0 : i32
      %ge3A_1273 = vector.broadcast %ge3A_1272 : i32 to vector<16xi32>
      %ge3A_1274 = arith.cmpi sge, %get3A_1271, %ge3A_1273 : vector<16xi32>
      %jit3A_1275 = arith.constant 1 : i32
      %jit3A_1276 = arith.constant 0 : i32
      %broadcast_in_dim3A_1277 = vector.broadcast %jit3A_1275 : i32 to vector<16xi32>
      %broadcast_in_dim3A_1278 = vector.broadcast %jit3A_1276 : i32 to vector<16xi32>
      %select_n3A_1279 = arith.select %ge3A_1274, %broadcast_in_dim3A_1277, %broadcast_in_dim3A_1278 : vector<16xi1>, vector<16xi32>
      %add3A_1280 = arith.addi %add3A_1269, %select_n3A_1279 : vector<16xi32>
      %get3A_1281 = arith.constant 752 : index
      %get3A_1282 = tpu.vector_load %arg5[%get3A_1281] {strides = array<i32>} : memref<1024xi32, #tpu.memory_space<vmem>>, vector<16xi32>,
      %ge3A_1283 = arith.constant 0 : i32
      %ge3A_1284 = vector.broadcast %ge3A_1283 : i32 to vector<16xi32>
      %ge3A_1285 = arith.cmpi sge, %get3A_1282, %ge3A_1284 : vector<16xi32>
      %jit3A_1286 = arith.constant 1 : i32
      %jit3A_1287 = arith.constant 0 : i32
      %broadcast_in_dim3A_1288 = vector.broadcast %jit3A_1286 : i32 to vector<16xi32>
      %broadcast_in_dim3A_1289 = vector.broadcast %jit3A_1287 : i32 to vector<16xi32>
      %select_n3A_1290 = arith.select %ge3A_1285, %broadcast_in_dim3A_1288, %broadcast_in_dim3A_1289 : vector<16xi1>, vector<16xi32>
      %add3A_1291 = arith.addi %add3A_1280, %select_n3A_1290 : vector<16xi32>
      %get3A_1292 = arith.constant 768 : index
      %get3A_1293 = tpu.vector_load %arg5[%get3A_1292] {strides = array<i32>} : memref<1024xi32, #tpu.memory_space<vmem>>, vector<16xi32>,
      %ge3A_1294 = arith.constant 0 : i32
      %ge3A_1295 = vector.broadcast %ge3A_1294 : i32 to vector<16xi32>
      %ge3A_1296 = arith.cmpi sge, %get3A_1293, %ge3A_1295 : vector<16xi32>
      %jit3A_1297 = arith.constant 1 : i32
      %jit3A_1298 = arith.constant 0 : i32
      %broadcast_in_dim3A_1299 = vector.broadcast %jit3A_1297 : i32 to vector<16xi32>
      %broadcast_in_dim3A_1300 = vector.broadcast %jit3A_1298 : i32 to vector<16xi32>
      %select_n3A_1301 = arith.select %ge3A_1296, %broadcast_in_dim3A_1299, %broadcast_in_dim3A_1300 : vector<16xi1>, vector<16xi32>
      %add3A_1302 = arith.addi %add3A_1291, %select_n3A_1301 : vector<16xi32>
      %get3A_1303 = arith.constant 784 : index
      %get3A_1304 = tpu.vector_load %arg5[%get3A_1303] {strides = array<i32>} : memref<1024xi32, #tpu.memory_space<vmem>>, vector<16xi32>,
      %ge3A_1305 = arith.constant 0 : i32
      %ge3A_1306 = vector.broadcast %ge3A_1305 : i32 to vector<16xi32>
      %ge3A_1307 = arith.cmpi sge, %get3A_1304, %ge3A_1306 : vector<16xi32>
      %jit3A_1308 = arith.constant 1 : i32
      %jit3A_1309 = arith.constant 0 : i32
      %broadcast_in_dim3A_1310 = vector.broadcast %jit3A_1308 : i32 to vector<16xi32>
      %broadcast_in_dim3A_1311 = vector.broadcast %jit3A_1309 : i32 to vector<16xi32>
      %select_n3A_1312 = arith.select %ge3A_1307, %broadcast_in_dim3A_1310, %broadcast_in_dim3A_1311 : vector<16xi1>, vector<16xi32>
      %add3A_1313 = arith.addi %add3A_1302, %select_n3A_1312 : vector<16xi32>
      %get3A_1314 = arith.constant 800 : index
      %get3A_1315 = tpu.vector_load %arg5[%get3A_1314] {strides = array<i32>} : memref<1024xi32, #tpu.memory_space<vmem>>, vector<16xi32>,
      %ge3A_1316 = arith.constant 0 : i32
      %ge3A_1317 = vector.broadcast %ge3A_1316 : i32 to vector<16xi32>
      %ge3A_1318 = arith.cmpi sge, %get3A_1315, %ge3A_1317 : vector<16xi32>
      %jit3A_1319 = arith.constant 1 : i32
      %jit3A_1320 = arith.constant 0 : i32
      %broadcast_in_dim3A_1321 = vector.broadcast %jit3A_1319 : i32 to vector<16xi32>
      %broadcast_in_dim3A_1322 = vector.broadcast %jit3A_1320 : i32 to vector<16xi32>
      %select_n3A_1323 = arith.select %ge3A_1318, %broadcast_in_dim3A_1321, %broadcast_in_dim3A_1322 : vector<16xi1>, vector<16xi32>
      %add3A_1324 = arith.addi %add3A_1313, %select_n3A_1323 : vector<16xi32>
      %get3A_1325 = arith.constant 816 : index
      %get3A_1326 = tpu.vector_load %arg5[%get3A_1325] {strides = array<i32>} : memref<1024xi32, #tpu.memory_space<vmem>>, vector<16xi32>,
      %ge3A_1327 = arith.constant 0 : i32
      %ge3A_1328 = vector.broadcast %ge3A_1327 : i32 to vector<16xi32>
      %ge3A_1329 = arith.cmpi sge, %get3A_1326, %ge3A_1328 : vector<16xi32>
      %jit3A_1330 = arith.constant 1 : i32
      %jit3A_1331 = arith.constant 0 : i32
      %broadcast_in_dim3A_1332 = vector.broadcast %jit3A_1330 : i32 to vector<16xi32>
      %broadcast_in_dim3A_1333 = vector.broadcast %jit3A_1331 : i32 to vector<16xi32>
      %select_n3A_1334 = arith.select %ge3A_1329, %broadcast_in_dim3A_1332, %broadcast_in_dim3A_1333 : vector<16xi1>, vector<16xi32>
      %add3A_1335 = arith.addi %add3A_1324, %select_n3A_1334 : vector<16xi32>
      %get3A_1336 = arith.constant 832 : index
      %get3A_1337 = tpu.vector_load %arg5[%get3A_1336] {strides = array<i32>} : memref<1024xi32, #tpu.memory_space<vmem>>, vector<16xi32>,
      %ge3A_1338 = arith.constant 0 : i32
      %ge3A_1339 = vector.broadcast %ge3A_1338 : i32 to vector<16xi32>
      %ge3A_1340 = arith.cmpi sge, %get3A_1337, %ge3A_1339 : vector<16xi32>
      %jit3A_1341 = arith.constant 1 : i32
      %jit3A_1342 = arith.constant 0 : i32
      %broadcast_in_dim3A_1343 = vector.broadcast %jit3A_1341 : i32 to vector<16xi32>
      %broadcast_in_dim3A_1344 = vector.broadcast %jit3A_1342 : i32 to vector<16xi32>
      %select_n3A_1345 = arith.select %ge3A_1340, %broadcast_in_dim3A_1343, %broadcast_in_dim3A_1344 : vector<16xi1>, vector<16xi32>
      %add3A_1346 = arith.addi %add3A_1335, %select_n3A_1345 : vector<16xi32>
      %get3A_1347 = arith.constant 848 : index
      %get3A_1348 = tpu.vector_load %arg5[%get3A_1347] {strides = array<i32>} : memref<1024xi32, #tpu.memory_space<vmem>>, vector<16xi32>,
      %ge3A_1349 = arith.constant 0 : i32
      %ge3A_1350 = vector.broadcast %ge3A_1349 : i32 to vector<16xi32>
      %ge3A_1351 = arith.cmpi sge, %get3A_1348, %ge3A_1350 : vector<16xi32>
      %jit3A_1352 = arith.constant 1 : i32
      %jit3A_1353 = arith.constant 0 : i32
      %broadcast_in_dim3A_1354 = vector.broadcast %jit3A_1352 : i32 to vector<16xi32>
      %broadcast_in_dim3A_1355 = vector.broadcast %jit3A_1353 : i32 to vector<16xi32>
      %select_n3A_1356 = arith.select %ge3A_1351, %broadcast_in_dim3A_1354, %broadcast_in_dim3A_1355 : vector<16xi1>, vector<16xi32>
      %add3A_1357 = arith.addi %add3A_1346, %select_n3A_1356 : vector<16xi32>
      %get3A_1358 = arith.constant 864 : index
      %get3A_1359 = tpu.vector_load %arg5[%get3A_1358] {strides = array<i32>} : memref<1024xi32, #tpu.memory_space<vmem>>, vector<16xi32>,
      %ge3A_1360 = arith.constant 0 : i32
      %ge3A_1361 = vector.broadcast %ge3A_1360 : i32 to vector<16xi32>
      %ge3A_1362 = arith.cmpi sge, %get3A_1359, %ge3A_1361 : vector<16xi32>
      %jit3A_1363 = arith.constant 1 : i32
      %jit3A_1364 = arith.constant 0 : i32
      %broadcast_in_dim3A_1365 = vector.broadcast %jit3A_1363 : i32 to vector<16xi32>
      %broadcast_in_dim3A_1366 = vector.broadcast %jit3A_1364 : i32 to vector<16xi32>
      %select_n3A_1367 = arith.select %ge3A_1362, %broadcast_in_dim3A_1365, %broadcast_in_dim3A_1366 : vector<16xi1>, vector<16xi32>
      %add3A_1368 = arith.addi %add3A_1357, %select_n3A_1367 : vector<16xi32>
      %get3A_1369 = arith.constant 880 : index
      %get3A_1370 = tpu.vector_load %arg5[%get3A_1369] {strides = array<i32>} : memref<1024xi32, #tpu.memory_space<vmem>>, vector<16xi32>,
      %ge3A_1371 = arith.constant 0 : i32
      %ge3A_1372 = vector.broadcast %ge3A_1371 : i32 to vector<16xi32>
      %ge3A_1373 = arith.cmpi sge, %get3A_1370, %ge3A_1372 : vector<16xi32>
      %jit3A_1374 = arith.constant 1 : i32
      %jit3A_1375 = arith.constant 0 : i32
      %broadcast_in_dim3A_1376 = vector.broadcast %jit3A_1374 : i32 to vector<16xi32>
      %broadcast_in_dim3A_1377 = vector.broadcast %jit3A_1375 : i32 to vector<16xi32>
      %select_n3A_1378 = arith.select %ge3A_1373, %broadcast_in_dim3A_1376, %broadcast_in_dim3A_1377 : vector<16xi1>, vector<16xi32>
      %add3A_1379 = arith.addi %add3A_1368, %select_n3A_1378 : vector<16xi32>
      %get3A_1380 = arith.constant 896 : index
      %get3A_1381 = tpu.vector_load %arg5[%get3A_1380] {strides = array<i32>} : memref<1024xi32, #tpu.memory_space<vmem>>, vector<16xi32>,
      %ge3A_1382 = arith.constant 0 : i32
      %ge3A_1383 = vector.broadcast %ge3A_1382 : i32 to vector<16xi32>
      %ge3A_1384 = arith.cmpi sge, %get3A_1381, %ge3A_1383 : vector<16xi32>
      %jit3A_1385 = arith.constant 1 : i32
      %jit3A_1386 = arith.constant 0 : i32
      %broadcast_in_dim3A_1387 = vector.broadcast %jit3A_1385 : i32 to vector<16xi32>
      %broadcast_in_dim3A_1388 = vector.broadcast %jit3A_1386 : i32 to vector<16xi32>
      %select_n3A_1389 = arith.select %ge3A_1384, %broadcast_in_dim3A_1387, %broadcast_in_dim3A_1388 : vector<16xi1>, vector<16xi32>
      %add3A_1390 = arith.addi %add3A_1379, %select_n3A_1389 : vector<16xi32>
      %get3A_1391 = arith.constant 912 : index
      %get3A_1392 = tpu.vector_load %arg5[%get3A_1391] {strides = array<i32>} : memref<1024xi32, #tpu.memory_space<vmem>>, vector<16xi32>,
      %ge3A_1393 = arith.constant 0 : i32
      %ge3A_1394 = vector.broadcast %ge3A_1393 : i32 to vector<16xi32>
      %ge3A_1395 = arith.cmpi sge, %get3A_1392, %ge3A_1394 : vector<16xi32>
      %jit3A_1396 = arith.constant 1 : i32
      %jit3A_1397 = arith.constant 0 : i32
      %broadcast_in_dim3A_1398 = vector.broadcast %jit3A_1396 : i32 to vector<16xi32>
      %broadcast_in_dim3A_1399 = vector.broadcast %jit3A_1397 : i32 to vector<16xi32>
      %select_n3A_1400 = arith.select %ge3A_1395, %broadcast_in_dim3A_1398, %broadcast_in_dim3A_1399 : vector<16xi1>, vector<16xi32>
      %add3A_1401 = arith.addi %add3A_1390, %select_n3A_1400 : vector<16xi32>
      %get3A_1402 = arith.constant 928 : index
      %get3A_1403 = tpu.vector_load %arg5[%get3A_1402] {strides = array<i32>} : memref<1024xi32, #tpu.memory_space<vmem>>, vector<16xi32>,
      %ge3A_1404 = arith.constant 0 : i32
      %ge3A_1405 = vector.broadcast %ge3A_1404 : i32 to vector<16xi32>
      %ge3A_1406 = arith.cmpi sge, %get3A_1403, %ge3A_1405 : vector<16xi32>
      %jit3A_1407 = arith.constant 1 : i32
      %jit3A_1408 = arith.constant 0 : i32
      %broadcast_in_dim3A_1409 = vector.broadcast %jit3A_1407 : i32 to vector<16xi32>
      %broadcast_in_dim3A_1410 = vector.broadcast %jit3A_1408 : i32 to vector<16xi32>
      %select_n3A_1411 = arith.select %ge3A_1406, %broadcast_in_dim3A_1409, %broadcast_in_dim3A_1410 : vector<16xi1>, vector<16xi32>
      %add3A_1412 = arith.addi %add3A_1401, %select_n3A_1411 : vector<16xi32>
      %get3A_1413 = arith.constant 944 : index
      %get3A_1414 = tpu.vector_load %arg5[%get3A_1413] {strides = array<i32>} : memref<1024xi32, #tpu.memory_space<vmem>>, vector<16xi32>,
      %ge3A_1415 = arith.constant 0 : i32
      %ge3A_1416 = vector.broadcast %ge3A_1415 : i32 to vector<16xi32>
      %ge3A_1417 = arith.cmpi sge, %get3A_1414, %ge3A_1416 : vector<16xi32>
      %jit3A_1418 = arith.constant 1 : i32
      %jit3A_1419 = arith.constant 0 : i32
      %broadcast_in_dim3A_1420 = vector.broadcast %jit3A_1418 : i32 to vector<16xi32>
      %broadcast_in_dim3A_1421 = vector.broadcast %jit3A_1419 : i32 to vector<16xi32>
      %select_n3A_1422 = arith.select %ge3A_1417, %broadcast_in_dim3A_1420, %broadcast_in_dim3A_1421 : vector<16xi1>, vector<16xi32>
      %add3A_1423 = arith.addi %add3A_1412, %select_n3A_1422 : vector<16xi32>
      %get3A_1424 = arith.constant 960 : index
      %get3A_1425 = tpu.vector_load %arg5[%get3A_1424] {strides = array<i32>} : memref<1024xi32, #tpu.memory_space<vmem>>, vector<16xi32>,
      %ge3A_1426 = arith.constant 0 : i32
      %ge3A_1427 = vector.broadcast %ge3A_1426 : i32 to vector<16xi32>
      %ge3A_1428 = arith.cmpi sge, %get3A_1425, %ge3A_1427 : vector<16xi32>
      %jit3A_1429 = arith.constant 1 : i32
      %jit3A_1430 = arith.constant 0 : i32
      %broadcast_in_dim3A_1431 = vector.broadcast %jit3A_1429 : i32 to vector<16xi32>
      %broadcast_in_dim3A_1432 = vector.broadcast %jit3A_1430 : i32 to vector<16xi32>
      %select_n3A_1433 = arith.select %ge3A_1428, %broadcast_in_dim3A_1431, %broadcast_in_dim3A_1432 : vector<16xi1>, vector<16xi32>
      %add3A_1434 = arith.addi %add3A_1423, %select_n3A_1433 : vector<16xi32>
      %get3A_1435 = arith.constant 976 : index
      %get3A_1436 = tpu.vector_load %arg5[%get3A_1435] {strides = array<i32>} : memref<1024xi32, #tpu.memory_space<vmem>>, vector<16xi32>,
      %ge3A_1437 = arith.constant 0 : i32
      %ge3A_1438 = vector.broadcast %ge3A_1437 : i32 to vector<16xi32>
      %ge3A_1439 = arith.cmpi sge, %get3A_1436, %ge3A_1438 : vector<16xi32>
      %jit3A_1440 = arith.constant 1 : i32
      %jit3A_1441 = arith.constant 0 : i32
      %broadcast_in_dim3A_1442 = vector.broadcast %jit3A_1440 : i32 to vector<16xi32>
      %broadcast_in_dim3A_1443 = vector.broadcast %jit3A_1441 : i32 to vector<16xi32>
      %select_n3A_1444 = arith.select %ge3A_1439, %broadcast_in_dim3A_1442, %broadcast_in_dim3A_1443 : vector<16xi1>, vector<16xi32>
      %add3A_1445 = arith.addi %add3A_1434, %select_n3A_1444 : vector<16xi32>
      %get3A_1446 = arith.constant 992 : index
      %get3A_1447 = tpu.vector_load %arg5[%get3A_1446] {strides = array<i32>} : memref<1024xi32, #tpu.memory_space<vmem>>, vector<16xi32>,
      %ge3A_1448 = arith.constant 0 : i32
      %ge3A_1449 = vector.broadcast %ge3A_1448 : i32 to vector<16xi32>
      %ge3A_1450 = arith.cmpi sge, %get3A_1447, %ge3A_1449 : vector<16xi32>
      %jit3A_1451 = arith.constant 1 : i32
      %jit3A_1452 = arith.constant 0 : i32
      %broadcast_in_dim3A_1453 = vector.broadcast %jit3A_1451 : i32 to vector<16xi32>
      %broadcast_in_dim3A_1454 = vector.broadcast %jit3A_1452 : i32 to vector<16xi32>
      %select_n3A_1455 = arith.select %ge3A_1450, %broadcast_in_dim3A_1453, %broadcast_in_dim3A_1454 : vector<16xi1>, vector<16xi32>
      %add3A_1456 = arith.addi %add3A_1445, %select_n3A_1455 : vector<16xi32>
      %get3A_1457 = arith.constant 1008 : index
      %get3A_1458 = tpu.vector_load %arg5[%get3A_1457] {strides = array<i32>} : memref<1024xi32, #tpu.memory_space<vmem>>, vector<16xi32>,
      %ge3A_1459 = arith.constant 0 : i32
      %ge3A_1460 = vector.broadcast %ge3A_1459 : i32 to vector<16xi32>
      %ge3A_1461 = arith.cmpi sge, %get3A_1458, %ge3A_1460 : vector<16xi32>
      %jit3A_1462 = arith.constant 1 : i32
      %jit3A_1463 = arith.constant 0 : i32
      %broadcast_in_dim3A_1464 = vector.broadcast %jit3A_1462 : i32 to vector<16xi32>
      %broadcast_in_dim3A_1465 = vector.broadcast %jit3A_1463 : i32 to vector<16xi32>
      %select_n3A_1466 = arith.select %ge3A_1461, %broadcast_in_dim3A_1464, %broadcast_in_dim3A_1465 : vector<16xi1>, vector<16xi32>
      %add3A_1467 = arith.addi %add3A_1456, %select_n3A_1466 : vector<16xi32>
      %reduce_sum3A = arith.constant true
      %reduce_sum3A_1468 = vector.broadcast %reduce_sum3A : i1 to vector<16xi1>
      %reduce_sum3A_1469 = tpu.scan <sum>, %add3A_1467 masked %reduce_sum3A_1468 : vector<16xi32>, vector<16xi1> -> vector<16xi32>
      %reduce_sum3A_1470 = vector.extract %reduce_sum3A_1469[15] : i32 from vector<16xi32>
      %ge3A_1471 = arith.constant 716 : i32
      %ge3A_1472 = arith.cmpi sge, %reduce_sum3A_1470, %ge3A_1471 : i32
      %jit3A_1473 = arith.constant 0 : i32
      %jit3A_1474 = arith.constant -2147483648 : i32
      %select_n3A_1475 = arith.select %ge3A_1472, %jit3A_1473, %jit3A_1474 : i32
      %scan3A = arith.constant 0 : i32
      %scan3A_1476 = arith.constant 31 : i32
      %scan3A_1477 = arith.addi %scan3A, %scan3A_1476 : i32
      %scan3A_1478 = arith.constant 1 : i32
      %scan3A_1479 = scf.for %scan3A_2533 = %scan3A to %scan3A_1477 step %scan3A_1478 iter_args(%scan3A_2534 = %select_n3A_1475) -> (i32)  : i32 {
        %sub3A_2535 = arith.constant 30 : i32
        %sub3A_2536 = arith.subi %sub3A_2535, %scan3A_2533 : i32
        %shift_left3A = arith.constant 1 : i32
        %shift_left3A_2537 = arith.shli %shift_left3A, %sub3A_2536 : i32
        %or3A = arith.ori %scan3A_2534, %shift_left3A_2537 : i32
        %broadcast_in_dim3A_2538 = arith.constant 0 : i32
        %broadcast_in_dim3A_2539 = vector.broadcast %broadcast_in_dim3A_2538 : i32 to vector<16xi32>
        %get3A_2540 = arith.constant 0 : index
        %get3A_2541 = tpu.vector_load %arg5[%get3A_2540] {strides = array<i32>} : memref<1024xi32, #tpu.memory_space<vmem>>, vector<16xi32>,
        %ge3A_2542 = vector.broadcast %or3A : i32 to vector<16xi32>
        %ge3A_2543 = arith.cmpi sge, %get3A_2541, %ge3A_2542 : vector<16xi32>
        %jit3A_2544 = arith.constant 1 : i32
        %jit3A_2545 = arith.constant 0 : i32
        %broadcast_in_dim3A_2546 = vector.broadcast %jit3A_2544 : i32 to vector<16xi32>
        %broadcast_in_dim3A_2547 = vector.broadcast %jit3A_2545 : i32 to vector<16xi32>
        %select_n3A_2548 = arith.select %ge3A_2543, %broadcast_in_dim3A_2546, %broadcast_in_dim3A_2547 : vector<16xi1>, vector<16xi32>
        %add3A_2549 = arith.addi %broadcast_in_dim3A_2539, %select_n3A_2548 : vector<16xi32>
        %get3A_2550 = arith.constant 16 : index
        %get3A_2551 = tpu.vector_load %arg5[%get3A_2550] {strides = array<i32>} : memref<1024xi32, #tpu.memory_space<vmem>>, vector<16xi32>,
        %ge3A_2552 = vector.broadcast %or3A : i32 to vector<16xi32>
        %ge3A_2553 = arith.cmpi sge, %get3A_2551, %ge3A_2552 : vector<16xi32>
        %jit3A_2554 = arith.constant 1 : i32
        %jit3A_2555 = arith.constant 0 : i32
        %broadcast_in_dim3A_2556 = vector.broadcast %jit3A_2554 : i32 to vector<16xi32>
        %broadcast_in_dim3A_2557 = vector.broadcast %jit3A_2555 : i32 to vector<16xi32>
        %select_n3A_2558 = arith.select %ge3A_2553, %broadcast_in_dim3A_2556, %broadcast_in_dim3A_2557 : vector<16xi1>, vector<16xi32>
        %add3A_2559 = arith.addi %add3A_2549, %select_n3A_2558 : vector<16xi32>
        %get3A_2560 = arith.constant 32 : index
        %get3A_2561 = tpu.vector_load %arg5[%get3A_2560] {strides = array<i32>} : memref<1024xi32, #tpu.memory_space<vmem>>, vector<16xi32>,
        %ge3A_2562 = vector.broadcast %or3A : i32 to vector<16xi32>
        %ge3A_2563 = arith.cmpi sge, %get3A_2561, %ge3A_2562 : vector<16xi32>
        %jit3A_2564 = arith.constant 1 : i32
        %jit3A_2565 = arith.constant 0 : i32
        %broadcast_in_dim3A_2566 = vector.broadcast %jit3A_2564 : i32 to vector<16xi32>
        %broadcast_in_dim3A_2567 = vector.broadcast %jit3A_2565 : i32 to vector<16xi32>
        %select_n3A_2568 = arith.select %ge3A_2563, %broadcast_in_dim3A_2566, %broadcast_in_dim3A_2567 : vector<16xi1>, vector<16xi32>
        %add3A_2569 = arith.addi %add3A_2559, %select_n3A_2568 : vector<16xi32>
        %get3A_2570 = arith.constant 48 : index
        %get3A_2571 = tpu.vector_load %arg5[%get3A_2570] {strides = array<i32>} : memref<1024xi32, #tpu.memory_space<vmem>>, vector<16xi32>,
        %ge3A_2572 = vector.broadcast %or3A : i32 to vector<16xi32>
        %ge3A_2573 = arith.cmpi sge, %get3A_2571, %ge3A_2572 : vector<16xi32>
        %jit3A_2574 = arith.constant 1 : i32
        %jit3A_2575 = arith.constant 0 : i32
        %broadcast_in_dim3A_2576 = vector.broadcast %jit3A_2574 : i32 to vector<16xi32>
        %broadcast_in_dim3A_2577 = vector.broadcast %jit3A_2575 : i32 to vector<16xi32>
        %select_n3A_2578 = arith.select %ge3A_2573, %broadcast_in_dim3A_2576, %broadcast_in_dim3A_2577 : vector<16xi1>, vector<16xi32>
        %add3A_2579 = arith.addi %add3A_2569, %select_n3A_2578 : vector<16xi32>
        %get3A_2580 = arith.constant 64 : index
        %get3A_2581 = tpu.vector_load %arg5[%get3A_2580] {strides = array<i32>} : memref<1024xi32, #tpu.memory_space<vmem>>, vector<16xi32>,
        %ge3A_2582 = vector.broadcast %or3A : i32 to vector<16xi32>
        %ge3A_2583 = arith.cmpi sge, %get3A_2581, %ge3A_2582 : vector<16xi32>
        %jit3A_2584 = arith.constant 1 : i32
        %jit3A_2585 = arith.constant 0 : i32
        %broadcast_in_dim3A_2586 = vector.broadcast %jit3A_2584 : i32 to vector<16xi32>
        %broadcast_in_dim3A_2587 = vector.broadcast %jit3A_2585 : i32 to vector<16xi32>
        %select_n3A_2588 = arith.select %ge3A_2583, %broadcast_in_dim3A_2586, %broadcast_in_dim3A_2587 : vector<16xi1>, vector<16xi32>
        %add3A_2589 = arith.addi %add3A_2579, %select_n3A_2588 : vector<16xi32>
        %get3A_2590 = arith.constant 80 : index
        %get3A_2591 = tpu.vector_load %arg5[%get3A_2590] {strides = array<i32>} : memref<1024xi32, #tpu.memory_space<vmem>>, vector<16xi32>,
        %ge3A_2592 = vector.broadcast %or3A : i32 to vector<16xi32>
        %ge3A_2593 = arith.cmpi sge, %get3A_2591, %ge3A_2592 : vector<16xi32>
        %jit3A_2594 = arith.constant 1 : i32
        %jit3A_2595 = arith.constant 0 : i32
        %broadcast_in_dim3A_2596 = vector.broadcast %jit3A_2594 : i32 to vector<16xi32>
        %broadcast_in_dim3A_2597 = vector.broadcast %jit3A_2595 : i32 to vector<16xi32>
        %select_n3A_2598 = arith.select %ge3A_2593, %broadcast_in_dim3A_2596, %broadcast_in_dim3A_2597 : vector<16xi1>, vector<16xi32>
        %add3A_2599 = arith.addi %add3A_2589, %select_n3A_2598 : vector<16xi32>
        %get3A_2600 = arith.constant 96 : index
        %get3A_2601 = tpu.vector_load %arg5[%get3A_2600] {strides = array<i32>} : memref<1024xi32, #tpu.memory_space<vmem>>, vector<16xi32>,
        %ge3A_2602 = vector.broadcast %or3A : i32 to vector<16xi32>
        %ge3A_2603 = arith.cmpi sge, %get3A_2601, %ge3A_2602 : vector<16xi32>
        %jit3A_2604 = arith.constant 1 : i32
        %jit3A_2605 = arith.constant 0 : i32
        %broadcast_in_dim3A_2606 = vector.broadcast %jit3A_2604 : i32 to vector<16xi32>
        %broadcast_in_dim3A_2607 = vector.broadcast %jit3A_2605 : i32 to vector<16xi32>
        %select_n3A_2608 = arith.select %ge3A_2603, %broadcast_in_dim3A_2606, %broadcast_in_dim3A_2607 : vector<16xi1>, vector<16xi32>
        %add3A_2609 = arith.addi %add3A_2599, %select_n3A_2608 : vector<16xi32>
        %get3A_2610 = arith.constant 112 : index
        %get3A_2611 = tpu.vector_load %arg5[%get3A_2610] {strides = array<i32>} : memref<1024xi32, #tpu.memory_space<vmem>>, vector<16xi32>,
        %ge3A_2612 = vector.broadcast %or3A : i32 to vector<16xi32>
        %ge3A_2613 = arith.cmpi sge, %get3A_2611, %ge3A_2612 : vector<16xi32>
        %jit3A_2614 = arith.constant 1 : i32
        %jit3A_2615 = arith.constant 0 : i32
        %broadcast_in_dim3A_2616 = vector.broadcast %jit3A_2614 : i32 to vector<16xi32>
        %broadcast_in_dim3A_2617 = vector.broadcast %jit3A_2615 : i32 to vector<16xi32>
        %select_n3A_2618 = arith.select %ge3A_2613, %broadcast_in_dim3A_2616, %broadcast_in_dim3A_2617 : vector<16xi1>, vector<16xi32>
        %add3A_2619 = arith.addi %add3A_2609, %select_n3A_2618 : vector<16xi32>
        %get3A_2620 = arith.constant 128 : index
        %get3A_2621 = tpu.vector_load %arg5[%get3A_2620] {strides = array<i32>} : memref<1024xi32, #tpu.memory_space<vmem>>, vector<16xi32>,
        %ge3A_2622 = vector.broadcast %or3A : i32 to vector<16xi32>
        %ge3A_2623 = arith.cmpi sge, %get3A_2621, %ge3A_2622 : vector<16xi32>
        %jit3A_2624 = arith.constant 1 : i32
        %jit3A_2625 = arith.constant 0 : i32
        %broadcast_in_dim3A_2626 = vector.broadcast %jit3A_2624 : i32 to vector<16xi32>
        %broadcast_in_dim3A_2627 = vector.broadcast %jit3A_2625 : i32 to vector<16xi32>
        %select_n3A_2628 = arith.select %ge3A_2623, %broadcast_in_dim3A_2626, %broadcast_in_dim3A_2627 : vector<16xi1>, vector<16xi32>
        %add3A_2629 = arith.addi %add3A_2619, %select_n3A_2628 : vector<16xi32>
        %get3A_2630 = arith.constant 144 : index
        %get3A_2631 = tpu.vector_load %arg5[%get3A_2630] {strides = array<i32>} : memref<1024xi32, #tpu.memory_space<vmem>>, vector<16xi32>,
        %ge3A_2632 = vector.broadcast %or3A : i32 to vector<16xi32>
        %ge3A_2633 = arith.cmpi sge, %get3A_2631, %ge3A_2632 : vector<16xi32>
        %jit3A_2634 = arith.constant 1 : i32
        %jit3A_2635 = arith.constant 0 : i32
        %broadcast_in_dim3A_2636 = vector.broadcast %jit3A_2634 : i32 to vector<16xi32>
        %broadcast_in_dim3A_2637 = vector.broadcast %jit3A_2635 : i32 to vector<16xi32>
        %select_n3A_2638 = arith.select %ge3A_2633, %broadcast_in_dim3A_2636, %broadcast_in_dim3A_2637 : vector<16xi1>, vector<16xi32>
        %add3A_2639 = arith.addi %add3A_2629, %select_n3A_2638 : vector<16xi32>
        %get3A_2640 = arith.constant 160 : index
        %get3A_2641 = tpu.vector_load %arg5[%get3A_2640] {strides = array<i32>} : memref<1024xi32, #tpu.memory_space<vmem>>, vector<16xi32>,
        %ge3A_2642 = vector.broadcast %or3A : i32 to vector<16xi32>
        %ge3A_2643 = arith.cmpi sge, %get3A_2641, %ge3A_2642 : vector<16xi32>
        %jit3A_2644 = arith.constant 1 : i32
        %jit3A_2645 = arith.constant 0 : i32
        %broadcast_in_dim3A_2646 = vector.broadcast %jit3A_2644 : i32 to vector<16xi32>
        %broadcast_in_dim3A_2647 = vector.broadcast %jit3A_2645 : i32 to vector<16xi32>
        %select_n3A_2648 = arith.select %ge3A_2643, %broadcast_in_dim3A_2646, %broadcast_in_dim3A_2647 : vector<16xi1>, vector<16xi32>
        %add3A_2649 = arith.addi %add3A_2639, %select_n3A_2648 : vector<16xi32>
        %get3A_2650 = arith.constant 176 : index
        %get3A_2651 = tpu.vector_load %arg5[%get3A_2650] {strides = array<i32>} : memref<1024xi32, #tpu.memory_space<vmem>>, vector<16xi32>,
        %ge3A_2652 = vector.broadcast %or3A : i32 to vector<16xi32>
        %ge3A_2653 = arith.cmpi sge, %get3A_2651, %ge3A_2652 : vector<16xi32>
        %jit3A_2654 = arith.constant 1 : i32
        %jit3A_2655 = arith.constant 0 : i32
        %broadcast_in_dim3A_2656 = vector.broadcast %jit3A_2654 : i32 to vector<16xi32>
        %broadcast_in_dim3A_2657 = vector.broadcast %jit3A_2655 : i32 to vector<16xi32>
        %select_n3A_2658 = arith.select %ge3A_2653, %broadcast_in_dim3A_2656, %broadcast_in_dim3A_2657 : vector<16xi1>, vector<16xi32>
        %add3A_2659 = arith.addi %add3A_2649, %select_n3A_2658 : vector<16xi32>
        %get3A_2660 = arith.constant 192 : index
        %get3A_2661 = tpu.vector_load %arg5[%get3A_2660] {strides = array<i32>} : memref<1024xi32, #tpu.memory_space<vmem>>, vector<16xi32>,
        %ge3A_2662 = vector.broadcast %or3A : i32 to vector<16xi32>
        %ge3A_2663 = arith.cmpi sge, %get3A_2661, %ge3A_2662 : vector<16xi32>
        %jit3A_2664 = arith.constant 1 : i32
        %jit3A_2665 = arith.constant 0 : i32
        %broadcast_in_dim3A_2666 = vector.broadcast %jit3A_2664 : i32 to vector<16xi32>
        %broadcast_in_dim3A_2667 = vector.broadcast %jit3A_2665 : i32 to vector<16xi32>
        %select_n3A_2668 = arith.select %ge3A_2663, %broadcast_in_dim3A_2666, %broadcast_in_dim3A_2667 : vector<16xi1>, vector<16xi32>
        %add3A_2669 = arith.addi %add3A_2659, %select_n3A_2668 : vector<16xi32>
        %get3A_2670 = arith.constant 208 : index
        %get3A_2671 = tpu.vector_load %arg5[%get3A_2670] {strides = array<i32>} : memref<1024xi32, #tpu.memory_space<vmem>>, vector<16xi32>,
        %ge3A_2672 = vector.broadcast %or3A : i32 to vector<16xi32>
        %ge3A_2673 = arith.cmpi sge, %get3A_2671, %ge3A_2672 : vector<16xi32>
        %jit3A_2674 = arith.constant 1 : i32
        %jit3A_2675 = arith.constant 0 : i32
        %broadcast_in_dim3A_2676 = vector.broadcast %jit3A_2674 : i32 to vector<16xi32>
        %broadcast_in_dim3A_2677 = vector.broadcast %jit3A_2675 : i32 to vector<16xi32>
        %select_n3A_2678 = arith.select %ge3A_2673, %broadcast_in_dim3A_2676, %broadcast_in_dim3A_2677 : vector<16xi1>, vector<16xi32>
        %add3A_2679 = arith.addi %add3A_2669, %select_n3A_2678 : vector<16xi32>
        %get3A_2680 = arith.constant 224 : index
        %get3A_2681 = tpu.vector_load %arg5[%get3A_2680] {strides = array<i32>} : memref<1024xi32, #tpu.memory_space<vmem>>, vector<16xi32>,
        %ge3A_2682 = vector.broadcast %or3A : i32 to vector<16xi32>
        %ge3A_2683 = arith.cmpi sge, %get3A_2681, %ge3A_2682 : vector<16xi32>
        %jit3A_2684 = arith.constant 1 : i32
        %jit3A_2685 = arith.constant 0 : i32
        %broadcast_in_dim3A_2686 = vector.broadcast %jit3A_2684 : i32 to vector<16xi32>
        %broadcast_in_dim3A_2687 = vector.broadcast %jit3A_2685 : i32 to vector<16xi32>
        %select_n3A_2688 = arith.select %ge3A_2683, %broadcast_in_dim3A_2686, %broadcast_in_dim3A_2687 : vector<16xi1>, vector<16xi32>
        %add3A_2689 = arith.addi %add3A_2679, %select_n3A_2688 : vector<16xi32>
        %get3A_2690 = arith.constant 240 : index
        %get3A_2691 = tpu.vector_load %arg5[%get3A_2690] {strides = array<i32>} : memref<1024xi32, #tpu.memory_space<vmem>>, vector<16xi32>,
        %ge3A_2692 = vector.broadcast %or3A : i32 to vector<16xi32>
        %ge3A_2693 = arith.cmpi sge, %get3A_2691, %ge3A_2692 : vector<16xi32>
        %jit3A_2694 = arith.constant 1 : i32
        %jit3A_2695 = arith.constant 0 : i32
        %broadcast_in_dim3A_2696 = vector.broadcast %jit3A_2694 : i32 to vector<16xi32>
        %broadcast_in_dim3A_2697 = vector.broadcast %jit3A_2695 : i32 to vector<16xi32>
        %select_n3A_2698 = arith.select %ge3A_2693, %broadcast_in_dim3A_2696, %broadcast_in_dim3A_2697 : vector<16xi1>, vector<16xi32>
        %add3A_2699 = arith.addi %add3A_2689, %select_n3A_2698 : vector<16xi32>
        %get3A_2700 = arith.constant 256 : index
        %get3A_2701 = tpu.vector_load %arg5[%get3A_2700] {strides = array<i32>} : memref<1024xi32, #tpu.memory_space<vmem>>, vector<16xi32>,
        %ge3A_2702 = vector.broadcast %or3A : i32 to vector<16xi32>
        %ge3A_2703 = arith.cmpi sge, %get3A_2701, %ge3A_2702 : vector<16xi32>
        %jit3A_2704 = arith.constant 1 : i32
        %jit3A_2705 = arith.constant 0 : i32
        %broadcast_in_dim3A_2706 = vector.broadcast %jit3A_2704 : i32 to vector<16xi32>
        %broadcast_in_dim3A_2707 = vector.broadcast %jit3A_2705 : i32 to vector<16xi32>
        %select_n3A_2708 = arith.select %ge3A_2703, %broadcast_in_dim3A_2706, %broadcast_in_dim3A_2707 : vector<16xi1>, vector<16xi32>
        %add3A_2709 = arith.addi %add3A_2699, %select_n3A_2708 : vector<16xi32>
        %get3A_2710 = arith.constant 272 : index
        %get3A_2711 = tpu.vector_load %arg5[%get3A_2710] {strides = array<i32>} : memref<1024xi32, #tpu.memory_space<vmem>>, vector<16xi32>,
        %ge3A_2712 = vector.broadcast %or3A : i32 to vector<16xi32>
        %ge3A_2713 = arith.cmpi sge, %get3A_2711, %ge3A_2712 : vector<16xi32>
        %jit3A_2714 = arith.constant 1 : i32
        %jit3A_2715 = arith.constant 0 : i32
        %broadcast_in_dim3A_2716 = vector.broadcast %jit3A_2714 : i32 to vector<16xi32>
        %broadcast_in_dim3A_2717 = vector.broadcast %jit3A_2715 : i32 to vector<16xi32>
        %select_n3A_2718 = arith.select %ge3A_2713, %broadcast_in_dim3A_2716, %broadcast_in_dim3A_2717 : vector<16xi1>, vector<16xi32>
        %add3A_2719 = arith.addi %add3A_2709, %select_n3A_2718 : vector<16xi32>
        %get3A_2720 = arith.constant 288 : index
        %get3A_2721 = tpu.vector_load %arg5[%get3A_2720] {strides = array<i32>} : memref<1024xi32, #tpu.memory_space<vmem>>, vector<16xi32>,
        %ge3A_2722 = vector.broadcast %or3A : i32 to vector<16xi32>
        %ge3A_2723 = arith.cmpi sge, %get3A_2721, %ge3A_2722 : vector<16xi32>
        %jit3A_2724 = arith.constant 1 : i32
        %jit3A_2725 = arith.constant 0 : i32
        %broadcast_in_dim3A_2726 = vector.broadcast %jit3A_2724 : i32 to vector<16xi32>
        %broadcast_in_dim3A_2727 = vector.broadcast %jit3A_2725 : i32 to vector<16xi32>
        %select_n3A_2728 = arith.select %ge3A_2723, %broadcast_in_dim3A_2726, %broadcast_in_dim3A_2727 : vector<16xi1>, vector<16xi32>
        %add3A_2729 = arith.addi %add3A_2719, %select_n3A_2728 : vector<16xi32>
        %get3A_2730 = arith.constant 304 : index
        %get3A_2731 = tpu.vector_load %arg5[%get3A_2730] {strides = array<i32>} : memref<1024xi32, #tpu.memory_space<vmem>>, vector<16xi32>,
        %ge3A_2732 = vector.broadcast %or3A : i32 to vector<16xi32>
        %ge3A_2733 = arith.cmpi sge, %get3A_2731, %ge3A_2732 : vector<16xi32>
        %jit3A_2734 = arith.constant 1 : i32
        %jit3A_2735 = arith.constant 0 : i32
        %broadcast_in_dim3A_2736 = vector.broadcast %jit3A_2734 : i32 to vector<16xi32>
        %broadcast_in_dim3A_2737 = vector.broadcast %jit3A_2735 : i32 to vector<16xi32>
        %select_n3A_2738 = arith.select %ge3A_2733, %broadcast_in_dim3A_2736, %broadcast_in_dim3A_2737 : vector<16xi1>, vector<16xi32>
        %add3A_2739 = arith.addi %add3A_2729, %select_n3A_2738 : vector<16xi32>
        %get3A_2740 = arith.constant 320 : index
        %get3A_2741 = tpu.vector_load %arg5[%get3A_2740] {strides = array<i32>} : memref<1024xi32, #tpu.memory_space<vmem>>, vector<16xi32>,
        %ge3A_2742 = vector.broadcast %or3A : i32 to vector<16xi32>
        %ge3A_2743 = arith.cmpi sge, %get3A_2741, %ge3A_2742 : vector<16xi32>
        %jit3A_2744 = arith.constant 1 : i32
        %jit3A_2745 = arith.constant 0 : i32
        %broadcast_in_dim3A_2746 = vector.broadcast %jit3A_2744 : i32 to vector<16xi32>
        %broadcast_in_dim3A_2747 = vector.broadcast %jit3A_2745 : i32 to vector<16xi32>
        %select_n3A_2748 = arith.select %ge3A_2743, %broadcast_in_dim3A_2746, %broadcast_in_dim3A_2747 : vector<16xi1>, vector<16xi32>
        %add3A_2749 = arith.addi %add3A_2739, %select_n3A_2748 : vector<16xi32>
        %get3A_2750 = arith.constant 336 : index
        %get3A_2751 = tpu.vector_load %arg5[%get3A_2750] {strides = array<i32>} : memref<1024xi32, #tpu.memory_space<vmem>>, vector<16xi32>,
        %ge3A_2752 = vector.broadcast %or3A : i32 to vector<16xi32>
        %ge3A_2753 = arith.cmpi sge, %get3A_2751, %ge3A_2752 : vector<16xi32>
        %jit3A_2754 = arith.constant 1 : i32
        %jit3A_2755 = arith.constant 0 : i32
        %broadcast_in_dim3A_2756 = vector.broadcast %jit3A_2754 : i32 to vector<16xi32>
        %broadcast_in_dim3A_2757 = vector.broadcast %jit3A_2755 : i32 to vector<16xi32>
        %select_n3A_2758 = arith.select %ge3A_2753, %broadcast_in_dim3A_2756, %broadcast_in_dim3A_2757 : vector<16xi1>, vector<16xi32>
        %add3A_2759 = arith.addi %add3A_2749, %select_n3A_2758 : vector<16xi32>
        %get3A_2760 = arith.constant 352 : index
        %get3A_2761 = tpu.vector_load %arg5[%get3A_2760] {strides = array<i32>} : memref<1024xi32, #tpu.memory_space<vmem>>, vector<16xi32>,
        %ge3A_2762 = vector.broadcast %or3A : i32 to vector<16xi32>
        %ge3A_2763 = arith.cmpi sge, %get3A_2761, %ge3A_2762 : vector<16xi32>
        %jit3A_2764 = arith.constant 1 : i32
        %jit3A_2765 = arith.constant 0 : i32
        %broadcast_in_dim3A_2766 = vector.broadcast %jit3A_2764 : i32 to vector<16xi32>
        %broadcast_in_dim3A_2767 = vector.broadcast %jit3A_2765 : i32 to vector<16xi32>
        %select_n3A_2768 = arith.select %ge3A_2763, %broadcast_in_dim3A_2766, %broadcast_in_dim3A_2767 : vector<16xi1>, vector<16xi32>
        %add3A_2769 = arith.addi %add3A_2759, %select_n3A_2768 : vector<16xi32>
        %get3A_2770 = arith.constant 368 : index
        %get3A_2771 = tpu.vector_load %arg5[%get3A_2770] {strides = array<i32>} : memref<1024xi32, #tpu.memory_space<vmem>>, vector<16xi32>,
        %ge3A_2772 = vector.broadcast %or3A : i32 to vector<16xi32>
        %ge3A_2773 = arith.cmpi sge, %get3A_2771, %ge3A_2772 : vector<16xi32>
        %jit3A_2774 = arith.constant 1 : i32
        %jit3A_2775 = arith.constant 0 : i32
        %broadcast_in_dim3A_2776 = vector.broadcast %jit3A_2774 : i32 to vector<16xi32>
        %broadcast_in_dim3A_2777 = vector.broadcast %jit3A_2775 : i32 to vector<16xi32>
        %select_n3A_2778 = arith.select %ge3A_2773, %broadcast_in_dim3A_2776, %broadcast_in_dim3A_2777 : vector<16xi1>, vector<16xi32>
        %add3A_2779 = arith.addi %add3A_2769, %select_n3A_2778 : vector<16xi32>
        %get3A_2780 = arith.constant 384 : index
        %get3A_2781 = tpu.vector_load %arg5[%get3A_2780] {strides = array<i32>} : memref<1024xi32, #tpu.memory_space<vmem>>, vector<16xi32>,
        %ge3A_2782 = vector.broadcast %or3A : i32 to vector<16xi32>
        %ge3A_2783 = arith.cmpi sge, %get3A_2781, %ge3A_2782 : vector<16xi32>
        %jit3A_2784 = arith.constant 1 : i32
        %jit3A_2785 = arith.constant 0 : i32
        %broadcast_in_dim3A_2786 = vector.broadcast %jit3A_2784 : i32 to vector<16xi32>
        %broadcast_in_dim3A_2787 = vector.broadcast %jit3A_2785 : i32 to vector<16xi32>
        %select_n3A_2788 = arith.select %ge3A_2783, %broadcast_in_dim3A_2786, %broadcast_in_dim3A_2787 : vector<16xi1>, vector<16xi32>
        %add3A_2789 = arith.addi %add3A_2779, %select_n3A_2788 : vector<16xi32>
        %get3A_2790 = arith.constant 400 : index
        %get3A_2791 = tpu.vector_load %arg5[%get3A_2790] {strides = array<i32>} : memref<1024xi32, #tpu.memory_space<vmem>>, vector<16xi32>,
        %ge3A_2792 = vector.broadcast %or3A : i32 to vector<16xi32>
        %ge3A_2793 = arith.cmpi sge, %get3A_2791, %ge3A_2792 : vector<16xi32>
        %jit3A_2794 = arith.constant 1 : i32
        %jit3A_2795 = arith.constant 0 : i32
        %broadcast_in_dim3A_2796 = vector.broadcast %jit3A_2794 : i32 to vector<16xi32>
        %broadcast_in_dim3A_2797 = vector.broadcast %jit3A_2795 : i32 to vector<16xi32>
        %select_n3A_2798 = arith.select %ge3A_2793, %broadcast_in_dim3A_2796, %broadcast_in_dim3A_2797 : vector<16xi1>, vector<16xi32>
        %add3A_2799 = arith.addi %add3A_2789, %select_n3A_2798 : vector<16xi32>
        %get3A_2800 = arith.constant 416 : index
        %get3A_2801 = tpu.vector_load %arg5[%get3A_2800] {strides = array<i32>} : memref<1024xi32, #tpu.memory_space<vmem>>, vector<16xi32>,
        %ge3A_2802 = vector.broadcast %or3A : i32 to vector<16xi32>
        %ge3A_2803 = arith.cmpi sge, %get3A_2801, %ge3A_2802 : vector<16xi32>
        %jit3A_2804 = arith.constant 1 : i32
        %jit3A_2805 = arith.constant 0 : i32
        %broadcast_in_dim3A_2806 = vector.broadcast %jit3A_2804 : i32 to vector<16xi32>
        %broadcast_in_dim3A_2807 = vector.broadcast %jit3A_2805 : i32 to vector<16xi32>
        %select_n3A_2808 = arith.select %ge3A_2803, %broadcast_in_dim3A_2806, %broadcast_in_dim3A_2807 : vector<16xi1>, vector<16xi32>
        %add3A_2809 = arith.addi %add3A_2799, %select_n3A_2808 : vector<16xi32>
        %get3A_2810 = arith.constant 432 : index
        %get3A_2811 = tpu.vector_load %arg5[%get3A_2810] {strides = array<i32>} : memref<1024xi32, #tpu.memory_space<vmem>>, vector<16xi32>,
        %ge3A_2812 = vector.broadcast %or3A : i32 to vector<16xi32>
        %ge3A_2813 = arith.cmpi sge, %get3A_2811, %ge3A_2812 : vector<16xi32>
        %jit3A_2814 = arith.constant 1 : i32
        %jit3A_2815 = arith.constant 0 : i32
        %broadcast_in_dim3A_2816 = vector.broadcast %jit3A_2814 : i32 to vector<16xi32>
        %broadcast_in_dim3A_2817 = vector.broadcast %jit3A_2815 : i32 to vector<16xi32>
        %select_n3A_2818 = arith.select %ge3A_2813, %broadcast_in_dim3A_2816, %broadcast_in_dim3A_2817 : vector<16xi1>, vector<16xi32>
        %add3A_2819 = arith.addi %add3A_2809, %select_n3A_2818 : vector<16xi32>
        %get3A_2820 = arith.constant 448 : index
        %get3A_2821 = tpu.vector_load %arg5[%get3A_2820] {strides = array<i32>} : memref<1024xi32, #tpu.memory_space<vmem>>, vector<16xi32>,
        %ge3A_2822 = vector.broadcast %or3A : i32 to vector<16xi32>
        %ge3A_2823 = arith.cmpi sge, %get3A_2821, %ge3A_2822 : vector<16xi32>
        %jit3A_2824 = arith.constant 1 : i32
        %jit3A_2825 = arith.constant 0 : i32
        %broadcast_in_dim3A_2826 = vector.broadcast %jit3A_2824 : i32 to vector<16xi32>
        %broadcast_in_dim3A_2827 = vector.broadcast %jit3A_2825 : i32 to vector<16xi32>
        %select_n3A_2828 = arith.select %ge3A_2823, %broadcast_in_dim3A_2826, %broadcast_in_dim3A_2827 : vector<16xi1>, vector<16xi32>
        %add3A_2829 = arith.addi %add3A_2819, %select_n3A_2828 : vector<16xi32>
        %get3A_2830 = arith.constant 464 : index
        %get3A_2831 = tpu.vector_load %arg5[%get3A_2830] {strides = array<i32>} : memref<1024xi32, #tpu.memory_space<vmem>>, vector<16xi32>,
        %ge3A_2832 = vector.broadcast %or3A : i32 to vector<16xi32>
        %ge3A_2833 = arith.cmpi sge, %get3A_2831, %ge3A_2832 : vector<16xi32>
        %jit3A_2834 = arith.constant 1 : i32
        %jit3A_2835 = arith.constant 0 : i32
        %broadcast_in_dim3A_2836 = vector.broadcast %jit3A_2834 : i32 to vector<16xi32>
        %broadcast_in_dim3A_2837 = vector.broadcast %jit3A_2835 : i32 to vector<16xi32>
        %select_n3A_2838 = arith.select %ge3A_2833, %broadcast_in_dim3A_2836, %broadcast_in_dim3A_2837 : vector<16xi1>, vector<16xi32>
        %add3A_2839 = arith.addi %add3A_2829, %select_n3A_2838 : vector<16xi32>
        %get3A_2840 = arith.constant 480 : index
        %get3A_2841 = tpu.vector_load %arg5[%get3A_2840] {strides = array<i32>} : memref<1024xi32, #tpu.memory_space<vmem>>, vector<16xi32>,
        %ge3A_2842 = vector.broadcast %or3A : i32 to vector<16xi32>
        %ge3A_2843 = arith.cmpi sge, %get3A_2841, %ge3A_2842 : vector<16xi32>
        %jit3A_2844 = arith.constant 1 : i32
        %jit3A_2845 = arith.constant 0 : i32
        %broadcast_in_dim3A_2846 = vector.broadcast %jit3A_2844 : i32 to vector<16xi32>
        %broadcast_in_dim3A_2847 = vector.broadcast %jit3A_2845 : i32 to vector<16xi32>
        %select_n3A_2848 = arith.select %ge3A_2843, %broadcast_in_dim3A_2846, %broadcast_in_dim3A_2847 : vector<16xi1>, vector<16xi32>
        %add3A_2849 = arith.addi %add3A_2839, %select_n3A_2848 : vector<16xi32>
        %get3A_2850 = arith.constant 496 : index
        %get3A_2851 = tpu.vector_load %arg5[%get3A_2850] {strides = array<i32>} : memref<1024xi32, #tpu.memory_space<vmem>>, vector<16xi32>,
        %ge3A_2852 = vector.broadcast %or3A : i32 to vector<16xi32>
        %ge3A_2853 = arith.cmpi sge, %get3A_2851, %ge3A_2852 : vector<16xi32>
        %jit3A_2854 = arith.constant 1 : i32
        %jit3A_2855 = arith.constant 0 : i32
        %broadcast_in_dim3A_2856 = vector.broadcast %jit3A_2854 : i32 to vector<16xi32>
        %broadcast_in_dim3A_2857 = vector.broadcast %jit3A_2855 : i32 to vector<16xi32>
        %select_n3A_2858 = arith.select %ge3A_2853, %broadcast_in_dim3A_2856, %broadcast_in_dim3A_2857 : vector<16xi1>, vector<16xi32>
        %add3A_2859 = arith.addi %add3A_2849, %select_n3A_2858 : vector<16xi32>
        %get3A_2860 = arith.constant 512 : index
        %get3A_2861 = tpu.vector_load %arg5[%get3A_2860] {strides = array<i32>} : memref<1024xi32, #tpu.memory_space<vmem>>, vector<16xi32>,
        %ge3A_2862 = vector.broadcast %or3A : i32 to vector<16xi32>
        %ge3A_2863 = arith.cmpi sge, %get3A_2861, %ge3A_2862 : vector<16xi32>
        %jit3A_2864 = arith.constant 1 : i32
        %jit3A_2865 = arith.constant 0 : i32
        %broadcast_in_dim3A_2866 = vector.broadcast %jit3A_2864 : i32 to vector<16xi32>
        %broadcast_in_dim3A_2867 = vector.broadcast %jit3A_2865 : i32 to vector<16xi32>
        %select_n3A_2868 = arith.select %ge3A_2863, %broadcast_in_dim3A_2866, %broadcast_in_dim3A_2867 : vector<16xi1>, vector<16xi32>
        %add3A_2869 = arith.addi %add3A_2859, %select_n3A_2868 : vector<16xi32>
        %get3A_2870 = arith.constant 528 : index
        %get3A_2871 = tpu.vector_load %arg5[%get3A_2870] {strides = array<i32>} : memref<1024xi32, #tpu.memory_space<vmem>>, vector<16xi32>,
        %ge3A_2872 = vector.broadcast %or3A : i32 to vector<16xi32>
        %ge3A_2873 = arith.cmpi sge, %get3A_2871, %ge3A_2872 : vector<16xi32>
        %jit3A_2874 = arith.constant 1 : i32
        %jit3A_2875 = arith.constant 0 : i32
        %broadcast_in_dim3A_2876 = vector.broadcast %jit3A_2874 : i32 to vector<16xi32>
        %broadcast_in_dim3A_2877 = vector.broadcast %jit3A_2875 : i32 to vector<16xi32>
        %select_n3A_2878 = arith.select %ge3A_2873, %broadcast_in_dim3A_2876, %broadcast_in_dim3A_2877 : vector<16xi1>, vector<16xi32>
        %add3A_2879 = arith.addi %add3A_2869, %select_n3A_2878 : vector<16xi32>
        %get3A_2880 = arith.constant 544 : index
        %get3A_2881 = tpu.vector_load %arg5[%get3A_2880] {strides = array<i32>} : memref<1024xi32, #tpu.memory_space<vmem>>, vector<16xi32>,
        %ge3A_2882 = vector.broadcast %or3A : i32 to vector<16xi32>
        %ge3A_2883 = arith.cmpi sge, %get3A_2881, %ge3A_2882 : vector<16xi32>
        %jit3A_2884 = arith.constant 1 : i32
        %jit3A_2885 = arith.constant 0 : i32
        %broadcast_in_dim3A_2886 = vector.broadcast %jit3A_2884 : i32 to vector<16xi32>
        %broadcast_in_dim3A_2887 = vector.broadcast %jit3A_2885 : i32 to vector<16xi32>
        %select_n3A_2888 = arith.select %ge3A_2883, %broadcast_in_dim3A_2886, %broadcast_in_dim3A_2887 : vector<16xi1>, vector<16xi32>
        %add3A_2889 = arith.addi %add3A_2879, %select_n3A_2888 : vector<16xi32>
        %get3A_2890 = arith.constant 560 : index
        %get3A_2891 = tpu.vector_load %arg5[%get3A_2890] {strides = array<i32>} : memref<1024xi32, #tpu.memory_space<vmem>>, vector<16xi32>,
        %ge3A_2892 = vector.broadcast %or3A : i32 to vector<16xi32>
        %ge3A_2893 = arith.cmpi sge, %get3A_2891, %ge3A_2892 : vector<16xi32>
        %jit3A_2894 = arith.constant 1 : i32
        %jit3A_2895 = arith.constant 0 : i32
        %broadcast_in_dim3A_2896 = vector.broadcast %jit3A_2894 : i32 to vector<16xi32>
        %broadcast_in_dim3A_2897 = vector.broadcast %jit3A_2895 : i32 to vector<16xi32>
        %select_n3A_2898 = arith.select %ge3A_2893, %broadcast_in_dim3A_2896, %broadcast_in_dim3A_2897 : vector<16xi1>, vector<16xi32>
        %add3A_2899 = arith.addi %add3A_2889, %select_n3A_2898 : vector<16xi32>
        %get3A_2900 = arith.constant 576 : index
        %get3A_2901 = tpu.vector_load %arg5[%get3A_2900] {strides = array<i32>} : memref<1024xi32, #tpu.memory_space<vmem>>, vector<16xi32>,
        %ge3A_2902 = vector.broadcast %or3A : i32 to vector<16xi32>
        %ge3A_2903 = arith.cmpi sge, %get3A_2901, %ge3A_2902 : vector<16xi32>
        %jit3A_2904 = arith.constant 1 : i32
        %jit3A_2905 = arith.constant 0 : i32
        %broadcast_in_dim3A_2906 = vector.broadcast %jit3A_2904 : i32 to vector<16xi32>
        %broadcast_in_dim3A_2907 = vector.broadcast %jit3A_2905 : i32 to vector<16xi32>
        %select_n3A_2908 = arith.select %ge3A_2903, %broadcast_in_dim3A_2906, %broadcast_in_dim3A_2907 : vector<16xi1>, vector<16xi32>
        %add3A_2909 = arith.addi %add3A_2899, %select_n3A_2908 : vector<16xi32>
        %get3A_2910 = arith.constant 592 : index
        %get3A_2911 = tpu.vector_load %arg5[%get3A_2910] {strides = array<i32>} : memref<1024xi32, #tpu.memory_space<vmem>>, vector<16xi32>,
        %ge3A_2912 = vector.broadcast %or3A : i32 to vector<16xi32>
        %ge3A_2913 = arith.cmpi sge, %get3A_2911, %ge3A_2912 : vector<16xi32>
        %jit3A_2914 = arith.constant 1 : i32
        %jit3A_2915 = arith.constant 0 : i32
        %broadcast_in_dim3A_2916 = vector.broadcast %jit3A_2914 : i32 to vector<16xi32>
        %broadcast_in_dim3A_2917 = vector.broadcast %jit3A_2915 : i32 to vector<16xi32>
        %select_n3A_2918 = arith.select %ge3A_2913, %broadcast_in_dim3A_2916, %broadcast_in_dim3A_2917 : vector<16xi1>, vector<16xi32>
        %add3A_2919 = arith.addi %add3A_2909, %select_n3A_2918 : vector<16xi32>
        %get3A_2920 = arith.constant 608 : index
        %get3A_2921 = tpu.vector_load %arg5[%get3A_2920] {strides = array<i32>} : memref<1024xi32, #tpu.memory_space<vmem>>, vector<16xi32>,
        %ge3A_2922 = vector.broadcast %or3A : i32 to vector<16xi32>
        %ge3A_2923 = arith.cmpi sge, %get3A_2921, %ge3A_2922 : vector<16xi32>
        %jit3A_2924 = arith.constant 1 : i32
        %jit3A_2925 = arith.constant 0 : i32
        %broadcast_in_dim3A_2926 = vector.broadcast %jit3A_2924 : i32 to vector<16xi32>
        %broadcast_in_dim3A_2927 = vector.broadcast %jit3A_2925 : i32 to vector<16xi32>
        %select_n3A_2928 = arith.select %ge3A_2923, %broadcast_in_dim3A_2926, %broadcast_in_dim3A_2927 : vector<16xi1>, vector<16xi32>
        %add3A_2929 = arith.addi %add3A_2919, %select_n3A_2928 : vector<16xi32>
        %get3A_2930 = arith.constant 624 : index
        %get3A_2931 = tpu.vector_load %arg5[%get3A_2930] {strides = array<i32>} : memref<1024xi32, #tpu.memory_space<vmem>>, vector<16xi32>,
        %ge3A_2932 = vector.broadcast %or3A : i32 to vector<16xi32>
        %ge3A_2933 = arith.cmpi sge, %get3A_2931, %ge3A_2932 : vector<16xi32>
        %jit3A_2934 = arith.constant 1 : i32
        %jit3A_2935 = arith.constant 0 : i32
        %broadcast_in_dim3A_2936 = vector.broadcast %jit3A_2934 : i32 to vector<16xi32>
        %broadcast_in_dim3A_2937 = vector.broadcast %jit3A_2935 : i32 to vector<16xi32>
        %select_n3A_2938 = arith.select %ge3A_2933, %broadcast_in_dim3A_2936, %broadcast_in_dim3A_2937 : vector<16xi1>, vector<16xi32>
        %add3A_2939 = arith.addi %add3A_2929, %select_n3A_2938 : vector<16xi32>
        %get3A_2940 = arith.constant 640 : index
        %get3A_2941 = tpu.vector_load %arg5[%get3A_2940] {strides = array<i32>} : memref<1024xi32, #tpu.memory_space<vmem>>, vector<16xi32>,
        %ge3A_2942 = vector.broadcast %or3A : i32 to vector<16xi32>
        %ge3A_2943 = arith.cmpi sge, %get3A_2941, %ge3A_2942 : vector<16xi32>
        %jit3A_2944 = arith.constant 1 : i32
        %jit3A_2945 = arith.constant 0 : i32
        %broadcast_in_dim3A_2946 = vector.broadcast %jit3A_2944 : i32 to vector<16xi32>
        %broadcast_in_dim3A_2947 = vector.broadcast %jit3A_2945 : i32 to vector<16xi32>
        %select_n3A_2948 = arith.select %ge3A_2943, %broadcast_in_dim3A_2946, %broadcast_in_dim3A_2947 : vector<16xi1>, vector<16xi32>
        %add3A_2949 = arith.addi %add3A_2939, %select_n3A_2948 : vector<16xi32>
        %get3A_2950 = arith.constant 656 : index
        %get3A_2951 = tpu.vector_load %arg5[%get3A_2950] {strides = array<i32>} : memref<1024xi32, #tpu.memory_space<vmem>>, vector<16xi32>,
        %ge3A_2952 = vector.broadcast %or3A : i32 to vector<16xi32>
        %ge3A_2953 = arith.cmpi sge, %get3A_2951, %ge3A_2952 : vector<16xi32>
        %jit3A_2954 = arith.constant 1 : i32
        %jit3A_2955 = arith.constant 0 : i32
        %broadcast_in_dim3A_2956 = vector.broadcast %jit3A_2954 : i32 to vector<16xi32>
        %broadcast_in_dim3A_2957 = vector.broadcast %jit3A_2955 : i32 to vector<16xi32>
        %select_n3A_2958 = arith.select %ge3A_2953, %broadcast_in_dim3A_2956, %broadcast_in_dim3A_2957 : vector<16xi1>, vector<16xi32>
        %add3A_2959 = arith.addi %add3A_2949, %select_n3A_2958 : vector<16xi32>
        %get3A_2960 = arith.constant 672 : index
        %get3A_2961 = tpu.vector_load %arg5[%get3A_2960] {strides = array<i32>} : memref<1024xi32, #tpu.memory_space<vmem>>, vector<16xi32>,
        %ge3A_2962 = vector.broadcast %or3A : i32 to vector<16xi32>
        %ge3A_2963 = arith.cmpi sge, %get3A_2961, %ge3A_2962 : vector<16xi32>
        %jit3A_2964 = arith.constant 1 : i32
        %jit3A_2965 = arith.constant 0 : i32
        %broadcast_in_dim3A_2966 = vector.broadcast %jit3A_2964 : i32 to vector<16xi32>
        %broadcast_in_dim3A_2967 = vector.broadcast %jit3A_2965 : i32 to vector<16xi32>
        %select_n3A_2968 = arith.select %ge3A_2963, %broadcast_in_dim3A_2966, %broadcast_in_dim3A_2967 : vector<16xi1>, vector<16xi32>
        %add3A_2969 = arith.addi %add3A_2959, %select_n3A_2968 : vector<16xi32>
        %get3A_2970 = arith.constant 688 : index
        %get3A_2971 = tpu.vector_load %arg5[%get3A_2970] {strides = array<i32>} : memref<1024xi32, #tpu.memory_space<vmem>>, vector<16xi32>,
        %ge3A_2972 = vector.broadcast %or3A : i32 to vector<16xi32>
        %ge3A_2973 = arith.cmpi sge, %get3A_2971, %ge3A_2972 : vector<16xi32>
        %jit3A_2974 = arith.constant 1 : i32
        %jit3A_2975 = arith.constant 0 : i32
        %broadcast_in_dim3A_2976 = vector.broadcast %jit3A_2974 : i32 to vector<16xi32>
        %broadcast_in_dim3A_2977 = vector.broadcast %jit3A_2975 : i32 to vector<16xi32>
        %select_n3A_2978 = arith.select %ge3A_2973, %broadcast_in_dim3A_2976, %broadcast_in_dim3A_2977 : vector<16xi1>, vector<16xi32>
        %add3A_2979 = arith.addi %add3A_2969, %select_n3A_2978 : vector<16xi32>
        %get3A_2980 = arith.constant 704 : index
        %get3A_2981 = tpu.vector_load %arg5[%get3A_2980] {strides = array<i32>} : memref<1024xi32, #tpu.memory_space<vmem>>, vector<16xi32>,
        %ge3A_2982 = vector.broadcast %or3A : i32 to vector<16xi32>
        %ge3A_2983 = arith.cmpi sge, %get3A_2981, %ge3A_2982 : vector<16xi32>
        %jit3A_2984 = arith.constant 1 : i32
        %jit3A_2985 = arith.constant 0 : i32
        %broadcast_in_dim3A_2986 = vector.broadcast %jit3A_2984 : i32 to vector<16xi32>
        %broadcast_in_dim3A_2987 = vector.broadcast %jit3A_2985 : i32 to vector<16xi32>
        %select_n3A_2988 = arith.select %ge3A_2983, %broadcast_in_dim3A_2986, %broadcast_in_dim3A_2987 : vector<16xi1>, vector<16xi32>
        %add3A_2989 = arith.addi %add3A_2979, %select_n3A_2988 : vector<16xi32>
        %get3A_2990 = arith.constant 720 : index
        %get3A_2991 = tpu.vector_load %arg5[%get3A_2990] {strides = array<i32>} : memref<1024xi32, #tpu.memory_space<vmem>>, vector<16xi32>,
        %ge3A_2992 = vector.broadcast %or3A : i32 to vector<16xi32>
        %ge3A_2993 = arith.cmpi sge, %get3A_2991, %ge3A_2992 : vector<16xi32>
        %jit3A_2994 = arith.constant 1 : i32
        %jit3A_2995 = arith.constant 0 : i32
        %broadcast_in_dim3A_2996 = vector.broadcast %jit3A_2994 : i32 to vector<16xi32>
        %broadcast_in_dim3A_2997 = vector.broadcast %jit3A_2995 : i32 to vector<16xi32>
        %select_n3A_2998 = arith.select %ge3A_2993, %broadcast_in_dim3A_2996, %broadcast_in_dim3A_2997 : vector<16xi1>, vector<16xi32>
        %add3A_2999 = arith.addi %add3A_2989, %select_n3A_2998 : vector<16xi32>
        %get3A_3000 = arith.constant 736 : index
        %get3A_3001 = tpu.vector_load %arg5[%get3A_3000] {strides = array<i32>} : memref<1024xi32, #tpu.memory_space<vmem>>, vector<16xi32>,
        %ge3A_3002 = vector.broadcast %or3A : i32 to vector<16xi32>
        %ge3A_3003 = arith.cmpi sge, %get3A_3001, %ge3A_3002 : vector<16xi32>
        %jit3A_3004 = arith.constant 1 : i32
        %jit3A_3005 = arith.constant 0 : i32
        %broadcast_in_dim3A_3006 = vector.broadcast %jit3A_3004 : i32 to vector<16xi32>
        %broadcast_in_dim3A_3007 = vector.broadcast %jit3A_3005 : i32 to vector<16xi32>
        %select_n3A_3008 = arith.select %ge3A_3003, %broadcast_in_dim3A_3006, %broadcast_in_dim3A_3007 : vector<16xi1>, vector<16xi32>
        %add3A_3009 = arith.addi %add3A_2999, %select_n3A_3008 : vector<16xi32>
        %get3A_3010 = arith.constant 752 : index
        %get3A_3011 = tpu.vector_load %arg5[%get3A_3010] {strides = array<i32>} : memref<1024xi32, #tpu.memory_space<vmem>>, vector<16xi32>,
        %ge3A_3012 = vector.broadcast %or3A : i32 to vector<16xi32>
        %ge3A_3013 = arith.cmpi sge, %get3A_3011, %ge3A_3012 : vector<16xi32>
        %jit3A_3014 = arith.constant 1 : i32
        %jit3A_3015 = arith.constant 0 : i32
        %broadcast_in_dim3A_3016 = vector.broadcast %jit3A_3014 : i32 to vector<16xi32>
        %broadcast_in_dim3A_3017 = vector.broadcast %jit3A_3015 : i32 to vector<16xi32>
        %select_n3A_3018 = arith.select %ge3A_3013, %broadcast_in_dim3A_3016, %broadcast_in_dim3A_3017 : vector<16xi1>, vector<16xi32>
        %add3A_3019 = arith.addi %add3A_3009, %select_n3A_3018 : vector<16xi32>
        %get3A_3020 = arith.constant 768 : index
        %get3A_3021 = tpu.vector_load %arg5[%get3A_3020] {strides = array<i32>} : memref<1024xi32, #tpu.memory_space<vmem>>, vector<16xi32>,
        %ge3A_3022 = vector.broadcast %or3A : i32 to vector<16xi32>
        %ge3A_3023 = arith.cmpi sge, %get3A_3021, %ge3A_3022 : vector<16xi32>
        %jit3A_3024 = arith.constant 1 : i32
        %jit3A_3025 = arith.constant 0 : i32
        %broadcast_in_dim3A_3026 = vector.broadcast %jit3A_3024 : i32 to vector<16xi32>
        %broadcast_in_dim3A_3027 = vector.broadcast %jit3A_3025 : i32 to vector<16xi32>
        %select_n3A_3028 = arith.select %ge3A_3023, %broadcast_in_dim3A_3026, %broadcast_in_dim3A_3027 : vector<16xi1>, vector<16xi32>
        %add3A_3029 = arith.addi %add3A_3019, %select_n3A_3028 : vector<16xi32>
        %get3A_3030 = arith.constant 784 : index
        %get3A_3031 = tpu.vector_load %arg5[%get3A_3030] {strides = array<i32>} : memref<1024xi32, #tpu.memory_space<vmem>>, vector<16xi32>,
        %ge3A_3032 = vector.broadcast %or3A : i32 to vector<16xi32>
        %ge3A_3033 = arith.cmpi sge, %get3A_3031, %ge3A_3032 : vector<16xi32>
        %jit3A_3034 = arith.constant 1 : i32
        %jit3A_3035 = arith.constant 0 : i32
        %broadcast_in_dim3A_3036 = vector.broadcast %jit3A_3034 : i32 to vector<16xi32>
        %broadcast_in_dim3A_3037 = vector.broadcast %jit3A_3035 : i32 to vector<16xi32>
        %select_n3A_3038 = arith.select %ge3A_3033, %broadcast_in_dim3A_3036, %broadcast_in_dim3A_3037 : vector<16xi1>, vector<16xi32>
        %add3A_3039 = arith.addi %add3A_3029, %select_n3A_3038 : vector<16xi32>
        %get3A_3040 = arith.constant 800 : index
        %get3A_3041 = tpu.vector_load %arg5[%get3A_3040] {strides = array<i32>} : memref<1024xi32, #tpu.memory_space<vmem>>, vector<16xi32>,
        %ge3A_3042 = vector.broadcast %or3A : i32 to vector<16xi32>
        %ge3A_3043 = arith.cmpi sge, %get3A_3041, %ge3A_3042 : vector<16xi32>
        %jit3A_3044 = arith.constant 1 : i32
        %jit3A_3045 = arith.constant 0 : i32
        %broadcast_in_dim3A_3046 = vector.broadcast %jit3A_3044 : i32 to vector<16xi32>
        %broadcast_in_dim3A_3047 = vector.broadcast %jit3A_3045 : i32 to vector<16xi32>
        %select_n3A_3048 = arith.select %ge3A_3043, %broadcast_in_dim3A_3046, %broadcast_in_dim3A_3047 : vector<16xi1>, vector<16xi32>
        %add3A_3049 = arith.addi %add3A_3039, %select_n3A_3048 : vector<16xi32>
        %get3A_3050 = arith.constant 816 : index
        %get3A_3051 = tpu.vector_load %arg5[%get3A_3050] {strides = array<i32>} : memref<1024xi32, #tpu.memory_space<vmem>>, vector<16xi32>,
        %ge3A_3052 = vector.broadcast %or3A : i32 to vector<16xi32>
        %ge3A_3053 = arith.cmpi sge, %get3A_3051, %ge3A_3052 : vector<16xi32>
        %jit3A_3054 = arith.constant 1 : i32
        %jit3A_3055 = arith.constant 0 : i32
        %broadcast_in_dim3A_3056 = vector.broadcast %jit3A_3054 : i32 to vector<16xi32>
        %broadcast_in_dim3A_3057 = vector.broadcast %jit3A_3055 : i32 to vector<16xi32>
        %select_n3A_3058 = arith.select %ge3A_3053, %broadcast_in_dim3A_3056, %broadcast_in_dim3A_3057 : vector<16xi1>, vector<16xi32>
        %add3A_3059 = arith.addi %add3A_3049, %select_n3A_3058 : vector<16xi32>
        %get3A_3060 = arith.constant 832 : index
        %get3A_3061 = tpu.vector_load %arg5[%get3A_3060] {strides = array<i32>} : memref<1024xi32, #tpu.memory_space<vmem>>, vector<16xi32>,
        %ge3A_3062 = vector.broadcast %or3A : i32 to vector<16xi32>
        %ge3A_3063 = arith.cmpi sge, %get3A_3061, %ge3A_3062 : vector<16xi32>
        %jit3A_3064 = arith.constant 1 : i32
        %jit3A_3065 = arith.constant 0 : i32
        %broadcast_in_dim3A_3066 = vector.broadcast %jit3A_3064 : i32 to vector<16xi32>
        %broadcast_in_dim3A_3067 = vector.broadcast %jit3A_3065 : i32 to vector<16xi32>
        %select_n3A_3068 = arith.select %ge3A_3063, %broadcast_in_dim3A_3066, %broadcast_in_dim3A_3067 : vector<16xi1>, vector<16xi32>
        %add3A_3069 = arith.addi %add3A_3059, %select_n3A_3068 : vector<16xi32>
        %get3A_3070 = arith.constant 848 : index
        %get3A_3071 = tpu.vector_load %arg5[%get3A_3070] {strides = array<i32>} : memref<1024xi32, #tpu.memory_space<vmem>>, vector<16xi32>,
        %ge3A_3072 = vector.broadcast %or3A : i32 to vector<16xi32>
        %ge3A_3073 = arith.cmpi sge, %get3A_3071, %ge3A_3072 : vector<16xi32>
        %jit3A_3074 = arith.constant 1 : i32
        %jit3A_3075 = arith.constant 0 : i32
        %broadcast_in_dim3A_3076 = vector.broadcast %jit3A_3074 : i32 to vector<16xi32>
        %broadcast_in_dim3A_3077 = vector.broadcast %jit3A_3075 : i32 to vector<16xi32>
        %select_n3A_3078 = arith.select %ge3A_3073, %broadcast_in_dim3A_3076, %broadcast_in_dim3A_3077 : vector<16xi1>, vector<16xi32>
        %add3A_3079 = arith.addi %add3A_3069, %select_n3A_3078 : vector<16xi32>
        %get3A_3080 = arith.constant 864 : index
        %get3A_3081 = tpu.vector_load %arg5[%get3A_3080] {strides = array<i32>} : memref<1024xi32, #tpu.memory_space<vmem>>, vector<16xi32>,
        %ge3A_3082 = vector.broadcast %or3A : i32 to vector<16xi32>
        %ge3A_3083 = arith.cmpi sge, %get3A_3081, %ge3A_3082 : vector<16xi32>
        %jit3A_3084 = arith.constant 1 : i32
        %jit3A_3085 = arith.constant 0 : i32
        %broadcast_in_dim3A_3086 = vector.broadcast %jit3A_3084 : i32 to vector<16xi32>
        %broadcast_in_dim3A_3087 = vector.broadcast %jit3A_3085 : i32 to vector<16xi32>
        %select_n3A_3088 = arith.select %ge3A_3083, %broadcast_in_dim3A_3086, %broadcast_in_dim3A_3087 : vector<16xi1>, vector<16xi32>
        %add3A_3089 = arith.addi %add3A_3079, %select_n3A_3088 : vector<16xi32>
        %get3A_3090 = arith.constant 880 : index
        %get3A_3091 = tpu.vector_load %arg5[%get3A_3090] {strides = array<i32>} : memref<1024xi32, #tpu.memory_space<vmem>>, vector<16xi32>,
        %ge3A_3092 = vector.broadcast %or3A : i32 to vector<16xi32>
        %ge3A_3093 = arith.cmpi sge, %get3A_3091, %ge3A_3092 : vector<16xi32>
        %jit3A_3094 = arith.constant 1 : i32
        %jit3A_3095 = arith.constant 0 : i32
        %broadcast_in_dim3A_3096 = vector.broadcast %jit3A_3094 : i32 to vector<16xi32>
        %broadcast_in_dim3A_3097 = vector.broadcast %jit3A_3095 : i32 to vector<16xi32>
        %select_n3A_3098 = arith.select %ge3A_3093, %broadcast_in_dim3A_3096, %broadcast_in_dim3A_3097 : vector<16xi1>, vector<16xi32>
        %add3A_3099 = arith.addi %add3A_3089, %select_n3A_3098 : vector<16xi32>
        %get3A_3100 = arith.constant 896 : index
        %get3A_3101 = tpu.vector_load %arg5[%get3A_3100] {strides = array<i32>} : memref<1024xi32, #tpu.memory_space<vmem>>, vector<16xi32>,
        %ge3A_3102 = vector.broadcast %or3A : i32 to vector<16xi32>
        %ge3A_3103 = arith.cmpi sge, %get3A_3101, %ge3A_3102 : vector<16xi32>
        %jit3A_3104 = arith.constant 1 : i32
        %jit3A_3105 = arith.constant 0 : i32
        %broadcast_in_dim3A_3106 = vector.broadcast %jit3A_3104 : i32 to vector<16xi32>
        %broadcast_in_dim3A_3107 = vector.broadcast %jit3A_3105 : i32 to vector<16xi32>
        %select_n3A_3108 = arith.select %ge3A_3103, %broadcast_in_dim3A_3106, %broadcast_in_dim3A_3107 : vector<16xi1>, vector<16xi32>
        %add3A_3109 = arith.addi %add3A_3099, %select_n3A_3108 : vector<16xi32>
        %get3A_3110 = arith.constant 912 : index
        %get3A_3111 = tpu.vector_load %arg5[%get3A_3110] {strides = array<i32>} : memref<1024xi32, #tpu.memory_space<vmem>>, vector<16xi32>,
        %ge3A_3112 = vector.broadcast %or3A : i32 to vector<16xi32>
        %ge3A_3113 = arith.cmpi sge, %get3A_3111, %ge3A_3112 : vector<16xi32>
        %jit3A_3114 = arith.constant 1 : i32
        %jit3A_3115 = arith.constant 0 : i32
        %broadcast_in_dim3A_3116 = vector.broadcast %jit3A_3114 : i32 to vector<16xi32>
        %broadcast_in_dim3A_3117 = vector.broadcast %jit3A_3115 : i32 to vector<16xi32>
        %select_n3A_3118 = arith.select %ge3A_3113, %broadcast_in_dim3A_3116, %broadcast_in_dim3A_3117 : vector<16xi1>, vector<16xi32>
        %add3A_3119 = arith.addi %add3A_3109, %select_n3A_3118 : vector<16xi32>
        %get3A_3120 = arith.constant 928 : index
        %get3A_3121 = tpu.vector_load %arg5[%get3A_3120] {strides = array<i32>} : memref<1024xi32, #tpu.memory_space<vmem>>, vector<16xi32>,
        %ge3A_3122 = vector.broadcast %or3A : i32 to vector<16xi32>
        %ge3A_3123 = arith.cmpi sge, %get3A_3121, %ge3A_3122 : vector<16xi32>
        %jit3A_3124 = arith.constant 1 : i32
        %jit3A_3125 = arith.constant 0 : i32
        %broadcast_in_dim3A_3126 = vector.broadcast %jit3A_3124 : i32 to vector<16xi32>
        %broadcast_in_dim3A_3127 = vector.broadcast %jit3A_3125 : i32 to vector<16xi32>
        %select_n3A_3128 = arith.select %ge3A_3123, %broadcast_in_dim3A_3126, %broadcast_in_dim3A_3127 : vector<16xi1>, vector<16xi32>
        %add3A_3129 = arith.addi %add3A_3119, %select_n3A_3128 : vector<16xi32>
        %get3A_3130 = arith.constant 944 : index
        %get3A_3131 = tpu.vector_load %arg5[%get3A_3130] {strides = array<i32>} : memref<1024xi32, #tpu.memory_space<vmem>>, vector<16xi32>,
        %ge3A_3132 = vector.broadcast %or3A : i32 to vector<16xi32>
        %ge3A_3133 = arith.cmpi sge, %get3A_3131, %ge3A_3132 : vector<16xi32>
        %jit3A_3134 = arith.constant 1 : i32
        %jit3A_3135 = arith.constant 0 : i32
        %broadcast_in_dim3A_3136 = vector.broadcast %jit3A_3134 : i32 to vector<16xi32>
        %broadcast_in_dim3A_3137 = vector.broadcast %jit3A_3135 : i32 to vector<16xi32>
        %select_n3A_3138 = arith.select %ge3A_3133, %broadcast_in_dim3A_3136, %broadcast_in_dim3A_3137 : vector<16xi1>, vector<16xi32>
        %add3A_3139 = arith.addi %add3A_3129, %select_n3A_3138 : vector<16xi32>
        %get3A_3140 = arith.constant 960 : index
        %get3A_3141 = tpu.vector_load %arg5[%get3A_3140] {strides = array<i32>} : memref<1024xi32, #tpu.memory_space<vmem>>, vector<16xi32>,
        %ge3A_3142 = vector.broadcast %or3A : i32 to vector<16xi32>
        %ge3A_3143 = arith.cmpi sge, %get3A_3141, %ge3A_3142 : vector<16xi32>
        %jit3A_3144 = arith.constant 1 : i32
        %jit3A_3145 = arith.constant 0 : i32
        %broadcast_in_dim3A_3146 = vector.broadcast %jit3A_3144 : i32 to vector<16xi32>
        %broadcast_in_dim3A_3147 = vector.broadcast %jit3A_3145 : i32 to vector<16xi32>
        %select_n3A_3148 = arith.select %ge3A_3143, %broadcast_in_dim3A_3146, %broadcast_in_dim3A_3147 : vector<16xi1>, vector<16xi32>
        %add3A_3149 = arith.addi %add3A_3139, %select_n3A_3148 : vector<16xi32>
        %get3A_3150 = arith.constant 976 : index
        %get3A_3151 = tpu.vector_load %arg5[%get3A_3150] {strides = array<i32>} : memref<1024xi32, #tpu.memory_space<vmem>>, vector<16xi32>,
        %ge3A_3152 = vector.broadcast %or3A : i32 to vector<16xi32>
        %ge3A_3153 = arith.cmpi sge, %get3A_3151, %ge3A_3152 : vector<16xi32>
        %jit3A_3154 = arith.constant 1 : i32
        %jit3A_3155 = arith.constant 0 : i32
        %broadcast_in_dim3A_3156 = vector.broadcast %jit3A_3154 : i32 to vector<16xi32>
        %broadcast_in_dim3A_3157 = vector.broadcast %jit3A_3155 : i32 to vector<16xi32>
        %select_n3A_3158 = arith.select %ge3A_3153, %broadcast_in_dim3A_3156, %broadcast_in_dim3A_3157 : vector<16xi1>, vector<16xi32>
        %add3A_3159 = arith.addi %add3A_3149, %select_n3A_3158 : vector<16xi32>
        %get3A_3160 = arith.constant 992 : index
        %get3A_3161 = tpu.vector_load %arg5[%get3A_3160] {strides = array<i32>} : memref<1024xi32, #tpu.memory_space<vmem>>, vector<16xi32>,
        %ge3A_3162 = vector.broadcast %or3A : i32 to vector<16xi32>
        %ge3A_3163 = arith.cmpi sge, %get3A_3161, %ge3A_3162 : vector<16xi32>
        %jit3A_3164 = arith.constant 1 : i32
        %jit3A_3165 = arith.constant 0 : i32
        %broadcast_in_dim3A_3166 = vector.broadcast %jit3A_3164 : i32 to vector<16xi32>
        %broadcast_in_dim3A_3167 = vector.broadcast %jit3A_3165 : i32 to vector<16xi32>
        %select_n3A_3168 = arith.select %ge3A_3163, %broadcast_in_dim3A_3166, %broadcast_in_dim3A_3167 : vector<16xi1>, vector<16xi32>
        %add3A_3169 = arith.addi %add3A_3159, %select_n3A_3168 : vector<16xi32>
        %get3A_3170 = arith.constant 1008 : index
        %get3A_3171 = tpu.vector_load %arg5[%get3A_3170] {strides = array<i32>} : memref<1024xi32, #tpu.memory_space<vmem>>, vector<16xi32>,
        %ge3A_3172 = vector.broadcast %or3A : i32 to vector<16xi32>
        %ge3A_3173 = arith.cmpi sge, %get3A_3171, %ge3A_3172 : vector<16xi32>
        %jit3A_3174 = arith.constant 1 : i32
        %jit3A_3175 = arith.constant 0 : i32
        %broadcast_in_dim3A_3176 = vector.broadcast %jit3A_3174 : i32 to vector<16xi32>
        %broadcast_in_dim3A_3177 = vector.broadcast %jit3A_3175 : i32 to vector<16xi32>
        %select_n3A_3178 = arith.select %ge3A_3173, %broadcast_in_dim3A_3176, %broadcast_in_dim3A_3177 : vector<16xi1>, vector<16xi32>
        %add3A_3179 = arith.addi %add3A_3169, %select_n3A_3178 : vector<16xi32>
        %reduce_sum3A_3180 = arith.constant true
        %reduce_sum3A_3181 = vector.broadcast %reduce_sum3A_3180 : i1 to vector<16xi1>
        %reduce_sum3A_3182 = tpu.scan <sum>, %add3A_3179 masked %reduce_sum3A_3181 : vector<16xi32>, vector<16xi1> -> vector<16xi32>
        %reduce_sum3A_3183 = vector.extract %reduce_sum3A_3182[15] : i32 from vector<16xi32>
        %ge3A_3184 = arith.constant 716 : i32
        %ge3A_3185 = arith.cmpi sge, %reduce_sum3A_3183, %ge3A_3184 : i32
        %select_n3A_3186 = arith.select %ge3A_3185, %or3A, %scan3A_2534 : i32
        scf.yield %select_n3A_3186 : i32
      }
      %scan3A_1480 = arith.constant 31 : i32
      %broadcast_in_dim3A_1481 = arith.constant 0.000000e+00 : f32
      %broadcast_in_dim3A_1482 = vector.broadcast %broadcast_in_dim3A_1481 : f32 to vector<16xf32>
      %broadcast_in_dim3A_1483 = arith.constant 0 : i32
      %broadcast_in_dim3A_1484 = vector.broadcast %broadcast_in_dim3A_1483 : i32 to vector<16xi32>
      %get3A_1485 = arith.constant 0 : index
      %get3A_1486 = tpu.vector_load %arg5[%get3A_1485] {strides = array<i32>} : memref<1024xi32, #tpu.memory_space<vmem>>, vector<16xi32>,
      %get3A_1487 = arith.constant 0 : index
      %get3A_1488 = tpu.vector_load %arg4[%get3A_1487] {strides = array<i32>} : memref<1024xf32, #tpu.memory_space<vmem>>, vector<16xf32>,
      %gt3A = vector.broadcast %scan3A_1479 : i32 to vector<16xi32>
      %gt3A_1489 = arith.cmpi sgt, %get3A_1486, %gt3A : vector<16xi32>
      %jit3A_1490 = arith.constant 0.000000e+00 : f32
      %broadcast_in_dim3A_1491 = vector.broadcast %jit3A_1490 : f32 to vector<16xf32>
      %select_n3A_1492 = arith.select %gt3A_1489, %get3A_1488, %broadcast_in_dim3A_1491 : vector<16xi1>, vector<16xf32>
      %add3A_1493 = arith.addf %broadcast_in_dim3A_1482, %select_n3A_1492 : vector<16xf32>
      %jit3A_1494 = arith.constant 1 : i32
      %jit3A_1495 = arith.constant 0 : i32
      %broadcast_in_dim3A_1496 = vector.broadcast %jit3A_1494 : i32 to vector<16xi32>
      %broadcast_in_dim3A_1497 = vector.broadcast %jit3A_1495 : i32 to vector<16xi32>
      %select_n3A_1498 = arith.select %gt3A_1489, %broadcast_in_dim3A_1496, %broadcast_in_dim3A_1497 : vector<16xi1>, vector<16xi32>
      %add3A_1499 = arith.addi %broadcast_in_dim3A_1484, %select_n3A_1498 : vector<16xi32>
      %get3A_1500 = arith.constant 16 : index
      %get3A_1501 = tpu.vector_load %arg5[%get3A_1500] {strides = array<i32>} : memref<1024xi32, #tpu.memory_space<vmem>>, vector<16xi32>,
      %get3A_1502 = arith.constant 16 : index
      %get3A_1503 = tpu.vector_load %arg4[%get3A_1502] {strides = array<i32>} : memref<1024xf32, #tpu.memory_space<vmem>>, vector<16xf32>,
      %gt3A_1504 = vector.broadcast %scan3A_1479 : i32 to vector<16xi32>
      %gt3A_1505 = arith.cmpi sgt, %get3A_1501, %gt3A_1504 : vector<16xi32>
      %jit3A_1506 = arith.constant 0.000000e+00 : f32
      %broadcast_in_dim3A_1507 = vector.broadcast %jit3A_1506 : f32 to vector<16xf32>
      %select_n3A_1508 = arith.select %gt3A_1505, %get3A_1503, %broadcast_in_dim3A_1507 : vector<16xi1>, vector<16xf32>
      %add3A_1509 = arith.addf %add3A_1493, %select_n3A_1508 : vector<16xf32>
      %jit3A_1510 = arith.constant 1 : i32
      %jit3A_1511 = arith.constant 0 : i32
      %broadcast_in_dim3A_1512 = vector.broadcast %jit3A_1510 : i32 to vector<16xi32>
      %broadcast_in_dim3A_1513 = vector.broadcast %jit3A_1511 : i32 to vector<16xi32>
      %select_n3A_1514 = arith.select %gt3A_1505, %broadcast_in_dim3A_1512, %broadcast_in_dim3A_1513 : vector<16xi1>, vector<16xi32>
      %add3A_1515 = arith.addi %add3A_1499, %select_n3A_1514 : vector<16xi32>
      %get3A_1516 = arith.constant 32 : index
      %get3A_1517 = tpu.vector_load %arg5[%get3A_1516] {strides = array<i32>} : memref<1024xi32, #tpu.memory_space<vmem>>, vector<16xi32>,
      %get3A_1518 = arith.constant 32 : index
      %get3A_1519 = tpu.vector_load %arg4[%get3A_1518] {strides = array<i32>} : memref<1024xf32, #tpu.memory_space<vmem>>, vector<16xf32>,
      %gt3A_1520 = vector.broadcast %scan3A_1479 : i32 to vector<16xi32>
      %gt3A_1521 = arith.cmpi sgt, %get3A_1517, %gt3A_1520 : vector<16xi32>
      %jit3A_1522 = arith.constant 0.000000e+00 : f32
      %broadcast_in_dim3A_1523 = vector.broadcast %jit3A_1522 : f32 to vector<16xf32>
      %select_n3A_1524 = arith.select %gt3A_1521, %get3A_1519, %broadcast_in_dim3A_1523 : vector<16xi1>, vector<16xf32>
      %add3A_1525 = arith.addf %add3A_1509, %select_n3A_1524 : vector<16xf32>
      %jit3A_1526 = arith.constant 1 : i32
      %jit3A_1527 = arith.constant 0 : i32
      %broadcast_in_dim3A_1528 = vector.broadcast %jit3A_1526 : i32 to vector<16xi32>
      %broadcast_in_dim3A_1529 = vector.broadcast %jit3A_1527 : i32 to vector<16xi32>
      %select_n3A_1530 = arith.select %gt3A_1521, %broadcast_in_dim3A_1528, %broadcast_in_dim3A_1529 : vector<16xi1>, vector<16xi32>
      %add3A_1531 = arith.addi %add3A_1515, %select_n3A_1530 : vector<16xi32>
      %get3A_1532 = arith.constant 48 : index
      %get3A_1533 = tpu.vector_load %arg5[%get3A_1532] {strides = array<i32>} : memref<1024xi32, #tpu.memory_space<vmem>>, vector<16xi32>,
      %get3A_1534 = arith.constant 48 : index
      %get3A_1535 = tpu.vector_load %arg4[%get3A_1534] {strides = array<i32>} : memref<1024xf32, #tpu.memory_space<vmem>>, vector<16xf32>,
      %gt3A_1536 = vector.broadcast %scan3A_1479 : i32 to vector<16xi32>
      %gt3A_1537 = arith.cmpi sgt, %get3A_1533, %gt3A_1536 : vector<16xi32>
      %jit3A_1538 = arith.constant 0.000000e+00 : f32
      %broadcast_in_dim3A_1539 = vector.broadcast %jit3A_1538 : f32 to vector<16xf32>
      %select_n3A_1540 = arith.select %gt3A_1537, %get3A_1535, %broadcast_in_dim3A_1539 : vector<16xi1>, vector<16xf32>
      %add3A_1541 = arith.addf %add3A_1525, %select_n3A_1540 : vector<16xf32>
      %jit3A_1542 = arith.constant 1 : i32
      %jit3A_1543 = arith.constant 0 : i32
      %broadcast_in_dim3A_1544 = vector.broadcast %jit3A_1542 : i32 to vector<16xi32>
      %broadcast_in_dim3A_1545 = vector.broadcast %jit3A_1543 : i32 to vector<16xi32>
      %select_n3A_1546 = arith.select %gt3A_1537, %broadcast_in_dim3A_1544, %broadcast_in_dim3A_1545 : vector<16xi1>, vector<16xi32>
      %add3A_1547 = arith.addi %add3A_1531, %select_n3A_1546 : vector<16xi32>
      %get3A_1548 = arith.constant 64 : index
      %get3A_1549 = tpu.vector_load %arg5[%get3A_1548] {strides = array<i32>} : memref<1024xi32, #tpu.memory_space<vmem>>, vector<16xi32>,
      %get3A_1550 = arith.constant 64 : index
      %get3A_1551 = tpu.vector_load %arg4[%get3A_1550] {strides = array<i32>} : memref<1024xf32, #tpu.memory_space<vmem>>, vector<16xf32>,
      %gt3A_1552 = vector.broadcast %scan3A_1479 : i32 to vector<16xi32>
      %gt3A_1553 = arith.cmpi sgt, %get3A_1549, %gt3A_1552 : vector<16xi32>
      %jit3A_1554 = arith.constant 0.000000e+00 : f32
      %broadcast_in_dim3A_1555 = vector.broadcast %jit3A_1554 : f32 to vector<16xf32>
      %select_n3A_1556 = arith.select %gt3A_1553, %get3A_1551, %broadcast_in_dim3A_1555 : vector<16xi1>, vector<16xf32>
      %add3A_1557 = arith.addf %add3A_1541, %select_n3A_1556 : vector<16xf32>
      %jit3A_1558 = arith.constant 1 : i32
      %jit3A_1559 = arith.constant 0 : i32
      %broadcast_in_dim3A_1560 = vector.broadcast %jit3A_1558 : i32 to vector<16xi32>
      %broadcast_in_dim3A_1561 = vector.broadcast %jit3A_1559 : i32 to vector<16xi32>
      %select_n3A_1562 = arith.select %gt3A_1553, %broadcast_in_dim3A_1560, %broadcast_in_dim3A_1561 : vector<16xi1>, vector<16xi32>
      %add3A_1563 = arith.addi %add3A_1547, %select_n3A_1562 : vector<16xi32>
      %get3A_1564 = arith.constant 80 : index
      %get3A_1565 = tpu.vector_load %arg5[%get3A_1564] {strides = array<i32>} : memref<1024xi32, #tpu.memory_space<vmem>>, vector<16xi32>,
      %get3A_1566 = arith.constant 80 : index
      %get3A_1567 = tpu.vector_load %arg4[%get3A_1566] {strides = array<i32>} : memref<1024xf32, #tpu.memory_space<vmem>>, vector<16xf32>,
      %gt3A_1568 = vector.broadcast %scan3A_1479 : i32 to vector<16xi32>
      %gt3A_1569 = arith.cmpi sgt, %get3A_1565, %gt3A_1568 : vector<16xi32>
      %jit3A_1570 = arith.constant 0.000000e+00 : f32
      %broadcast_in_dim3A_1571 = vector.broadcast %jit3A_1570 : f32 to vector<16xf32>
      %select_n3A_1572 = arith.select %gt3A_1569, %get3A_1567, %broadcast_in_dim3A_1571 : vector<16xi1>, vector<16xf32>
      %add3A_1573 = arith.addf %add3A_1557, %select_n3A_1572 : vector<16xf32>
      %jit3A_1574 = arith.constant 1 : i32
      %jit3A_1575 = arith.constant 0 : i32
      %broadcast_in_dim3A_1576 = vector.broadcast %jit3A_1574 : i32 to vector<16xi32>
      %broadcast_in_dim3A_1577 = vector.broadcast %jit3A_1575 : i32 to vector<16xi32>
      %select_n3A_1578 = arith.select %gt3A_1569, %broadcast_in_dim3A_1576, %broadcast_in_dim3A_1577 : vector<16xi1>, vector<16xi32>
      %add3A_1579 = arith.addi %add3A_1563, %select_n3A_1578 : vector<16xi32>
      %get3A_1580 = arith.constant 96 : index
      %get3A_1581 = tpu.vector_load %arg5[%get3A_1580] {strides = array<i32>} : memref<1024xi32, #tpu.memory_space<vmem>>, vector<16xi32>,
      %get3A_1582 = arith.constant 96 : index
      %get3A_1583 = tpu.vector_load %arg4[%get3A_1582] {strides = array<i32>} : memref<1024xf32, #tpu.memory_space<vmem>>, vector<16xf32>,
      %gt3A_1584 = vector.broadcast %scan3A_1479 : i32 to vector<16xi32>
      %gt3A_1585 = arith.cmpi sgt, %get3A_1581, %gt3A_1584 : vector<16xi32>
      %jit3A_1586 = arith.constant 0.000000e+00 : f32
      %broadcast_in_dim3A_1587 = vector.broadcast %jit3A_1586 : f32 to vector<16xf32>
      %select_n3A_1588 = arith.select %gt3A_1585, %get3A_1583, %broadcast_in_dim3A_1587 : vector<16xi1>, vector<16xf32>
      %add3A_1589 = arith.addf %add3A_1573, %select_n3A_1588 : vector<16xf32>
      %jit3A_1590 = arith.constant 1 : i32
      %jit3A_1591 = arith.constant 0 : i32
      %broadcast_in_dim3A_1592 = vector.broadcast %jit3A_1590 : i32 to vector<16xi32>
      %broadcast_in_dim3A_1593 = vector.broadcast %jit3A_1591 : i32 to vector<16xi32>
      %select_n3A_1594 = arith.select %gt3A_1585, %broadcast_in_dim3A_1592, %broadcast_in_dim3A_1593 : vector<16xi1>, vector<16xi32>
      %add3A_1595 = arith.addi %add3A_1579, %select_n3A_1594 : vector<16xi32>
      %get3A_1596 = arith.constant 112 : index
      %get3A_1597 = tpu.vector_load %arg5[%get3A_1596] {strides = array<i32>} : memref<1024xi32, #tpu.memory_space<vmem>>, vector<16xi32>,
      %get3A_1598 = arith.constant 112 : index
      %get3A_1599 = tpu.vector_load %arg4[%get3A_1598] {strides = array<i32>} : memref<1024xf32, #tpu.memory_space<vmem>>, vector<16xf32>,
      %gt3A_1600 = vector.broadcast %scan3A_1479 : i32 to vector<16xi32>
      %gt3A_1601 = arith.cmpi sgt, %get3A_1597, %gt3A_1600 : vector<16xi32>
      %jit3A_1602 = arith.constant 0.000000e+00 : f32
      %broadcast_in_dim3A_1603 = vector.broadcast %jit3A_1602 : f32 to vector<16xf32>
      %select_n3A_1604 = arith.select %gt3A_1601, %get3A_1599, %broadcast_in_dim3A_1603 : vector<16xi1>, vector<16xf32>
      %add3A_1605 = arith.addf %add3A_1589, %select_n3A_1604 : vector<16xf32>
      %jit3A_1606 = arith.constant 1 : i32
      %jit3A_1607 = arith.constant 0 : i32
      %broadcast_in_dim3A_1608 = vector.broadcast %jit3A_1606 : i32 to vector<16xi32>
      %broadcast_in_dim3A_1609 = vector.broadcast %jit3A_1607 : i32 to vector<16xi32>
      %select_n3A_1610 = arith.select %gt3A_1601, %broadcast_in_dim3A_1608, %broadcast_in_dim3A_1609 : vector<16xi1>, vector<16xi32>
      %add3A_1611 = arith.addi %add3A_1595, %select_n3A_1610 : vector<16xi32>
      %get3A_1612 = arith.constant 128 : index
      %get3A_1613 = tpu.vector_load %arg5[%get3A_1612] {strides = array<i32>} : memref<1024xi32, #tpu.memory_space<vmem>>, vector<16xi32>,
      %get3A_1614 = arith.constant 128 : index
      %get3A_1615 = tpu.vector_load %arg4[%get3A_1614] {strides = array<i32>} : memref<1024xf32, #tpu.memory_space<vmem>>, vector<16xf32>,
      %gt3A_1616 = vector.broadcast %scan3A_1479 : i32 to vector<16xi32>
      %gt3A_1617 = arith.cmpi sgt, %get3A_1613, %gt3A_1616 : vector<16xi32>
      %jit3A_1618 = arith.constant 0.000000e+00 : f32
      %broadcast_in_dim3A_1619 = vector.broadcast %jit3A_1618 : f32 to vector<16xf32>
      %select_n3A_1620 = arith.select %gt3A_1617, %get3A_1615, %broadcast_in_dim3A_1619 : vector<16xi1>, vector<16xf32>
      %add3A_1621 = arith.addf %add3A_1605, %select_n3A_1620 : vector<16xf32>
      %jit3A_1622 = arith.constant 1 : i32
      %jit3A_1623 = arith.constant 0 : i32
      %broadcast_in_dim3A_1624 = vector.broadcast %jit3A_1622 : i32 to vector<16xi32>
      %broadcast_in_dim3A_1625 = vector.broadcast %jit3A_1623 : i32 to vector<16xi32>
      %select_n3A_1626 = arith.select %gt3A_1617, %broadcast_in_dim3A_1624, %broadcast_in_dim3A_1625 : vector<16xi1>, vector<16xi32>
      %add3A_1627 = arith.addi %add3A_1611, %select_n3A_1626 : vector<16xi32>
      %get3A_1628 = arith.constant 144 : index
      %get3A_1629 = tpu.vector_load %arg5[%get3A_1628] {strides = array<i32>} : memref<1024xi32, #tpu.memory_space<vmem>>, vector<16xi32>,
      %get3A_1630 = arith.constant 144 : index
      %get3A_1631 = tpu.vector_load %arg4[%get3A_1630] {strides = array<i32>} : memref<1024xf32, #tpu.memory_space<vmem>>, vector<16xf32>,
      %gt3A_1632 = vector.broadcast %scan3A_1479 : i32 to vector<16xi32>
      %gt3A_1633 = arith.cmpi sgt, %get3A_1629, %gt3A_1632 : vector<16xi32>
      %jit3A_1634 = arith.constant 0.000000e+00 : f32
      %broadcast_in_dim3A_1635 = vector.broadcast %jit3A_1634 : f32 to vector<16xf32>
      %select_n3A_1636 = arith.select %gt3A_1633, %get3A_1631, %broadcast_in_dim3A_1635 : vector<16xi1>, vector<16xf32>
      %add3A_1637 = arith.addf %add3A_1621, %select_n3A_1636 : vector<16xf32>
      %jit3A_1638 = arith.constant 1 : i32
      %jit3A_1639 = arith.constant 0 : i32
      %broadcast_in_dim3A_1640 = vector.broadcast %jit3A_1638 : i32 to vector<16xi32>
      %broadcast_in_dim3A_1641 = vector.broadcast %jit3A_1639 : i32 to vector<16xi32>
      %select_n3A_1642 = arith.select %gt3A_1633, %broadcast_in_dim3A_1640, %broadcast_in_dim3A_1641 : vector<16xi1>, vector<16xi32>
      %add3A_1643 = arith.addi %add3A_1627, %select_n3A_1642 : vector<16xi32>
      %get3A_1644 = arith.constant 160 : index
      %get3A_1645 = tpu.vector_load %arg5[%get3A_1644] {strides = array<i32>} : memref<1024xi32, #tpu.memory_space<vmem>>, vector<16xi32>,
      %get3A_1646 = arith.constant 160 : index
      %get3A_1647 = tpu.vector_load %arg4[%get3A_1646] {strides = array<i32>} : memref<1024xf32, #tpu.memory_space<vmem>>, vector<16xf32>,
      %gt3A_1648 = vector.broadcast %scan3A_1479 : i32 to vector<16xi32>
      %gt3A_1649 = arith.cmpi sgt, %get3A_1645, %gt3A_1648 : vector<16xi32>
      %jit3A_1650 = arith.constant 0.000000e+00 : f32
      %broadcast_in_dim3A_1651 = vector.broadcast %jit3A_1650 : f32 to vector<16xf32>
      %select_n3A_1652 = arith.select %gt3A_1649, %get3A_1647, %broadcast_in_dim3A_1651 : vector<16xi1>, vector<16xf32>
      %add3A_1653 = arith.addf %add3A_1637, %select_n3A_1652 : vector<16xf32>
      %jit3A_1654 = arith.constant 1 : i32
      %jit3A_1655 = arith.constant 0 : i32
      %broadcast_in_dim3A_1656 = vector.broadcast %jit3A_1654 : i32 to vector<16xi32>
      %broadcast_in_dim3A_1657 = vector.broadcast %jit3A_1655 : i32 to vector<16xi32>
      %select_n3A_1658 = arith.select %gt3A_1649, %broadcast_in_dim3A_1656, %broadcast_in_dim3A_1657 : vector<16xi1>, vector<16xi32>
      %add3A_1659 = arith.addi %add3A_1643, %select_n3A_1658 : vector<16xi32>
      %get3A_1660 = arith.constant 176 : index
      %get3A_1661 = tpu.vector_load %arg5[%get3A_1660] {strides = array<i32>} : memref<1024xi32, #tpu.memory_space<vmem>>, vector<16xi32>,
      %get3A_1662 = arith.constant 176 : index
      %get3A_1663 = tpu.vector_load %arg4[%get3A_1662] {strides = array<i32>} : memref<1024xf32, #tpu.memory_space<vmem>>, vector<16xf32>,
      %gt3A_1664 = vector.broadcast %scan3A_1479 : i32 to vector<16xi32>
      %gt3A_1665 = arith.cmpi sgt, %get3A_1661, %gt3A_1664 : vector<16xi32>
      %jit3A_1666 = arith.constant 0.000000e+00 : f32
      %broadcast_in_dim3A_1667 = vector.broadcast %jit3A_1666 : f32 to vector<16xf32>
      %select_n3A_1668 = arith.select %gt3A_1665, %get3A_1663, %broadcast_in_dim3A_1667 : vector<16xi1>, vector<16xf32>
      %add3A_1669 = arith.addf %add3A_1653, %select_n3A_1668 : vector<16xf32>
      %jit3A_1670 = arith.constant 1 : i32
      %jit3A_1671 = arith.constant 0 : i32
      %broadcast_in_dim3A_1672 = vector.broadcast %jit3A_1670 : i32 to vector<16xi32>
      %broadcast_in_dim3A_1673 = vector.broadcast %jit3A_1671 : i32 to vector<16xi32>
      %select_n3A_1674 = arith.select %gt3A_1665, %broadcast_in_dim3A_1672, %broadcast_in_dim3A_1673 : vector<16xi1>, vector<16xi32>
      %add3A_1675 = arith.addi %add3A_1659, %select_n3A_1674 : vector<16xi32>
      %get3A_1676 = arith.constant 192 : index
      %get3A_1677 = tpu.vector_load %arg5[%get3A_1676] {strides = array<i32>} : memref<1024xi32, #tpu.memory_space<vmem>>, vector<16xi32>,
      %get3A_1678 = arith.constant 192 : index
      %get3A_1679 = tpu.vector_load %arg4[%get3A_1678] {strides = array<i32>} : memref<1024xf32, #tpu.memory_space<vmem>>, vector<16xf32>,
      %gt3A_1680 = vector.broadcast %scan3A_1479 : i32 to vector<16xi32>
      %gt3A_1681 = arith.cmpi sgt, %get3A_1677, %gt3A_1680 : vector<16xi32>
      %jit3A_1682 = arith.constant 0.000000e+00 : f32
      %broadcast_in_dim3A_1683 = vector.broadcast %jit3A_1682 : f32 to vector<16xf32>
      %select_n3A_1684 = arith.select %gt3A_1681, %get3A_1679, %broadcast_in_dim3A_1683 : vector<16xi1>, vector<16xf32>
      %add3A_1685 = arith.addf %add3A_1669, %select_n3A_1684 : vector<16xf32>
      %jit3A_1686 = arith.constant 1 : i32
      %jit3A_1687 = arith.constant 0 : i32
      %broadcast_in_dim3A_1688 = vector.broadcast %jit3A_1686 : i32 to vector<16xi32>
      %broadcast_in_dim3A_1689 = vector.broadcast %jit3A_1687 : i32 to vector<16xi32>
      %select_n3A_1690 = arith.select %gt3A_1681, %broadcast_in_dim3A_1688, %broadcast_in_dim3A_1689 : vector<16xi1>, vector<16xi32>
      %add3A_1691 = arith.addi %add3A_1675, %select_n3A_1690 : vector<16xi32>
      %get3A_1692 = arith.constant 208 : index
      %get3A_1693 = tpu.vector_load %arg5[%get3A_1692] {strides = array<i32>} : memref<1024xi32, #tpu.memory_space<vmem>>, vector<16xi32>,
      %get3A_1694 = arith.constant 208 : index
      %get3A_1695 = tpu.vector_load %arg4[%get3A_1694] {strides = array<i32>} : memref<1024xf32, #tpu.memory_space<vmem>>, vector<16xf32>,
      %gt3A_1696 = vector.broadcast %scan3A_1479 : i32 to vector<16xi32>
      %gt3A_1697 = arith.cmpi sgt, %get3A_1693, %gt3A_1696 : vector<16xi32>
      %jit3A_1698 = arith.constant 0.000000e+00 : f32
      %broadcast_in_dim3A_1699 = vector.broadcast %jit3A_1698 : f32 to vector<16xf32>
      %select_n3A_1700 = arith.select %gt3A_1697, %get3A_1695, %broadcast_in_dim3A_1699 : vector<16xi1>, vector<16xf32>
      %add3A_1701 = arith.addf %add3A_1685, %select_n3A_1700 : vector<16xf32>
      %jit3A_1702 = arith.constant 1 : i32
      %jit3A_1703 = arith.constant 0 : i32
      %broadcast_in_dim3A_1704 = vector.broadcast %jit3A_1702 : i32 to vector<16xi32>
      %broadcast_in_dim3A_1705 = vector.broadcast %jit3A_1703 : i32 to vector<16xi32>
      %select_n3A_1706 = arith.select %gt3A_1697, %broadcast_in_dim3A_1704, %broadcast_in_dim3A_1705 : vector<16xi1>, vector<16xi32>
      %add3A_1707 = arith.addi %add3A_1691, %select_n3A_1706 : vector<16xi32>
      %get3A_1708 = arith.constant 224 : index
      %get3A_1709 = tpu.vector_load %arg5[%get3A_1708] {strides = array<i32>} : memref<1024xi32, #tpu.memory_space<vmem>>, vector<16xi32>,
      %get3A_1710 = arith.constant 224 : index
      %get3A_1711 = tpu.vector_load %arg4[%get3A_1710] {strides = array<i32>} : memref<1024xf32, #tpu.memory_space<vmem>>, vector<16xf32>,
      %gt3A_1712 = vector.broadcast %scan3A_1479 : i32 to vector<16xi32>
      %gt3A_1713 = arith.cmpi sgt, %get3A_1709, %gt3A_1712 : vector<16xi32>
      %jit3A_1714 = arith.constant 0.000000e+00 : f32
      %broadcast_in_dim3A_1715 = vector.broadcast %jit3A_1714 : f32 to vector<16xf32>
      %select_n3A_1716 = arith.select %gt3A_1713, %get3A_1711, %broadcast_in_dim3A_1715 : vector<16xi1>, vector<16xf32>
      %add3A_1717 = arith.addf %add3A_1701, %select_n3A_1716 : vector<16xf32>
      %jit3A_1718 = arith.constant 1 : i32
      %jit3A_1719 = arith.constant 0 : i32
      %broadcast_in_dim3A_1720 = vector.broadcast %jit3A_1718 : i32 to vector<16xi32>
      %broadcast_in_dim3A_1721 = vector.broadcast %jit3A_1719 : i32 to vector<16xi32>
      %select_n3A_1722 = arith.select %gt3A_1713, %broadcast_in_dim3A_1720, %broadcast_in_dim3A_1721 : vector<16xi1>, vector<16xi32>
      %add3A_1723 = arith.addi %add3A_1707, %select_n3A_1722 : vector<16xi32>
      %get3A_1724 = arith.constant 240 : index
      %get3A_1725 = tpu.vector_load %arg5[%get3A_1724] {strides = array<i32>} : memref<1024xi32, #tpu.memory_space<vmem>>, vector<16xi32>,
      %get3A_1726 = arith.constant 240 : index
      %get3A_1727 = tpu.vector_load %arg4[%get3A_1726] {strides = array<i32>} : memref<1024xf32, #tpu.memory_space<vmem>>, vector<16xf32>,
      %gt3A_1728 = vector.broadcast %scan3A_1479 : i32 to vector<16xi32>
      %gt3A_1729 = arith.cmpi sgt, %get3A_1725, %gt3A_1728 : vector<16xi32>
      %jit3A_1730 = arith.constant 0.000000e+00 : f32
      %broadcast_in_dim3A_1731 = vector.broadcast %jit3A_1730 : f32 to vector<16xf32>
      %select_n3A_1732 = arith.select %gt3A_1729, %get3A_1727, %broadcast_in_dim3A_1731 : vector<16xi1>, vector<16xf32>
      %add3A_1733 = arith.addf %add3A_1717, %select_n3A_1732 : vector<16xf32>
      %jit3A_1734 = arith.constant 1 : i32
      %jit3A_1735 = arith.constant 0 : i32
      %broadcast_in_dim3A_1736 = vector.broadcast %jit3A_1734 : i32 to vector<16xi32>
      %broadcast_in_dim3A_1737 = vector.broadcast %jit3A_1735 : i32 to vector<16xi32>
      %select_n3A_1738 = arith.select %gt3A_1729, %broadcast_in_dim3A_1736, %broadcast_in_dim3A_1737 : vector<16xi1>, vector<16xi32>
      %add3A_1739 = arith.addi %add3A_1723, %select_n3A_1738 : vector<16xi32>
      %get3A_1740 = arith.constant 256 : index
      %get3A_1741 = tpu.vector_load %arg5[%get3A_1740] {strides = array<i32>} : memref<1024xi32, #tpu.memory_space<vmem>>, vector<16xi32>,
      %get3A_1742 = arith.constant 256 : index
      %get3A_1743 = tpu.vector_load %arg4[%get3A_1742] {strides = array<i32>} : memref<1024xf32, #tpu.memory_space<vmem>>, vector<16xf32>,
      %gt3A_1744 = vector.broadcast %scan3A_1479 : i32 to vector<16xi32>
      %gt3A_1745 = arith.cmpi sgt, %get3A_1741, %gt3A_1744 : vector<16xi32>
      %jit3A_1746 = arith.constant 0.000000e+00 : f32
      %broadcast_in_dim3A_1747 = vector.broadcast %jit3A_1746 : f32 to vector<16xf32>
      %select_n3A_1748 = arith.select %gt3A_1745, %get3A_1743, %broadcast_in_dim3A_1747 : vector<16xi1>, vector<16xf32>
      %add3A_1749 = arith.addf %add3A_1733, %select_n3A_1748 : vector<16xf32>
      %jit3A_1750 = arith.constant 1 : i32
      %jit3A_1751 = arith.constant 0 : i32
      %broadcast_in_dim3A_1752 = vector.broadcast %jit3A_1750 : i32 to vector<16xi32>
      %broadcast_in_dim3A_1753 = vector.broadcast %jit3A_1751 : i32 to vector<16xi32>
      %select_n3A_1754 = arith.select %gt3A_1745, %broadcast_in_dim3A_1752, %broadcast_in_dim3A_1753 : vector<16xi1>, vector<16xi32>
      %add3A_1755 = arith.addi %add3A_1739, %select_n3A_1754 : vector<16xi32>
      %get3A_1756 = arith.constant 272 : index
      %get3A_1757 = tpu.vector_load %arg5[%get3A_1756] {strides = array<i32>} : memref<1024xi32, #tpu.memory_space<vmem>>, vector<16xi32>,
      %get3A_1758 = arith.constant 272 : index
      %get3A_1759 = tpu.vector_load %arg4[%get3A_1758] {strides = array<i32>} : memref<1024xf32, #tpu.memory_space<vmem>>, vector<16xf32>,
      %gt3A_1760 = vector.broadcast %scan3A_1479 : i32 to vector<16xi32>
      %gt3A_1761 = arith.cmpi sgt, %get3A_1757, %gt3A_1760 : vector<16xi32>
      %jit3A_1762 = arith.constant 0.000000e+00 : f32
      %broadcast_in_dim3A_1763 = vector.broadcast %jit3A_1762 : f32 to vector<16xf32>
      %select_n3A_1764 = arith.select %gt3A_1761, %get3A_1759, %broadcast_in_dim3A_1763 : vector<16xi1>, vector<16xf32>
      %add3A_1765 = arith.addf %add3A_1749, %select_n3A_1764 : vector<16xf32>
      %jit3A_1766 = arith.constant 1 : i32
      %jit3A_1767 = arith.constant 0 : i32
      %broadcast_in_dim3A_1768 = vector.broadcast %jit3A_1766 : i32 to vector<16xi32>
      %broadcast_in_dim3A_1769 = vector.broadcast %jit3A_1767 : i32 to vector<16xi32>
      %select_n3A_1770 = arith.select %gt3A_1761, %broadcast_in_dim3A_1768, %broadcast_in_dim3A_1769 : vector<16xi1>, vector<16xi32>
      %add3A_1771 = arith.addi %add3A_1755, %select_n3A_1770 : vector<16xi32>
      %get3A_1772 = arith.constant 288 : index
      %get3A_1773 = tpu.vector_load %arg5[%get3A_1772] {strides = array<i32>} : memref<1024xi32, #tpu.memory_space<vmem>>, vector<16xi32>,
      %get3A_1774 = arith.constant 288 : index
      %get3A_1775 = tpu.vector_load %arg4[%get3A_1774] {strides = array<i32>} : memref<1024xf32, #tpu.memory_space<vmem>>, vector<16xf32>,
      %gt3A_1776 = vector.broadcast %scan3A_1479 : i32 to vector<16xi32>
      %gt3A_1777 = arith.cmpi sgt, %get3A_1773, %gt3A_1776 : vector<16xi32>
      %jit3A_1778 = arith.constant 0.000000e+00 : f32
      %broadcast_in_dim3A_1779 = vector.broadcast %jit3A_1778 : f32 to vector<16xf32>
      %select_n3A_1780 = arith.select %gt3A_1777, %get3A_1775, %broadcast_in_dim3A_1779 : vector<16xi1>, vector<16xf32>
      %add3A_1781 = arith.addf %add3A_1765, %select_n3A_1780 : vector<16xf32>
      %jit3A_1782 = arith.constant 1 : i32
      %jit3A_1783 = arith.constant 0 : i32
      %broadcast_in_dim3A_1784 = vector.broadcast %jit3A_1782 : i32 to vector<16xi32>
      %broadcast_in_dim3A_1785 = vector.broadcast %jit3A_1783 : i32 to vector<16xi32>
      %select_n3A_1786 = arith.select %gt3A_1777, %broadcast_in_dim3A_1784, %broadcast_in_dim3A_1785 : vector<16xi1>, vector<16xi32>
      %add3A_1787 = arith.addi %add3A_1771, %select_n3A_1786 : vector<16xi32>
      %get3A_1788 = arith.constant 304 : index
      %get3A_1789 = tpu.vector_load %arg5[%get3A_1788] {strides = array<i32>} : memref<1024xi32, #tpu.memory_space<vmem>>, vector<16xi32>,
      %get3A_1790 = arith.constant 304 : index
      %get3A_1791 = tpu.vector_load %arg4[%get3A_1790] {strides = array<i32>} : memref<1024xf32, #tpu.memory_space<vmem>>, vector<16xf32>,
      %gt3A_1792 = vector.broadcast %scan3A_1479 : i32 to vector<16xi32>
      %gt3A_1793 = arith.cmpi sgt, %get3A_1789, %gt3A_1792 : vector<16xi32>
      %jit3A_1794 = arith.constant 0.000000e+00 : f32
      %broadcast_in_dim3A_1795 = vector.broadcast %jit3A_1794 : f32 to vector<16xf32>
      %select_n3A_1796 = arith.select %gt3A_1793, %get3A_1791, %broadcast_in_dim3A_1795 : vector<16xi1>, vector<16xf32>
      %add3A_1797 = arith.addf %add3A_1781, %select_n3A_1796 : vector<16xf32>
      %jit3A_1798 = arith.constant 1 : i32
      %jit3A_1799 = arith.constant 0 : i32
      %broadcast_in_dim3A_1800 = vector.broadcast %jit3A_1798 : i32 to vector<16xi32>
      %broadcast_in_dim3A_1801 = vector.broadcast %jit3A_1799 : i32 to vector<16xi32>
      %select_n3A_1802 = arith.select %gt3A_1793, %broadcast_in_dim3A_1800, %broadcast_in_dim3A_1801 : vector<16xi1>, vector<16xi32>
      %add3A_1803 = arith.addi %add3A_1787, %select_n3A_1802 : vector<16xi32>
      %get3A_1804 = arith.constant 320 : index
      %get3A_1805 = tpu.vector_load %arg5[%get3A_1804] {strides = array<i32>} : memref<1024xi32, #tpu.memory_space<vmem>>, vector<16xi32>,
      %get3A_1806 = arith.constant 320 : index
      %get3A_1807 = tpu.vector_load %arg4[%get3A_1806] {strides = array<i32>} : memref<1024xf32, #tpu.memory_space<vmem>>, vector<16xf32>,
      %gt3A_1808 = vector.broadcast %scan3A_1479 : i32 to vector<16xi32>
      %gt3A_1809 = arith.cmpi sgt, %get3A_1805, %gt3A_1808 : vector<16xi32>
      %jit3A_1810 = arith.constant 0.000000e+00 : f32
      %broadcast_in_dim3A_1811 = vector.broadcast %jit3A_1810 : f32 to vector<16xf32>
      %select_n3A_1812 = arith.select %gt3A_1809, %get3A_1807, %broadcast_in_dim3A_1811 : vector<16xi1>, vector<16xf32>
      %add3A_1813 = arith.addf %add3A_1797, %select_n3A_1812 : vector<16xf32>
      %jit3A_1814 = arith.constant 1 : i32
      %jit3A_1815 = arith.constant 0 : i32
      %broadcast_in_dim3A_1816 = vector.broadcast %jit3A_1814 : i32 to vector<16xi32>
      %broadcast_in_dim3A_1817 = vector.broadcast %jit3A_1815 : i32 to vector<16xi32>
      %select_n3A_1818 = arith.select %gt3A_1809, %broadcast_in_dim3A_1816, %broadcast_in_dim3A_1817 : vector<16xi1>, vector<16xi32>
      %add3A_1819 = arith.addi %add3A_1803, %select_n3A_1818 : vector<16xi32>
      %get3A_1820 = arith.constant 336 : index
      %get3A_1821 = tpu.vector_load %arg5[%get3A_1820] {strides = array<i32>} : memref<1024xi32, #tpu.memory_space<vmem>>, vector<16xi32>,
      %get3A_1822 = arith.constant 336 : index
      %get3A_1823 = tpu.vector_load %arg4[%get3A_1822] {strides = array<i32>} : memref<1024xf32, #tpu.memory_space<vmem>>, vector<16xf32>,
      %gt3A_1824 = vector.broadcast %scan3A_1479 : i32 to vector<16xi32>
      %gt3A_1825 = arith.cmpi sgt, %get3A_1821, %gt3A_1824 : vector<16xi32>
      %jit3A_1826 = arith.constant 0.000000e+00 : f32
      %broadcast_in_dim3A_1827 = vector.broadcast %jit3A_1826 : f32 to vector<16xf32>
      %select_n3A_1828 = arith.select %gt3A_1825, %get3A_1823, %broadcast_in_dim3A_1827 : vector<16xi1>, vector<16xf32>
      %add3A_1829 = arith.addf %add3A_1813, %select_n3A_1828 : vector<16xf32>
      %jit3A_1830 = arith.constant 1 : i32
      %jit3A_1831 = arith.constant 0 : i32
      %broadcast_in_dim3A_1832 = vector.broadcast %jit3A_1830 : i32 to vector<16xi32>
      %broadcast_in_dim3A_1833 = vector.broadcast %jit3A_1831 : i32 to vector<16xi32>
      %select_n3A_1834 = arith.select %gt3A_1825, %broadcast_in_dim3A_1832, %broadcast_in_dim3A_1833 : vector<16xi1>, vector<16xi32>
      %add3A_1835 = arith.addi %add3A_1819, %select_n3A_1834 : vector<16xi32>
      %get3A_1836 = arith.constant 352 : index
      %get3A_1837 = tpu.vector_load %arg5[%get3A_1836] {strides = array<i32>} : memref<1024xi32, #tpu.memory_space<vmem>>, vector<16xi32>,
      %get3A_1838 = arith.constant 352 : index
      %get3A_1839 = tpu.vector_load %arg4[%get3A_1838] {strides = array<i32>} : memref<1024xf32, #tpu.memory_space<vmem>>, vector<16xf32>,
      %gt3A_1840 = vector.broadcast %scan3A_1479 : i32 to vector<16xi32>
      %gt3A_1841 = arith.cmpi sgt, %get3A_1837, %gt3A_1840 : vector<16xi32>
      %jit3A_1842 = arith.constant 0.000000e+00 : f32
      %broadcast_in_dim3A_1843 = vector.broadcast %jit3A_1842 : f32 to vector<16xf32>
      %select_n3A_1844 = arith.select %gt3A_1841, %get3A_1839, %broadcast_in_dim3A_1843 : vector<16xi1>, vector<16xf32>
      %add3A_1845 = arith.addf %add3A_1829, %select_n3A_1844 : vector<16xf32>
      %jit3A_1846 = arith.constant 1 : i32
      %jit3A_1847 = arith.constant 0 : i32
      %broadcast_in_dim3A_1848 = vector.broadcast %jit3A_1846 : i32 to vector<16xi32>
      %broadcast_in_dim3A_1849 = vector.broadcast %jit3A_1847 : i32 to vector<16xi32>
      %select_n3A_1850 = arith.select %gt3A_1841, %broadcast_in_dim3A_1848, %broadcast_in_dim3A_1849 : vector<16xi1>, vector<16xi32>
      %add3A_1851 = arith.addi %add3A_1835, %select_n3A_1850 : vector<16xi32>
      %get3A_1852 = arith.constant 368 : index
      %get3A_1853 = tpu.vector_load %arg5[%get3A_1852] {strides = array<i32>} : memref<1024xi32, #tpu.memory_space<vmem>>, vector<16xi32>,
      %get3A_1854 = arith.constant 368 : index
      %get3A_1855 = tpu.vector_load %arg4[%get3A_1854] {strides = array<i32>} : memref<1024xf32, #tpu.memory_space<vmem>>, vector<16xf32>,
      %gt3A_1856 = vector.broadcast %scan3A_1479 : i32 to vector<16xi32>
      %gt3A_1857 = arith.cmpi sgt, %get3A_1853, %gt3A_1856 : vector<16xi32>
      %jit3A_1858 = arith.constant 0.000000e+00 : f32
      %broadcast_in_dim3A_1859 = vector.broadcast %jit3A_1858 : f32 to vector<16xf32>
      %select_n3A_1860 = arith.select %gt3A_1857, %get3A_1855, %broadcast_in_dim3A_1859 : vector<16xi1>, vector<16xf32>
      %add3A_1861 = arith.addf %add3A_1845, %select_n3A_1860 : vector<16xf32>
      %jit3A_1862 = arith.constant 1 : i32
      %jit3A_1863 = arith.constant 0 : i32
      %broadcast_in_dim3A_1864 = vector.broadcast %jit3A_1862 : i32 to vector<16xi32>
      %broadcast_in_dim3A_1865 = vector.broadcast %jit3A_1863 : i32 to vector<16xi32>
      %select_n3A_1866 = arith.select %gt3A_1857, %broadcast_in_dim3A_1864, %broadcast_in_dim3A_1865 : vector<16xi1>, vector<16xi32>
      %add3A_1867 = arith.addi %add3A_1851, %select_n3A_1866 : vector<16xi32>
      %get3A_1868 = arith.constant 384 : index
      %get3A_1869 = tpu.vector_load %arg5[%get3A_1868] {strides = array<i32>} : memref<1024xi32, #tpu.memory_space<vmem>>, vector<16xi32>,
      %get3A_1870 = arith.constant 384 : index
      %get3A_1871 = tpu.vector_load %arg4[%get3A_1870] {strides = array<i32>} : memref<1024xf32, #tpu.memory_space<vmem>>, vector<16xf32>,
      %gt3A_1872 = vector.broadcast %scan3A_1479 : i32 to vector<16xi32>
      %gt3A_1873 = arith.cmpi sgt, %get3A_1869, %gt3A_1872 : vector<16xi32>
      %jit3A_1874 = arith.constant 0.000000e+00 : f32
      %broadcast_in_dim3A_1875 = vector.broadcast %jit3A_1874 : f32 to vector<16xf32>
      %select_n3A_1876 = arith.select %gt3A_1873, %get3A_1871, %broadcast_in_dim3A_1875 : vector<16xi1>, vector<16xf32>
      %add3A_1877 = arith.addf %add3A_1861, %select_n3A_1876 : vector<16xf32>
      %jit3A_1878 = arith.constant 1 : i32
      %jit3A_1879 = arith.constant 0 : i32
      %broadcast_in_dim3A_1880 = vector.broadcast %jit3A_1878 : i32 to vector<16xi32>
      %broadcast_in_dim3A_1881 = vector.broadcast %jit3A_1879 : i32 to vector<16xi32>
      %select_n3A_1882 = arith.select %gt3A_1873, %broadcast_in_dim3A_1880, %broadcast_in_dim3A_1881 : vector<16xi1>, vector<16xi32>
      %add3A_1883 = arith.addi %add3A_1867, %select_n3A_1882 : vector<16xi32>
      %get3A_1884 = arith.constant 400 : index
      %get3A_1885 = tpu.vector_load %arg5[%get3A_1884] {strides = array<i32>} : memref<1024xi32, #tpu.memory_space<vmem>>, vector<16xi32>,
      %get3A_1886 = arith.constant 400 : index
      %get3A_1887 = tpu.vector_load %arg4[%get3A_1886] {strides = array<i32>} : memref<1024xf32, #tpu.memory_space<vmem>>, vector<16xf32>,
      %gt3A_1888 = vector.broadcast %scan3A_1479 : i32 to vector<16xi32>
      %gt3A_1889 = arith.cmpi sgt, %get3A_1885, %gt3A_1888 : vector<16xi32>
      %jit3A_1890 = arith.constant 0.000000e+00 : f32
      %broadcast_in_dim3A_1891 = vector.broadcast %jit3A_1890 : f32 to vector<16xf32>
      %select_n3A_1892 = arith.select %gt3A_1889, %get3A_1887, %broadcast_in_dim3A_1891 : vector<16xi1>, vector<16xf32>
      %add3A_1893 = arith.addf %add3A_1877, %select_n3A_1892 : vector<16xf32>
      %jit3A_1894 = arith.constant 1 : i32
      %jit3A_1895 = arith.constant 0 : i32
      %broadcast_in_dim3A_1896 = vector.broadcast %jit3A_1894 : i32 to vector<16xi32>
      %broadcast_in_dim3A_1897 = vector.broadcast %jit3A_1895 : i32 to vector<16xi32>
      %select_n3A_1898 = arith.select %gt3A_1889, %broadcast_in_dim3A_1896, %broadcast_in_dim3A_1897 : vector<16xi1>, vector<16xi32>
      %add3A_1899 = arith.addi %add3A_1883, %select_n3A_1898 : vector<16xi32>
      %get3A_1900 = arith.constant 416 : index
      %get3A_1901 = tpu.vector_load %arg5[%get3A_1900] {strides = array<i32>} : memref<1024xi32, #tpu.memory_space<vmem>>, vector<16xi32>,
      %get3A_1902 = arith.constant 416 : index
      %get3A_1903 = tpu.vector_load %arg4[%get3A_1902] {strides = array<i32>} : memref<1024xf32, #tpu.memory_space<vmem>>, vector<16xf32>,
      %gt3A_1904 = vector.broadcast %scan3A_1479 : i32 to vector<16xi32>
      %gt3A_1905 = arith.cmpi sgt, %get3A_1901, %gt3A_1904 : vector<16xi32>
      %jit3A_1906 = arith.constant 0.000000e+00 : f32
      %broadcast_in_dim3A_1907 = vector.broadcast %jit3A_1906 : f32 to vector<16xf32>
      %select_n3A_1908 = arith.select %gt3A_1905, %get3A_1903, %broadcast_in_dim3A_1907 : vector<16xi1>, vector<16xf32>
      %add3A_1909 = arith.addf %add3A_1893, %select_n3A_1908 : vector<16xf32>
      %jit3A_1910 = arith.constant 1 : i32
      %jit3A_1911 = arith.constant 0 : i32
      %broadcast_in_dim3A_1912 = vector.broadcast %jit3A_1910 : i32 to vector<16xi32>
      %broadcast_in_dim3A_1913 = vector.broadcast %jit3A_1911 : i32 to vector<16xi32>
      %select_n3A_1914 = arith.select %gt3A_1905, %broadcast_in_dim3A_1912, %broadcast_in_dim3A_1913 : vector<16xi1>, vector<16xi32>
      %add3A_1915 = arith.addi %add3A_1899, %select_n3A_1914 : vector<16xi32>
      %get3A_1916 = arith.constant 432 : index
      %get3A_1917 = tpu.vector_load %arg5[%get3A_1916] {strides = array<i32>} : memref<1024xi32, #tpu.memory_space<vmem>>, vector<16xi32>,
      %get3A_1918 = arith.constant 432 : index
      %get3A_1919 = tpu.vector_load %arg4[%get3A_1918] {strides = array<i32>} : memref<1024xf32, #tpu.memory_space<vmem>>, vector<16xf32>,
      %gt3A_1920 = vector.broadcast %scan3A_1479 : i32 to vector<16xi32>
      %gt3A_1921 = arith.cmpi sgt, %get3A_1917, %gt3A_1920 : vector<16xi32>
      %jit3A_1922 = arith.constant 0.000000e+00 : f32
      %broadcast_in_dim3A_1923 = vector.broadcast %jit3A_1922 : f32 to vector<16xf32>
      %select_n3A_1924 = arith.select %gt3A_1921, %get3A_1919, %broadcast_in_dim3A_1923 : vector<16xi1>, vector<16xf32>
      %add3A_1925 = arith.addf %add3A_1909, %select_n3A_1924 : vector<16xf32>
      %jit3A_1926 = arith.constant 1 : i32
      %jit3A_1927 = arith.constant 0 : i32
      %broadcast_in_dim3A_1928 = vector.broadcast %jit3A_1926 : i32 to vector<16xi32>
      %broadcast_in_dim3A_1929 = vector.broadcast %jit3A_1927 : i32 to vector<16xi32>
      %select_n3A_1930 = arith.select %gt3A_1921, %broadcast_in_dim3A_1928, %broadcast_in_dim3A_1929 : vector<16xi1>, vector<16xi32>
      %add3A_1931 = arith.addi %add3A_1915, %select_n3A_1930 : vector<16xi32>
      %get3A_1932 = arith.constant 448 : index
      %get3A_1933 = tpu.vector_load %arg5[%get3A_1932] {strides = array<i32>} : memref<1024xi32, #tpu.memory_space<vmem>>, vector<16xi32>,
      %get3A_1934 = arith.constant 448 : index
      %get3A_1935 = tpu.vector_load %arg4[%get3A_1934] {strides = array<i32>} : memref<1024xf32, #tpu.memory_space<vmem>>, vector<16xf32>,
      %gt3A_1936 = vector.broadcast %scan3A_1479 : i32 to vector<16xi32>
      %gt3A_1937 = arith.cmpi sgt, %get3A_1933, %gt3A_1936 : vector<16xi32>
      %jit3A_1938 = arith.constant 0.000000e+00 : f32
      %broadcast_in_dim3A_1939 = vector.broadcast %jit3A_1938 : f32 to vector<16xf32>
      %select_n3A_1940 = arith.select %gt3A_1937, %get3A_1935, %broadcast_in_dim3A_1939 : vector<16xi1>, vector<16xf32>
      %add3A_1941 = arith.addf %add3A_1925, %select_n3A_1940 : vector<16xf32>
      %jit3A_1942 = arith.constant 1 : i32
      %jit3A_1943 = arith.constant 0 : i32
      %broadcast_in_dim3A_1944 = vector.broadcast %jit3A_1942 : i32 to vector<16xi32>
      %broadcast_in_dim3A_1945 = vector.broadcast %jit3A_1943 : i32 to vector<16xi32>
      %select_n3A_1946 = arith.select %gt3A_1937, %broadcast_in_dim3A_1944, %broadcast_in_dim3A_1945 : vector<16xi1>, vector<16xi32>
      %add3A_1947 = arith.addi %add3A_1931, %select_n3A_1946 : vector<16xi32>
      %get3A_1948 = arith.constant 464 : index
      %get3A_1949 = tpu.vector_load %arg5[%get3A_1948] {strides = array<i32>} : memref<1024xi32, #tpu.memory_space<vmem>>, vector<16xi32>,
      %get3A_1950 = arith.constant 464 : index
      %get3A_1951 = tpu.vector_load %arg4[%get3A_1950] {strides = array<i32>} : memref<1024xf32, #tpu.memory_space<vmem>>, vector<16xf32>,
      %gt3A_1952 = vector.broadcast %scan3A_1479 : i32 to vector<16xi32>
      %gt3A_1953 = arith.cmpi sgt, %get3A_1949, %gt3A_1952 : vector<16xi32>
      %jit3A_1954 = arith.constant 0.000000e+00 : f32
      %broadcast_in_dim3A_1955 = vector.broadcast %jit3A_1954 : f32 to vector<16xf32>
      %select_n3A_1956 = arith.select %gt3A_1953, %get3A_1951, %broadcast_in_dim3A_1955 : vector<16xi1>, vector<16xf32>
      %add3A_1957 = arith.addf %add3A_1941, %select_n3A_1956 : vector<16xf32>
      %jit3A_1958 = arith.constant 1 : i32
      %jit3A_1959 = arith.constant 0 : i32
      %broadcast_in_dim3A_1960 = vector.broadcast %jit3A_1958 : i32 to vector<16xi32>
      %broadcast_in_dim3A_1961 = vector.broadcast %jit3A_1959 : i32 to vector<16xi32>
      %select_n3A_1962 = arith.select %gt3A_1953, %broadcast_in_dim3A_1960, %broadcast_in_dim3A_1961 : vector<16xi1>, vector<16xi32>
      %add3A_1963 = arith.addi %add3A_1947, %select_n3A_1962 : vector<16xi32>
      %get3A_1964 = arith.constant 480 : index
      %get3A_1965 = tpu.vector_load %arg5[%get3A_1964] {strides = array<i32>} : memref<1024xi32, #tpu.memory_space<vmem>>, vector<16xi32>,
      %get3A_1966 = arith.constant 480 : index
      %get3A_1967 = tpu.vector_load %arg4[%get3A_1966] {strides = array<i32>} : memref<1024xf32, #tpu.memory_space<vmem>>, vector<16xf32>,
      %gt3A_1968 = vector.broadcast %scan3A_1479 : i32 to vector<16xi32>
      %gt3A_1969 = arith.cmpi sgt, %get3A_1965, %gt3A_1968 : vector<16xi32>
      %jit3A_1970 = arith.constant 0.000000e+00 : f32
      %broadcast_in_dim3A_1971 = vector.broadcast %jit3A_1970 : f32 to vector<16xf32>
      %select_n3A_1972 = arith.select %gt3A_1969, %get3A_1967, %broadcast_in_dim3A_1971 : vector<16xi1>, vector<16xf32>
      %add3A_1973 = arith.addf %add3A_1957, %select_n3A_1972 : vector<16xf32>
      %jit3A_1974 = arith.constant 1 : i32
      %jit3A_1975 = arith.constant 0 : i32
      %broadcast_in_dim3A_1976 = vector.broadcast %jit3A_1974 : i32 to vector<16xi32>
      %broadcast_in_dim3A_1977 = vector.broadcast %jit3A_1975 : i32 to vector<16xi32>
      %select_n3A_1978 = arith.select %gt3A_1969, %broadcast_in_dim3A_1976, %broadcast_in_dim3A_1977 : vector<16xi1>, vector<16xi32>
      %add3A_1979 = arith.addi %add3A_1963, %select_n3A_1978 : vector<16xi32>
      %get3A_1980 = arith.constant 496 : index
      %get3A_1981 = tpu.vector_load %arg5[%get3A_1980] {strides = array<i32>} : memref<1024xi32, #tpu.memory_space<vmem>>, vector<16xi32>,
      %get3A_1982 = arith.constant 496 : index
      %get3A_1983 = tpu.vector_load %arg4[%get3A_1982] {strides = array<i32>} : memref<1024xf32, #tpu.memory_space<vmem>>, vector<16xf32>,
      %gt3A_1984 = vector.broadcast %scan3A_1479 : i32 to vector<16xi32>
      %gt3A_1985 = arith.cmpi sgt, %get3A_1981, %gt3A_1984 : vector<16xi32>
      %jit3A_1986 = arith.constant 0.000000e+00 : f32
      %broadcast_in_dim3A_1987 = vector.broadcast %jit3A_1986 : f32 to vector<16xf32>
      %select_n3A_1988 = arith.select %gt3A_1985, %get3A_1983, %broadcast_in_dim3A_1987 : vector<16xi1>, vector<16xf32>
      %add3A_1989 = arith.addf %add3A_1973, %select_n3A_1988 : vector<16xf32>
      %jit3A_1990 = arith.constant 1 : i32
      %jit3A_1991 = arith.constant 0 : i32
      %broadcast_in_dim3A_1992 = vector.broadcast %jit3A_1990 : i32 to vector<16xi32>
      %broadcast_in_dim3A_1993 = vector.broadcast %jit3A_1991 : i32 to vector<16xi32>
      %select_n3A_1994 = arith.select %gt3A_1985, %broadcast_in_dim3A_1992, %broadcast_in_dim3A_1993 : vector<16xi1>, vector<16xi32>
      %add3A_1995 = arith.addi %add3A_1979, %select_n3A_1994 : vector<16xi32>
      %get3A_1996 = arith.constant 512 : index
      %get3A_1997 = tpu.vector_load %arg5[%get3A_1996] {strides = array<i32>} : memref<1024xi32, #tpu.memory_space<vmem>>, vector<16xi32>,
      %get3A_1998 = arith.constant 512 : index
      %get3A_1999 = tpu.vector_load %arg4[%get3A_1998] {strides = array<i32>} : memref<1024xf32, #tpu.memory_space<vmem>>, vector<16xf32>,
      %gt3A_2000 = vector.broadcast %scan3A_1479 : i32 to vector<16xi32>
      %gt3A_2001 = arith.cmpi sgt, %get3A_1997, %gt3A_2000 : vector<16xi32>
      %jit3A_2002 = arith.constant 0.000000e+00 : f32
      %broadcast_in_dim3A_2003 = vector.broadcast %jit3A_2002 : f32 to vector<16xf32>
      %select_n3A_2004 = arith.select %gt3A_2001, %get3A_1999, %broadcast_in_dim3A_2003 : vector<16xi1>, vector<16xf32>
      %add3A_2005 = arith.addf %add3A_1989, %select_n3A_2004 : vector<16xf32>
      %jit3A_2006 = arith.constant 1 : i32
      %jit3A_2007 = arith.constant 0 : i32
      %broadcast_in_dim3A_2008 = vector.broadcast %jit3A_2006 : i32 to vector<16xi32>
      %broadcast_in_dim3A_2009 = vector.broadcast %jit3A_2007 : i32 to vector<16xi32>
      %select_n3A_2010 = arith.select %gt3A_2001, %broadcast_in_dim3A_2008, %broadcast_in_dim3A_2009 : vector<16xi1>, vector<16xi32>
      %add3A_2011 = arith.addi %add3A_1995, %select_n3A_2010 : vector<16xi32>
      %get3A_2012 = arith.constant 528 : index
      %get3A_2013 = tpu.vector_load %arg5[%get3A_2012] {strides = array<i32>} : memref<1024xi32, #tpu.memory_space<vmem>>, vector<16xi32>,
      %get3A_2014 = arith.constant 528 : index
      %get3A_2015 = tpu.vector_load %arg4[%get3A_2014] {strides = array<i32>} : memref<1024xf32, #tpu.memory_space<vmem>>, vector<16xf32>,
      %gt3A_2016 = vector.broadcast %scan3A_1479 : i32 to vector<16xi32>
      %gt3A_2017 = arith.cmpi sgt, %get3A_2013, %gt3A_2016 : vector<16xi32>
      %jit3A_2018 = arith.constant 0.000000e+00 : f32
      %broadcast_in_dim3A_2019 = vector.broadcast %jit3A_2018 : f32 to vector<16xf32>
      %select_n3A_2020 = arith.select %gt3A_2017, %get3A_2015, %broadcast_in_dim3A_2019 : vector<16xi1>, vector<16xf32>
      %add3A_2021 = arith.addf %add3A_2005, %select_n3A_2020 : vector<16xf32>
      %jit3A_2022 = arith.constant 1 : i32
      %jit3A_2023 = arith.constant 0 : i32
      %broadcast_in_dim3A_2024 = vector.broadcast %jit3A_2022 : i32 to vector<16xi32>
      %broadcast_in_dim3A_2025 = vector.broadcast %jit3A_2023 : i32 to vector<16xi32>
      %select_n3A_2026 = arith.select %gt3A_2017, %broadcast_in_dim3A_2024, %broadcast_in_dim3A_2025 : vector<16xi1>, vector<16xi32>
      %add3A_2027 = arith.addi %add3A_2011, %select_n3A_2026 : vector<16xi32>
      %get3A_2028 = arith.constant 544 : index
      %get3A_2029 = tpu.vector_load %arg5[%get3A_2028] {strides = array<i32>} : memref<1024xi32, #tpu.memory_space<vmem>>, vector<16xi32>,
      %get3A_2030 = arith.constant 544 : index
      %get3A_2031 = tpu.vector_load %arg4[%get3A_2030] {strides = array<i32>} : memref<1024xf32, #tpu.memory_space<vmem>>, vector<16xf32>,
      %gt3A_2032 = vector.broadcast %scan3A_1479 : i32 to vector<16xi32>
      %gt3A_2033 = arith.cmpi sgt, %get3A_2029, %gt3A_2032 : vector<16xi32>
      %jit3A_2034 = arith.constant 0.000000e+00 : f32
      %broadcast_in_dim3A_2035 = vector.broadcast %jit3A_2034 : f32 to vector<16xf32>
      %select_n3A_2036 = arith.select %gt3A_2033, %get3A_2031, %broadcast_in_dim3A_2035 : vector<16xi1>, vector<16xf32>
      %add3A_2037 = arith.addf %add3A_2021, %select_n3A_2036 : vector<16xf32>
      %jit3A_2038 = arith.constant 1 : i32
      %jit3A_2039 = arith.constant 0 : i32
      %broadcast_in_dim3A_2040 = vector.broadcast %jit3A_2038 : i32 to vector<16xi32>
      %broadcast_in_dim3A_2041 = vector.broadcast %jit3A_2039 : i32 to vector<16xi32>
      %select_n3A_2042 = arith.select %gt3A_2033, %broadcast_in_dim3A_2040, %broadcast_in_dim3A_2041 : vector<16xi1>, vector<16xi32>
      %add3A_2043 = arith.addi %add3A_2027, %select_n3A_2042 : vector<16xi32>
      %get3A_2044 = arith.constant 560 : index
      %get3A_2045 = tpu.vector_load %arg5[%get3A_2044] {strides = array<i32>} : memref<1024xi32, #tpu.memory_space<vmem>>, vector<16xi32>,
      %get3A_2046 = arith.constant 560 : index
      %get3A_2047 = tpu.vector_load %arg4[%get3A_2046] {strides = array<i32>} : memref<1024xf32, #tpu.memory_space<vmem>>, vector<16xf32>,
      %gt3A_2048 = vector.broadcast %scan3A_1479 : i32 to vector<16xi32>
      %gt3A_2049 = arith.cmpi sgt, %get3A_2045, %gt3A_2048 : vector<16xi32>
      %jit3A_2050 = arith.constant 0.000000e+00 : f32
      %broadcast_in_dim3A_2051 = vector.broadcast %jit3A_2050 : f32 to vector<16xf32>
      %select_n3A_2052 = arith.select %gt3A_2049, %get3A_2047, %broadcast_in_dim3A_2051 : vector<16xi1>, vector<16xf32>
      %add3A_2053 = arith.addf %add3A_2037, %select_n3A_2052 : vector<16xf32>
      %jit3A_2054 = arith.constant 1 : i32
      %jit3A_2055 = arith.constant 0 : i32
      %broadcast_in_dim3A_2056 = vector.broadcast %jit3A_2054 : i32 to vector<16xi32>
      %broadcast_in_dim3A_2057 = vector.broadcast %jit3A_2055 : i32 to vector<16xi32>
      %select_n3A_2058 = arith.select %gt3A_2049, %broadcast_in_dim3A_2056, %broadcast_in_dim3A_2057 : vector<16xi1>, vector<16xi32>
      %add3A_2059 = arith.addi %add3A_2043, %select_n3A_2058 : vector<16xi32>
      %get3A_2060 = arith.constant 576 : index
      %get3A_2061 = tpu.vector_load %arg5[%get3A_2060] {strides = array<i32>} : memref<1024xi32, #tpu.memory_space<vmem>>, vector<16xi32>,
      %get3A_2062 = arith.constant 576 : index
      %get3A_2063 = tpu.vector_load %arg4[%get3A_2062] {strides = array<i32>} : memref<1024xf32, #tpu.memory_space<vmem>>, vector<16xf32>,
      %gt3A_2064 = vector.broadcast %scan3A_1479 : i32 to vector<16xi32>
      %gt3A_2065 = arith.cmpi sgt, %get3A_2061, %gt3A_2064 : vector<16xi32>
      %jit3A_2066 = arith.constant 0.000000e+00 : f32
      %broadcast_in_dim3A_2067 = vector.broadcast %jit3A_2066 : f32 to vector<16xf32>
      %select_n3A_2068 = arith.select %gt3A_2065, %get3A_2063, %broadcast_in_dim3A_2067 : vector<16xi1>, vector<16xf32>
      %add3A_2069 = arith.addf %add3A_2053, %select_n3A_2068 : vector<16xf32>
      %jit3A_2070 = arith.constant 1 : i32
      %jit3A_2071 = arith.constant 0 : i32
      %broadcast_in_dim3A_2072 = vector.broadcast %jit3A_2070 : i32 to vector<16xi32>
      %broadcast_in_dim3A_2073 = vector.broadcast %jit3A_2071 : i32 to vector<16xi32>
      %select_n3A_2074 = arith.select %gt3A_2065, %broadcast_in_dim3A_2072, %broadcast_in_dim3A_2073 : vector<16xi1>, vector<16xi32>
      %add3A_2075 = arith.addi %add3A_2059, %select_n3A_2074 : vector<16xi32>
      %get3A_2076 = arith.constant 592 : index
      %get3A_2077 = tpu.vector_load %arg5[%get3A_2076] {strides = array<i32>} : memref<1024xi32, #tpu.memory_space<vmem>>, vector<16xi32>,
      %get3A_2078 = arith.constant 592 : index
      %get3A_2079 = tpu.vector_load %arg4[%get3A_2078] {strides = array<i32>} : memref<1024xf32, #tpu.memory_space<vmem>>, vector<16xf32>,
      %gt3A_2080 = vector.broadcast %scan3A_1479 : i32 to vector<16xi32>
      %gt3A_2081 = arith.cmpi sgt, %get3A_2077, %gt3A_2080 : vector<16xi32>
      %jit3A_2082 = arith.constant 0.000000e+00 : f32
      %broadcast_in_dim3A_2083 = vector.broadcast %jit3A_2082 : f32 to vector<16xf32>
      %select_n3A_2084 = arith.select %gt3A_2081, %get3A_2079, %broadcast_in_dim3A_2083 : vector<16xi1>, vector<16xf32>
      %add3A_2085 = arith.addf %add3A_2069, %select_n3A_2084 : vector<16xf32>
      %jit3A_2086 = arith.constant 1 : i32
      %jit3A_2087 = arith.constant 0 : i32
      %broadcast_in_dim3A_2088 = vector.broadcast %jit3A_2086 : i32 to vector<16xi32>
      %broadcast_in_dim3A_2089 = vector.broadcast %jit3A_2087 : i32 to vector<16xi32>
      %select_n3A_2090 = arith.select %gt3A_2081, %broadcast_in_dim3A_2088, %broadcast_in_dim3A_2089 : vector<16xi1>, vector<16xi32>
      %add3A_2091 = arith.addi %add3A_2075, %select_n3A_2090 : vector<16xi32>
      %get3A_2092 = arith.constant 608 : index
      %get3A_2093 = tpu.vector_load %arg5[%get3A_2092] {strides = array<i32>} : memref<1024xi32, #tpu.memory_space<vmem>>, vector<16xi32>,
      %get3A_2094 = arith.constant 608 : index
      %get3A_2095 = tpu.vector_load %arg4[%get3A_2094] {strides = array<i32>} : memref<1024xf32, #tpu.memory_space<vmem>>, vector<16xf32>,
      %gt3A_2096 = vector.broadcast %scan3A_1479 : i32 to vector<16xi32>
      %gt3A_2097 = arith.cmpi sgt, %get3A_2093, %gt3A_2096 : vector<16xi32>
      %jit3A_2098 = arith.constant 0.000000e+00 : f32
      %broadcast_in_dim3A_2099 = vector.broadcast %jit3A_2098 : f32 to vector<16xf32>
      %select_n3A_2100 = arith.select %gt3A_2097, %get3A_2095, %broadcast_in_dim3A_2099 : vector<16xi1>, vector<16xf32>
      %add3A_2101 = arith.addf %add3A_2085, %select_n3A_2100 : vector<16xf32>
      %jit3A_2102 = arith.constant 1 : i32
      %jit3A_2103 = arith.constant 0 : i32
      %broadcast_in_dim3A_2104 = vector.broadcast %jit3A_2102 : i32 to vector<16xi32>
      %broadcast_in_dim3A_2105 = vector.broadcast %jit3A_2103 : i32 to vector<16xi32>
      %select_n3A_2106 = arith.select %gt3A_2097, %broadcast_in_dim3A_2104, %broadcast_in_dim3A_2105 : vector<16xi1>, vector<16xi32>
      %add3A_2107 = arith.addi %add3A_2091, %select_n3A_2106 : vector<16xi32>
      %get3A_2108 = arith.constant 624 : index
      %get3A_2109 = tpu.vector_load %arg5[%get3A_2108] {strides = array<i32>} : memref<1024xi32, #tpu.memory_space<vmem>>, vector<16xi32>,
      %get3A_2110 = arith.constant 624 : index
      %get3A_2111 = tpu.vector_load %arg4[%get3A_2110] {strides = array<i32>} : memref<1024xf32, #tpu.memory_space<vmem>>, vector<16xf32>,
      %gt3A_2112 = vector.broadcast %scan3A_1479 : i32 to vector<16xi32>
      %gt3A_2113 = arith.cmpi sgt, %get3A_2109, %gt3A_2112 : vector<16xi32>
      %jit3A_2114 = arith.constant 0.000000e+00 : f32
      %broadcast_in_dim3A_2115 = vector.broadcast %jit3A_2114 : f32 to vector<16xf32>
      %select_n3A_2116 = arith.select %gt3A_2113, %get3A_2111, %broadcast_in_dim3A_2115 : vector<16xi1>, vector<16xf32>
      %add3A_2117 = arith.addf %add3A_2101, %select_n3A_2116 : vector<16xf32>
      %jit3A_2118 = arith.constant 1 : i32
      %jit3A_2119 = arith.constant 0 : i32
      %broadcast_in_dim3A_2120 = vector.broadcast %jit3A_2118 : i32 to vector<16xi32>
      %broadcast_in_dim3A_2121 = vector.broadcast %jit3A_2119 : i32 to vector<16xi32>
      %select_n3A_2122 = arith.select %gt3A_2113, %broadcast_in_dim3A_2120, %broadcast_in_dim3A_2121 : vector<16xi1>, vector<16xi32>
      %add3A_2123 = arith.addi %add3A_2107, %select_n3A_2122 : vector<16xi32>
      %get3A_2124 = arith.constant 640 : index
      %get3A_2125 = tpu.vector_load %arg5[%get3A_2124] {strides = array<i32>} : memref<1024xi32, #tpu.memory_space<vmem>>, vector<16xi32>,
      %get3A_2126 = arith.constant 640 : index
      %get3A_2127 = tpu.vector_load %arg4[%get3A_2126] {strides = array<i32>} : memref<1024xf32, #tpu.memory_space<vmem>>, vector<16xf32>,
      %gt3A_2128 = vector.broadcast %scan3A_1479 : i32 to vector<16xi32>
      %gt3A_2129 = arith.cmpi sgt, %get3A_2125, %gt3A_2128 : vector<16xi32>
      %jit3A_2130 = arith.constant 0.000000e+00 : f32
      %broadcast_in_dim3A_2131 = vector.broadcast %jit3A_2130 : f32 to vector<16xf32>
      %select_n3A_2132 = arith.select %gt3A_2129, %get3A_2127, %broadcast_in_dim3A_2131 : vector<16xi1>, vector<16xf32>
      %add3A_2133 = arith.addf %add3A_2117, %select_n3A_2132 : vector<16xf32>
      %jit3A_2134 = arith.constant 1 : i32
      %jit3A_2135 = arith.constant 0 : i32
      %broadcast_in_dim3A_2136 = vector.broadcast %jit3A_2134 : i32 to vector<16xi32>
      %broadcast_in_dim3A_2137 = vector.broadcast %jit3A_2135 : i32 to vector<16xi32>
      %select_n3A_2138 = arith.select %gt3A_2129, %broadcast_in_dim3A_2136, %broadcast_in_dim3A_2137 : vector<16xi1>, vector<16xi32>
      %add3A_2139 = arith.addi %add3A_2123, %select_n3A_2138 : vector<16xi32>
      %get3A_2140 = arith.constant 656 : index
      %get3A_2141 = tpu.vector_load %arg5[%get3A_2140] {strides = array<i32>} : memref<1024xi32, #tpu.memory_space<vmem>>, vector<16xi32>,
      %get3A_2142 = arith.constant 656 : index
      %get3A_2143 = tpu.vector_load %arg4[%get3A_2142] {strides = array<i32>} : memref<1024xf32, #tpu.memory_space<vmem>>, vector<16xf32>,
      %gt3A_2144 = vector.broadcast %scan3A_1479 : i32 to vector<16xi32>
      %gt3A_2145 = arith.cmpi sgt, %get3A_2141, %gt3A_2144 : vector<16xi32>
      %jit3A_2146 = arith.constant 0.000000e+00 : f32
      %broadcast_in_dim3A_2147 = vector.broadcast %jit3A_2146 : f32 to vector<16xf32>
      %select_n3A_2148 = arith.select %gt3A_2145, %get3A_2143, %broadcast_in_dim3A_2147 : vector<16xi1>, vector<16xf32>
      %add3A_2149 = arith.addf %add3A_2133, %select_n3A_2148 : vector<16xf32>
      %jit3A_2150 = arith.constant 1 : i32
      %jit3A_2151 = arith.constant 0 : i32
      %broadcast_in_dim3A_2152 = vector.broadcast %jit3A_2150 : i32 to vector<16xi32>
      %broadcast_in_dim3A_2153 = vector.broadcast %jit3A_2151 : i32 to vector<16xi32>
      %select_n3A_2154 = arith.select %gt3A_2145, %broadcast_in_dim3A_2152, %broadcast_in_dim3A_2153 : vector<16xi1>, vector<16xi32>
      %add3A_2155 = arith.addi %add3A_2139, %select_n3A_2154 : vector<16xi32>
      %get3A_2156 = arith.constant 672 : index
      %get3A_2157 = tpu.vector_load %arg5[%get3A_2156] {strides = array<i32>} : memref<1024xi32, #tpu.memory_space<vmem>>, vector<16xi32>,
      %get3A_2158 = arith.constant 672 : index
      %get3A_2159 = tpu.vector_load %arg4[%get3A_2158] {strides = array<i32>} : memref<1024xf32, #tpu.memory_space<vmem>>, vector<16xf32>,
      %gt3A_2160 = vector.broadcast %scan3A_1479 : i32 to vector<16xi32>
      %gt3A_2161 = arith.cmpi sgt, %get3A_2157, %gt3A_2160 : vector<16xi32>
      %jit3A_2162 = arith.constant 0.000000e+00 : f32
      %broadcast_in_dim3A_2163 = vector.broadcast %jit3A_2162 : f32 to vector<16xf32>
      %select_n3A_2164 = arith.select %gt3A_2161, %get3A_2159, %broadcast_in_dim3A_2163 : vector<16xi1>, vector<16xf32>
      %add3A_2165 = arith.addf %add3A_2149, %select_n3A_2164 : vector<16xf32>
      %jit3A_2166 = arith.constant 1 : i32
      %jit3A_2167 = arith.constant 0 : i32
      %broadcast_in_dim3A_2168 = vector.broadcast %jit3A_2166 : i32 to vector<16xi32>
      %broadcast_in_dim3A_2169 = vector.broadcast %jit3A_2167 : i32 to vector<16xi32>
      %select_n3A_2170 = arith.select %gt3A_2161, %broadcast_in_dim3A_2168, %broadcast_in_dim3A_2169 : vector<16xi1>, vector<16xi32>
      %add3A_2171 = arith.addi %add3A_2155, %select_n3A_2170 : vector<16xi32>
      %get3A_2172 = arith.constant 688 : index
      %get3A_2173 = tpu.vector_load %arg5[%get3A_2172] {strides = array<i32>} : memref<1024xi32, #tpu.memory_space<vmem>>, vector<16xi32>,
      %get3A_2174 = arith.constant 688 : index
      %get3A_2175 = tpu.vector_load %arg4[%get3A_2174] {strides = array<i32>} : memref<1024xf32, #tpu.memory_space<vmem>>, vector<16xf32>,
      %gt3A_2176 = vector.broadcast %scan3A_1479 : i32 to vector<16xi32>
      %gt3A_2177 = arith.cmpi sgt, %get3A_2173, %gt3A_2176 : vector<16xi32>
      %jit3A_2178 = arith.constant 0.000000e+00 : f32
      %broadcast_in_dim3A_2179 = vector.broadcast %jit3A_2178 : f32 to vector<16xf32>
      %select_n3A_2180 = arith.select %gt3A_2177, %get3A_2175, %broadcast_in_dim3A_2179 : vector<16xi1>, vector<16xf32>
      %add3A_2181 = arith.addf %add3A_2165, %select_n3A_2180 : vector<16xf32>
      %jit3A_2182 = arith.constant 1 : i32
      %jit3A_2183 = arith.constant 0 : i32
      %broadcast_in_dim3A_2184 = vector.broadcast %jit3A_2182 : i32 to vector<16xi32>
      %broadcast_in_dim3A_2185 = vector.broadcast %jit3A_2183 : i32 to vector<16xi32>
      %select_n3A_2186 = arith.select %gt3A_2177, %broadcast_in_dim3A_2184, %broadcast_in_dim3A_2185 : vector<16xi1>, vector<16xi32>
      %add3A_2187 = arith.addi %add3A_2171, %select_n3A_2186 : vector<16xi32>
      %get3A_2188 = arith.constant 704 : index
      %get3A_2189 = tpu.vector_load %arg5[%get3A_2188] {strides = array<i32>} : memref<1024xi32, #tpu.memory_space<vmem>>, vector<16xi32>,
      %get3A_2190 = arith.constant 704 : index
      %get3A_2191 = tpu.vector_load %arg4[%get3A_2190] {strides = array<i32>} : memref<1024xf32, #tpu.memory_space<vmem>>, vector<16xf32>,
      %gt3A_2192 = vector.broadcast %scan3A_1479 : i32 to vector<16xi32>
      %gt3A_2193 = arith.cmpi sgt, %get3A_2189, %gt3A_2192 : vector<16xi32>
      %jit3A_2194 = arith.constant 0.000000e+00 : f32
      %broadcast_in_dim3A_2195 = vector.broadcast %jit3A_2194 : f32 to vector<16xf32>
      %select_n3A_2196 = arith.select %gt3A_2193, %get3A_2191, %broadcast_in_dim3A_2195 : vector<16xi1>, vector<16xf32>
      %add3A_2197 = arith.addf %add3A_2181, %select_n3A_2196 : vector<16xf32>
      %jit3A_2198 = arith.constant 1 : i32
      %jit3A_2199 = arith.constant 0 : i32
      %broadcast_in_dim3A_2200 = vector.broadcast %jit3A_2198 : i32 to vector<16xi32>
      %broadcast_in_dim3A_2201 = vector.broadcast %jit3A_2199 : i32 to vector<16xi32>
      %select_n3A_2202 = arith.select %gt3A_2193, %broadcast_in_dim3A_2200, %broadcast_in_dim3A_2201 : vector<16xi1>, vector<16xi32>
      %add3A_2203 = arith.addi %add3A_2187, %select_n3A_2202 : vector<16xi32>
      %get3A_2204 = arith.constant 720 : index
      %get3A_2205 = tpu.vector_load %arg5[%get3A_2204] {strides = array<i32>} : memref<1024xi32, #tpu.memory_space<vmem>>, vector<16xi32>,
      %get3A_2206 = arith.constant 720 : index
      %get3A_2207 = tpu.vector_load %arg4[%get3A_2206] {strides = array<i32>} : memref<1024xf32, #tpu.memory_space<vmem>>, vector<16xf32>,
      %gt3A_2208 = vector.broadcast %scan3A_1479 : i32 to vector<16xi32>
      %gt3A_2209 = arith.cmpi sgt, %get3A_2205, %gt3A_2208 : vector<16xi32>
      %jit3A_2210 = arith.constant 0.000000e+00 : f32
      %broadcast_in_dim3A_2211 = vector.broadcast %jit3A_2210 : f32 to vector<16xf32>
      %select_n3A_2212 = arith.select %gt3A_2209, %get3A_2207, %broadcast_in_dim3A_2211 : vector<16xi1>, vector<16xf32>
      %add3A_2213 = arith.addf %add3A_2197, %select_n3A_2212 : vector<16xf32>
      %jit3A_2214 = arith.constant 1 : i32
      %jit3A_2215 = arith.constant 0 : i32
      %broadcast_in_dim3A_2216 = vector.broadcast %jit3A_2214 : i32 to vector<16xi32>
      %broadcast_in_dim3A_2217 = vector.broadcast %jit3A_2215 : i32 to vector<16xi32>
      %select_n3A_2218 = arith.select %gt3A_2209, %broadcast_in_dim3A_2216, %broadcast_in_dim3A_2217 : vector<16xi1>, vector<16xi32>
      %add3A_2219 = arith.addi %add3A_2203, %select_n3A_2218 : vector<16xi32>
      %get3A_2220 = arith.constant 736 : index
      %get3A_2221 = tpu.vector_load %arg5[%get3A_2220] {strides = array<i32>} : memref<1024xi32, #tpu.memory_space<vmem>>, vector<16xi32>,
      %get3A_2222 = arith.constant 736 : index
      %get3A_2223 = tpu.vector_load %arg4[%get3A_2222] {strides = array<i32>} : memref<1024xf32, #tpu.memory_space<vmem>>, vector<16xf32>,
      %gt3A_2224 = vector.broadcast %scan3A_1479 : i32 to vector<16xi32>
      %gt3A_2225 = arith.cmpi sgt, %get3A_2221, %gt3A_2224 : vector<16xi32>
      %jit3A_2226 = arith.constant 0.000000e+00 : f32
      %broadcast_in_dim3A_2227 = vector.broadcast %jit3A_2226 : f32 to vector<16xf32>
      %select_n3A_2228 = arith.select %gt3A_2225, %get3A_2223, %broadcast_in_dim3A_2227 : vector<16xi1>, vector<16xf32>
      %add3A_2229 = arith.addf %add3A_2213, %select_n3A_2228 : vector<16xf32>
      %jit3A_2230 = arith.constant 1 : i32
      %jit3A_2231 = arith.constant 0 : i32
      %broadcast_in_dim3A_2232 = vector.broadcast %jit3A_2230 : i32 to vector<16xi32>
      %broadcast_in_dim3A_2233 = vector.broadcast %jit3A_2231 : i32 to vector<16xi32>
      %select_n3A_2234 = arith.select %gt3A_2225, %broadcast_in_dim3A_2232, %broadcast_in_dim3A_2233 : vector<16xi1>, vector<16xi32>
      %add3A_2235 = arith.addi %add3A_2219, %select_n3A_2234 : vector<16xi32>
      %get3A_2236 = arith.constant 752 : index
      %get3A_2237 = tpu.vector_load %arg5[%get3A_2236] {strides = array<i32>} : memref<1024xi32, #tpu.memory_space<vmem>>, vector<16xi32>,
      %get3A_2238 = arith.constant 752 : index
      %get3A_2239 = tpu.vector_load %arg4[%get3A_2238] {strides = array<i32>} : memref<1024xf32, #tpu.memory_space<vmem>>, vector<16xf32>,
      %gt3A_2240 = vector.broadcast %scan3A_1479 : i32 to vector<16xi32>
      %gt3A_2241 = arith.cmpi sgt, %get3A_2237, %gt3A_2240 : vector<16xi32>
      %jit3A_2242 = arith.constant 0.000000e+00 : f32
      %broadcast_in_dim3A_2243 = vector.broadcast %jit3A_2242 : f32 to vector<16xf32>
      %select_n3A_2244 = arith.select %gt3A_2241, %get3A_2239, %broadcast_in_dim3A_2243 : vector<16xi1>, vector<16xf32>
      %add3A_2245 = arith.addf %add3A_2229, %select_n3A_2244 : vector<16xf32>
      %jit3A_2246 = arith.constant 1 : i32
      %jit3A_2247 = arith.constant 0 : i32
      %broadcast_in_dim3A_2248 = vector.broadcast %jit3A_2246 : i32 to vector<16xi32>
      %broadcast_in_dim3A_2249 = vector.broadcast %jit3A_2247 : i32 to vector<16xi32>
      %select_n3A_2250 = arith.select %gt3A_2241, %broadcast_in_dim3A_2248, %broadcast_in_dim3A_2249 : vector<16xi1>, vector<16xi32>
      %add3A_2251 = arith.addi %add3A_2235, %select_n3A_2250 : vector<16xi32>
      %get3A_2252 = arith.constant 768 : index
      %get3A_2253 = tpu.vector_load %arg5[%get3A_2252] {strides = array<i32>} : memref<1024xi32, #tpu.memory_space<vmem>>, vector<16xi32>,
      %get3A_2254 = arith.constant 768 : index
      %get3A_2255 = tpu.vector_load %arg4[%get3A_2254] {strides = array<i32>} : memref<1024xf32, #tpu.memory_space<vmem>>, vector<16xf32>,
      %gt3A_2256 = vector.broadcast %scan3A_1479 : i32 to vector<16xi32>
      %gt3A_2257 = arith.cmpi sgt, %get3A_2253, %gt3A_2256 : vector<16xi32>
      %jit3A_2258 = arith.constant 0.000000e+00 : f32
      %broadcast_in_dim3A_2259 = vector.broadcast %jit3A_2258 : f32 to vector<16xf32>
      %select_n3A_2260 = arith.select %gt3A_2257, %get3A_2255, %broadcast_in_dim3A_2259 : vector<16xi1>, vector<16xf32>
      %add3A_2261 = arith.addf %add3A_2245, %select_n3A_2260 : vector<16xf32>
      %jit3A_2262 = arith.constant 1 : i32
      %jit3A_2263 = arith.constant 0 : i32
      %broadcast_in_dim3A_2264 = vector.broadcast %jit3A_2262 : i32 to vector<16xi32>
      %broadcast_in_dim3A_2265 = vector.broadcast %jit3A_2263 : i32 to vector<16xi32>
      %select_n3A_2266 = arith.select %gt3A_2257, %broadcast_in_dim3A_2264, %broadcast_in_dim3A_2265 : vector<16xi1>, vector<16xi32>
      %add3A_2267 = arith.addi %add3A_2251, %select_n3A_2266 : vector<16xi32>
      %get3A_2268 = arith.constant 784 : index
      %get3A_2269 = tpu.vector_load %arg5[%get3A_2268] {strides = array<i32>} : memref<1024xi32, #tpu.memory_space<vmem>>, vector<16xi32>,
      %get3A_2270 = arith.constant 784 : index
      %get3A_2271 = tpu.vector_load %arg4[%get3A_2270] {strides = array<i32>} : memref<1024xf32, #tpu.memory_space<vmem>>, vector<16xf32>,
      %gt3A_2272 = vector.broadcast %scan3A_1479 : i32 to vector<16xi32>
      %gt3A_2273 = arith.cmpi sgt, %get3A_2269, %gt3A_2272 : vector<16xi32>
      %jit3A_2274 = arith.constant 0.000000e+00 : f32
      %broadcast_in_dim3A_2275 = vector.broadcast %jit3A_2274 : f32 to vector<16xf32>
      %select_n3A_2276 = arith.select %gt3A_2273, %get3A_2271, %broadcast_in_dim3A_2275 : vector<16xi1>, vector<16xf32>
      %add3A_2277 = arith.addf %add3A_2261, %select_n3A_2276 : vector<16xf32>
      %jit3A_2278 = arith.constant 1 : i32
      %jit3A_2279 = arith.constant 0 : i32
      %broadcast_in_dim3A_2280 = vector.broadcast %jit3A_2278 : i32 to vector<16xi32>
      %broadcast_in_dim3A_2281 = vector.broadcast %jit3A_2279 : i32 to vector<16xi32>
      %select_n3A_2282 = arith.select %gt3A_2273, %broadcast_in_dim3A_2280, %broadcast_in_dim3A_2281 : vector<16xi1>, vector<16xi32>
      %add3A_2283 = arith.addi %add3A_2267, %select_n3A_2282 : vector<16xi32>
      %get3A_2284 = arith.constant 800 : index
      %get3A_2285 = tpu.vector_load %arg5[%get3A_2284] {strides = array<i32>} : memref<1024xi32, #tpu.memory_space<vmem>>, vector<16xi32>,
      %get3A_2286 = arith.constant 800 : index
      %get3A_2287 = tpu.vector_load %arg4[%get3A_2286] {strides = array<i32>} : memref<1024xf32, #tpu.memory_space<vmem>>, vector<16xf32>,
      %gt3A_2288 = vector.broadcast %scan3A_1479 : i32 to vector<16xi32>
      %gt3A_2289 = arith.cmpi sgt, %get3A_2285, %gt3A_2288 : vector<16xi32>
      %jit3A_2290 = arith.constant 0.000000e+00 : f32
      %broadcast_in_dim3A_2291 = vector.broadcast %jit3A_2290 : f32 to vector<16xf32>
      %select_n3A_2292 = arith.select %gt3A_2289, %get3A_2287, %broadcast_in_dim3A_2291 : vector<16xi1>, vector<16xf32>
      %add3A_2293 = arith.addf %add3A_2277, %select_n3A_2292 : vector<16xf32>
      %jit3A_2294 = arith.constant 1 : i32
      %jit3A_2295 = arith.constant 0 : i32
      %broadcast_in_dim3A_2296 = vector.broadcast %jit3A_2294 : i32 to vector<16xi32>
      %broadcast_in_dim3A_2297 = vector.broadcast %jit3A_2295 : i32 to vector<16xi32>
      %select_n3A_2298 = arith.select %gt3A_2289, %broadcast_in_dim3A_2296, %broadcast_in_dim3A_2297 : vector<16xi1>, vector<16xi32>
      %add3A_2299 = arith.addi %add3A_2283, %select_n3A_2298 : vector<16xi32>
      %get3A_2300 = arith.constant 816 : index
      %get3A_2301 = tpu.vector_load %arg5[%get3A_2300] {strides = array<i32>} : memref<1024xi32, #tpu.memory_space<vmem>>, vector<16xi32>,
      %get3A_2302 = arith.constant 816 : index
      %get3A_2303 = tpu.vector_load %arg4[%get3A_2302] {strides = array<i32>} : memref<1024xf32, #tpu.memory_space<vmem>>, vector<16xf32>,
      %gt3A_2304 = vector.broadcast %scan3A_1479 : i32 to vector<16xi32>
      %gt3A_2305 = arith.cmpi sgt, %get3A_2301, %gt3A_2304 : vector<16xi32>
      %jit3A_2306 = arith.constant 0.000000e+00 : f32
      %broadcast_in_dim3A_2307 = vector.broadcast %jit3A_2306 : f32 to vector<16xf32>
      %select_n3A_2308 = arith.select %gt3A_2305, %get3A_2303, %broadcast_in_dim3A_2307 : vector<16xi1>, vector<16xf32>
      %add3A_2309 = arith.addf %add3A_2293, %select_n3A_2308 : vector<16xf32>
      %jit3A_2310 = arith.constant 1 : i32
      %jit3A_2311 = arith.constant 0 : i32
      %broadcast_in_dim3A_2312 = vector.broadcast %jit3A_2310 : i32 to vector<16xi32>
      %broadcast_in_dim3A_2313 = vector.broadcast %jit3A_2311 : i32 to vector<16xi32>
      %select_n3A_2314 = arith.select %gt3A_2305, %broadcast_in_dim3A_2312, %broadcast_in_dim3A_2313 : vector<16xi1>, vector<16xi32>
      %add3A_2315 = arith.addi %add3A_2299, %select_n3A_2314 : vector<16xi32>
      %get3A_2316 = arith.constant 832 : index
      %get3A_2317 = tpu.vector_load %arg5[%get3A_2316] {strides = array<i32>} : memref<1024xi32, #tpu.memory_space<vmem>>, vector<16xi32>,
      %get3A_2318 = arith.constant 832 : index
      %get3A_2319 = tpu.vector_load %arg4[%get3A_2318] {strides = array<i32>} : memref<1024xf32, #tpu.memory_space<vmem>>, vector<16xf32>,
      %gt3A_2320 = vector.broadcast %scan3A_1479 : i32 to vector<16xi32>
      %gt3A_2321 = arith.cmpi sgt, %get3A_2317, %gt3A_2320 : vector<16xi32>
      %jit3A_2322 = arith.constant 0.000000e+00 : f32
      %broadcast_in_dim3A_2323 = vector.broadcast %jit3A_2322 : f32 to vector<16xf32>
      %select_n3A_2324 = arith.select %gt3A_2321, %get3A_2319, %broadcast_in_dim3A_2323 : vector<16xi1>, vector<16xf32>
      %add3A_2325 = arith.addf %add3A_2309, %select_n3A_2324 : vector<16xf32>
      %jit3A_2326 = arith.constant 1 : i32
      %jit3A_2327 = arith.constant 0 : i32
      %broadcast_in_dim3A_2328 = vector.broadcast %jit3A_2326 : i32 to vector<16xi32>
      %broadcast_in_dim3A_2329 = vector.broadcast %jit3A_2327 : i32 to vector<16xi32>
      %select_n3A_2330 = arith.select %gt3A_2321, %broadcast_in_dim3A_2328, %broadcast_in_dim3A_2329 : vector<16xi1>, vector<16xi32>
      %add3A_2331 = arith.addi %add3A_2315, %select_n3A_2330 : vector<16xi32>
      %get3A_2332 = arith.constant 848 : index
      %get3A_2333 = tpu.vector_load %arg5[%get3A_2332] {strides = array<i32>} : memref<1024xi32, #tpu.memory_space<vmem>>, vector<16xi32>,
      %get3A_2334 = arith.constant 848 : index
      %get3A_2335 = tpu.vector_load %arg4[%get3A_2334] {strides = array<i32>} : memref<1024xf32, #tpu.memory_space<vmem>>, vector<16xf32>,
      %gt3A_2336 = vector.broadcast %scan3A_1479 : i32 to vector<16xi32>
      %gt3A_2337 = arith.cmpi sgt, %get3A_2333, %gt3A_2336 : vector<16xi32>
      %jit3A_2338 = arith.constant 0.000000e+00 : f32
      %broadcast_in_dim3A_2339 = vector.broadcast %jit3A_2338 : f32 to vector<16xf32>
      %select_n3A_2340 = arith.select %gt3A_2337, %get3A_2335, %broadcast_in_dim3A_2339 : vector<16xi1>, vector<16xf32>
      %add3A_2341 = arith.addf %add3A_2325, %select_n3A_2340 : vector<16xf32>
      %jit3A_2342 = arith.constant 1 : i32
      %jit3A_2343 = arith.constant 0 : i32
      %broadcast_in_dim3A_2344 = vector.broadcast %jit3A_2342 : i32 to vector<16xi32>
      %broadcast_in_dim3A_2345 = vector.broadcast %jit3A_2343 : i32 to vector<16xi32>
      %select_n3A_2346 = arith.select %gt3A_2337, %broadcast_in_dim3A_2344, %broadcast_in_dim3A_2345 : vector<16xi1>, vector<16xi32>
      %add3A_2347 = arith.addi %add3A_2331, %select_n3A_2346 : vector<16xi32>
      %get3A_2348 = arith.constant 864 : index
      %get3A_2349 = tpu.vector_load %arg5[%get3A_2348] {strides = array<i32>} : memref<1024xi32, #tpu.memory_space<vmem>>, vector<16xi32>,
      %get3A_2350 = arith.constant 864 : index
      %get3A_2351 = tpu.vector_load %arg4[%get3A_2350] {strides = array<i32>} : memref<1024xf32, #tpu.memory_space<vmem>>, vector<16xf32>,
      %gt3A_2352 = vector.broadcast %scan3A_1479 : i32 to vector<16xi32>
      %gt3A_2353 = arith.cmpi sgt, %get3A_2349, %gt3A_2352 : vector<16xi32>
      %jit3A_2354 = arith.constant 0.000000e+00 : f32
      %broadcast_in_dim3A_2355 = vector.broadcast %jit3A_2354 : f32 to vector<16xf32>
      %select_n3A_2356 = arith.select %gt3A_2353, %get3A_2351, %broadcast_in_dim3A_2355 : vector<16xi1>, vector<16xf32>
      %add3A_2357 = arith.addf %add3A_2341, %select_n3A_2356 : vector<16xf32>
      %jit3A_2358 = arith.constant 1 : i32
      %jit3A_2359 = arith.constant 0 : i32
      %broadcast_in_dim3A_2360 = vector.broadcast %jit3A_2358 : i32 to vector<16xi32>
      %broadcast_in_dim3A_2361 = vector.broadcast %jit3A_2359 : i32 to vector<16xi32>
      %select_n3A_2362 = arith.select %gt3A_2353, %broadcast_in_dim3A_2360, %broadcast_in_dim3A_2361 : vector<16xi1>, vector<16xi32>
      %add3A_2363 = arith.addi %add3A_2347, %select_n3A_2362 : vector<16xi32>
      %get3A_2364 = arith.constant 880 : index
      %get3A_2365 = tpu.vector_load %arg5[%get3A_2364] {strides = array<i32>} : memref<1024xi32, #tpu.memory_space<vmem>>, vector<16xi32>,
      %get3A_2366 = arith.constant 880 : index
      %get3A_2367 = tpu.vector_load %arg4[%get3A_2366] {strides = array<i32>} : memref<1024xf32, #tpu.memory_space<vmem>>, vector<16xf32>,
      %gt3A_2368 = vector.broadcast %scan3A_1479 : i32 to vector<16xi32>
      %gt3A_2369 = arith.cmpi sgt, %get3A_2365, %gt3A_2368 : vector<16xi32>
      %jit3A_2370 = arith.constant 0.000000e+00 : f32
      %broadcast_in_dim3A_2371 = vector.broadcast %jit3A_2370 : f32 to vector<16xf32>
      %select_n3A_2372 = arith.select %gt3A_2369, %get3A_2367, %broadcast_in_dim3A_2371 : vector<16xi1>, vector<16xf32>
      %add3A_2373 = arith.addf %add3A_2357, %select_n3A_2372 : vector<16xf32>
      %jit3A_2374 = arith.constant 1 : i32
      %jit3A_2375 = arith.constant 0 : i32
      %broadcast_in_dim3A_2376 = vector.broadcast %jit3A_2374 : i32 to vector<16xi32>
      %broadcast_in_dim3A_2377 = vector.broadcast %jit3A_2375 : i32 to vector<16xi32>
      %select_n3A_2378 = arith.select %gt3A_2369, %broadcast_in_dim3A_2376, %broadcast_in_dim3A_2377 : vector<16xi1>, vector<16xi32>
      %add3A_2379 = arith.addi %add3A_2363, %select_n3A_2378 : vector<16xi32>
      %get3A_2380 = arith.constant 896 : index
      %get3A_2381 = tpu.vector_load %arg5[%get3A_2380] {strides = array<i32>} : memref<1024xi32, #tpu.memory_space<vmem>>, vector<16xi32>,
      %get3A_2382 = arith.constant 896 : index
      %get3A_2383 = tpu.vector_load %arg4[%get3A_2382] {strides = array<i32>} : memref<1024xf32, #tpu.memory_space<vmem>>, vector<16xf32>,
      %gt3A_2384 = vector.broadcast %scan3A_1479 : i32 to vector<16xi32>
      %gt3A_2385 = arith.cmpi sgt, %get3A_2381, %gt3A_2384 : vector<16xi32>
      %jit3A_2386 = arith.constant 0.000000e+00 : f32
      %broadcast_in_dim3A_2387 = vector.broadcast %jit3A_2386 : f32 to vector<16xf32>
      %select_n3A_2388 = arith.select %gt3A_2385, %get3A_2383, %broadcast_in_dim3A_2387 : vector<16xi1>, vector<16xf32>
      %add3A_2389 = arith.addf %add3A_2373, %select_n3A_2388 : vector<16xf32>
      %jit3A_2390 = arith.constant 1 : i32
      %jit3A_2391 = arith.constant 0 : i32
      %broadcast_in_dim3A_2392 = vector.broadcast %jit3A_2390 : i32 to vector<16xi32>
      %broadcast_in_dim3A_2393 = vector.broadcast %jit3A_2391 : i32 to vector<16xi32>
      %select_n3A_2394 = arith.select %gt3A_2385, %broadcast_in_dim3A_2392, %broadcast_in_dim3A_2393 : vector<16xi1>, vector<16xi32>
      %add3A_2395 = arith.addi %add3A_2379, %select_n3A_2394 : vector<16xi32>
      %get3A_2396 = arith.constant 912 : index
      %get3A_2397 = tpu.vector_load %arg5[%get3A_2396] {strides = array<i32>} : memref<1024xi32, #tpu.memory_space<vmem>>, vector<16xi32>,
      %get3A_2398 = arith.constant 912 : index
      %get3A_2399 = tpu.vector_load %arg4[%get3A_2398] {strides = array<i32>} : memref<1024xf32, #tpu.memory_space<vmem>>, vector<16xf32>,
      %gt3A_2400 = vector.broadcast %scan3A_1479 : i32 to vector<16xi32>
      %gt3A_2401 = arith.cmpi sgt, %get3A_2397, %gt3A_2400 : vector<16xi32>
      %jit3A_2402 = arith.constant 0.000000e+00 : f32
      %broadcast_in_dim3A_2403 = vector.broadcast %jit3A_2402 : f32 to vector<16xf32>
      %select_n3A_2404 = arith.select %gt3A_2401, %get3A_2399, %broadcast_in_dim3A_2403 : vector<16xi1>, vector<16xf32>
      %add3A_2405 = arith.addf %add3A_2389, %select_n3A_2404 : vector<16xf32>
      %jit3A_2406 = arith.constant 1 : i32
      %jit3A_2407 = arith.constant 0 : i32
      %broadcast_in_dim3A_2408 = vector.broadcast %jit3A_2406 : i32 to vector<16xi32>
      %broadcast_in_dim3A_2409 = vector.broadcast %jit3A_2407 : i32 to vector<16xi32>
      %select_n3A_2410 = arith.select %gt3A_2401, %broadcast_in_dim3A_2408, %broadcast_in_dim3A_2409 : vector<16xi1>, vector<16xi32>
      %add3A_2411 = arith.addi %add3A_2395, %select_n3A_2410 : vector<16xi32>
      %get3A_2412 = arith.constant 928 : index
      %get3A_2413 = tpu.vector_load %arg5[%get3A_2412] {strides = array<i32>} : memref<1024xi32, #tpu.memory_space<vmem>>, vector<16xi32>,
      %get3A_2414 = arith.constant 928 : index
      %get3A_2415 = tpu.vector_load %arg4[%get3A_2414] {strides = array<i32>} : memref<1024xf32, #tpu.memory_space<vmem>>, vector<16xf32>,
      %gt3A_2416 = vector.broadcast %scan3A_1479 : i32 to vector<16xi32>
      %gt3A_2417 = arith.cmpi sgt, %get3A_2413, %gt3A_2416 : vector<16xi32>
      %jit3A_2418 = arith.constant 0.000000e+00 : f32
      %broadcast_in_dim3A_2419 = vector.broadcast %jit3A_2418 : f32 to vector<16xf32>
      %select_n3A_2420 = arith.select %gt3A_2417, %get3A_2415, %broadcast_in_dim3A_2419 : vector<16xi1>, vector<16xf32>
      %add3A_2421 = arith.addf %add3A_2405, %select_n3A_2420 : vector<16xf32>
      %jit3A_2422 = arith.constant 1 : i32
      %jit3A_2423 = arith.constant 0 : i32
      %broadcast_in_dim3A_2424 = vector.broadcast %jit3A_2422 : i32 to vector<16xi32>
      %broadcast_in_dim3A_2425 = vector.broadcast %jit3A_2423 : i32 to vector<16xi32>
      %select_n3A_2426 = arith.select %gt3A_2417, %broadcast_in_dim3A_2424, %broadcast_in_dim3A_2425 : vector<16xi1>, vector<16xi32>
      %add3A_2427 = arith.addi %add3A_2411, %select_n3A_2426 : vector<16xi32>
      %get3A_2428 = arith.constant 944 : index
      %get3A_2429 = tpu.vector_load %arg5[%get3A_2428] {strides = array<i32>} : memref<1024xi32, #tpu.memory_space<vmem>>, vector<16xi32>,
      %get3A_2430 = arith.constant 944 : index
      %get3A_2431 = tpu.vector_load %arg4[%get3A_2430] {strides = array<i32>} : memref<1024xf32, #tpu.memory_space<vmem>>, vector<16xf32>,
      %gt3A_2432 = vector.broadcast %scan3A_1479 : i32 to vector<16xi32>
      %gt3A_2433 = arith.cmpi sgt, %get3A_2429, %gt3A_2432 : vector<16xi32>
      %jit3A_2434 = arith.constant 0.000000e+00 : f32
      %broadcast_in_dim3A_2435 = vector.broadcast %jit3A_2434 : f32 to vector<16xf32>
      %select_n3A_2436 = arith.select %gt3A_2433, %get3A_2431, %broadcast_in_dim3A_2435 : vector<16xi1>, vector<16xf32>
      %add3A_2437 = arith.addf %add3A_2421, %select_n3A_2436 : vector<16xf32>
      %jit3A_2438 = arith.constant 1 : i32
      %jit3A_2439 = arith.constant 0 : i32
      %broadcast_in_dim3A_2440 = vector.broadcast %jit3A_2438 : i32 to vector<16xi32>
      %broadcast_in_dim3A_2441 = vector.broadcast %jit3A_2439 : i32 to vector<16xi32>
      %select_n3A_2442 = arith.select %gt3A_2433, %broadcast_in_dim3A_2440, %broadcast_in_dim3A_2441 : vector<16xi1>, vector<16xi32>
      %add3A_2443 = arith.addi %add3A_2427, %select_n3A_2442 : vector<16xi32>
      %get3A_2444 = arith.constant 960 : index
      %get3A_2445 = tpu.vector_load %arg5[%get3A_2444] {strides = array<i32>} : memref<1024xi32, #tpu.memory_space<vmem>>, vector<16xi32>,
      %get3A_2446 = arith.constant 960 : index
      %get3A_2447 = tpu.vector_load %arg4[%get3A_2446] {strides = array<i32>} : memref<1024xf32, #tpu.memory_space<vmem>>, vector<16xf32>,
      %gt3A_2448 = vector.broadcast %scan3A_1479 : i32 to vector<16xi32>
      %gt3A_2449 = arith.cmpi sgt, %get3A_2445, %gt3A_2448 : vector<16xi32>
      %jit3A_2450 = arith.constant 0.000000e+00 : f32
      %broadcast_in_dim3A_2451 = vector.broadcast %jit3A_2450 : f32 to vector<16xf32>
      %select_n3A_2452 = arith.select %gt3A_2449, %get3A_2447, %broadcast_in_dim3A_2451 : vector<16xi1>, vector<16xf32>
      %add3A_2453 = arith.addf %add3A_2437, %select_n3A_2452 : vector<16xf32>
      %jit3A_2454 = arith.constant 1 : i32
      %jit3A_2455 = arith.constant 0 : i32
      %broadcast_in_dim3A_2456 = vector.broadcast %jit3A_2454 : i32 to vector<16xi32>
      %broadcast_in_dim3A_2457 = vector.broadcast %jit3A_2455 : i32 to vector<16xi32>
      %select_n3A_2458 = arith.select %gt3A_2449, %broadcast_in_dim3A_2456, %broadcast_in_dim3A_2457 : vector<16xi1>, vector<16xi32>
      %add3A_2459 = arith.addi %add3A_2443, %select_n3A_2458 : vector<16xi32>
      %get3A_2460 = arith.constant 976 : index
      %get3A_2461 = tpu.vector_load %arg5[%get3A_2460] {strides = array<i32>} : memref<1024xi32, #tpu.memory_space<vmem>>, vector<16xi32>,
      %get3A_2462 = arith.constant 976 : index
      %get3A_2463 = tpu.vector_load %arg4[%get3A_2462] {strides = array<i32>} : memref<1024xf32, #tpu.memory_space<vmem>>, vector<16xf32>,
      %gt3A_2464 = vector.broadcast %scan3A_1479 : i32 to vector<16xi32>
      %gt3A_2465 = arith.cmpi sgt, %get3A_2461, %gt3A_2464 : vector<16xi32>
      %jit3A_2466 = arith.constant 0.000000e+00 : f32
      %broadcast_in_dim3A_2467 = vector.broadcast %jit3A_2466 : f32 to vector<16xf32>
      %select_n3A_2468 = arith.select %gt3A_2465, %get3A_2463, %broadcast_in_dim3A_2467 : vector<16xi1>, vector<16xf32>
      %add3A_2469 = arith.addf %add3A_2453, %select_n3A_2468 : vector<16xf32>
      %jit3A_2470 = arith.constant 1 : i32
      %jit3A_2471 = arith.constant 0 : i32
      %broadcast_in_dim3A_2472 = vector.broadcast %jit3A_2470 : i32 to vector<16xi32>
      %broadcast_in_dim3A_2473 = vector.broadcast %jit3A_2471 : i32 to vector<16xi32>
      %select_n3A_2474 = arith.select %gt3A_2465, %broadcast_in_dim3A_2472, %broadcast_in_dim3A_2473 : vector<16xi1>, vector<16xi32>
      %add3A_2475 = arith.addi %add3A_2459, %select_n3A_2474 : vector<16xi32>
      %get3A_2476 = arith.constant 992 : index
      %get3A_2477 = tpu.vector_load %arg5[%get3A_2476] {strides = array<i32>} : memref<1024xi32, #tpu.memory_space<vmem>>, vector<16xi32>,
      %get3A_2478 = arith.constant 992 : index
      %get3A_2479 = tpu.vector_load %arg4[%get3A_2478] {strides = array<i32>} : memref<1024xf32, #tpu.memory_space<vmem>>, vector<16xf32>,
      %gt3A_2480 = vector.broadcast %scan3A_1479 : i32 to vector<16xi32>
      %gt3A_2481 = arith.cmpi sgt, %get3A_2477, %gt3A_2480 : vector<16xi32>
      %jit3A_2482 = arith.constant 0.000000e+00 : f32
      %broadcast_in_dim3A_2483 = vector.broadcast %jit3A_2482 : f32 to vector<16xf32>
      %select_n3A_2484 = arith.select %gt3A_2481, %get3A_2479, %broadcast_in_dim3A_2483 : vector<16xi1>, vector<16xf32>
      %add3A_2485 = arith.addf %add3A_2469, %select_n3A_2484 : vector<16xf32>
      %jit3A_2486 = arith.constant 1 : i32
      %jit3A_2487 = arith.constant 0 : i32
      %broadcast_in_dim3A_2488 = vector.broadcast %jit3A_2486 : i32 to vector<16xi32>
      %broadcast_in_dim3A_2489 = vector.broadcast %jit3A_2487 : i32 to vector<16xi32>
      %select_n3A_2490 = arith.select %gt3A_2481, %broadcast_in_dim3A_2488, %broadcast_in_dim3A_2489 : vector<16xi1>, vector<16xi32>
      %add3A_2491 = arith.addi %add3A_2475, %select_n3A_2490 : vector<16xi32>
      %get3A_2492 = arith.constant 1008 : index
      %get3A_2493 = tpu.vector_load %arg5[%get3A_2492] {strides = array<i32>} : memref<1024xi32, #tpu.memory_space<vmem>>, vector<16xi32>,
      %get3A_2494 = arith.constant 1008 : index
      %get3A_2495 = tpu.vector_load %arg4[%get3A_2494] {strides = array<i32>} : memref<1024xf32, #tpu.memory_space<vmem>>, vector<16xf32>,
      %gt3A_2496 = vector.broadcast %scan3A_1479 : i32 to vector<16xi32>
      %gt3A_2497 = arith.cmpi sgt, %get3A_2493, %gt3A_2496 : vector<16xi32>
      %jit3A_2498 = arith.constant 0.000000e+00 : f32
      %broadcast_in_dim3A_2499 = vector.broadcast %jit3A_2498 : f32 to vector<16xf32>
      %select_n3A_2500 = arith.select %gt3A_2497, %get3A_2495, %broadcast_in_dim3A_2499 : vector<16xi1>, vector<16xf32>
      %add3A_2501 = arith.addf %add3A_2485, %select_n3A_2500 : vector<16xf32>
      %jit3A_2502 = arith.constant 1 : i32
      %jit3A_2503 = arith.constant 0 : i32
      %broadcast_in_dim3A_2504 = vector.broadcast %jit3A_2502 : i32 to vector<16xi32>
      %broadcast_in_dim3A_2505 = vector.broadcast %jit3A_2503 : i32 to vector<16xi32>
      %select_n3A_2506 = arith.select %gt3A_2497, %broadcast_in_dim3A_2504, %broadcast_in_dim3A_2505 : vector<16xi1>, vector<16xi32>
      %add3A_2507 = arith.addi %add3A_2491, %select_n3A_2506 : vector<16xi32>
      %reduce_sum3A_2508 = arith.constant true
      %reduce_sum3A_2509 = vector.broadcast %reduce_sum3A_2508 : i1 to vector<16xi1>
      %reduce_sum3A_2510 = tpu.scan <sum>, %add3A_2501 masked %reduce_sum3A_2509 : vector<16xf32>, vector<16xi1> -> vector<16xf32>
      %reduce_sum3A_2511 = vector.extract %reduce_sum3A_2510[15] : f32 from vector<16xf32>
      %reduce_sum3A_2512 = arith.constant true
      %reduce_sum3A_2513 = vector.broadcast %reduce_sum3A_2512 : i1 to vector<16xi1>
      %reduce_sum3A_2514 = tpu.scan <sum>, %add3A_2507 masked %reduce_sum3A_2513 : vector<16xi32>, vector<16xi1> -> vector<16xi32>
      %reduce_sum3A_2515 = vector.extract %reduce_sum3A_2514[15] : i32 from vector<16xi32>
      %lt3A_2516 = arith.constant 0 : i32
      %lt3A_2517 = arith.cmpi slt, %scan3A_1479, %lt3A_2516 : i32
      %xor3A_2518 = arith.constant 2147483647 : i32
      %xor3A_2519 = arith.xori %scan3A_1479, %xor3A_2518 : i32
      %select_n3A_2520 = arith.select %lt3A_2517, %xor3A_2519, %scan3A_1479 : i32
      %broadcast_in_dim3A_2521 = vector.broadcast %select_n3A_2520 : i32 to vector<16xi32>
      %bitcast3A_2522 = vector.bitcast %broadcast_in_dim3A_2521 : vector<16xi32> to vector<16xf32>
      %sub3A = arith.constant 716 : i32
      %sub3A_2523 = arith.subi %sub3A, %reduce_sum3A_2515 : i32
      %convert_element_type3A_2524 = arith.sitofp %sub3A_2523 : i32 to f32
      %mul3A = vector.broadcast %convert_element_type3A_2524 : f32 to vector<16xf32>
      %mul3A_2525 = arith.mulf %mul3A, %bitcast3A_2522 : vector<16xf32>
      %add3A_2526 = vector.broadcast %reduce_sum3A_2511 : f32 to vector<16xf32>
      %add3A_2527 = arith.addf %add3A_2526, %mul3A_2525 : vector<16xf32>
      %mul3A_2528 = arith.constant 0.001396648 : f32
      %mul3A_2529 = vector.broadcast %mul3A_2528 : f32 to vector<16xf32>
      %mul3A_2530 = arith.mulf %add3A_2527, %mul3A_2529 : vector<16xf32>
      %swap3A_2531 = arith.constant 0 : index
      %swap3A_2532 = tpu.vector_load %arg6[%swap3A_2531] {strides = array<i32>} : memref<16xf32, #tpu.memory_space<vmem>>, vector<16xf32>,
      tpu.vector_store %arg6[%swap3A_2531], %mul3A_2530 {strides = array<i32>} : memref<16xf32, #tpu.memory_space<vmem>>, vector<16xf32>,
      "tpu.region"() ({
        %run_scoped3A = tpu.sem_alloc : memref<!tpu.dma_semaphore, #tpu.memory_space<semaphore_mem>>
        tpu.enqueue_dma source(%arg6 : memref<16xf32, #tpu.memory_space<vmem>>) target(%arg3 : memref<16xf32, #tpu.memory_space<hbm>>) target_semaphore(%run_scoped3A : memref<!tpu.dma_semaphore, #tpu.memory_space<semaphore_mem>>)
        tpu.wait_dma2 semaphore(%run_scoped3A : memref<!tpu.dma_semaphore, #tpu.memory_space<semaphore_mem>>) src(%arg6 : memref<16xf32, #tpu.memory_space<vmem>>) dst(%arg3 : memref<16xf32, #tpu.memory_space<hbm>>)
        tpu.yield
      }) : () -> ()
    } else {
    }
    return
  }
}

module attributes {stable_mosaic.version = 14 : i64} {
  func.func @_loss_body(%arg0: i32, %arg1: memref<4096x1024xf32, #tpu.memory_space<vmem>>, %arg2: memref<1x1024xi32, #tpu.memory_space<vmem>>, %arg3: memref<1x1024xf32, #tpu.memory_space<vmem>>, %arg4: memref<1x1024xf32, #tpu.memory_space<vmem>>, %arg5: memref<1x1024xf32, #tpu.memory_space<vmem>>, %arg6: memref<1x1024xf32, #tpu.memory_space<vmem>>) attributes {dimension_semantics = [#tpu.dimension_semantics<arbitrary>], iteration_bounds = array<i64: 25>, scalar_prefetch = 0 : i64, scratch_operands = 3 : i64, tpu.core_type = #tpu.core_type<tc>, window_params = [{transform_indices = @transform_0, window_bounds = array<i64: 4096, 1024>}, {pipeline_mode = #tpu.pipeline_mode<synchronous>, transform_indices = @transform_1, window_bounds = array<i64: 1, 1024>}, {pipeline_mode = #tpu.pipeline_mode<synchronous>, transform_indices = @transform_2, window_bounds = array<i64: 1, 1024>}]} {
    %eq3A = arith.constant 0 : i32
    %eq3A_0 = arith.cmpi eq, %arg0, %eq3A : i32
    %convert_element_type3A = arith.extui %eq3A_0 : i1 to i32
    %cond3A = arith.constant 0 : i32
    %cond3A_1 = arith.cmpi ne, %convert_element_type3A, %cond3A : i32
    scf.if %cond3A_1 {
      %broadcast_in_dim3A_54 = arith.constant 0xFF800000 : f32
      %broadcast_in_dim3A_55 = vector.broadcast %broadcast_in_dim3A_54 : f32 to vector<1x1024xf32>
      %swap3A_56 = arith.constant 0 : index
      %swap3A_57 = arith.constant 0 : index
      %swap3A_58 = vector.load %arg4[%swap3A_56, %swap3A_57] : memref<1x1024xf32, #tpu.memory_space<vmem>>, vector<1x1024xf32>
      tpu.vector_store %arg4[%swap3A_56, %swap3A_57], %broadcast_in_dim3A_55 {strides = array<i32>} : memref<1x1024xf32, #tpu.memory_space<vmem>>, vector<1x1024xf32>,
      %broadcast_in_dim3A_59 = arith.constant 0.000000e+00 : f32
      %broadcast_in_dim3A_60 = vector.broadcast %broadcast_in_dim3A_59 : f32 to vector<1x1024xf32>
      %swap3A_61 = arith.constant 0 : index
      %swap3A_62 = arith.constant 0 : index
      %swap3A_63 = vector.load %arg5[%swap3A_61, %swap3A_62] : memref<1x1024xf32, #tpu.memory_space<vmem>>, vector<1x1024xf32>
      tpu.vector_store %arg5[%swap3A_61, %swap3A_62], %broadcast_in_dim3A_60 {strides = array<i32>} : memref<1x1024xf32, #tpu.memory_space<vmem>>, vector<1x1024xf32>,
      %broadcast_in_dim3A_64 = arith.constant 0.000000e+00 : f32
      %broadcast_in_dim3A_65 = vector.broadcast %broadcast_in_dim3A_64 : f32 to vector<1x1024xf32>
      %swap3A_66 = arith.constant 0 : index
      %swap3A_67 = arith.constant 0 : index
      %swap3A_68 = vector.load %arg6[%swap3A_66, %swap3A_67] : memref<1x1024xf32, #tpu.memory_space<vmem>>, vector<1x1024xf32>
      tpu.vector_store %arg6[%swap3A_66, %swap3A_67], %broadcast_in_dim3A_65 {strides = array<i32>} : memref<1x1024xf32, #tpu.memory_space<vmem>>, vector<1x1024xf32>,
    } else {
    }
    %get3A = arith.constant 0 : index
    %get3A_2 = arith.constant 0 : index
    %get3A_3 = vector.load %arg1[%get3A, %get3A_2] : memref<4096x1024xf32, #tpu.memory_space<vmem>>, vector<4096x1024xf32>
    %iota3A = tpu.iota {dimensions = array<i32: 0>} : vector<4096x1024xi32>
    %mul3A = arith.constant 4096 : i32
    %mul3A_4 = arith.muli %arg0, %mul3A : i32
    %sub3A = arith.constant 100000 : i32
    %sub3A_5 = arith.subi %sub3A, %mul3A_4 : i32
    %lt3A = vector.broadcast %sub3A_5 : i32 to vector<4096x1024xi32>
    %lt3A_6 = arith.cmpi slt, %iota3A, %lt3A : vector<4096x1024xi32>
    %jit3A = arith.constant 0xFF800000 : f32
    %broadcast_in_dim3A = vector.broadcast %jit3A : f32 to vector<4096x1024xf32>
    %select_n3A = arith.select %lt3A_6, %get3A_3, %broadcast_in_dim3A : vector<4096x1024xi1>, vector<4096x1024xf32>
    %reduce_max3A = arith.constant dense<0xFF800000> : vector<1024xf32>
    %reduce_max3A_7 = vector.multi_reduction <maximumf>, %select_n3A, %reduce_max3A [0] : vector<4096x1024xf32> to vector<1024xf32>
    %broadcast_in_dim3A_8 = vector.shape_cast %reduce_max3A_7 : vector<1024xf32> to vector<1x1024xf32>
    %get3A_9 = arith.constant 0 : index
    %get3A_10 = arith.constant 0 : index
    %get3A_11 = vector.load %arg4[%get3A_9, %get3A_10] : memref<1x1024xf32, #tpu.memory_space<vmem>>, vector<1x1024xf32>
    %max3A = arith.maximumf %get3A_11, %broadcast_in_dim3A_8 : vector<1x1024xf32>
    %sub3A_12 = vector.broadcast %max3A : vector<1x1024xf32> to vector<4096x1024xf32>
    %sub3A_13 = arith.subf %select_n3A, %sub3A_12 : vector<4096x1024xf32>
    %exp3A = math.exp %sub3A_13 : vector<4096x1024xf32>
    %reduce_sum3A = arith.constant dense<0.000000e+00> : vector<1024xf32>
    %reduce_sum3A_14 = vector.multi_reduction <add>, %exp3A, %reduce_sum3A [0] : vector<4096x1024xf32> to vector<1024xf32>
    %broadcast_in_dim3A_15 = vector.shape_cast %reduce_sum3A_14 : vector<1024xf32> to vector<1x1024xf32>
    %get3A_16 = arith.constant 0 : index
    %get3A_17 = arith.constant 0 : index
    %get3A_18 = vector.load %arg5[%get3A_16, %get3A_17] : memref<1x1024xf32, #tpu.memory_space<vmem>>, vector<1x1024xf32>
    %sub3A_19 = arith.subf %get3A_11, %max3A : vector<1x1024xf32>
    %exp3A_20 = math.exp %sub3A_19 : vector<1x1024xf32>
    %mul3A_21 = arith.mulf %get3A_18, %exp3A_20 : vector<1x1024xf32>
    %add3A = arith.addf %mul3A_21, %broadcast_in_dim3A_15 : vector<1x1024xf32>
    %swap3A = arith.constant 0 : index
    %swap3A_22 = arith.constant 0 : index
    %swap3A_23 = vector.load %arg5[%swap3A, %swap3A_22] : memref<1x1024xf32, #tpu.memory_space<vmem>>, vector<1x1024xf32>
    tpu.vector_store %arg5[%swap3A, %swap3A_22], %add3A {strides = array<i32>} : memref<1x1024xf32, #tpu.memory_space<vmem>>, vector<1x1024xf32>,
    %swap3A_24 = arith.constant 0 : index
    %swap3A_25 = arith.constant 0 : index
    %swap3A_26 = vector.load %arg4[%swap3A_24, %swap3A_25] : memref<1x1024xf32, #tpu.memory_space<vmem>>, vector<1x1024xf32>
    tpu.vector_store %arg4[%swap3A_24, %swap3A_25], %max3A {strides = array<i32>} : memref<1x1024xf32, #tpu.memory_space<vmem>>, vector<1x1024xf32>,
    %get3A_27 = arith.constant 0 : index
    %get3A_28 = arith.constant 0 : index
    %get3A_29 = vector.load %arg2[%get3A_27, %get3A_28] : memref<1x1024xi32, #tpu.memory_space<vmem>>, vector<1x1024xi32>
    %mul3A_30 = arith.constant 4096 : i32
    %mul3A_31 = arith.muli %arg0, %mul3A_30 : i32
    %sub3A_32 = vector.broadcast %mul3A_31 : i32 to vector<1x1024xi32>
    %sub3A_33 = arith.subi %get3A_29, %sub3A_32 : vector<1x1024xi32>
    %get3A_34 = arith.constant 0 : index
    %get3A_35 = arith.constant 0 : index
    %get3A_36 = vector.load %arg6[%get3A_34, %get3A_35] : memref<1x1024xf32, #tpu.memory_space<vmem>>, vector<1x1024xf32>
    %eq3A_37 = vector.broadcast %sub3A_33 : vector<1x1024xi32> to vector<4096x1024xi32>
    %eq3A_38 = arith.cmpi eq, %iota3A, %eq3A_37 : vector<4096x1024xi32>
    %jit3A_39 = arith.constant 0.000000e+00 : f32
    %broadcast_in_dim3A_40 = vector.broadcast %jit3A_39 : f32 to vector<4096x1024xf32>
    %select_n3A_41 = arith.select %eq3A_38, %select_n3A, %broadcast_in_dim3A_40 : vector<4096x1024xi1>, vector<4096x1024xf32>
    %reduce_sum3A_42 = arith.constant dense<0.000000e+00> : vector<1024xf32>
    %reduce_sum3A_43 = vector.multi_reduction <add>, %select_n3A_41, %reduce_sum3A_42 [0] : vector<4096x1024xf32> to vector<1024xf32>
    %broadcast_in_dim3A_44 = vector.shape_cast %reduce_sum3A_43 : vector<1024xf32> to vector<1x1024xf32>
    %add3A_45 = arith.addf %get3A_36, %broadcast_in_dim3A_44 : vector<1x1024xf32>
    %swap3A_46 = arith.constant 0 : index
    %swap3A_47 = arith.constant 0 : index
    %swap3A_48 = vector.load %arg6[%swap3A_46, %swap3A_47] : memref<1x1024xf32, #tpu.memory_space<vmem>>, vector<1x1024xf32>
    tpu.vector_store %arg6[%swap3A_46, %swap3A_47], %add3A_45 {strides = array<i32>} : memref<1x1024xf32, #tpu.memory_space<vmem>>, vector<1x1024xf32>,
    %eq3A_49 = arith.constant 24 : i32
    %eq3A_50 = arith.cmpi eq, %arg0, %eq3A_49 : i32
    %convert_element_type3A_51 = arith.extui %eq3A_50 : i1 to i32
    %cond3A_52 = arith.constant 0 : i32
    %cond3A_53 = arith.cmpi ne, %convert_element_type3A_51, %cond3A_52 : i32
    scf.if %cond3A_53 {
      %get3A_54 = arith.constant 0 : index
      %get3A_55 = arith.constant 0 : index
      %get3A_56 = vector.load %arg4[%get3A_54, %get3A_55] : memref<1x1024xf32, #tpu.memory_space<vmem>>, vector<1x1024xf32>
      %get3A_57 = arith.constant 0 : index
      %get3A_58 = arith.constant 0 : index
      %get3A_59 = vector.load %arg5[%get3A_57, %get3A_58] : memref<1x1024xf32, #tpu.memory_space<vmem>>, vector<1x1024xf32>
      %log3A = math.log %get3A_59 : vector<1x1024xf32>
      %add3A_60 = arith.addf %get3A_56, %log3A : vector<1x1024xf32>
      %get3A_61 = arith.constant 0 : index
      %get3A_62 = arith.constant 0 : index
      %get3A_63 = vector.load %arg6[%get3A_61, %get3A_62] : memref<1x1024xf32, #tpu.memory_space<vmem>>, vector<1x1024xf32>
      %sub3A_64 = arith.subf %add3A_60, %get3A_63 : vector<1x1024xf32>
      %swap3A_65 = arith.constant 0 : index
      %swap3A_66 = arith.constant 0 : index
      %swap3A_67 = vector.load %arg3[%swap3A_65, %swap3A_66] : memref<1x1024xf32, #tpu.memory_space<vmem>>, vector<1x1024xf32>
      tpu.vector_store %arg3[%swap3A_65, %swap3A_66], %sub3A_64 {strides = array<i32>} : memref<1x1024xf32, #tpu.memory_space<vmem>>, vector<1x1024xf32>,
    } else {
    }
    return
  }
  func.func @transform_0(%arg0: i32) -> (i32, i32) {
    %c0_i32 = arith.constant 0 : i32
    %c0_i32_0 = arith.constant 0 : i32
    return %arg0, %c0_i32 : i32, i32
  }
  func.func @transform_1(%arg0: i32) -> (i32, i32) {
    %c0_i32 = arith.constant 0 : i32
    %c0_i32_0 = arith.constant 0 : i32
    %c0_i32_1 = arith.constant 0 : i32
    return %c0_i32, %c0_i32_0 : i32, i32
  }
  func.func @transform_2(%arg0: i32) -> (i32, i32) {
    %c0_i32 = arith.constant 0 : i32
    %c0_i32_0 = arith.constant 0 : i32
    %c0_i32_1 = arith.constant 0 : i32
    return %c0_i32, %c0_i32_0 : i32, i32
  }
}

</mosaic_0001>

<sc_bundles>
// kernel: kernel.4.cloned.1.call-start
scs
__scs_entry_jumppad:
0x0: {  	(pc) =	sbr.rel $0x88, $3  }
0x1: {  	(tag) =	ssettag $0x0;
	lr =	simm.s32 $0x1  }
0x2: {  	[smem:$0x3F9F] =	sst lr;
	_ =	strace $0xD0000000  }
0x3: {  	_ = 	snop  }
0x4: {  	_ = 	snop  }
0x5: {  	_ = 	snop  }
0x6: {  	_ = 	snop  }
0x7: {  	_ = 	snop  }
__scs_overlays_trampoline_lowered:
0x8: {  	[smem:$0x3FAE] =	sst s0  }
0x9: {  	[smem:$0x3FAF] =	sst s1  }
0xa: {  	[smem:$0x3FB0] =	sst s2  }
0xb: {  	[smem:$0x3FB1] =	sst s3  }
0xc: {  	[smem:$0x3FB2] =	sst s4  }
0xd: {  	[smem:$0x3FB3] =	sst s5  }
0xe: {  	[smem:$0x3FB4] =	sst s6  }
0xf: {  	[smem:$0x3FB5] =	sst s7  }
0x10: {  	[smem:$0x3FB6] =	sst s8  }
0x11: {  	[smem:$0x3FB7] =	sst s9;
	s0 =	simm.s32 @!p0 $0x0  }
0x12: {  	s1 =	sld [smem:$0x3F9D];
	s0 =	simm.s32 @p0 $0x1  }
0x13: {  	[smem:$0x3FB8] =	sst s0;
	s0 =	simm.s32 @!p1 $0x0  }
0x14: {  	s2 =	sld [smem:$0x3F9C];
	s0 =	simm.s32 @p1 $0x1  }
0x15: {  	[smem:$0x3FB9] =	sst s0;
	s0 =	simm.s32 @!p2 $0x0  }
0x16: {  	s3 =	sld [smem:$0x3FDB];
	s0 =	simm.s32 @p2 $0x1  }
0x17: {  	s4 =	simm.s32 $0x1BF5;
	[smem:$0x3FBB] =	sst s0  }
0x18: {  	s0 =	sld [smem:$0x3F9E];
	_ =	swait.ge [sflag:s4], $0x0  }
0x19: {  	s7 =	sld [smem:$0x3F9F]  }
0x1a: {  	s8 =	sadd.s32 $0xFFFFE003, lr  }
0x1b: {  	s9 =	sadd.s32 $0xFFFFFEF7, lr;
	s5 =	simm.s32 $0xFFFFFFFF;
	p2 =	slt.u32 s8, $0xFFFFF086  }
0x1c: {  	p1 =	slt.u32 s9, $0xF7A;
	s5 =	simm.s32 @!p2 $0x0  }
0x1d: {  	s5 =	simm.s32 @p1 $0x1;
	p0 =	seq.s32 s7, s2  }
0x1e: {  	s7 =	smul.u32 @!p0 $0xF7A, s2;
	p2 =	seq.s32 @!p0 s5, $0x0  }
0x1f: {  	s9 =	smul.u32 $0xF7A, s1;
	s8 =	simm.s32 @!p0 $0x1BF5;
	p2 =	por !p2, p0  }
0x20: {  	[sflag:s8] =	ssyncset.s32 @!p0 $0xFFFFF086;
	s6 =	sadd.s32 @!p0 s3, s7;
	s7 =	simm.s32 @!p0 $0x108  }
0x21: {  	s3 =	sadd.s32 s3, s9;
	s6 =	sadd.s32 @!p0 $0x88, s6;
	s7 =	simm.s32 @p2 $0x1082  }
0x22: {  	[simem:s7], [sflag:s8] =	dma.local @!p0 [hbm:s6], $0xF7A  }
0x23: {  	s9 =	sor.u32 $0xD0000000, s2;
	s6 =	simm.s32 $0x108;
	_ =	swait.ge @!p0 [sflag:s8], $0x0  }
0x24: {  	s3 =	sadd.s32 $0x88, s3;
	s6 =	simm.s32 @!p1 $0x1082;
	[sflag:s4] =	ssyncset.s32 $0xFFFFF086  }
0x25: {  	[simem:s6], [sflag:s4] =	dma.local [hbm:s3], $0xF7A  }
0x26: {  	[smem:$0x3F9F] =	sst s1;
	(tag) =	ssettag s2;
	_ =	strace s9  }
0x27: {  	s1 =	sld [smem:$0x3FAF]  }
0x28: {  	s2 =	sld [smem:$0x3FB0]  }
0x29: {  	s4 =	sld [smem:$0x3FB2]  }
0x2a: {  	p0 =	seq.s32 s5, $0x0;
	s5 =	sld [smem:$0x3FB3]  }
0x2b: {  	s6 =	sld [smem:$0x3FB4]  }
0x2c: {  	s7 =	sld [smem:$0x3FB5]  }
0x2d: {  	s3 =	simm.s32 $0x108;
	s8 =	sld [smem:$0x3FB6]  }
0x2e: {  	s3 =	simm.s32 @!p0 $0x1082;
	s9 =	sld [smem:$0x3FB7]  }
0x2f: {  	lr =	sadd.s32 s0, s3;
	s0 =	sld [smem:$0x3FAE]  }
0x30: {  	s3 =	sld [smem:$0x3FB1]  }
0x31: {  	[smem:$0x3FBA] =	sst s10  }
0x32: {  	s10 =	sld [smem:$0x3FB8];
	_ =	sdelay $0x3  }
0x33: {  	p0 =	seq.s32 s10, $0x1;
	s10 =	sld [smem:$0x3FBA];
	_ =	sdelay $0x3  }
0x34: {  	[smem:$0x3FBA] =	sst s10  }
0x35: {  	s10 =	sld [smem:$0x3FB9];
	_ =	sdelay $0x3  }
0x36: {  	p1 =	seq.s32 s10, $0x1;
	s10 =	sld [smem:$0x3FBA];
	_ =	sdelay $0x3  }
0x37: {  	[smem:$0x3FBA] =	sst s10  }
0x38: {  	s10 =	sld [smem:$0x3FBB]  }
0x39: {  	_ = 	snop;
	(pc) =	sbr.ind lr, $3  }
0x3a: {  	_ = 	snop  }
0x3b: {  	_ = 	snop  }
0x3c: {  	p2 =	seq.s32 s10, $0x1;
	s10 =	sld [smem:$0x3FBA]  }
0x3d: {  	_ =	shalt  }
0x3e: {  	_ =	shalt  }
0x3f: {  	_ =	shalt  }
0x40: {  	_ =	shalt  }
0x41: {  	_ =	shalt  }
0x42: {  	_ =	shalt  }
0x43: {  	_ =	shalt  }
0x44: {  	_ =	shalt  }
0x45: {  	_ =	shalt  }
0x46: {  	_ =	shalt  }
0x47: {  	_ =	shalt  }
0x48: {  	_ =	shalt  }
0x49: {  	_ =	shalt  }
0x4a: {  	_ =	shalt  }
0x4b: {  	_ =	shalt  }
0x4c: {  	_ =	shalt  }
0x4d: {  	_ =	shalt  }
0x4e: {  	_ =	shalt  }
0x4f: {  	_ =	shalt  }
0x50: {  	_ =	shalt  }
0x51: {  	_ =	shalt  }
0x52: {  	_ =	shalt  }
0x53: {  	_ =	shalt  }
0x54: {  	_ =	shalt  }
0x55: {  	_ =	shalt  }
0x56: {  	_ =	shalt  }
0x57: {  	_ =	shalt  }
0x58: {  	_ =	shalt  }
0x59: {  	_ =	shalt  }
0x5a: {  	_ =	shalt  }
0x5b: {  	_ =	shalt  }
0x5c: {  	_ =	shalt  }
0x5d: {  	_ =	shalt  }
0x5e: {  	_ =	shalt  }
0x5f: {  	_ =	shalt  }
0x60: {  	_ =	shalt  }
0x61: {  	_ =	shalt  }
0x62: {  	_ =	shalt  }
0x63: {  	_ =	shalt  }
0x64: {  	_ =	shalt  }
0x65: {  	_ =	shalt  }
0x66: {  	_ =	shalt  }
0x67: {  	_ =	shalt  }
0x68: {  	_ =	shalt  }
0x69: {  	_ =	shalt  }
0x6a: {  	_ =	shalt  }
0x6b: {  	_ =	shalt  }
0x6c: {  	_ =	shalt  }
0x6d: {  	_ =	shalt  }
0x6e: {  	_ =	shalt  }
0x6f: {  	_ =	shalt  }
0x70: {  	_ =	shalt  }
0x71: {  	_ =	shalt  }
0x72: {  	_ =	shalt  }
0x73: {  	_ =	shalt  }
0x74: {  	_ =	shalt  }
0x75: {  	_ =	shalt  }
0x76: {  	_ =	shalt  }
0x77: {  	_ =	shalt  }
0x78: {  	_ =	shalt  }
0x79: {  	_ =	shalt  }
0x7a: {  	_ =	shalt  }
0x7b: {  	_ =	shalt  }
0x7c: {  	_ =	shalt  }
0x7d: {  	_ =	shalt  }
0x7e: {  	_ =	shalt  }
0x7f: {  	_ =	shalt  }
0x80: {  	_ =	shalt  }
0x81: {  	_ =	shalt  }
0x82: {  	_ =	shalt  }
0x83: {  	_ =	shalt  }
0x84: {  	_ =	shalt  }
0x85: {  	_ =	shalt  }
0x86: {  	_ =	shalt  }
0x87: {  	_ =	shalt  }
.Lfunc_end0:
.L_simem_size_0:
called_computation_lowered:
.L_overlay_start_0:
0x88: {  	s2 =	sld [smem:$0x3FD9]  }
0x89: {  	s3 =	sld [smem:$0x3FFE];
	_ =	sdelay $0x1  }
0x8a: {  	s1 =	srdreg.scid  }
0x8b: {  	s0 =	sand.u32 $0x1, s1  }
0x8c: {  	s17 =	sshll.u32 s0, $0xA;
	s2 =	sadd.s32 s3, s2  }
0x8d: {  	s2 =	sadd.s32 s2, s17  }
0x8e: {  	[smem:$0x3FC6] =	sst s2  }
0x8f: {  	_ = 	snop  }
0x90: {  	s2 =	sld [smem:$0x3FD0];
	(tm) =	ssettm $0x1  }
0x91: {  	s18 =	sld [smem:$0x3FFB];
	_ =	sdelay $0x3  }
0x92: {  	_ =	strace s18  }
0x93: {  	s3 =	sld [smem:$0x3FFC];
	_ =	sdelay $0x3  }
0x94: {  	_ =	strace s3  }
0x95: {  	s3 =	sld [smem:$0x3FFD];
	_ =	sdelay $0x3  }
0x96: {  	_ =	strace s3  }
0x97: {  	_ =	strace $0x8FFFFFFF  }
0x98: {  	s19 =	sld [smem:$0x3FDB];
	_ =	sdelay $0x1  }
0x99: {  	s4 =	simm.s32 $_scs_section_size  }
0x9a: {  	s5 =	simm.s32 $_size__tile_overlayer_lowered;
	s6 =	simm.s32 $_tile_overlayer_lowered  }
0x9b: {  	s22 =	simm.s32 $0x1BFF;
	s21 =	sshll.u32 s6, $0x1;
	s3 =	sadd.s32 s4, s19  }
0x9c: {  	s7 =	simm.s32 $0x0;
	s20 =	sshll.u32 s5, $0x1;
	s5 =	sadd.s32 s21, s3  }
0x9d: {  	[timem:s7], [sflag:s22] =	dma.local [hbm:s5], s20  }
0x9e: {  	_ =	swait.ge [sflag:s22], s20  }
0x9f: {  	s4 =	ssub.s32 $0x0, s20;
	[sflag:s22] =	ssyncset.done $0x0  }
0xa0: {  	[sflag:s22] =	ssyncadd.s32 s4;
	_ =	sdelay $0x1  }
0xa1: {  	s23 =	simm.s32 $0x1B8B  }
0xa2: {  	_ =	swait.ge [sflag:s23], $0x1  }
0xa3: {  	[sflag:s23] =	ssyncset.done $0x0  }
0xa4: {  	s25 =	simm.s32 $0x1B8E;
	s24 =	sld [smem:$0x3FFE];
	[sflag:s23] =	ssyncadd.s32 $0xFFFFFFFF  }
0xa5: {  	s26 =	simm.s32 $execute0_lowered;
	[smem:$0x3FD2] =	sst s25  }
0xa6: {  	s5 =	sshll.u32 s26, $0x1;
	_ =	strace $0x80000046;
	[dreg:$0x1] =	wrdreg $0xFFFFFFFF  }
0xa7: {  	s28 =	simm.s32 $_size_execute0_lowered;
	s3 =	sadd.s32 s3, s5;
	[dreg:$0x0] =	wrdreg $0x0  }
0xa8: {  	s5 =	sshll.u32 s28, $0x1;
	[dreg:$0x2] =	wrdreg s3  }
0xa9: {  	[dreg:$0x3] =	wrdreg s5  }
0xaa: {  	[dreg:$0x4] =	wrdreg $0xC0  }
0xab: {  	_ =	task [dreg:s7], $0x5FFFF  }
0xac: {  	[dreg:$0x1] =	wrdreg $0xFFFFFFFF  }
0xad: {  	[dreg:$0x0] =	wrdreg $0x60  }
0xae: {  	[dreg:$0x2] =	wrdreg s24  }
0xaf: {  	[dreg:$0x3] =	wrdreg s2  }
0xb0: {  	[dreg:$0x4] =	wrdreg $0x9  }
0xb1: {  	_ =	task.clear_ibuf [dreg:s7], $0x5FFFF;
	_ =	strace $0x90000046  }
0xb2: {  	s29 =	simm.s32 $0x9;
	_ =	strace $0x80000048  }
0xb3: {  	_ =	swait.ge [sflag:s29], $0x1  }
0xb4: {  	[sflag:s29] =	ssyncadd.s32 $0xFFFFFFFF  }
0xb5: {  	_ =	strace $0x90000048  }
0xb6: {  	_ =	sfence  }
0xb7: {  	s30 =	sld [smem:$0x0];
	_ =	sdelay $0x2  }
0xb8: {  	s31 =	sshll.u32 s1, $0xD;
	s1 =	sshrl.u32 s1, $0x2  }
0xb9: {  	s3 =	sand.u32 $0x4000, s31;
	s1 =	sadd.s32 s1, s30  }
0xba: {  	s0 =	sor.u32 s3, s0;
	s1 =	sshll.u32 s1, $0x11  }
0xbb: {  	s0 =	sor.u32 s1, s0  }
0xbc: {  	s0 =	sadd.s32 $0x8F2B, s0  }
0xbd: {  	[sflag:s0] =	ssyncadd.remote.s32 $0x1  }
0xbe: {  	_ =	sfence.sel $0xFFFF  }
0xbf: {  	[dreg:$0x0] =	wrdreg $0xFFFFFFFF;
	(pc) =	sbr.abs _section_cstart, $3  }
0xc0: {  	[dreg:$0x1] =	wrdreg $0xFFFFFFFF  }
0xc1: {  	_ =	task.clear_ibuf [dreg:s7], $0x2FFFF;
	_ =	strace $0x9FFFFFFF  }
0xc2: {  	(tm) =	ssettm $0x7FFFFFFF  }
0xc3: {  	_ =	shalt  }
tec
execute0_lowered:
.L_overlay_start_1:
0x0: {  	(tag) =	ssettag $0x1  }
0x1: {  	s0 =	srdreg.scid  }
0x2: {  	s4 =	sand.u32 $0x1, s0;
	s0 =	stileid.u32  }
0x3: {  	s5 =	sor.u32 s0, s4  }
0x4: {  	p0 =	sne.s32 s5, $0x0  }
.Ltmp0:
0x5: {  	_ = 	snop;
	(pc) =	sbr.rel @p0 .LBB2_5-.Ltmp0, $4  }
0x6: {  	_ = 	snop  }
0x7: {  	s3 =	rddreg [dreg:$0x0]  }
0x8: {  	s2 =	rddreg [dreg:$0x1]  }
0x9: {  	s1 =	rddreg [dreg:$0x2];
	_ =	strace $0x80000047  }
0xa: {  	s4 =	ssub.s32 $0x2, s4;
	s3 =	sadd.s32 $0x400, s3;
	s6 =	simm.s32 $0x1  }
0xb: {  	s7 =	simm.s32 $0x40000000;
	s8 =	simm.s32 $0x800;
	s5 =	sshrl.u32 s4, $0x1  }
0xc: {  	v0 =	vimm.s32 $0x0;
	s9 =	simm.s32 $0x0;
	s4 =	ssub.s32 s4, s5;
	s5 =	simm.s32 $0x0  }
.LBB2_2:
0xd: {  	[tilespmem:s5], [sflag:$0x1] =	stream.linear.gather [hbm4b:s3+s5], $0x400, $0x38;
	[tilespmem:$0x880] =	vst v63  }
0xe: {  	_ =	swait.ge [sflag:s6], $0x400  }
0xf: {  	[sflag:s6] =	ssyncset.done $0x0  }
0x10: {  	[sflag:s6] =	ssyncadd.s32 $0xFFFFFC00  }
0x11: {  	v1 =	vld [tilespmem:$0x0]  }
0x12: {  	v2 =	vld [tilespmem:$0x10]  }
0x13: {  	v3 =	vld [tilespmem:$0x20]  }
0x14: {  	v4 =	vld [tilespmem:$0x30]  }
0x15: {  	v5 =	vld [tilespmem:$0x40]  }
0x16: {  	v7 =	vld [tilespmem:$0x50];
	vm0 =	vlt.s32 v1, $0x0;
	v6 =	vxor.u32 $0x7FFFFFFF, v1  }
0x17: {  	vm11 =	vlt.s32 v2, $0x0;
	v63 =	vsel vm0, v6, v1;
	v1 =	vxor.u32 $0x7FFFFFFF, v2;
	v6 =	vld [tilespmem:$0x60]  }
0x18: {  	v8 =	vld [tilespmem:$0x70];
	vm12 =	vlt.s32 v3, $0x0;
	v13 =	vsel vm11, v1, v2;
	v2 =	vxor.u32 $0x7FFFFFFF, v3  }
0x19: {  	vm13 =	vlt.s32 v4, $0x0;
	v1 =	vsel vm12, v2, v3;
	v2 =	vxor.u32 $0x7FFFFFFF, v4;
	v3 =	vld [tilespmem:$0x80]  }
0x1a: {  	vm14 =	vlt.s32 v5, $0x0;
	v62 =	vsel vm13, v2, v4;
	v2 =	vxor.u32 $0x7FFFFFFF, v5;
	v4 =	vld [tilespmem:$0x90]  }
0x1b: {  	vm15 =	vlt.s32 v7, $0x0;
	v61 =	vsel vm14, v2, v5;
	v2 =	vxor.u32 $0x7FFFFFFF, v7;
	v5 =	vld [tilespmem:$0xA0]  }
0x1c: {  	v60 =	vsel vm15, v2, v7;
	vm4 =	vlt.s32 v6, $0x0;
	v2 =	vxor.u32 $0x7FFFFFFF, v6;
	v7 =	vld [tilespmem:$0xB0]  }
0x1d: {  	vm5 =	vlt.s32 v8, $0x0;
	v59 =	vsel vm4, v2, v6;
	v2 =	vxor.u32 $0x7FFFFFFF, v8;
	v6 =	vld [tilespmem:$0xC0]  }
0x1e: {  	v58 =	vsel vm5, v2, v8;
	vm6 =	vlt.s32 v3, $0x0;
	v2 =	vxor.u32 $0x7FFFFFFF, v3;
	v8 =	vld [tilespmem:$0xD0]  }
0x1f: {  	v57 =	vsel vm6, v2, v3;
	vm7 =	vlt.s32 v4, $0x0;
	v2 =	vxor.u32 $0x7FFFFFFF, v4;
	v3 =	vld [tilespmem:$0xE0]  }
0x20: {  	v56 =	vsel vm7, v2, v4;
	vm8 =	vlt.s32 v5, $0x0;
	v2 =	vxor.u32 $0x7FFFFFFF, v5;
	v4 =	vld [tilespmem:$0xF0]  }
0x21: {  	v55 =	vsel vm8, v2, v5;
	vm9 =	vlt.s32 v7, $0x0;
	v2 =	vxor.u32 $0x7FFFFFFF, v7;
	v5 =	vld [tilespmem:$0x100]  }
0x22: {  	v54 =	vsel vm9, v2, v7;
	vm10 =	vlt.s32 v6, $0x0;
	v2 =	vxor.u32 $0x7FFFFFFF, v6;
	v7 =	vld [tilespmem:$0x110]  }
0x23: {  	v53 =	vsel vm10, v2, v6;
	vm11 =	vlt.s32 v8, $0x0;
	v2 =	vxor.u32 $0x7FFFFFFF, v8;
	v6 =	vld [tilespmem:$0x120]  }
0x24: {  	v52 =	vsel vm11, v2, v8;
	vm12 =	vlt.s32 v3, $0x0;
	v2 =	vxor.u32 $0x7FFFFFFF, v3;
	v8 =	vld [tilespmem:$0x130]  }
0x25: {  	v51 =	vsel vm12, v2, v3;
	vm13 =	vlt.s32 v4, $0x0;
	v2 =	vxor.u32 $0x7FFFFFFF, v4;
	v3 =	vld [tilespmem:$0x140]  }
0x26: {  	v50 =	vsel vm13, v2, v4;
	vm14 =	vlt.s32 v5, $0x0;
	v2 =	vxor.u32 $0x7FFFFFFF, v5;
	v4 =	vld [tilespmem:$0x150]  }
0x27: {  	v49 =	vsel vm14, v2, v5;
	vm15 =	vlt.s32 v7, $0x0;
	v2 =	vxor.u32 $0x7FFFFFFF, v7;
	v5 =	vld [tilespmem:$0x160]  }
0x28: {  	v48 =	vsel vm15, v2, v7;
	vm4 =	vlt.s32 v6, $0x0;
	v2 =	vxor.u32 $0x7FFFFFFF, v6;
	v7 =	vld [tilespmem:$0x170]  }
0x29: {  	v47 =	vsel vm4, v2, v6;
	vm5 =	vlt.s32 v8, $0x0;
	v2 =	vxor.u32 $0x7FFFFFFF, v8;
	v6 =	vld [tilespmem:$0x180]  }
0x2a: {  	v46 =	vsel vm5, v2, v8;
	vm6 =	vlt.s32 v3, $0x0;
	v2 =	vxor.u32 $0x7FFFFFFF, v3;
	v8 =	vld [tilespmem:$0x190]  }
0x2b: {  	v45 =	vsel vm6, v2, v3;
	vm7 =	vlt.s32 v4, $0x0;
	v2 =	vxor.u32 $0x7FFFFFFF, v4;
	v3 =	vld [tilespmem:$0x1A0]  }
0x2c: {  	v44 =	vsel vm7, v2, v4;
	vm8 =	vlt.s32 v5, $0x0;
	v2 =	vxor.u32 $0x7FFFFFFF, v5;
	v4 =	vld [tilespmem:$0x1B0]  }
0x2d: {  	v43 =	vsel vm8, v2, v5;
	vm9 =	vlt.s32 v7, $0x0;
	v2 =	vxor.u32 $0x7FFFFFFF, v7;
	v5 =	vld [tilespmem:$0x1C0]  }
0x2e: {  	v42 =	vsel vm9, v2, v7;
	vm10 =	vlt.s32 v6, $0x0;
	v2 =	vxor.u32 $0x7FFFFFFF, v6;
	v7 =	vld [tilespmem:$0x1D0]  }
0x2f: {  	v41 =	vsel vm10, v2, v6;
	vm11 =	vlt.s32 v8, $0x0;
	v2 =	vxor.u32 $0x7FFFFFFF, v8;
	v6 =	vld [tilespmem:$0x1E0]  }
0x30: {  	v40 =	vsel vm11, v2, v8;
	vm12 =	vlt.s32 v3, $0x0;
	v2 =	vxor.u32 $0x7FFFFFFF, v3;
	v8 =	vld [tilespmem:$0x1F0]  }
0x31: {  	v39 =	vsel vm12, v2, v3;
	vm13 =	vlt.s32 v4, $0x0;
	v2 =	vxor.u32 $0x7FFFFFFF, v4;
	v3 =	vld [tilespmem:$0x200]  }
0x32: {  	v38 =	vsel vm13, v2, v4;
	vm14 =	vlt.s32 v5, $0x0;
	v2 =	vxor.u32 $0x7FFFFFFF, v5;
	v4 =	vld [tilespmem:$0x210]  }
0x33: {  	v37 =	vsel vm14, v2, v5;
	vm15 =	vlt.s32 v7, $0x0;
	v2 =	vxor.u32 $0x7FFFFFFF, v7;
	v5 =	vld [tilespmem:$0x220]  }
0x34: {  	v36 =	vsel vm15, v2, v7;
	vm4 =	vlt.s32 v6, $0x0;
	v2 =	vxor.u32 $0x7FFFFFFF, v6;
	v7 =	vld [tilespmem:$0x230]  }
0x35: {  	v35 =	vsel vm4, v2, v6;
	vm5 =	vlt.s32 v8, $0x0;
	v2 =	vxor.u32 $0x7FFFFFFF, v8;
	v6 =	vld [tilespmem:$0x240]  }
0x36: {  	v34 =	vsel vm5, v2, v8;
	vm6 =	vlt.s32 v3, $0x0;
	v2 =	vxor.u32 $0x7FFFFFFF, v3;
	v8 =	vld [tilespmem:$0x250]  }
0x37: {  	v33 =	vsel vm6, v2, v3;
	vm7 =	vlt.s32 v4, $0x0;
	v2 =	vxor.u32 $0x7FFFFFFF, v4;
	v3 =	vld [tilespmem:$0x260]  }
0x38: {  	v32 =	vsel vm7, v2, v4;
	vm8 =	vlt.s32 v5, $0x0;
	v2 =	vxor.u32 $0x7FFFFFFF, v5;
	v4 =	vld [tilespmem:$0x270]  }
0x39: {  	v16 =	vsel vm8, v2, v5;
	vm9 =	vlt.s32 v7, $0x0;
	v2 =	vxor.u32 $0x7FFFFFFF, v7;
	v5 =	vld [tilespmem:$0x280]  }
0x3a: {  	v31 =	vsel vm9, v2, v7;
	vm10 =	vlt.s32 v6, $0x0;
	v2 =	vxor.u32 $0x7FFFFFFF, v6;
	v7 =	vld [tilespmem:$0x290]  }
0x3b: {  	v30 =	vsel vm10, v2, v6;
	vm11 =	vlt.s32 v8, $0x0;
	v2 =	vxor.u32 $0x7FFFFFFF, v8;
	v6 =	vld [tilespmem:$0x2A0]  }
0x3c: {  	v23 =	vsel vm11, v2, v8;
	vm12 =	vlt.s32 v3, $0x0;
	v2 =	vxor.u32 $0x7FFFFFFF, v3;
	v8 =	vld [tilespmem:$0x2B0]  }
0x3d: {  	v29 =	vsel vm12, v2, v3;
	vm13 =	vlt.s32 v4, $0x0;
	v2 =	vxor.u32 $0x7FFFFFFF, v4;
	v3 =	vld [tilespmem:$0x2C0]  }
0x3e: {  	v28 =	vsel vm13, v2, v4;
	vm14 =	vlt.s32 v5, $0x0;
	v2 =	vxor.u32 $0x7FFFFFFF, v5;
	v4 =	vld [tilespmem:$0x2D0]  }
0x3f: {  	v27 =	vsel vm14, v2, v5;
	vm15 =	vlt.s32 v7, $0x0;
	v2 =	vxor.u32 $0x7FFFFFFF, v7;
	v5 =	vld [tilespmem:$0x2E0]  }
0x40: {  	v26 =	vsel vm15, v2, v7;
	vm4 =	vlt.s32 v6, $0x0;
	v2 =	vxor.u32 $0x7FFFFFFF, v6;
	v7 =	vld [tilespmem:$0x2F0]  }
0x41: {  	v25 =	vsel vm4, v2, v6;
	vm5 =	vlt.s32 v8, $0x0;
	v2 =	vxor.u32 $0x7FFFFFFF, v8;
	v6 =	vld [tilespmem:$0x300]  }
0x42: {  	v24 =	vsel vm5, v2, v8;
	vm6 =	vlt.s32 v3, $0x0;
	v2 =	vxor.u32 $0x7FFFFFFF, v3;
	v8 =	vld [tilespmem:$0x310]  }
0x43: {  	v22 =	vsel vm6, v2, v3;
	vm7 =	vlt.s32 v4, $0x0;
	v2 =	vxor.u32 $0x7FFFFFFF, v4;
	v3 =	vld [tilespmem:$0x320]  }
0x44: {  	v21 =	vsel vm7, v2, v4;
	vm8 =	vlt.s32 v5, $0x0;
	v2 =	vxor.u32 $0x7FFFFFFF, v5;
	v4 =	vld [tilespmem:$0x330]  }
0x45: {  	v20 =	vsel vm8, v2, v5;
	vm9 =	vlt.s32 v7, $0x0;
	v2 =	vxor.u32 $0x7FFFFFFF, v7;
	v5 =	vld [tilespmem:$0x340]  }
0x46: {  	v19 =	vsel vm9, v2, v7;
	vm10 =	vlt.s32 v6, $0x0;
	v2 =	vxor.u32 $0x7FFFFFFF, v6;
	v7 =	vld [tilespmem:$0x350]  }
0x47: {  	v18 =	vsel vm10, v2, v6;
	vm11 =	vlt.s32 v8, $0x0;
	v2 =	vxor.u32 $0x7FFFFFFF, v8;
	v6 =	vld [tilespmem:$0x360]  }
0x48: {  	v17 =	vsel vm11, v2, v8;
	vm12 =	vlt.s32 v3, $0x0;
	v2 =	vxor.u32 $0x7FFFFFFF, v3;
	v8 =	vld [tilespmem:$0x370]  }
0x49: {  	v15 =	vsel vm12, v2, v3;
	vm13 =	vlt.s32 v4, $0x0;
	v3 =	vxor.u32 $0x7FFFFFFF, v4;
	v2 =	vld [tilespmem:$0x380]  }
0x4a: {  	v9 =	vld [tilespmem:$0x390];
	v14 =	vsel vm13, v3, v4;
	vm14 =	vlt.s32 v5, $0x0;
	v3 =	vxor.u32 $0x7FFFFFFF, v5  }
0x4b: {  	v11 =	vsel vm14, v3, v5;
	vm15 =	vlt.s32 v7, $0x0;
	v3 =	vxor.u32 $0x7FFFFFFF, v7  }
0x4c: {  	v12 =	vld [tilespmem:$0x3A0];
	v7 =	vsel vm15, v3, v7;
	vm4 =	vlt.s32 v6, $0x0;
	v3 =	vxor.u32 $0x7FFFFFFF, v6  }
0x4d: {  	v5 =	vld [tilespmem:$0x3B0];
	v3 =	vsel vm4, v3, v6;
	vm5 =	vlt.s32 v8, $0x0;
	v4 =	vxor.u32 $0x7FFFFFFF, v8  }
0x4e: {  	v6 =	vld [tilespmem:$0x3C0];
	[tilespmem:$0x1FF40] =	vst v3;
	v3 =	vsel vm5, v4, v8;
	vm6 =	vlt.s32 v2, $0x0;
	v4 =	vxor.u32 $0x7FFFFFFF, v2  }
0x4f: {  	vm7 =	vlt.s32 v9, $0x0;
	v8 =	vxor.u32 $0x7FFFFFFF, v9;
	v2 =	vsel vm6, v4, v2;
	v4 =	vld [tilespmem:$0x3E0]  }
0x50: {  	[tilespmem:$0x1FF60] =	vst v2;
	v2 =	vsel vm7, v8, v9  }
0x51: {  	vm8 =	vlt.s32 v12, $0x0;
	v8 =	vld [tilespmem:$0x3F0];
	[tilespmem:$0x1FF70] =	vst v2;
	v2 =	vxor.u32 $0x7FFFFFFF, v12  }
0x52: {  	[tilespmem:$0x1FF50] =	vst v3;
	v3 =	vld [tilespmem:$0x3D0];
	vm9 =	vlt.s32 v5, $0x0;
	v9 =	vxor.u32 $0x7FFFFFFF, v5;
	v12 =	vsel vm8, v2, v12  }
0x53: {  	v2 =	vsel vm9, v9, v5;
	vm10 =	vlt.s32 v6, $0x0;
	v10 =	vxor.u32 $0x7FFFFFFF, v6  }
0x54: {  	[tilespmem:$0x1FF80] =	vst v2;
	v2 =	vsel vm10, v10, v6;
	vm12 =	vlt.s32 v4, $0x0;
	v6 =	vxor.u32 $0x7FFFFFFF, v4  }
0x55: {  	vm1 =	vgt.s32 v13, $0xFFFFFFFF;
	vm2 =	vgt.s32 v1, $0xFFFFFFFF;
	[tilespmem:$0x1FFD0] =	vst v2;
	v2 =	vsel vm12, v6, v4  }
0x56: {  	vm14 =	vgt.s32 v63, $0xFFFFFFFF;
	vm13 =	vlt.s32 v8, $0x0;
	[tilespmem:$0x1FFF0] =	vst v2;
	v2 =	vxor.u32 $0x7FFFFFFF, v8  }
0x57: {  	vm11 =	vlt.s32 v3, $0x0;
	v5 =	vxor.u32 $0x7FFFFFFF, v3;
	v2 =	vsel vm13, v2, v8  }
0x58: {  	v9 =	vsel vm11, v5, v3;
	v3 =	vsel vm14, $0x1, v0;
	[tilespmem:$0x1FF90] =	vst v2;
	v2 =	vsel vm1, $0x1, v0  }
0x59: {  	vm15 =	vgt.s32 v62, $0xFFFFFFFF;
	v3 =	vadd.s32 v3, v2;
	v2 =	vsel vm2, $0x1, v0  }
0x5a: {  	vm4 =	vgt.s32 v61, $0xFFFFFFFF;
	v3 =	vadd.s32 v2, v3;
	v2 =	vsel vm15, $0x1, v0  }
0x5b: {  	vm5 =	vgt.s32 v60, $0xFFFFFFFF;
	v3 =	vadd.s32 v2, v3;
	v2 =	vsel vm4, $0x1, v0  }
0x5c: {  	vm6 =	vgt.s32 v59, $0xFFFFFFFF;
	v3 =	vadd.s32 v2, v3;
	v2 =	vsel vm5, $0x1, v0  }
0x5d: {  	vm7 =	vgt.s32 v58, $0xFFFFFFFF;
	v3 =	vadd.s32 v2, v3;
	v2 =	vsel vm6, $0x1, v0  }
0x5e: {  	vm8 =	vgt.s32 v57, $0xFFFFFFFF;
	v3 =	vadd.s32 v2, v3;
	v2 =	vsel vm7, $0x1, v0  }
0x5f: {  	vm9 =	vgt.s32 v56, $0xFFFFFFFF;
	v3 =	vadd.s32 v2, v3;
	v2 =	vsel vm8, $0x1, v0  }
0x60: {  	vm10 =	vgt.s32 v55, $0xFFFFFFFF;
	v3 =	vadd.s32 v2, v3;
	v2 =	vsel vm9, $0x1, v0  }
0x61: {  	vm11 =	vgt.s32 v54, $0xFFFFFFFF;
	v3 =	vadd.s32 v2, v3;
	v2 =	vsel vm10, $0x1, v0  }
0x62: {  	vm12 =	vgt.s32 v53, $0xFFFFFFFF;
	v3 =	vadd.s32 v2, v3;
	v2 =	vsel vm11, $0x1, v0  }
0x63: {  	vm13 =	vgt.s32 v52, $0xFFFFFFFF;
	v3 =	vadd.s32 v2, v3;
	v2 =	vsel vm12, $0x1, v0  }
0x64: {  	vm14 =	vgt.s32 v51, $0xFFFFFFFF;
	v3 =	vadd.s32 v2, v3;
	v2 =	vsel vm13, $0x1, v0  }
0x65: {  	vm15 =	vgt.s32 v50, $0xFFFFFFFF;
	v3 =	vadd.s32 v2, v3;
	v2 =	vsel vm14, $0x1, v0  }
0x66: {  	vm4 =	vgt.s32 v49, $0xFFFFFFFF;
	v3 =	vadd.s32 v2, v3;
	v2 =	vsel vm15, $0x1, v0  }
0x67: {  	vm5 =	vgt.s32 v48, $0xFFFFFFFF;
	v3 =	vadd.s32 v2, v3;
	v2 =	vsel vm4, $0x1, v0  }
0x68: {  	vm6 =	vgt.s32 v47, $0xFFFFFFFF;
	v3 =	vadd.s32 v2, v3;
	v2 =	vsel vm5, $0x1, v0  }
0x69: {  	vm7 =	vgt.s32 v46, $0xFFFFFFFF;
	v3 =	vadd.s32 v2, v3;
	v2 =	vsel vm6, $0x1, v0  }
0x6a: {  	vm8 =	vgt.s32 v45, $0xFFFFFFFF;
	v3 =	vadd.s32 v2, v3;
	v2 =	vsel vm7, $0x1, v0  }
0x6b: {  	vm9 =	vgt.s32 v44, $0xFFFFFFFF;
	v3 =	vadd.s32 v2, v3;
	v2 =	vsel vm8, $0x1, v0  }
0x6c: {  	vm10 =	vgt.s32 v43, $0xFFFFFFFF;
	v3 =	vadd.s32 v2, v3;
	v2 =	vsel vm9, $0x1, v0  }
0x6d: {  	vm11 =	vgt.s32 v42, $0xFFFFFFFF;
	v3 =	vadd.s32 v2, v3;
	v2 =	vsel vm10, $0x1, v0  }
0x6e: {  	vm12 =	vgt.s32 v41, $0xFFFFFFFF;
	v3 =	vadd.s32 v2, v3;
	v2 =	vsel vm11, $0x1, v0  }
0x6f: {  	vm13 =	vgt.s32 v40, $0xFFFFFFFF;
	v3 =	vadd.s32 v2, v3;
	v2 =	vsel vm12, $0x1, v0  }
0x70: {  	vm14 =	vgt.s32 v39, $0xFFFFFFFF;
	v3 =	vadd.s32 v2, v3;
	v2 =	vsel vm13, $0x1, v0  }
0x71: {  	vm15 =	vgt.s32 v38, $0xFFFFFFFF;
	v3 =	vadd.s32 v2, v3;
	v2 =	vsel vm14, $0x1, v0  }
0x72: {  	vm4 =	vgt.s32 v37, $0xFFFFFFFF;
	v3 =	vadd.s32 v2, v3;
	v2 =	vsel vm15, $0x1, v0  }
0x73: {  	vm5 =	vgt.s32 v36, $0xFFFFFFFF;
	v3 =	vadd.s32 v2, v3;
	v2 =	vsel vm4, $0x1, v0  }
0x74: {  	vm6 =	vgt.s32 v35, $0xFFFFFFFF;
	v3 =	vadd.s32 v2, v3;
	v2 =	vsel vm5, $0x1, v0  }
0x75: {  	vm7 =	vgt.s32 v34, $0xFFFFFFFF;
	v3 =	vadd.s32 v2, v3;
	v2 =	vsel vm6, $0x1, v0  }
0x76: {  	vm8 =	vgt.s32 v33, $0xFFFFFFFF;
	v3 =	vadd.s32 v2, v3;
	v2 =	vsel vm7, $0x1, v0  }
0x77: {  	vm9 =	vgt.s32 v32, $0xFFFFFFFF;
	v3 =	vadd.s32 v2, v3;
	v2 =	vsel vm8, $0x1, v0  }
0x78: {  	vm10 =	vgt.s32 v16, $0xFFFFFFFF;
	v4 =	vadd.s32 v2, v3;
	v2 =	vsel vm9, $0x1, v0  }
0x79: {  	vm11 =	vgt.s32 v31, $0xFFFFFFFF;
	v4 =	vadd.s32 v2, v4;
	v2 =	vsel vm10, $0x1, v0  }
0x7a: {  	vm12 =	vgt.s32 v30, $0xFFFFFFFF;
	v4 =	vadd.s32 v2, v4;
	v2 =	vsel vm11, $0x1, v0  }
0x7b: {  	vm13 =	vgt.s32 v23, $0xFFFFFFFF;
	v4 =	vadd.s32 v2, v4;
	v2 =	vsel vm12, $0x1, v0  }
0x7c: {  	[tilespmem:$0x400] =	vst v63;
	vm14 =	vgt.s32 v29, $0xFFFFFFFF;
	v4 =	vadd.s32 v2, v4;
	v2 =	vsel vm13, $0x1, v0  }
0x7d: {  	[tilespmem:$0x420] =	vst v1;
	vm15 =	vgt.s32 v28, $0xFFFFFFFF;
	v4 =	vadd.s32 v2, v4;
	v2 =	vsel vm14, $0x1, v0  }
0x7e: {  	[tilespmem:$0x430] =	vst v62;
	vm4 =	vgt.s32 v27, $0xFFFFFFFF;
	v4 =	vadd.s32 v2, v4;
	v2 =	vsel vm15, $0x1, v0  }
0x7f: {  	[tilespmem:$0x440] =	vst v61;
	vm5 =	vgt.s32 v26, $0xFFFFFFFF;
	v4 =	vadd.s32 v2, v4;
	v2 =	vsel vm4, $0x1, v0  }
0x80: {  	[tilespmem:$0x450] =	vst v60;
	vm6 =	vgt.s32 v25, $0xFFFFFFFF;
	v4 =	vadd.s32 v2, v4;
	v2 =	vsel vm5, $0x1, v0  }
0x81: {  	[tilespmem:$0x460] =	vst v59;
	vm7 =	vgt.s32 v24, $0xFFFFFFFF;
	v4 =	vadd.s32 v2, v4;
	v2 =	vsel vm6, $0x1, v0  }
0x82: {  	[tilespmem:$0x470] =	vst v58;
	vm8 =	vgt.s32 v22, $0xFFFFFFFF;
	v4 =	vadd.s32 v2, v4;
	v2 =	vsel vm7, $0x1, v0  }
0x83: {  	[tilespmem:$0x480] =	vst v57;
	vm9 =	vgt.s32 v21, $0xFFFFFFFF;
	v4 =	vadd.s32 v2, v4;
	v2 =	vsel vm8, $0x1, v0  }
0x84: {  	[tilespmem:$0x490] =	vst v56;
	vm10 =	vgt.s32 v20, $0xFFFFFFFF;
	v4 =	vadd.s32 v2, v4;
	v2 =	vsel vm9, $0x1, v0  }
0x85: {  	[tilespmem:$0x4A0] =	vst v55;
	vm11 =	vgt.s32 v19, $0xFFFFFFFF;
	v4 =	vadd.s32 v2, v4;
	v2 =	vsel vm10, $0x1, v0  }
0x86: {  	[tilespmem:$0x4B0] =	vst v54;
	vm12 =	vgt.s32 v18, $0xFFFFFFFF;
	v4 =	vadd.s32 v2, v4;
	v2 =	vsel vm11, $0x1, v0  }
0x87: {  	[tilespmem:$0x4C0] =	vst v53;
	vm13 =	vgt.s32 v17, $0xFFFFFFFF;
	v4 =	vadd.s32 v2, v4;
	v2 =	vsel vm12, $0x1, v0  }
0x88: {  	[tilespmem:$0x4D0] =	vst v52;
	vm14 =	vgt.s32 v15, $0xFFFFFFFF;
	v4 =	vadd.s32 v2, v4;
	v2 =	vsel vm13, $0x1, v0  }
0x89: {  	[tilespmem:$0x4E0] =	vst v51;
	vm15 =	vgt.s32 v14, $0xFFFFFFFF;
	v4 =	vadd.s32 v2, v4;
	v2 =	vsel vm14, $0x1, v0  }
0x8a: {  	[tilespmem:$0x4F0] =	vst v50;
	vm4 =	vgt.s32 v11, $0xFFFFFFFF;
	v4 =	vadd.s32 v2, v4;
	v2 =	vsel vm15, $0x1, v0  }
0x8b: {  	[tilespmem:$0x500] =	vst v49;
	v6 =	vld [tilespmem:$0x1FF40];
	vm5 =	vgt.s32 v7, $0xFFFFFFFF;
	v4 =	vadd.s32 v2, v4;
	v2 =	vsel vm4, $0x1, v0  }
0x8c: {  	[tilespmem:$0x510] =	vst v48;
	v4 =	vadd.s32 v2, v4;
	v2 =	vsel vm5, $0x1, v0  }
0x8d: {  	[tilespmem:$0x1FFC0] =	vst v7;
	v7 =	vadd.s32 v2, v4;
	v4 =	vld [tilespmem:$0x1FF50]  }
0x8e: {  	[tilespmem:$0x520] =	vst v47  }
0x8f: {  	[tilespmem:$0x530] =	vst v46  }
0x90: {  	[tilespmem:$0x540] =	vst v45;
	vm6 =	vgt.s32 v6, $0xFFFFFFFF  }
0x91: {  	[tilespmem:$0x550] =	vst v44;
	v2 =	vsel vm6, $0x1, v0  }
0x92: {  	[tilespmem:$0x560] =	vst v43;
	v10 =	vmov v11;
	v11 =	vadd.s32 v2, v7;
	v7 =	vld [tilespmem:$0x1FF60];
	vm7 =	vgt.s32 v4, $0xFFFFFFFF  }
0x93: {  	[tilespmem:$0x570] =	vst v42;
	v5 =	vmovc v63;
	v8 =	vmov v1;
	v1 =	vmov v62;
	v2 =	vsel vm7, $0x1, v0  }
0x94: {  	[tilespmem:$0x580] =	vst v41;
	v63 =	vmovc v61;
	v62 =	vmovc v60;
	v3 =	vmov v16;
	v16 =	vmov v15;
	v15 =	vadd.s32 v2, v11;
	v11 =	vld [tilespmem:$0x1FF70]  }
0x95: {  	[tilespmem:$0x590] =	vst v40;
	v61 =	vmovc v59;
	v60 =	vmovc v58;
	v59 =	vmov v57;
	v58 =	vmov v56;
	v57 =	vmov v55  }
0x96: {  	[tilespmem:$0x5A0] =	vst v39;
	v56 =	vmovc v54;
	v55 =	vmovc v53;
	v54 =	vmov v52;
	v53 =	vmov v51;
	v52 =	vmov v50  }
0x97: {  	[tilespmem:$0x5B0] =	vst v38;
	v51 =	vmovc v49;
	v50 =	vmovc v48;
	v49 =	vmov v47;
	v48 =	vmov v46;
	vm8 =	vgt.s32 v7, $0xFFFFFFFF  }
0x98: {  	[tilespmem:$0x5C0] =	vst v37;
	v47 =	vmovc v45;
	v46 =	vmovc v44;
	v45 =	vmov v43;
	v43 =	vmov v41;
	v2 =	vsel vm8, $0x1, v0  }
0x99: {  	[tilespmem:$0x5E0] =	vst v35;
	v41 =	vmovc v39;
	v39 =	vmovc v37;
	v37 =	vmov v35;
	v35 =	vadd.s32 v2, v15;
	vm9 =	vgt.s32 v11, $0xFFFFFFFF  }
0x9a: {  	[tilespmem:$0x5D0] =	vst v36;
	v44 =	vmovc v42;
	v42 =	vmovc v40;
	v40 =	vmov v38;
	vm10 =	vgt.s32 v12, $0xFFFFFFFF;
	v2 =	vsel vm9, $0x1, v0  }
0x9b: {  	[tilespmem:$0x5F0] =	vst v34;
	v38 =	vmovc v36;
	v36 =	vmovc v34;
	v15 =	vmov v12;
	v12 =	vld [tilespmem:$0x1FF80];
	v34 =	vadd.s32 v2, v35;
	v2 =	vsel vm10, $0x1, v0  }
0x9c: {  	[tilespmem:$0x600] =	vst v33;
	v35 =	vmov v33;
	v33 =	vadd.s32 v2, v34;
	v2 =	vld [tilespmem:$0x1FFD0];
	_ =	sdelay $0x3  }
0x9d: {  	vm11 =	vgt.s32 v12, $0xFFFFFFFF  }
0x9e: {  	vm12 =	vgt.s32 v2, $0xFFFFFFFF;
	v2 =	vsel vm11, $0x1, v0  }
0x9f: {  	[tilespmem:$0x610] =	vst v32;
	v34 =	vmov v32;
	v32 =	vadd.s32 v2, v33;
	v2 =	vsel vm12, $0x1, v0  }
0xa0: {  	[tilespmem:$0x620] =	vst v3;
	v33 =	vmov v3;
	v3 =	vadd.s32 v2, v32;
	v2 =	vld [tilespmem:$0x1FFF0];
	_ =	sdelay $0x3  }
0xa1: {  	vm13 =	vgt.s32 v9, $0xFFFFFFFF  }
0xa2: {  	vm14 =	vgt.s32 v2, $0xFFFFFFFF;
	v2 =	vsel vm13, $0x1, v0  }
0xa3: {  	[tilespmem:$0x630] =	vst v31;
	v2 =	vadd.s32 v2, v3  }
0xa4: {  	[tilespmem:$0x1FFA0] =	vst v2  }
0xa5: {  	[tilespmem:$0x640] =	vst v30;
	v32 =	vmov v31;
	v31 =	vmov v30;
	v30 =	vld [tilespmem:$0x1FFA0];
	_ =	sdelay $0x3  }
0xa6: {  	v2 =	vsel vm14, $0x1, v0  }
0xa7: {  	v3 =	vld [tilespmem:$0x1FF90];
	v2 =	vadd.s32 v2, v30  }
0xa8: {  	[tilespmem:$0x1FFB0] =	vst v2  }
0xa9: {  	[tilespmem:$0x650] =	vst v23;
	v30 =	vmov v23;
	v23 =	vld [tilespmem:$0x1FFB0];
	_ =	sdelay $0x2  }
0xaa: {  	[tilespmem:$0x410] =	vst v13;
	vm15 =	vgt.s32 v3, $0xFFFFFFFF  }
0xab: {  	[tilespmem:$0x660] =	vst v29;
	v2 =	vsel vm15, $0x1, v0  }
0xac: {  	[tilespmem:$0x670] =	vst v28;
	v2 =	vadd.s32 v2, v23  }
0xad: {  	[tilespmem:$0x680] =	vst v27;
	(xrf0) =	vadd.scan.msk.s32 $0xffff, v2  }
0xae: {  	[tilespmem:$0x690] =	vst v26  }
0xaf: {  	[tilespmem:$0x6A0] =	vst v25  }
0xb0: {  	[tilespmem:$0x6B0] =	vst v24  }
0xb1: {  	[tilespmem:$0x6C0] =	vst v22  }
0xb2: {  	[tilespmem:$0x6D0] =	vst v21  }
0xb3: {  	[tilespmem:$0x6E0] =	vst v20;
	v2, _, _ =	vpop (xrf0)  }
0xb4: {  	[tilespmem:$0x6F0] =	vst v19;
	(v2sf) =	vpush v2, $0xF  }
0xb5: {  	[tilespmem:$0x700] =	vst v18  }
0xb6: {  	[tilespmem:$0x710] =	vst v17;
	v2 =	vld [tilespmem:$0x1FFC0]  }
0xb7: {  	[tilespmem:$0x730] =	vst v14  }
0xb8: {  	[tilespmem:$0x740] =	vst v10  }
0xb9: {  	[tilespmem:$0x1FFE0] =	vst v9  }
0xba: {  	[tilespmem:$0x720] =	vst v16;
	v23 =	vmovc v22;
	v22 =	vmovc v21;
	v21 =	vmov v20;
	v20 =	vmov v19;
	v19 =	vmov v18  }
0xbb: {  	v18 =	vmovc v17;
	v17 =	vmovc v16;
	v16 =	vmov v14;
	v14 =	vmov v10;
	v10 =	vmov v2;
	[tilespmem:$0x750] =	vst v2;
	v2 =	vld [tilespmem:$0x1FFD0]  }
0xbc: {  	[tilespmem:$0x7D0] =	vst v9  }
0xbd: {  	[tilespmem:$0x760] =	vst v6  }
0xbe: {  	[tilespmem:$0x770] =	vst v4  }
0xbf: {  	[tilespmem:$0x780] =	vst v7  }
0xc0: {  	[tilespmem:$0x7C0] =	vst v2;
	v2 =	vld [tilespmem:$0x1FFF0]  }
0xc1: {  	[tilespmem:$0x7A0] =	vst v15  }
0xc2: {  	[tilespmem:$0x790] =	vst v11  }
0xc3: {  	[tilespmem:$0x7B0] =	vst v12;
	s10 =	spop (v2sf)  }
0xc4: {  	[tilespmem:$0x7F0] =	vst v3;
	p0 =	sgt.s32 s10, $0x2CB;
	s10 =	simm.s32 $0x0  }
0xc5: {  	s13 =	simm.s32 $0x40000000;
	s11 =	simm.s32 $0x1;
	[tilespmem:$0x7E0] =	vst v2;
	s10 =	simm.s32 @!p0 $0x80000000  }
.LBB2_3:
0xc6: {  	s12 =	sor.u32 s13, s10  }
0xc7: {  	vm0 =	vge.s32 v5, s12;
	vm1 =	vge.s32 v13, s12  }
0xc8: {  	vm14 =	vge.s32 v8, s12;
	v2 =	vsel vm0, $0x1, v0;
	v3 =	vsel vm1, $0x1, v0  }
0xc9: {  	vm15 =	vge.s32 v1, s12;
	v2 =	vadd.s32 v3, v2;
	v3 =	vsel vm14, $0x1, v0  }
0xca: {  	vm4 =	vge.s32 v63, s12;
	v2 =	vadd.s32 v3, v2;
	v3 =	vsel vm15, $0x1, v0  }
0xcb: {  	vm5 =	vge.s32 v62, s12;
	v2 =	vadd.s32 v3, v2;
	v3 =	vsel vm4, $0x1, v0  }
0xcc: {  	vm6 =	vge.s32 v61, s12;
	v2 =	vadd.s32 v3, v2;
	v3 =	vsel vm5, $0x1, v0  }
0xcd: {  	vm7 =	vge.s32 v60, s12;
	v2 =	vadd.s32 v3, v2;
	v3 =	vsel vm6, $0x1, v0  }
0xce: {  	vm8 =	vge.s32 v59, s12;
	v2 =	vadd.s32 v3, v2;
	v3 =	vsel vm7, $0x1, v0  }
0xcf: {  	vm9 =	vge.s32 v58, s12;
	v2 =	vadd.s32 v3, v2;
	v3 =	vsel vm8, $0x1, v0  }
0xd0: {  	vm10 =	vge.s32 v57, s12;
	v2 =	vadd.s32 v3, v2;
	v3 =	vsel vm9, $0x1, v0  }
0xd1: {  	vm11 =	vge.s32 v56, s12;
	v2 =	vadd.s32 v3, v2;
	v3 =	vsel vm10, $0x1, v0  }
0xd2: {  	vm12 =	vge.s32 v55, s12;
	v2 =	vadd.s32 v3, v2;
	v3 =	vsel vm11, $0x1, v0  }
0xd3: {  	vm13 =	vge.s32 v54, s12;
	v2 =	vadd.s32 v3, v2;
	v3 =	vsel vm12, $0x1, v0  }
0xd4: {  	vm14 =	vge.s32 v53, s12;
	v2 =	vadd.s32 v3, v2;
	v3 =	vsel vm13, $0x1, v0  }
0xd5: {  	vm15 =	vge.s32 v52, s12;
	v2 =	vadd.s32 v3, v2;
	v3 =	vsel vm14, $0x1, v0  }
0xd6: {  	vm4 =	vge.s32 v51, s12;
	v2 =	vadd.s32 v3, v2;
	v3 =	vsel vm15, $0x1, v0  }
0xd7: {  	vm5 =	vge.s32 v50, s12;
	v2 =	vadd.s32 v3, v2;
	v3 =	vsel vm4, $0x1, v0  }
0xd8: {  	vm6 =	vge.s32 v49, s12;
	v2 =	vadd.s32 v3, v2;
	v3 =	vsel vm5, $0x1, v0  }
0xd9: {  	vm7 =	vge.s32 v48, s12;
	v2 =	vadd.s32 v3, v2;
	v3 =	vsel vm6, $0x1, v0  }
0xda: {  	vm8 =	vge.s32 v47, s12;
	v2 =	vadd.s32 v3, v2;
	v3 =	vsel vm7, $0x1, v0  }
0xdb: {  	vm9 =	vge.s32 v46, s12;
	v2 =	vadd.s32 v3, v2;
	v3 =	vsel vm8, $0x1, v0  }
0xdc: {  	vm10 =	vge.s32 v45, s12;
	v2 =	vadd.s32 v3, v2;
	v3 =	vsel vm9, $0x1, v0  }
0xdd: {  	vm11 =	vge.s32 v44, s12;
	v2 =	vadd.s32 v3, v2;
	v3 =	vsel vm10, $0x1, v0  }
0xde: {  	vm12 =	vge.s32 v43, s12;
	v2 =	vadd.s32 v3, v2;
	v3 =	vsel vm11, $0x1, v0  }
0xdf: {  	vm13 =	vge.s32 v42, s12;
	v2 =	vadd.s32 v3, v2;
	v3 =	vsel vm12, $0x1, v0  }
0xe0: {  	vm14 =	vge.s32 v41, s12;
	v2 =	vadd.s32 v3, v2;
	v3 =	vsel vm13, $0x1, v0  }
0xe1: {  	vm15 =	vge.s32 v40, s12;
	v2 =	vadd.s32 v3, v2;
	v3 =	vsel vm14, $0x1, v0  }
0xe2: {  	vm4 =	vge.s32 v39, s12;
	v2 =	vadd.s32 v3, v2;
	v3 =	vsel vm15, $0x1, v0  }
0xe3: {  	vm5 =	vge.s32 v38, s12;
	v2 =	vadd.s32 v3, v2;
	v3 =	vsel vm4, $0x1, v0  }
0xe4: {  	vm6 =	vge.s32 v37, s12;
	v2 =	vadd.s32 v3, v2;
	v3 =	vsel vm5, $0x1, v0  }
0xe5: {  	vm7 =	vge.s32 v36, s12;
	v2 =	vadd.s32 v3, v2;
	v3 =	vsel vm6, $0x1, v0  }
0xe6: {  	vm8 =	vge.s32 v35, s12;
	v2 =	vadd.s32 v3, v2;
	v3 =	vsel vm7, $0x1, v0  }
0xe7: {  	vm9 =	vge.s32 v34, s12;
	v2 =	vadd.s32 v3, v2;
	v3 =	vsel vm8, $0x1, v0  }
0xe8: {  	vm10 =	vge.s32 v33, s12;
	v2 =	vadd.s32 v3, v2;
	v3 =	vsel vm9, $0x1, v0  }
0xe9: {  	vm11 =	vge.s32 v32, s12;
	v2 =	vadd.s32 v3, v2;
	v3 =	vsel vm10, $0x1, v0  }
0xea: {  	vm12 =	vge.s32 v31, s12;
	v2 =	vadd.s32 v3, v2;
	v3 =	vsel vm11, $0x1, v0  }
0xeb: {  	vm13 =	vge.s32 v30, s12;
	v2 =	vadd.s32 v3, v2;
	v3 =	vsel vm12, $0x1, v0  }
0xec: {  	vm14 =	vge.s32 v29, s12;
	v2 =	vadd.s32 v3, v2;
	v3 =	vsel vm13, $0x1, v0  }
0xed: {  	vm15 =	vge.s32 v28, s12;
	v2 =	vadd.s32 v3, v2;
	v3 =	vsel vm14, $0x1, v0  }
0xee: {  	vm4 =	vge.s32 v27, s12;
	v2 =	vadd.s32 v3, v2;
	v3 =	vsel vm15, $0x1, v0  }
0xef: {  	vm5 =	vge.s32 v26, s12;
	v2 =	vadd.s32 v3, v2;
	v3 =	vsel vm4, $0x1, v0  }
0xf0: {  	vm6 =	vge.s32 v25, s12;
	v2 =	vadd.s32 v3, v2;
	v3 =	vsel vm5, $0x1, v0  }
0xf1: {  	vm7 =	vge.s32 v24, s12;
	v2 =	vadd.s32 v3, v2;
	v3 =	vsel vm6, $0x1, v0  }
0xf2: {  	v9 =	vld [tilespmem:$0x1FFD0];
	vm8 =	vge.s32 v23, s12;
	v2 =	vadd.s32 v3, v2;
	v3 =	vsel vm7, $0x1, v0  }
0xf3: {  	vm9 =	vge.s32 v22, s12;
	v2 =	vadd.s32 v3, v2;
	v3 =	vsel vm8, $0x1, v0  }
0xf4: {  	vm10 =	vge.s32 v21, s12;
	v2 =	vadd.s32 v3, v2;
	v3 =	vsel vm9, $0x1, v0  }
0xf5: {  	vm11 =	vge.s32 v20, s12;
	v2 =	vadd.s32 v3, v2;
	v3 =	vsel vm10, $0x1, v0  }
0xf6: {  	vm12 =	vge.s32 v19, s12;
	v2 =	vadd.s32 v3, v2;
	v3 =	vsel vm11, $0x1, v0  }
0xf7: {  	v2 =	vadd.s32 v3, v2;
	v3 =	vsel vm12, $0x1, v0;
	vm12 =	vge.s32 v9, s12;
	v9 =	vld [tilespmem:$0x1FFE0]  }
0xf8: {  	vm13 =	vge.s32 v18, s12;
	vm14 =	vge.s32 v17, s12;
	vm15 =	vge.s32 v16, s12  }
0xf9: {  	vm4 =	vge.s32 v14, s12;
	v2 =	vadd.s32 v3, v2;
	v3 =	vsel vm13, $0x1, v0  }
0xfa: {  	vm5 =	vge.s32 v10, s12;
	v2 =	vadd.s32 v3, v2;
	v3 =	vsel vm14, $0x1, v0  }
0xfb: {  	vm6 =	vge.s32 v6, s12;
	v2 =	vadd.s32 v3, v2;
	v3 =	vsel vm15, $0x1, v0  }
0xfc: {  	v2 =	vadd.s32 v3, v2;
	v3 =	vsel vm4, $0x1, v0;
	vm13 =	vge.s32 v9, s12;
	v9 =	vld [tilespmem:$0x1FFF0]  }
0xfd: {  	vm7 =	vge.s32 v4, s12;
	v2 =	vadd.s32 v3, v2;
	v3 =	vsel vm5, $0x1, v0  }
0xfe: {  	vm8 =	vge.s32 v7, s12;
	v2 =	vadd.s32 v3, v2;
	v3 =	vsel vm6, $0x1, v0  }
0xff: {  	vm9 =	vge.s32 v11, s12;
	v2 =	vadd.s32 v3, v2;
	v3 =	vsel vm7, $0x1, v0  }
0x100: {  	vm10 =	vge.s32 v15, s12;
	v2 =	vadd.s32 v3, v2;
	v3 =	vsel vm8, $0x1, v0  }
0x101: {  	v2 =	vadd.s32 v3, v2;
	v3 =	vsel vm9, $0x1, v0;
	vm14 =	vge.s32 v9, s12;
	v9 =	vld [tilespmem:$0x1FF90]  }
0x102: {  	vm11 =	vge.s32 v12, s12;
	v2 =	vadd.s32 v3, v2;
	v3 =	vsel vm10, $0x1, v0  }
0x103: {  	v2 =	vadd.s32 v3, v2;
	v3 =	vsel vm11, $0x1, v0  }
0x104: {  	v2 =	vadd.s32 v3, v2;
	v3 =	vsel vm12, $0x1, v0  }
0x105: {  	v2 =	vadd.s32 v3, v2;
	v3 =	vsel vm13, $0x1, v0  }
0x106: {  	v2 =	vadd.s32 v3, v2;
	v3 =	vsel vm14, $0x1, v0;
	vm15 =	vge.s32 v9, s12  }
0x107: {  	v2 =	vadd.s32 v3, v2;
	v3 =	vsel vm15, $0x1, v0  }
0x108: {  	v2 =	vadd.s32 v3, v2  }
0x109: {  	(xrf0) =	vadd.scan.msk.s32 $0xffff, v2;
	_ =	sdelay $0x5  }
0x10a: {  	v2, _, _ =	vpop (xrf0)  }
0x10b: {  	(v2sf) =	vpush v2, $0xF;
	_ =	sdelay $0xb  }
0x10c: {  	p0 =	sne.s32 s11, $0x1E  }
.Ltmp1:
0x10d: {  	_ = 	snop;
	(pc) =	sbr.rel @p0 .LBB2_3-.Ltmp1, $4  }
0x10e: {  	_ = 	snop  }
0x10f: {  	s31 =	spop (v2sf)  }
0x110: {  	p1 =	sgt.s32 s31, $0x2CB  }
0x111: {  	s13 =	sshrl.u32 s7, s11;
	s11 =	sadd.s32 $0x1, s11;
	s10 =	smov.u32 @p1 s12  }
0x112: {  	s11 =	sor.u32 s13, s10  }
0x113: {  	vm0 =	vge.s32 v5, s11;
	vm1 =	vge.s32 v13, s11  }
0x114: {  	vm2 =	vge.s32 v8, s11;
	v2 =	vsel vm0, $0x1, v0;
	v3 =	vsel vm1, $0x1, v0  }
0x115: {  	vm5 =	vge.s32 v1, s11;
	v2 =	vadd.s32 v3, v2;
	v3 =	vsel vm2, $0x1, v0  }
0x116: {  	vm6 =	vge.s32 v63, s11;
	v2 =	vadd.s32 v3, v2;
	v3 =	vsel vm5, $0x1, v0  }
0x117: {  	vm7 =	vge.s32 v62, s11;
	v2 =	vadd.s32 v3, v2;
	v3 =	vsel vm6, $0x1, v0  }
0x118: {  	vm8 =	vge.s32 v61, s11;
	v2 =	vadd.s32 v3, v2;
	v3 =	vsel vm7, $0x1, v0  }
0x119: {  	vm9 =	vge.s32 v60, s11;
	v2 =	vadd.s32 v3, v2;
	v3 =	vsel vm8, $0x1, v0  }
0x11a: {  	vm10 =	vge.s32 v59, s11;
	v2 =	vadd.s32 v3, v2;
	v3 =	vsel vm9, $0x1, v0  }
0x11b: {  	vm11 =	vge.s32 v58, s11;
	v2 =	vadd.s32 v3, v2;
	v3 =	vsel vm10, $0x1, v0  }
0x11c: {  	vm12 =	vge.s32 v57, s11;
	v2 =	vadd.s32 v3, v2;
	v3 =	vsel vm11, $0x1, v0  }
0x11d: {  	vm13 =	vge.s32 v56, s11;
	v2 =	vadd.s32 v3, v2;
	v3 =	vsel vm12, $0x1, v0  }
0x11e: {  	vm14 =	vge.s32 v55, s11;
	v2 =	vadd.s32 v3, v2;
	v3 =	vsel vm13, $0x1, v0  }
0x11f: {  	vm15 =	vge.s32 v54, s11;
	v2 =	vadd.s32 v3, v2;
	v3 =	vsel vm14, $0x1, v0  }
0x120: {  	vm4 =	vge.s32 v53, s11;
	v2 =	vadd.s32 v3, v2;
	v3 =	vsel vm15, $0x1, v0  }
0x121: {  	vm5 =	vge.s32 v52, s11;
	v2 =	vadd.s32 v3, v2;
	v3 =	vsel vm4, $0x1, v0  }
0x122: {  	vm6 =	vge.s32 v51, s11;
	v2 =	vadd.s32 v3, v2;
	v3 =	vsel vm5, $0x1, v0  }
0x123: {  	vm7 =	vge.s32 v50, s11;
	v2 =	vadd.s32 v3, v2;
	v3 =	vsel vm6, $0x1, v0  }
0x124: {  	vm8 =	vge.s32 v49, s11;
	v2 =	vadd.s32 v3, v2;
	v3 =	vsel vm7, $0x1, v0  }
0x125: {  	vm9 =	vge.s32 v48, s11;
	v2 =	vadd.s32 v3, v2;
	v3 =	vsel vm8, $0x1, v0  }
0x126: {  	vm10 =	vge.s32 v47, s11;
	v2 =	vadd.s32 v3, v2;
	v3 =	vsel vm9, $0x1, v0  }
0x127: {  	vm11 =	vge.s32 v46, s11;
	v2 =	vadd.s32 v3, v2;
	v3 =	vsel vm10, $0x1, v0  }
0x128: {  	vm12 =	vge.s32 v45, s11;
	v2 =	vadd.s32 v3, v2;
	v3 =	vsel vm11, $0x1, v0  }
0x129: {  	vm13 =	vge.s32 v44, s11;
	v2 =	vadd.s32 v3, v2;
	v3 =	vsel vm12, $0x1, v0  }
0x12a: {  	vm14 =	vge.s32 v43, s11;
	v2 =	vadd.s32 v3, v2;
	v3 =	vsel vm13, $0x1, v0  }
0x12b: {  	vm15 =	vge.s32 v42, s11;
	v2 =	vadd.s32 v3, v2;
	v3 =	vsel vm14, $0x1, v0  }
0x12c: {  	vm4 =	vge.s32 v41, s11;
	v2 =	vadd.s32 v3, v2;
	v3 =	vsel vm15, $0x1, v0  }
0x12d: {  	vm5 =	vge.s32 v40, s11;
	v2 =	vadd.s32 v3, v2;
	v3 =	vsel vm4, $0x1, v0  }
0x12e: {  	vm6 =	vge.s32 v39, s11;
	v2 =	vadd.s32 v3, v2;
	v3 =	vsel vm5, $0x1, v0  }
0x12f: {  	vm7 =	vge.s32 v38, s11;
	v2 =	vadd.s32 v3, v2;
	v3 =	vsel vm6, $0x1, v0  }
0x130: {  	vm8 =	vge.s32 v37, s11;
	v2 =	vadd.s32 v3, v2;
	v3 =	vsel vm7, $0x1, v0  }
0x131: {  	vm9 =	vge.s32 v36, s11;
	v2 =	vadd.s32 v3, v2;
	v3 =	vsel vm8, $0x1, v0  }
0x132: {  	vm10 =	vge.s32 v35, s11;
	v2 =	vadd.s32 v3, v2;
	v3 =	vsel vm9, $0x1, v0  }
0x133: {  	vm11 =	vge.s32 v34, s11;
	v2 =	vadd.s32 v3, v2;
	v3 =	vsel vm10, $0x1, v0  }
0x134: {  	vm12 =	vge.s32 v33, s11;
	v2 =	vadd.s32 v3, v2;
	v3 =	vsel vm11, $0x1, v0  }
0x135: {  	vm13 =	vge.s32 v32, s11;
	v2 =	vadd.s32 v3, v2;
	v3 =	vsel vm12, $0x1, v0  }
0x136: {  	vm14 =	vge.s32 v31, s11;
	v2 =	vadd.s32 v3, v2;
	v3 =	vsel vm13, $0x1, v0  }
0x137: {  	vm15 =	vge.s32 v30, s11;
	v2 =	vadd.s32 v3, v2;
	v3 =	vsel vm14, $0x1, v0  }
0x138: {  	vm4 =	vge.s32 v29, s11;
	v2 =	vadd.s32 v3, v2;
	v3 =	vsel vm15, $0x1, v0  }
0x139: {  	vm5 =	vge.s32 v28, s11;
	v2 =	vadd.s32 v3, v2;
	v3 =	vsel vm4, $0x1, v0  }
0x13a: {  	vm6 =	vge.s32 v27, s11;
	v2 =	vadd.s32 v3, v2;
	v3 =	vsel vm5, $0x1, v0  }
0x13b: {  	vm7 =	vge.s32 v26, s11;
	v2 =	vadd.s32 v3, v2;
	v3 =	vsel vm6, $0x1, v0  }
0x13c: {  	vm8 =	vge.s32 v25, s11;
	v2 =	vadd.s32 v3, v2;
	v3 =	vsel vm7, $0x1, v0  }
0x13d: {  	vm9 =	vge.s32 v24, s11;
	v2 =	vadd.s32 v3, v2;
	v3 =	vsel vm8, $0x1, v0  }
0x13e: {  	v9 =	vmovc v1;
	v1 =	vld [tilespmem:$0x1FFD0];
	vm10 =	vge.s32 v23, s11;
	v2 =	vadd.s32 v3, v2;
	v3 =	vsel vm9, $0x1, v0  }
0x13f: {  	vm11 =	vge.s32 v22, s11;
	v2 =	vadd.s32 v3, v2;
	v3 =	vsel vm10, $0x1, v0  }
0x140: {  	vm12 =	vge.s32 v21, s11;
	v2 =	vadd.s32 v3, v2;
	v3 =	vsel vm11, $0x1, v0  }
0x141: {  	vm13 =	vge.s32 v20, s11;
	v2 =	vadd.s32 v3, v2;
	v3 =	vsel vm12, $0x1, v0  }
0x142: {  	vm14 =	vge.s32 v19, s11;
	v2 =	vadd.s32 v3, v2;
	v3 =	vsel vm13, $0x1, v0  }
0x143: {  	v2 =	vadd.s32 v3, v2;
	v3 =	vsel vm14, $0x1, v0;
	vm14 =	vge.s32 v1, s11;
	v1 =	vld [tilespmem:$0x1FFE0]  }
0x144: {  	vm15 =	vge.s32 v18, s11;
	vm4 =	vge.s32 v17, s11;
	vm5 =	vge.s32 v16, s11  }
0x145: {  	vm6 =	vge.s32 v14, s11;
	v2 =	vadd.s32 v3, v2;
	v3 =	vsel vm15, $0x1, v0  }
0x146: {  	vm7 =	vge.s32 v10, s11;
	v2 =	vadd.s32 v3, v2;
	v3 =	vsel vm4, $0x1, v0  }
0x147: {  	vm8 =	vge.s32 v6, s11;
	v2 =	vadd.s32 v3, v2;
	v3 =	vsel vm5, $0x1, v0  }
0x148: {  	v2 =	vadd.s32 v3, v2;
	v3 =	vsel vm6, $0x1, v0;
	vm15 =	vge.s32 v1, s11;
	v1 =	vld [tilespmem:$0x1FFF0]  }
0x149: {  	vm9 =	vge.s32 v4, s11;
	v2 =	vadd.s32 v3, v2;
	v3 =	vsel vm7, $0x1, v0  }
0x14a: {  	vm10 =	vge.s32 v7, s11;
	v2 =	vadd.s32 v3, v2;
	v3 =	vsel vm8, $0x1, v0  }
0x14b: {  	vm11 =	vge.s32 v11, s11;
	v2 =	vadd.s32 v3, v2;
	v3 =	vsel vm9, $0x1, v0  }
0x14c: {  	vm12 =	vge.s32 v15, s11;
	v2 =	vadd.s32 v3, v2;
	v3 =	vsel vm10, $0x1, v0  }
0x14d: {  	v2 =	vadd.s32 v3, v2;
	v3 =	vsel vm11, $0x1, v0;
	vm4 =	vge.s32 v1, s11;
	v1 =	vld [tilespmem:$0x1FF90]  }
0x14e: {  	vm13 =	vge.s32 v12, s11;
	v2 =	vadd.s32 v3, v2;
	v3 =	vsel vm12, $0x1, v0  }
0x14f: {  	v2 =	vadd.s32 v3, v2;
	v3 =	vsel vm13, $0x1, v0  }
0x150: {  	v2 =	vadd.s32 v3, v2;
	v3 =	vsel vm14, $0x1, v0  }
0x151: {  	v2 =	vadd.s32 v3, v2;
	v3 =	vsel vm15, $0x1, v0  }
0x152: {  	v2 =	vadd.s32 v3, v2;
	v3 =	vsel vm4, $0x1, v0;
	vm5 =	vge.s32 v1, s11  }
0x153: {  	v2 =	vadd.s32 v3, v2;
	v3 =	vsel vm5, $0x1, v0  }
0x154: {  	v2 =	vadd.s32 v3, v2  }
0x155: {  	(xrf0) =	vadd.scan.msk.s32 $0xffff, v2;
	_ =	sdelay $0x5  }
0x156: {  	v2, _, _ =	vpop (xrf0)  }
0x157: {  	(v2sf) =	vpush v2, $0xF;
	_ =	sdelay $0xb  }
0x158: {  	v2 =	vld [tilespmem:$0x0];
	_ =	sdelay $0x1  }
0x159: {  	v3 =	vld [tilespmem:$0x10]  }
0x15a: {  	[tilespmem:$0x1FC20] =	vst v63;
	s12 =	spop (v2sf)  }
0x15b: {  	[tilespmem:$0x1FC30] =	vst v62;
	p0 =	sgt.s32 s12, $0x2CB  }
0x15c: {  	[tilespmem:$0x1FDF0] =	vst v34;
	v34 =	vld [tilespmem:$0x20];
	v2 =	vadd.f32 $0.0e+00, v2;
	s10 =	smov.u32 @p0 s11  }
0x15d: {  	[tilespmem:$0x1FC40] =	vst v61;
	vm6 =	vgt.s32 v5, s10;
	vm7 =	vgt.s32 v13, s10  }
0x15e: {  	[tilespmem:$0x1FC50] =	vst v60;
	v1 =	vnsel vm6, $0x0, v2;
	v2 =	vnsel vm7, $0x0, v3;
	v3 =	vld [tilespmem:$0x30]  }
0x15f: {  	[tilespmem:$0x1FC60] =	vst v59  }
0x160: {  	[tilespmem:$0x1FC70] =	vst v58;
	vm8 =	vgt.s32 v8, s10;
	v1 =	vadd.f32 v2, v1  }
0x161: {  	[tilespmem:$0x1FDC0] =	vst v37;
	v37 =	vnsel vm8, $0x0, v34  }
0x162: {  	[tilespmem:$0x1FC80] =	vst v57;
	vm9 =	vgt.s32 v9, s10;
	v1 =	vadd.f32 v37, v1  }
0x163: {  	[tilespmem:$0x1FD60] =	vst v43;
	v3 =	vnsel vm9, $0x0, v3  }
0x164: {  	[tilespmem:$0x1FD80] =	vst v41;
	v1 =	vadd.f32 v3, v1;
	v3 =	vld [tilespmem:$0x1FC20]  }
0x165: {  	[tilespmem:$0x1FDD0] =	vst v36;
	v36 =	vld [tilespmem:$0x40]  }
0x166: {  	[tilespmem:$0x1FDA0] =	vst v39;
	v41 =	vld [tilespmem:$0x1FC30]  }
0x167: {  	[tilespmem:$0x1FDE0] =	vst v35;
	v39 =	vld [tilespmem:$0x50];
	v35 =	vsel vm7, $0x1, v0;
	v2 =	vsel vm6, $0x1, v0  }
0x168: {  	[tilespmem:$0x1FDB0] =	vst v38;
	v43 =	vld [tilespmem:$0x1FC40];
	v38 =	vsel vm8, $0x1, v0;
	v2 =	vadd.s32 v35, v2  }
0x169: {  	[tilespmem:$0x1FD90] =	vst v40;
	v40 =	vld [tilespmem:$0x60];
	v2 =	vadd.s32 v38, v2;
	vm10 =	vgt.s32 v3, s10;
	v3 =	vsel vm9, $0x1, v0  }
0x16a: {  	[tilespmem:$0x1FD40] =	vst v45;
	v45 =	vld [tilespmem:$0x1FC50];
	v2 =	vadd.s32 v3, v2;
	v3 =	vnsel vm10, $0x0, v36  }
0x16b: {  	[tilespmem:$0x1FD70] =	vst v42;
	v42 =	vld [tilespmem:$0x70];
	vm11 =	vgt.s32 v41, s10;
	v1 =	vadd.f32 v3, v1;
	v3 =	vsel vm10, $0x1, v0  }
0x16c: {  	[tilespmem:$0x1FD20] =	vst v47;
	v47 =	vld [tilespmem:$0x1FC60];
	v2 =	vadd.s32 v3, v2;
	v3 =	vnsel vm11, $0x0, v39  }
0x16d: {  	[tilespmem:$0x1FD50] =	vst v44;
	v44 =	vld [tilespmem:$0x80];
	vm12 =	vgt.s32 v43, s10;
	v1 =	vadd.f32 v3, v1;
	v3 =	vsel vm11, $0x1, v0  }
0x16e: {  	[tilespmem:$0x1FD00] =	vst v49;
	v49 =	vld [tilespmem:$0x1FC70];
	v2 =	vadd.s32 v3, v2;
	v3 =	vnsel vm12, $0x0, v40  }
0x16f: {  	[tilespmem:$0x1FD30] =	vst v46;
	v46 =	vld [tilespmem:$0x90];
	vm13 =	vgt.s32 v45, s10;
	v1 =	vadd.f32 v3, v1;
	v3 =	vsel vm12, $0x1, v0  }
0x170: {  	[tilespmem:$0x1FC90] =	vst v56;
	v58 =	vld [tilespmem:$0x1FC80];
	v2 =	vadd.s32 v3, v2;
	v3 =	vnsel vm13, $0x0, v42  }
0x171: {  	[tilespmem:$0x1FD10] =	vst v48;
	v48 =	vld [tilespmem:$0xA0];
	vm14 =	vgt.s32 v47, s10;
	v1 =	vadd.f32 v3, v1;
	v3 =	vsel vm13, $0x1, v0  }
0x172: {  	[tilespmem:$0x1FCA0] =	vst v55;
	v60 =	vld [tilespmem:$0x1FC90];
	v2 =	vadd.s32 v3, v2;
	v3 =	vnsel vm14, $0x0, v44  }
0x173: {  	[tilespmem:$0x1FCF0] =	vst v50;
	v50 =	vld [tilespmem:$0xB0];
	vm15 =	vgt.s32 v49, s10;
	v1 =	vadd.f32 v3, v1;
	v3 =	vsel vm14, $0x1, v0  }
0x174: {  	v62 =	vld [tilespmem:$0x1FCA0];
	v2 =	vadd.s32 v3, v2;
	v3 =	vnsel vm15, $0x0, v46  }
0x175: {  	[tilespmem:$0x1FCB0] =	vst v54;
	v59 =	vld [tilespmem:$0xC0];
	vm4 =	vgt.s32 v58, s10;
	v1 =	vadd.f32 v3, v1;
	v3 =	vsel vm15, $0x1, v0  }
0x176: {  	v8 =	vld [tilespmem:$0x1FCB0];
	v2 =	vadd.s32 v3, v2;
	v3 =	vnsel vm4, $0x0, v48  }
0x177: {  	[tilespmem:$0x1FCC0] =	vst v53;
	v61 =	vld [tilespmem:$0xD0];
	vm5 =	vgt.s32 v60, s10;
	v1 =	vadd.f32 v3, v1;
	v3 =	vsel vm4, $0x1, v0  }
0x178: {  	v11 =	vld [tilespmem:$0x1FCC0];
	v2 =	vadd.s32 v3, v2;
	v3 =	vnsel vm5, $0x0, v50  }
0x179: {  	[tilespmem:$0x1FCD0] =	vst v52;
	v63 =	vld [tilespmem:$0xE0];
	vm6 =	vgt.s32 v62, s10;
	v1 =	vadd.f32 v3, v1;
	v3 =	vsel vm5, $0x1, v0  }
0x17a: {  	[tilespmem:$0x1FF20] =	vst v14;
	v14 =	vld [tilespmem:$0x1FCD0];
	v2 =	vadd.s32 v3, v2;
	v3 =	vnsel vm6, $0x0, v59  }
0x17b: {  	[tilespmem:$0x1FCE0] =	vst v51;
	v9 =	vld [tilespmem:$0xF0];
	vm7 =	vgt.s32 v8, s10;
	v1 =	vadd.f32 v3, v1;
	v3 =	vsel vm6, $0x1, v0  }
0x17c: {  	[tilespmem:$0x1FF10] =	vst v16;
	v16 =	vld [tilespmem:$0x1FCE0];
	v2 =	vadd.s32 v3, v2;
	v3 =	vnsel vm7, $0x0, v61  }
0x17d: {  	v13 =	vld [tilespmem:$0x100];
	vm8 =	vgt.s32 v11, s10;
	v1 =	vadd.f32 v3, v1;
	v3 =	vsel vm7, $0x1, v0  }
0x17e: {  	[tilespmem:$0x1FEF0] =	vst v18;
	v18 =	vld [tilespmem:$0x1FCF0];
	v2 =	vadd.s32 v3, v2;
	v3 =	vnsel vm8, $0x0, v63  }
0x17f: {  	[tilespmem:$0x1FF30] =	vst v15;
	v15 =	vld [tilespmem:$0x110];
	vm9 =	vgt.s32 v14, s10;
	v1 =	vadd.f32 v3, v1;
	v3 =	vsel vm8, $0x1, v0  }
0x180: {  	[tilespmem:$0x1FED0] =	vst v20;
	v20 =	vld [tilespmem:$0x1FD00];
	v2 =	vadd.s32 v3, v2;
	v3 =	vnsel vm9, $0x0, v9  }
0x181: {  	[tilespmem:$0x1FF00] =	vst v17;
	v17 =	vld [tilespmem:$0x120];
	vm10 =	vgt.s32 v16, s10;
	v1 =	vadd.f32 v3, v1;
	v3 =	vsel vm9, $0x1, v0  }
0x182: {  	[tilespmem:$0x1FEB0] =	vst v22;
	v22 =	vld [tilespmem:$0x1FD10];
	v2 =	vadd.s32 v3, v2;
	v3 =	vnsel vm10, $0x0, v13  }
0x183: {  	[tilespmem:$0x1FEE0] =	vst v19;
	v19 =	vld [tilespmem:$0x130];
	vm11 =	vgt.s32 v18, s10;
	v1 =	vadd.f32 v3, v1;
	v3 =	vsel vm10, $0x1, v0  }
0x184: {  	[tilespmem:$0x1FE90] =	vst v24;
	v24 =	vld [tilespmem:$0x1FD20];
	v2 =	vadd.s32 v3, v2;
	v3 =	vnsel vm11, $0x0, v15  }
0x185: {  	[tilespmem:$0x1FEC0] =	vst v21;
	v21 =	vld [tilespmem:$0x140];
	vm12 =	vgt.s32 v20, s10;
	v1 =	vadd.f32 v3, v1;
	v3 =	vsel vm11, $0x1, v0  }
0x186: {  	[tilespmem:$0x1FE70] =	vst v26;
	v26 =	vld [tilespmem:$0x1FD30];
	v2 =	vadd.s32 v3, v2;
	v3 =	vnsel vm12, $0x0, v17  }
0x187: {  	[tilespmem:$0x1FEA0] =	vst v23;
	v23 =	vld [tilespmem:$0x150];
	vm13 =	vgt.s32 v22, s10;
	v1 =	vadd.f32 v3, v1;
	v3 =	vsel vm12, $0x1, v0  }
0x188: {  	[tilespmem:$0x1FE50] =	vst v28;
	v28 =	vld [tilespmem:$0x1FD40];
	v2 =	vadd.s32 v3, v2;
	v3 =	vnsel vm13, $0x0, v19  }
0x189: {  	[tilespmem:$0x1FE80] =	vst v25;
	v25 =	vld [tilespmem:$0x160];
	vm14 =	vgt.s32 v24, s10;
	v1 =	vadd.f32 v3, v1;
	v3 =	vsel vm13, $0x1, v0  }
0x18a: {  	[tilespmem:$0x1FE30] =	vst v30;
	v30 =	vld [tilespmem:$0x1FD50];
	v2 =	vadd.s32 v3, v2;
	v3 =	vnsel vm14, $0x0, v21  }
0x18b: {  	[tilespmem:$0x1FE60] =	vst v27;
	v27 =	vld [tilespmem:$0x170];
	vm15 =	vgt.s32 v26, s10;
	v1 =	vadd.f32 v3, v1;
	v3 =	vsel vm14, $0x1, v0  }
0x18c: {  	[tilespmem:$0x1FE10] =	vst v32;
	v32 =	vld [tilespmem:$0x1FD60];
	v2 =	vadd.s32 v3, v2;
	v3 =	vnsel vm15, $0x0, v23  }
0x18d: {  	[tilespmem:$0x1FE40] =	vst v29;
	v29 =	vld [tilespmem:$0x180];
	vm4 =	vgt.s32 v28, s10;
	v1 =	vadd.f32 v3, v1;
	v3 =	vsel vm15, $0x1, v0  }
0x18e: {  	v34 =	vld [tilespmem:$0x1FD70];
	v2 =	vadd.s32 v3, v2;
	v3 =	vnsel vm4, $0x0, v25  }
0x18f: {  	[tilespmem:$0x1FE20] =	vst v31;
	v31 =	vld [tilespmem:$0x190];
	vm5 =	vgt.s32 v30, s10;
	v1 =	vadd.f32 v3, v1;
	v3 =	vsel vm4, $0x1, v0  }
0x190: {  	v42 =	vld [tilespmem:$0x1FD80];
	v2 =	vadd.s32 v3, v2;
	v3 =	vnsel vm5, $0x0, v27  }
0x191: {  	[tilespmem:$0x1FE00] =	vst v33;
	v33 =	vld [tilespmem:$0x1A0];
	vm6 =	vgt.s32 v32, s10;
	v1 =	vadd.f32 v3, v1;
	v3 =	vsel vm5, $0x1, v0  }
0x192: {  	v44 =	vld [tilespmem:$0x1FD90];
	v2 =	vadd.s32 v3, v2;
	v3 =	vnsel vm6, $0x0, v29  }
0x193: {  	v35 =	vld [tilespmem:$0x1B0];
	vm7 =	vgt.s32 v34, s10;
	v1 =	vadd.f32 v3, v1;
	v3 =	vsel vm6, $0x1, v0  }
0x194: {  	v46 =	vld [tilespmem:$0x1FDA0];
	v2 =	vadd.s32 v3, v2;
	v3 =	vnsel vm7, $0x0, v31  }
0x195: {  	v43 =	vld [tilespmem:$0x1C0];
	vm8 =	vgt.s32 v42, s10;
	v1 =	vadd.f32 v3, v1;
	v3 =	vsel vm7, $0x1, v0  }
0x196: {  	v48 =	vld [tilespmem:$0x1FDB0];
	v2 =	vadd.s32 v3, v2;
	v3 =	vnsel vm8, $0x0, v33  }
0x197: {  	v45 =	vld [tilespmem:$0x1D0];
	vm9 =	vgt.s32 v44, s10;
	v1 =	vadd.f32 v3, v1;
	v3 =	vsel vm8, $0x1, v0  }
0x198: {  	v50 =	vld [tilespmem:$0x1FDC0];
	v2 =	vadd.s32 v3, v2;
	v3 =	vnsel vm9, $0x0, v35  }
0x199: {  	v47 =	vld [tilespmem:$0x1E0];
	vm10 =	vgt.s32 v46, s10;
	v1 =	vadd.f32 v3, v1;
	v3 =	vsel vm9, $0x1, v0  }
0x19a: {  	v52 =	vld [tilespmem:$0x1FDD0];
	v2 =	vadd.s32 v3, v2;
	v3 =	vnsel vm10, $0x0, v43  }
0x19b: {  	v49 =	vld [tilespmem:$0x1F0];
	vm11 =	vgt.s32 v48, s10;
	v1 =	vadd.f32 v3, v1;
	v3 =	vsel vm10, $0x1, v0  }
0x19c: {  	v54 =	vld [tilespmem:$0x1FDE0];
	v2 =	vadd.s32 v3, v2;
	v3 =	vnsel vm11, $0x0, v45  }
0x19d: {  	v51 =	vld [tilespmem:$0x200];
	vm12 =	vgt.s32 v50, s10;
	v1 =	vadd.f32 v3, v1;
	v3 =	vsel vm11, $0x1, v0  }
0x19e: {  	v56 =	vld [tilespmem:$0x1FDF0];
	v2 =	vadd.s32 v3, v2;
	v3 =	vnsel vm12, $0x0, v47  }
0x19f: {  	v53 =	vld [tilespmem:$0x210];
	vm13 =	vgt.s32 v52, s10;
	v1 =	vadd.f32 v3, v1;
	v3 =	vsel vm12, $0x1, v0  }
0x1a0: {  	v58 =	vld [tilespmem:$0x1FE00];
	v2 =	vadd.s32 v3, v2;
	v3 =	vnsel vm13, $0x0, v49  }
0x1a1: {  	v55 =	vld [tilespmem:$0x220];
	vm14 =	vgt.s32 v54, s10;
	v1 =	vadd.f32 v3, v1;
	v3 =	vsel vm13, $0x1, v0  }
0x1a2: {  	v60 =	vld [tilespmem:$0x1FE10];
	v2 =	vadd.s32 v3, v2;
	v3 =	vnsel vm14, $0x0, v51  }
0x1a3: {  	v57 =	vld [tilespmem:$0x230];
	vm15 =	vgt.s32 v56, s10;
	v1 =	vadd.f32 v3, v1;
	v3 =	vsel vm14, $0x1, v0  }
0x1a4: {  	v62 =	vld [tilespmem:$0x1FE20];
	v2 =	vadd.s32 v3, v2;
	v3 =	vnsel vm15, $0x0, v53  }
0x1a5: {  	v59 =	vld [tilespmem:$0x240];
	vm4 =	vgt.s32 v58, s10;
	v1 =	vadd.f32 v3, v1;
	v3 =	vsel vm15, $0x1, v0  }
0x1a6: {  	v8 =	vld [tilespmem:$0x1FE30];
	v2 =	vadd.s32 v3, v2;
	v3 =	vnsel vm4, $0x0, v55  }
0x1a7: {  	v61 =	vld [tilespmem:$0x250];
	vm5 =	vgt.s32 v60, s10;
	v1 =	vadd.f32 v3, v1;
	v3 =	vsel vm4, $0x1, v0  }
0x1a8: {  	v11 =	vld [tilespmem:$0x1FE40];
	v2 =	vadd.s32 v3, v2;
	v3 =	vnsel vm5, $0x0, v57  }
0x1a9: {  	v63 =	vld [tilespmem:$0x260];
	vm6 =	vgt.s32 v62, s10;
	v1 =	vadd.f32 v3, v1;
	v3 =	vsel vm5, $0x1, v0  }
0x1aa: {  	v14 =	vld [tilespmem:$0x1FE50];
	v2 =	vadd.s32 v3, v2;
	v3 =	vnsel vm6, $0x0, v59  }
0x1ab: {  	v9 =	vld [tilespmem:$0x270];
	vm7 =	vgt.s32 v8, s10;
	v1 =	vadd.f32 v3, v1;
	v3 =	vsel vm6, $0x1, v0  }
0x1ac: {  	v16 =	vld [tilespmem:$0x1FE60];
	v2 =	vadd.s32 v3, v2;
	v3 =	vnsel vm7, $0x0, v61  }
0x1ad: {  	v13 =	vld [tilespmem:$0x280];
	vm8 =	vgt.s32 v11, s10;
	v1 =	vadd.f32 v3, v1;
	v3 =	vsel vm7, $0x1, v0  }
0x1ae: {  	v18 =	vld [tilespmem:$0x1FE70];
	v2 =	vadd.s32 v3, v2;
	v3 =	vnsel vm8, $0x0, v63  }
0x1af: {  	v15 =	vld [tilespmem:$0x290];
	vm9 =	vgt.s32 v14, s10;
	v1 =	vadd.f32 v3, v1;
	v3 =	vsel vm8, $0x1, v0  }
0x1b0: {  	v26 =	vld [tilespmem:$0x1FE80];
	v2 =	vadd.s32 v3, v2;
	v3 =	vnsel vm9, $0x0, v9  }
0x1b1: {  	v17 =	vld [tilespmem:$0x2A0];
	vm10 =	vgt.s32 v16, s10;
	v1 =	vadd.f32 v3, v1;
	v3 =	vsel vm9, $0x1, v0  }
0x1b2: {  	v28 =	vld [tilespmem:$0x1FE90];
	v2 =	vadd.s32 v3, v2;
	v3 =	vnsel vm10, $0x0, v13  }
0x1b3: {  	v19 =	vld [tilespmem:$0x2B0];
	vm11 =	vgt.s32 v18, s10;
	v1 =	vadd.f32 v3, v1;
	v3 =	vsel vm10, $0x1, v0  }
0x1b4: {  	v30 =	vld [tilespmem:$0x1FEA0];
	v2 =	vadd.s32 v3, v2;
	v3 =	vnsel vm11, $0x0, v15  }
0x1b5: {  	v27 =	vld [tilespmem:$0x2C0];
	vm12 =	vgt.s32 v26, s10;
	v1 =	vadd.f32 v3, v1;
	v3 =	vsel vm11, $0x1, v0  }
0x1b6: {  	v32 =	vld [tilespmem:$0x1FEB0];
	v2 =	vadd.s32 v3, v2;
	v3 =	vnsel vm12, $0x0, v17  }
0x1b7: {  	v29 =	vld [tilespmem:$0x2D0];
	vm13 =	vgt.s32 v28, s10;
	v1 =	vadd.f32 v3, v1;
	v3 =	vsel vm12, $0x1, v0  }
0x1b8: {  	v34 =	vld [tilespmem:$0x1FEC0];
	v2 =	vadd.s32 v3, v2;
	v3 =	vnsel vm13, $0x0, v19  }
0x1b9: {  	v31 =	vld [tilespmem:$0x2E0];
	vm14 =	vgt.s32 v30, s10;
	v1 =	vadd.f32 v3, v1;
	v3 =	vsel vm13, $0x1, v0  }
0x1ba: {  	v36 =	vld [tilespmem:$0x1FED0];
	v2 =	vadd.s32 v3, v2;
	v3 =	vnsel vm14, $0x0, v27  }
0x1bb: {  	v33 =	vld [tilespmem:$0x2F0];
	vm15 =	vgt.s32 v32, s10;
	v1 =	vadd.f32 v3, v1;
	v3 =	vsel vm14, $0x1, v0  }
0x1bc: {  	v38 =	vld [tilespmem:$0x1FEE0];
	v2 =	vadd.s32 v3, v2;
	v3 =	vnsel vm15, $0x0, v29  }
0x1bd: {  	v35 =	vld [tilespmem:$0x300];
	vm4 =	vgt.s32 v34, s10;
	v1 =	vadd.f32 v3, v1;
	v3 =	vsel vm15, $0x1, v0  }
0x1be: {  	v40 =	vld [tilespmem:$0x1FEF0];
	v2 =	vadd.s32 v3, v2;
	v3 =	vnsel vm4, $0x0, v31  }
0x1bf: {  	v37 =	vld [tilespmem:$0x310];
	vm5 =	vgt.s32 v36, s10;
	v1 =	vadd.f32 v3, v1;
	v3 =	vsel vm4, $0x1, v0  }
0x1c0: {  	v42 =	vld [tilespmem:$0x1FF00];
	v2 =	vadd.s32 v3, v2;
	v3 =	vnsel vm5, $0x0, v33  }
0x1c1: {  	v39 =	vld [tilespmem:$0x320];
	vm6 =	vgt.s32 v38, s10;
	v1 =	vadd.f32 v3, v1;
	v3 =	vsel vm5, $0x1, v0  }
0x1c2: {  	v44 =	vld [tilespmem:$0x1FF10];
	v2 =	vadd.s32 v3, v2;
	v3 =	vnsel vm6, $0x0, v35  }
0x1c3: {  	v41 =	vld [tilespmem:$0x330];
	vm7 =	vgt.s32 v40, s10;
	v1 =	vadd.f32 v3, v1;
	v3 =	vsel vm6, $0x1, v0  }
0x1c4: {  	v46 =	vld [tilespmem:$0x1FF20];
	v2 =	vadd.s32 v3, v2;
	v3 =	vnsel vm7, $0x0, v37  }
0x1c5: {  	v43 =	vld [tilespmem:$0x340];
	vm8 =	vgt.s32 v42, s10;
	v1 =	vadd.f32 v3, v1;
	v3 =	vsel vm7, $0x1, v0  }
0x1c6: {  	v2 =	vadd.s32 v3, v2;
	v3 =	vnsel vm8, $0x0, v39  }
0x1c7: {  	v45 =	vld [tilespmem:$0x350];
	vm9 =	vgt.s32 v44, s10;
	v1 =	vadd.f32 v3, v1;
	v3 =	vsel vm8, $0x1, v0  }
0x1c8: {  	v2 =	vadd.s32 v3, v2;
	v3 =	vnsel vm9, $0x0, v41  }
0x1c9: {  	v47 =	vld [tilespmem:$0x360];
	vm10 =	vgt.s32 v46, s10;
	v1 =	vadd.f32 v3, v1;
	v3 =	vsel vm9, $0x1, v0  }
0x1ca: {  	v2 =	vadd.s32 v3, v2;
	v3 =	vnsel vm10, $0x0, v43  }
0x1cb: {  	vm11 =	vgt.s32 v10, s10;
	v1 =	vadd.f32 v3, v1;
	v3 =	vsel vm10, $0x1, v0  }
0x1cc: {  	v2 =	vadd.s32 v3, v2;
	v3 =	vnsel vm11, $0x0, v45  }
0x1cd: {  	vm12 =	vgt.s32 v6, s10;
	v1 =	vadd.f32 v3, v1;
	v3 =	vsel vm11, $0x1, v0  }
0x1ce: {  	v2 =	vadd.s32 v3, v2;
	v3 =	vnsel vm12, $0x0, v47  }
0x1cf: {  	vm4 =	vgt.s32 v4, s10;
	v1 =	vadd.f32 v3, v1;
	v3 =	vsel vm12, $0x1, v0  }
0x1d0: {  	v2 =	vadd.s32 v3, v2;
	v3 =	vsel vm4, $0x1, v0  }
0x1d1: {  	v2 =	vadd.s32 v3, v2;
	v3 =	vld [tilespmem:$0x1FF70];
	_ =	sdelay $0x3  }
0x1d2: {  	vm5 =	vgt.s32 v7, s10  }
0x1d3: {  	vm13 =	vgt.s32 v3, s10;
	v3 =	vsel vm5, $0x1, v0  }
0x1d4: {  	v2 =	vadd.s32 v3, v2;
	v3 =	vld [tilespmem:$0x1FF30];
	_ =	sdelay $0x1  }
0x1d5: {  	v49 =	vld [tilespmem:$0x1FFD0]  }
0x1d6: {  	v52 =	vld [tilespmem:$0x1FFE0]  }
0x1d7: {  	v54 =	vld [tilespmem:$0x1FFF0]  }
0x1d8: {  	v57 =	vld [tilespmem:$0x1FF90];
	vm14 =	vgt.s32 v3, s10;
	v3 =	vsel vm13, $0x1, v0  }
0x1d9: {  	vm6 =	vgt.s32 v12, s10;
	v2 =	vadd.s32 v3, v2;
	v3 =	vld [tilespmem:$0x370];
	v48 =	vsel vm14, $0x1, v0  }
0x1da: {  	vm15 =	vgt.s32 v49, s10;
	v50 =	vsel vm6, $0x1, v0;
	v2 =	vadd.s32 v48, v2  }
0x1db: {  	vm3 =	vgt.s32 v52, s10;
	v51 =	vld [tilespmem:$0x380];
	v53 =	vsel vm15, $0x1, v0;
	v2 =	vadd.s32 v50, v2  }
0x1dc: {  	v55 =	vsel vm3, $0x1, v0;
	vm7 =	vgt.s32 v54, s10;
	v2 =	vadd.s32 v53, v2  }
0x1dd: {  	v56 =	vld [tilespmem:$0x390];
	v58 =	vsel vm7, $0x1, v0;
	vm8 =	vgt.s32 v57, s10;
	v2 =	vadd.s32 v55, v2  }
0x1de: {  	v59 =	vsel vm8, $0x1, v0;
	v3 =	vnsel vm4, $0x0, v3;
	v2 =	vadd.s32 v58, v2  }
0x1df: {  	v1 =	vadd.f32 v3, v1;
	v2 =	vadd.s32 v59, v2;
	v3 =	vld [tilespmem:$0x3A0]  }
0x1e0: {  	v4 =	vnsel vm5, $0x0, v51;
	(xrf0) =	vadd.scan.msk.s32 $0xffff, v2  }
0x1e1: {  	v2 =	vld [tilespmem:$0x3B0];
	v1 =	vadd.f32 v4, v1  }
0x1e2: {  	v60 =	vnsel vm13, $0x0, v56  }
0x1e3: {  	v61 =	vld [tilespmem:$0x3C0];
	v1 =	vadd.f32 v60, v1  }
0x1e4: {  	v3 =	vnsel vm14, $0x0, v3  }
0x1e5: {  	v1 =	vadd.f32 v3, v1;
	v3 =	vld [tilespmem:$0x3D0]  }
0x1e6: {  	v2 =	vnsel vm6, $0x0, v2;
	v62, _, _ =	vpop (xrf0)  }
0x1e7: {  	v1 =	vadd.f32 v2, v1;
	(v2sf) =	vpush v62, $0xF;
	v2 =	vld [tilespmem:$0x3E0]  }
0x1e8: {  	v4 =	vnsel vm15, $0x0, v61  }
0x1e9: {  	v63 =	vld [tilespmem:$0x3F0];
	v1 =	vadd.f32 v4, v1  }
0x1ea: {  	v3 =	vnsel vm3, $0x0, v3  }
0x1eb: {  	v1 =	vadd.f32 v3, v1  }
0x1ec: {  	v2 =	vnsel vm7, $0x0, v2  }
0x1ed: {  	v1 =	vadd.f32 v2, v1  }
0x1ee: {  	v2 =	vnsel vm8, $0x0, v63  }
0x1ef: {  	v1 =	vadd.f32 v2, v1;
	_ =	sdelay $0x1  }
0x1f0: {  	(xrf2) =	vadd.scan.msk.f32 $0xffff, v1;
	_ =	sdelay $0x4  }
0x1f1: {  	s31 =	spop (v2sf)  }
0x1f2: {  	p0 =	slt.s32 s10, $0x0;
	s12 =	sxor.u32 $0x7FFFFFFF, s10;
	s11 =	ssub.s32 $0x2CC, s31  }
0x1f3: {  	s10 =	smov.u32 @p0 s12;
	s11 =	scvt.s32.f32 s11  }
0x1f4: {  	v1 =	vmov s10  }
0x1f5: {  	v1 =	vmul.f32 s11, v1  }
0x1f6: {  	v2, _, _ =	vpop (xrf2)  }
0x1f7: {  	v1 =	vbroadcast v1, $0x0;
	v2 =	vbroadcast v2, $0xF;
	_ =	sdelay $0x1  }
0x1f8: {  	v1 =	vadd.f32 v2, v1;
	_ =	sdelay $0x1  }
0x1f9: {  	s9 =	sadd.s32 $0x1, s9;
	v1 =	vmul.f32 $1.396648000e-03, v1  }
0x1fa: {  	p0 =	sne.s32 s9, s4  }
.Ltmp2:
0x1fb: {  	[tilespmem:$0x800] =	vst v1;
	(pc) =	sbr.rel @p0 .LBB2_2-.Ltmp2, $4  }
0x1fc: {  	[hbm4b:s2+s5] =	stream.linear.scatter [tilespmem:s8], [sflag:$0x1], $0x80, $0x38;
	[tilespmem:$0x880] =	vst v63  }
0x1fd: {  	_ =	swait.ge [sflag:s6], $0x80  }
0x1fe: {  	[sflag:s6] =	ssyncset.done $0x0  }
0x1ff: {  	[sflag:s6] =	ssyncadd.s32 $0xFFFFFF80  }
.LBB2_5:
0x200: {  	_ =	sfence.sel $0x180000  }
0x201: {  	[bflag:$0x0] =	sbarrier.arrive $0xFFFF  }
0x202: {  	p0 =	sne.s32 s0, $0x0;
	_ =	strace $0x90000047  }
0x203: {  	s0 =	sadd.s32 @!p0 $0x100000, s1;
	[bflag:$0x2] =	sbarrier.arrive $0xFFFF  }
0x204: {  	[sflag:s0] =	ssyncadd.tile.s32 @!p0 $0x1;
	_ =	shalt  }
.Lfunc_end2:
_tile_overlayer_lowered:
.L_overlay_start_2:
0x205: {  	(tag) =	ssettag $0x2  }
0x206: {  	s0 =	rddreg [dreg:$0x0];
	s2 =	stileid.u32  }
0x207: {  	s1 =	rddreg [dreg:$0x1];
	p0 =	sne.s32 s2, $0x0  }
0x208: {  	s3 =	rddreg [dreg:$0x2];
	[bflag:$0x3] =	sbarrier.arrive $0xFFFF;
	s2 =	simm.s32 @!p0 $0x1C01  }
0x209: {  	[timem:s3], [sflag:s2] =	dma.local @!p0 [hbm:s0], s1  }
0x20a: {  	s0 =	simm.s32 @!p0 $0x1  }
0x20b: {  	_ =	swait.ge @!p0 [sflag:s0], s1  }
0x20c: {  	s1 =	ssub.s32 @!p0 $0x0, s1;
	[sflag:s0] =	ssyncset.done @!p0 $0x0  }
0x20d: {  	[sflag:s0] =	ssyncadd.s32 @!p0 s1  }
0x20e: {  	[bflag:$0x3] =	sbarrier.arrive $0xFFFF  }
0x20f: {  	_ =	shalt  }

</sc_bundles>
